<compile_context>
chip_gen: v7x
topology: tpu7x:2x2x1
jax: 0.10.2.dev20260603
libtpu: 0.0.44.dev20260713+nightly
codegen_flags: <defaults>
</compile_context>

<pallas_src>
import functools

import jax
import jax.numpy as jnp
from jax import lax
from jax.experimental import pallas as pl
from jax.experimental.pallas import tpu as pltpu
from jax.experimental.pallas import tpu_sc as plsc

_N = 10000
_E = 320000
_DE = 16
_H = 128
_G = 64
_NC = 2
_NS = 16
_NW = _NC * _NS
_CH = 80
_CHE = 160
_EW = _CH * 128
_EP = _NW * _EW
_NP = 10112
_RPS = _NP // _NS
_BLK = 128
_GRID = _NP // _BLK


def _sc_mesh():
    return plsc.VectorSubcoreMesh(core_axis_name="c", subcore_axis_name="s")


def _agg_rows(table, ch=_CH):

    @functools.partial(
        pl.kernel,
        mesh=_sc_mesh(),
        out_type=jax.ShapeDtypeStruct((_NC, _NP, _H), jnp.float32),
        compiler_params=pltpu.CompilerParams(use_tc_tiling_on_sc=False),
        scratch_types=[
            pltpu.VMEM((128,), jnp.int32),
            pltpu.VMEM((128,), jnp.int32),
            pltpu.VMEM((64,), jnp.int32),
            pltpu.VMEM((64,), jnp.int32),
            pltpu.VMEM((64,), jnp.int32),
            pltpu.VMEM((64,), jnp.int32),
            pltpu.VMEM((128, 64), jnp.int32),
            pltpu.VMEM((128, 64), jnp.int32),
            pltpu.VMEM((64, _H), jnp.float32),
            pltpu.VMEM((64, _H), jnp.float32),
            pltpu.VMEM_SHARED((_NP, _H), jnp.float32),
            pltpu.SemaphoreType.DMA,
            pltpu.SemaphoreType.DMA,
            pltpu.SemaphoreType.DMA,
            pltpu.SemaphoreType.DMA,
            pltpu.SemaphoreType.DMA,
            pltpu.SemaphoreType.DMA,
            pltpu.SemaphoreType.DMA,
            pltpu.SemaphoreType.DMA,
            pltpu.SemaphoreType.DMA,
            pltpu.SemaphoreType.DMA,
        ],
    )
    def k(table_h, src_h, dst_h, outX,
          s0, s1, d00, d01, d10, d11, gi0, gi1, w0, w1, accX,
          ss0, ss1, dsem00, dsem01, dsem10, dsem11, gs0, gs1, aw0, aw1):
        cid = lax.axis_index("c")
        sid = lax.axis_index("s")
        w = cid * _NS + sid
        base = sid * _RPS

        def zg(i, c):
            w0[i >> 3, pl.ds((i & 7) * 16, 16)] = jnp.zeros((16,), jnp.float32)
            return c
        lax.fori_loop(0, 64 * 8, zg, 0)
        for t in range(_RPS // 64):
            pltpu.sync_copy(w0, accX.at[pl.ds(base + t * 64, 64)])
        rem = _RPS % 64
        if rem:
            pltpu.sync_copy(w0.at[pl.ds(0, rem)], accX.at[pl.ds(base + _RPS - rem, rem)])
        plsc.subcore_barrier()

        sbuf = (s0, s1)
        dh = ((d00, d01), (d10, d11))
        gbuf = (gi0, gi1)
        ssem = (ss0, ss1)
        dsem = ((dsem00, dsem01), (dsem10, dsem11))
        gsem = (gs0, gs1)
        wbuf = (w0, w1)
        awsem = (aw0, aw1)

        def s_copy(j, b):
            return pltpu.make_async_copy(src_h.at[w, j], sbuf[b], ssem[b])

        def d_copy(j, c, h):
            return pltpu.make_async_copy(
                dst_h.at[w, j, pl.ds(64 * h, 64)], dh[c][h], dsem[c][h])

        def g_copy(b):
            return pltpu.make_async_copy(table_h.at[sbuf[b]], gbuf[b], gsem[b])

        def aw_desc(c, h):
            return pltpu.make_async_copy(wbuf[h], accX.at[dh[c][h]], awsem[h])

        s_copy(0, 0).start()
        d_copy(0, 0, 0).start()
        d_copy(0, 0, 1).start()
        s_copy(1, 1).start()
        s_copy(0, 0).wait()
        g_copy(0).start()

        def body(i, cc):
            for c in range(2):
                j = i * 2 + c
                b = c
                q = 1 - c

                g_copy(b).wait()

                @pl.when(j + 1 < ch)
                def _():
                    s_copy(j + 1, q).wait()
                    g_copy(q).start()

                for h in range(2):
                    @pl.when(j >= 1)
                    def _():
                        aw_desc(1 - c, h).wait()

                    def cv(t, z):
                        for wg in range(4):
                            v = gbuf[b][64 * h + t, pl.ds(wg * 16, 16)]
                            wbuf[h][t, pl.ds(wg * 16, 16)] = lax.bitcast_convert_type(
                                lax.shift_left(v, 16), jnp.float32)
                            wbuf[h][t, pl.ds(64 + wg * 16, 16)] = lax.bitcast_convert_type(
                                lax.bitwise_and(v, jnp.full((16,), -65536, jnp.int32)),
                                jnp.float32)
                        return z
                    lax.fori_loop(0, 64, cv, 0)

                    d_copy(j, c, h).wait()
                    pltpu.async_copy(wbuf[h], accX.at[dh[c][h]], awsem[h], add=True)

                @pl.when(j + 1 < ch)
                def _():
                    d_copy(j + 1, q, 0).start()
                    d_copy(j + 1, q, 1).start()

                @pl.when(j + 2 < ch)
                def _():
                    s_copy(j + 2, b).start()
            return cc
        lax.fori_loop(0, ch // 2, body, 0)
        aw_desc(1, 0).wait()
        aw_desc(1, 1).wait()

        plsc.subcore_barrier()
        pltpu.sync_copy(accX.at[pl.ds(base, _RPS)], outX.at[cid, pl.ds(base, _RPS)])

    return k


def _agg_edge():

    @functools.partial(
        pl.kernel,
        mesh=_sc_mesh(),
        out_type=jax.ShapeDtypeStruct((_NC, _NP, _H), jnp.float32),
        scratch_types=[
            pltpu.VMEM((64,), jnp.int32),
            pltpu.VMEM((64,), jnp.int32),
            pltpu.VMEM((64,), jnp.int32),
            pltpu.VMEM((64,), jnp.int32),
            pltpu.VMEM((64, 32), jnp.float32),
            pltpu.VMEM((64, 32), jnp.float32),
            pltpu.VMEM((64, _H), jnp.float32),
            pltpu.VMEM((64, _H), jnp.float32),
            pltpu.VMEM_SHARED((_NP, _H), jnp.float32),
            pltpu.SemaphoreType.DMA,
            pltpu.SemaphoreType.DMA,
            pltpu.SemaphoreType.DMA,
            pltpu.SemaphoreType.DMA,
            pltpu.SemaphoreType.DMA,
            pltpu.SemaphoreType.DMA,
            pltpu.SemaphoreType.DMA,
            pltpu.SemaphoreType.DMA,
        ],
    )
    def k(eaug_h, dst_h, out32, d0, d1, d2, d3, c0, c1, e0, e1, acc32,
          ds0, ds1, ds2, ds3, es0, es1, as0, as1):
        cid = lax.axis_index("c")
        sid = lax.axis_index("s")
        w = cid * _NS + sid
        base = sid * _RPS

        def ze(i, c):
            e0[i >> 3, pl.ds((i & 7) * 16, 16)] = jnp.zeros((16,), jnp.float32)
            e1[i >> 3, pl.ds((i & 7) * 16, 16)] = jnp.zeros((16,), jnp.float32)
            return c
        lax.fori_loop(0, 64 * 8, ze, 0)
        for t in range(_RPS // 64):
            pltpu.sync_copy(e0, acc32.at[pl.ds(base + t * 64, 64)])
        rem = _RPS % 64
        if rem:
            pltpu.sync_copy(e0.at[pl.ds(0, rem)], acc32.at[pl.ds(base + _RPS - rem, rem)])
        plsc.subcore_barrier()

        ebuf = (e0, e1)
        cbuf = (c0, c1)
        esem = (es0, es1)
        dbuf = (d0, d1, d2, d3)
        dsem = (ds0, ds1, ds2, ds3)
        asem = (as0, as1)

        def e_copy(j, b):
            return pltpu.make_async_copy(eaug_h.at[w, j], cbuf[b], esem[b])

        def d_copy(j, r):
            return pltpu.make_async_copy(dst_h.at[w, j], dbuf[r], dsem[r])

        def a_desc(b, r):
            return pltpu.make_async_copy(ebuf[b], acc32.at[dbuf[r]], asem[b])

        e_copy(0, 0).start()
        d_copy(0, 0).start()
        e_copy(1, 1).start()
        d_copy(1, 1).start()

        def body(i, c):
            for r in range(4):
                j = i * 4 + r
                b = r % 2

                e_copy(j, b).wait()

                @pl.when(j >= 2)
                def _():
                    a_desc(b, (r - 2) % 4).wait()

                def xp(t, cc):
                    ebuf[b][t >> 1, pl.ds((t & 1) * 16, 16)] = cbuf[b][t >> 1, pl.ds((t & 1) * 16, 16)]
                    return cc
                lax.fori_loop(0, 64 * 2, xp, 0)

                d_copy(j, r).wait()
                pltpu.async_copy(ebuf[b], acc32.at[dbuf[r]], asem[b], add=True)

                @pl.when(j + 2 < _CHE)
                def _():
                    e_copy(j + 2, b).start()
                    d_copy(j + 2, (r + 2) % 4).start()
            return c
        lax.fori_loop(0, _CHE // 4, body, 0)
        a_desc(0, 2).wait()
        a_desc(1, 3).wait()

        plsc.subcore_barrier()
        pltpu.sync_copy(acc32.at[pl.ds(base, _RPS)], out32.at[cid, pl.ds(base, _RPS)])

    return k


def _tc_layer(aggX, agg32, Wx, Waug):

    def body(ax_ref, a32_ref, wx_ref, waug_ref, o_ref):
        hx = ax_ref[0] + ax_ref[1]
        ha = a32_ref[0] + a32_ref[1]
        acc = jnp.dot(hx, wx_ref[...], preferred_element_type=jnp.float32)
        acc += jnp.dot(ha, waug_ref[...], preferred_element_type=jnp.float32)
        o_ref[...] = jnp.maximum(acc, 0.0).astype(jnp.bfloat16)

    return pl.pallas_call(
        body,
        grid=(_GRID,),
        in_specs=[
            pl.BlockSpec((_NC, _BLK, _H), lambda i: (0, i, 0)),
            pl.BlockSpec((_NC, _BLK, _H), lambda i: (0, i, 0)),
            pl.BlockSpec((_H, _H), lambda i: (0, 0)),
            pl.BlockSpec((_H, _H), lambda i: (0, 0)),
        ],
        out_specs=pl.BlockSpec((_BLK, _H), lambda i: (i, 0)),
        out_shape=jax.ShapeDtypeStruct((_NP, _H), jnp.bfloat16),
    )(aggX, agg32, Wx, Waug)


def _tc_layer_pool(aggX, agg32, Wx, Waug, batchI, Woutp, boutp):

    def body(ax_ref, a32_ref, wx_ref, waug_ref, b_ref, wo_ref, bo_ref,
             o_ref, pool_acc, cnt_acc):
        i = pl.program_id(0)

        @pl.when(i == 0)
        def _():
            pool_acc[...] = jnp.zeros_like(pool_acc)
            cnt_acc[...] = jnp.zeros_like(cnt_acc)

        hx = ax_ref[0] + ax_ref[1]
        ha = a32_ref[0] + a32_ref[1]
        acc = jnp.dot(hx, wx_ref[...], preferred_element_type=jnp.float32)
        acc += jnp.dot(ha, waug_ref[...], preferred_element_type=jnp.float32)
        h2 = jnp.maximum(acc, 0.0)

        oh = (lax.broadcasted_iota(jnp.int32, (_G, _BLK), 0) == b_ref[0]).astype(jnp.float32)
        pool_acc[...] += jnp.dot(oh, h2, preferred_element_type=jnp.float32)
        cnt_acc[...] += jnp.broadcast_to(jnp.sum(oh, axis=1, keepdims=True), (_G, _BLK))

        @pl.when(i == _GRID - 1)
        def _():
            pooled = pool_acc[...] / jnp.maximum(cnt_acc[...], 1.0)
            o_ref[...] = (jnp.dot(pooled, wo_ref[...], preferred_element_type=jnp.float32)
                          + bo_ref[...])

    return pl.pallas_call(
        body,
        grid=(_GRID,),
        in_specs=[
            pl.BlockSpec((_NC, _BLK, _H), lambda i: (0, i, 0)),
            pl.BlockSpec((_NC, _BLK, _H), lambda i: (0, i, 0)),
            pl.BlockSpec((_H, _H), lambda i: (0, 0)),
            pl.BlockSpec((_H, _H), lambda i: (0, 0)),
            pl.BlockSpec((1, 1, _BLK), lambda i: (i, 0, 0)),
            pl.BlockSpec((_H, _H), lambda i: (0, 0)),
            pl.BlockSpec((1, _H), lambda i: (0, 0)),
        ],
        out_specs=pl.BlockSpec((_G, _H), lambda i: (0, 0)),
        out_shape=jax.ShapeDtypeStruct((_G, _H), jnp.float32),
        scratch_shapes=[
            pltpu.VMEM((_G, _H), jnp.float32),
            pltpu.VMEM((_G, _BLK), jnp.float32),
        ],
    )(aggX, agg32, Wx, Waug, batchI, Woutp, boutp)


def _agg_first(table, srcI, dstI, eaugI, dstE):
    aggX = _agg_rows(table, srcI.shape[1])(table, srcI, dstI)
    agg32 = _agg_edge()(eaugI, dstE)
    return aggX, agg32


def _agg_second(table, srcI, dstI):
    return _agg_rows(table, srcI.shape[1])(table, srcI, dstI)


def _pack_pairs(xb):
    pairs = jnp.stack([xb[:, :64], xb[:, 64:]], axis=-1)
    return jax.lax.bitcast_convert_type(pairs, jnp.int32)


def kernel(x, edge_index, batch, edge_attr, W1, b1, W2, b2, Wout, bout):
    src = edge_index[0]
    dst = edge_index[1]
    srcI = jnp.pad(src, (0, _EP - _E)).reshape(_NW, _CH, 128)
    dstI = jnp.pad(dst, (0, _EP - _E), constant_values=_N).reshape(_NW, _CH, 128)

    dstE = jnp.pad(dst, (0, _EP - _E), constant_values=_N).reshape(_NW, _CHE, 64)
    eaug = jnp.concatenate([edge_attr, jnp.ones((_E, 1), jnp.float32)], axis=1)
    eaug = jnp.pad(eaug, ((0, _EP - _E), (0, 32 - (_DE + 1))))
    eaugI = eaug.reshape(_NW, _CHE, 64, 32)

    W1x = W1[:_H]
    W1aug = jnp.concatenate([W1[_H:], b1[None, :], jnp.zeros((_H - _DE - 1, _H), jnp.float32)])
    W2x = W2[:_H]
    W2aug = jnp.concatenate([W2[_H:], b2[None, :], jnp.zeros((_H - _DE - 1, _H), jnp.float32)])
    Woutp = jnp.pad(Wout, ((0, 0), (0, _H - Wout.shape[1])))
    boutp = jnp.pad(bout[None, :], ((0, 0), (0, _H - bout.shape[0])))
    batchI = jnp.concatenate([batch, jnp.full((_NP - _N,), _G, jnp.int32)]).reshape(_GRID, 1, _BLK)

    xp = _pack_pairs(x.astype(jnp.bfloat16))
    aggX, agg32 = _agg_first(xp, srcI, dstI, eaugI, dstE)
    h1 = _tc_layer(aggX, agg32, W1x, W1aug)
    aggH = _agg_second(_pack_pairs(h1), srcI, dstI)
    out = _tc_layer_pool(aggH, agg32, W2x, W2aug, batchI, Woutp, boutp)
    return out[:, : Wout.shape[1]]

# --- scband reference (transcript-rebuilt; emitter-appended) ---
"""Pipeline reference for scband-mpnn-qm9-35313221108120 (READ-ONLY COPY).

The authoritative reference and input builder live on the scoring server;
editing this copy changes nothing except your own understanding.
"""

import jax, jax.numpy as jnp
import numpy as np

N = 10000
E = 320000
DF = 128
DE = 16
H = 128
OUT = 1
G = 64


def setup_inputs(seed: int = 0) -> dict:
    key = jax.random.key(seed)
    ks = jax.random.split(key, 12)
    x = jax.random.normal(ks[0], (N, DF), dtype=jnp.float32)
    edge_index = jax.random.randint(ks[1], (2, E), 0, N, dtype=jnp.int32)
    batch = jnp.sort(jax.random.randint(ks[2], (N,), 0, G, dtype=jnp.int32))
    edge_attr = jax.random.normal(ks[3], (E, DE), dtype=jnp.float32)
    # Layer 1: Linear(in_channels + edge_channels -> hidden)
    W1 = jax.random.normal(ks[4], (DF + DE, H), dtype=jnp.float32) * (1.0 / np.sqrt(DF + DE))
    b1 = jnp.zeros((H,), dtype=jnp.float32)
    # Layer 2: Linear(hidden + edge_channels -> hidden)
    W2 = jax.random.normal(ks[5], (H + DE, H), dtype=jnp.float32) * (1.0 / np.sqrt(H + DE))
    b2 = jnp.zeros((H,), dtype=jnp.float32)
    # Output layer: Linear(hidden -> out)
    Wout = jax.random.normal(ks[6], (H, OUT), dtype=jnp.float32) * (1.0 / np.sqrt(H))
    bout = jnp.zeros((OUT,), dtype=jnp.float32)
    return {"x": x, "edge_index": edge_index, "batch": batch, "edge_attr": edge_attr,
            "W1": W1, "b1": b1, "W2": W2, "b2": b2, "Wout": Wout, "bout": bout}


def _mpnn_layer_cat(x, src, dst, edge_attr, W, b):
    # message: Linear(cat(x_j, edge_attr)); aggregate: scatter-add at dst
    msg = jnp.concatenate([x[src], edge_attr], axis=-1) @ W + b
    return jax.ops.segment_sum(msg, dst, num_segments=N)


def reference(x, edge_index, batch, edge_attr, W1, b1, W2, b2, Wout, bout):
    src = edge_index[0]
    dst = edge_index[1]
    # layer 1 + relu
    h = _mpnn_layer_cat(x, src, dst, edge_attr, W1, b1)
    h = jax.nn.relu(h)
    # layer 2 + relu
    h = _mpnn_layer_cat(h, src, dst, edge_attr, W2, b2)
    h = jax.nn.relu(h)
    # global_mean_pool over batch segment ids
    sums = jax.ops.segment_sum(h, batch, num_segments=G)
    counts = jax.ops.segment_sum(jnp.ones((N, 1), dtype=jnp.float32), batch, num_segments=G)
    pooled = sums / jnp.maximum(counts, 1.0)
    return pooled @ Wout + bout

if __name__ == "__main__":
    import jax
    _d = setup_inputs()
    print(jax.jit(kernel)(*tuple(_d.values())))

</pallas_src>

<mosaic_0001>
#map = affine_map<(d0, d1) -> (0, 0)>
#map1 = affine_map<(d0, d1) -> (0, 0, 0)>
module attributes {stable_mosaic.version = 14 : i64} {
  func.func @k(%arg0: i32, %arg1: i32, %arg2: memref<10112x64xi32, #tpu.memory_space<hbm>>, %arg3: memref<32x80x128xi32, #tpu.memory_space<hbm>>, %arg4: memref<32x80x128xi32, #tpu.memory_space<hbm>>, %arg5: memref<2x10112x128xf32, #tpu.memory_space<hbm>>, %arg6: memref<128xi32, #tpu.memory_space<vmem>>, %arg7: memref<128xi32, #tpu.memory_space<vmem>>, %arg8: memref<64xi32, #tpu.memory_space<vmem>>, %arg9: memref<64xi32, #tpu.memory_space<vmem>>, %arg10: memref<64xi32, #tpu.memory_space<vmem>>, %arg11: memref<64xi32, #tpu.memory_space<vmem>>, %arg12: memref<128x64xi32, #tpu.memory_space<vmem>>, %arg13: memref<128x64xi32, #tpu.memory_space<vmem>>, %arg14: memref<64x128xf32, #tpu.memory_space<vmem>>, %arg15: memref<64x128xf32, #tpu.memory_space<vmem>>, %arg16: memref<10112x128xf32, #tpu.memory_space<vmem_shared>>, %arg17: memref<!tpu.dma_semaphore, #tpu.memory_space<semaphore_mem>>, %arg18: memref<!tpu.dma_semaphore, #tpu.memory_space<semaphore_mem>>, %arg19: memref<!tpu.dma_semaphore, #tpu.memory_space<semaphore_mem>>, %arg20: memref<!tpu.dma_semaphore, #tpu.memory_space<semaphore_mem>>, %arg21: memref<!tpu.dma_semaphore, #tpu.memory_space<semaphore_mem>>, %arg22: memref<!tpu.dma_semaphore, #tpu.memory_space<semaphore_mem>>, %arg23: memref<!tpu.dma_semaphore, #tpu.memory_space<semaphore_mem>>, %arg24: memref<!tpu.dma_semaphore, #tpu.memory_space<semaphore_mem>>, %arg25: memref<!tpu.dma_semaphore, #tpu.memory_space<semaphore_mem>>, %arg26: memref<!tpu.dma_semaphore, #tpu.memory_space<semaphore_mem>>) attributes {dimension_semantics = [#tpu.dimension_semantics<core_parallel>, #tpu.dimension_semantics<subcore_parallel>], iteration_bounds = array<i64: 2, 16>, scalar_prefetch = 0 : i64, scratch_operands = 21 : i64, tpu.core_type = #tpu.core_type<sc_vector_subcore>, window_params = [{transform_indices = #map}, {transform_indices = #map1}, {transform_indices = #map1}, {transform_indices = #map1}]} {
    %mul3A = arith.constant 16 : i32
    %mul3A_0 = arith.muli %arg0, %mul3A : i32
    %add3A = arith.addi %mul3A_0, %arg1 : i32
    %mul3A_1 = arith.constant 632 : i32
    %mul3A_2 = arith.muli %arg1, %mul3A_1 : i32
    %scan3A = arith.constant 0 : i32
    %scan3A_3 = arith.constant 0 : i32
    %scan3A_4 = arith.constant 512 : i32
    %scan3A_5 = arith.addi %scan3A_3, %scan3A_4 : i32
    %scan3A_6 = arith.constant 1 : i32
    scf.for %scan3A_78 = %scan3A_3 to %scan3A_5 step %scan3A_6  : i32 {
      %broadcast_in_dim3A = arith.constant 0.000000e+00 : f32
      %broadcast_in_dim3A_79 = vector.broadcast %broadcast_in_dim3A : f32 to vector<16xf32>
      %shift_right_arithmetic3A = arith.constant 3 : i32
      %shift_right_arithmetic3A_80 = arith.shrsi %scan3A_78, %shift_right_arithmetic3A : i32
      %and3A = arith.constant 7 : i32
      %and3A_81 = arith.andi %scan3A_78, %and3A : i32
      %mul3A_82 = arith.constant 16 : i32
      %mul3A_83 = arith.muli %and3A_81, %mul3A_82 : i32
      %swap3A = arith.index_cast %shift_right_arithmetic3A_80 : i32 to index
      %swap3A_84 = arith.index_cast %mul3A_83 : i32 to index
      %swap3A_85 = tpu.vector_load %arg14[%swap3A, %swap3A_84] {strides = array<i32>} : memref<64x128xf32, #tpu.memory_space<vmem>>, vector<1x16xf32>,
      %swap3A_86 = vector.shape_cast %swap3A_85 : vector<1x16xf32> to vector<16xf32>
      %swap3A_87 = vector.shape_cast %broadcast_in_dim3A_79 : vector<16xf32> to vector<1x16xf32>
      tpu.vector_store %arg14[%swap3A, %swap3A_84], %swap3A_87 {strides = array<i32>} : memref<64x128xf32, #tpu.memory_space<vmem>>, vector<1x16xf32>,
    }
    %scan3A_7 = arith.constant 512 : i32
    %add3A_8 = arith.constant 0 : i32
    %add3A_9 = arith.addi %mul3A_2, %add3A_8 : i32
    "tpu.region"() ({
      %run_scoped3A = tpu.sem_alloc : memref<!tpu.dma_semaphore, #tpu.memory_space<semaphore_mem>>
      %dma_start3A_78 = arith.constant 0 : i32
      %dma_start3A_79 = tpu.memref_slice %arg16[%add3A_9, %dma_start3A_78] : memref<10112x128xf32, #tpu.memory_space<vmem_shared>> -> memref<64x128xf32, #tpu.memory_space<vmem_shared>>
      %dma_start3A_80 = arith.constant 0 : i32
      %dma_start3A_81 = tpu.memref_slice %arg16[%add3A_9, %dma_start3A_80] : memref<10112x128xf32, #tpu.memory_space<vmem_shared>> -> memref<64x128xf32, #tpu.memory_space<vmem_shared>>
      tpu.enqueue_dma source(%arg14 : memref<64x128xf32, #tpu.memory_space<vmem>>) target(%dma_start3A_81 : memref<64x128xf32, #tpu.memory_space<vmem_shared>>) target_semaphore(%run_scoped3A : memref<!tpu.dma_semaphore, #tpu.memory_space<semaphore_mem>>)
      %dma_wait3A_82 = arith.constant 0 : i32
      %dma_wait3A_83 = tpu.memref_slice %arg16[%add3A_9, %dma_wait3A_82] : memref<10112x128xf32, #tpu.memory_space<vmem_shared>> -> memref<64x128xf32, #tpu.memory_space<vmem_shared>>
      %dma_wait3A_84 = arith.constant 0 : i32
      %dma_wait3A_85 = tpu.memref_slice %arg16[%add3A_9, %dma_wait3A_84] : memref<10112x128xf32, #tpu.memory_space<vmem_shared>> -> memref<64x128xf32, #tpu.memory_space<vmem_shared>>
      tpu.wait_dma2 semaphore(%run_scoped3A : memref<!tpu.dma_semaphore, #tpu.memory_space<semaphore_mem>>) src(%arg14 : memref<64x128xf32, #tpu.memory_space<vmem>>) dst(%dma_wait3A_85 : memref<64x128xf32, #tpu.memory_space<vmem_shared>>)
      tpu.yield
    }) : () -> ()
    %add3A_10 = arith.constant 64 : i32
    %add3A_11 = arith.addi %mul3A_2, %add3A_10 : i32
    "tpu.region"() ({
      %run_scoped3A = tpu.sem_alloc : memref<!tpu.dma_semaphore, #tpu.memory_space<semaphore_mem>>
      %dma_start3A_78 = arith.constant 0 : i32
      %dma_start3A_79 = tpu.memref_slice %arg16[%add3A_11, %dma_start3A_78] : memref<10112x128xf32, #tpu.memory_space<vmem_shared>> -> memref<64x128xf32, #tpu.memory_space<vmem_shared>>
      %dma_start3A_80 = arith.constant 0 : i32
      %dma_start3A_81 = tpu.memref_slice %arg16[%add3A_11, %dma_start3A_80] : memref<10112x128xf32, #tpu.memory_space<vmem_shared>> -> memref<64x128xf32, #tpu.memory_space<vmem_shared>>
      tpu.enqueue_dma source(%arg14 : memref<64x128xf32, #tpu.memory_space<vmem>>) target(%dma_start3A_81 : memref<64x128xf32, #tpu.memory_space<vmem_shared>>) target_semaphore(%run_scoped3A : memref<!tpu.dma_semaphore, #tpu.memory_space<semaphore_mem>>)
      %dma_wait3A_82 = arith.constant 0 : i32
      %dma_wait3A_83 = tpu.memref_slice %arg16[%add3A_11, %dma_wait3A_82] : memref<10112x128xf32, #tpu.memory_space<vmem_shared>> -> memref<64x128xf32, #tpu.memory_space<vmem_shared>>
      %dma_wait3A_84 = arith.constant 0 : i32
      %dma_wait3A_85 = tpu.memref_slice %arg16[%add3A_11, %dma_wait3A_84] : memref<10112x128xf32, #tpu.memory_space<vmem_shared>> -> memref<64x128xf32, #tpu.memory_space<vmem_shared>>
      tpu.wait_dma2 semaphore(%run_scoped3A : memref<!tpu.dma_semaphore, #tpu.memory_space<semaphore_mem>>) src(%arg14 : memref<64x128xf32, #tpu.memory_space<vmem>>) dst(%dma_wait3A_85 : memref<64x128xf32, #tpu.memory_space<vmem_shared>>)
      tpu.yield
    }) : () -> ()
    %add3A_12 = arith.constant 128 : i32
    %add3A_13 = arith.addi %mul3A_2, %add3A_12 : i32
    "tpu.region"() ({
      %run_scoped3A = tpu.sem_alloc : memref<!tpu.dma_semaphore, #tpu.memory_space<semaphore_mem>>
      %dma_start3A_78 = arith.constant 0 : i32
      %dma_start3A_79 = tpu.memref_slice %arg16[%add3A_13, %dma_start3A_78] : memref<10112x128xf32, #tpu.memory_space<vmem_shared>> -> memref<64x128xf32, #tpu.memory_space<vmem_shared>>
      %dma_start3A_80 = arith.constant 0 : i32
      %dma_start3A_81 = tpu.memref_slice %arg16[%add3A_13, %dma_start3A_80] : memref<10112x128xf32, #tpu.memory_space<vmem_shared>> -> memref<64x128xf32, #tpu.memory_space<vmem_shared>>
      tpu.enqueue_dma source(%arg14 : memref<64x128xf32, #tpu.memory_space<vmem>>) target(%dma_start3A_81 : memref<64x128xf32, #tpu.memory_space<vmem_shared>>) target_semaphore(%run_scoped3A : memref<!tpu.dma_semaphore, #tpu.memory_space<semaphore_mem>>)
      %dma_wait3A_82 = arith.constant 0 : i32
      %dma_wait3A_83 = tpu.memref_slice %arg16[%add3A_13, %dma_wait3A_82] : memref<10112x128xf32, #tpu.memory_space<vmem_shared>> -> memref<64x128xf32, #tpu.memory_space<vmem_shared>>
      %dma_wait3A_84 = arith.constant 0 : i32
      %dma_wait3A_85 = tpu.memref_slice %arg16[%add3A_13, %dma_wait3A_84] : memref<10112x128xf32, #tpu.memory_space<vmem_shared>> -> memref<64x128xf32, #tpu.memory_space<vmem_shared>>
      tpu.wait_dma2 semaphore(%run_scoped3A : memref<!tpu.dma_semaphore, #tpu.memory_space<semaphore_mem>>) src(%arg14 : memref<64x128xf32, #tpu.memory_space<vmem>>) dst(%dma_wait3A_85 : memref<64x128xf32, #tpu.memory_space<vmem_shared>>)
      tpu.yield
    }) : () -> ()
    %add3A_14 = arith.constant 192 : i32
    %add3A_15 = arith.addi %mul3A_2, %add3A_14 : i32
    "tpu.region"() ({
      %run_scoped3A = tpu.sem_alloc : memref<!tpu.dma_semaphore, #tpu.memory_space<semaphore_mem>>
      %dma_start3A_78 = arith.constant 0 : i32
      %dma_start3A_79 = tpu.memref_slice %arg16[%add3A_15, %dma_start3A_78] : memref<10112x128xf32, #tpu.memory_space<vmem_shared>> -> memref<64x128xf32, #tpu.memory_space<vmem_shared>>
      %dma_start3A_80 = arith.constant 0 : i32
      %dma_start3A_81 = tpu.memref_slice %arg16[%add3A_15, %dma_start3A_80] : memref<10112x128xf32, #tpu.memory_space<vmem_shared>> -> memref<64x128xf32, #tpu.memory_space<vmem_shared>>
      tpu.enqueue_dma source(%arg14 : memref<64x128xf32, #tpu.memory_space<vmem>>) target(%dma_start3A_81 : memref<64x128xf32, #tpu.memory_space<vmem_shared>>) target_semaphore(%run_scoped3A : memref<!tpu.dma_semaphore, #tpu.memory_space<semaphore_mem>>)
      %dma_wait3A_82 = arith.constant 0 : i32
      %dma_wait3A_83 = tpu.memref_slice %arg16[%add3A_15, %dma_wait3A_82] : memref<10112x128xf32, #tpu.memory_space<vmem_shared>> -> memref<64x128xf32, #tpu.memory_space<vmem_shared>>
      %dma_wait3A_84 = arith.constant 0 : i32
      %dma_wait3A_85 = tpu.memref_slice %arg16[%add3A_15, %dma_wait3A_84] : memref<10112x128xf32, #tpu.memory_space<vmem_shared>> -> memref<64x128xf32, #tpu.memory_space<vmem_shared>>
      tpu.wait_dma2 semaphore(%run_scoped3A : memref<!tpu.dma_semaphore, #tpu.memory_space<semaphore_mem>>) src(%arg14 : memref<64x128xf32, #tpu.memory_space<vmem>>) dst(%dma_wait3A_85 : memref<64x128xf32, #tpu.memory_space<vmem_shared>>)
      tpu.yield
    }) : () -> ()
    %add3A_16 = arith.constant 256 : i32
    %add3A_17 = arith.addi %mul3A_2, %add3A_16 : i32
    "tpu.region"() ({
      %run_scoped3A = tpu.sem_alloc : memref<!tpu.dma_semaphore, #tpu.memory_space<semaphore_mem>>
      %dma_start3A_78 = arith.constant 0 : i32
      %dma_start3A_79 = tpu.memref_slice %arg16[%add3A_17, %dma_start3A_78] : memref<10112x128xf32, #tpu.memory_space<vmem_shared>> -> memref<64x128xf32, #tpu.memory_space<vmem_shared>>
      %dma_start3A_80 = arith.constant 0 : i32
      %dma_start3A_81 = tpu.memref_slice %arg16[%add3A_17, %dma_start3A_80] : memref<10112x128xf32, #tpu.memory_space<vmem_shared>> -> memref<64x128xf32, #tpu.memory_space<vmem_shared>>
      tpu.enqueue_dma source(%arg14 : memref<64x128xf32, #tpu.memory_space<vmem>>) target(%dma_start3A_81 : memref<64x128xf32, #tpu.memory_space<vmem_shared>>) target_semaphore(%run_scoped3A : memref<!tpu.dma_semaphore, #tpu.memory_space<semaphore_mem>>)
      %dma_wait3A_82 = arith.constant 0 : i32
      %dma_wait3A_83 = tpu.memref_slice %arg16[%add3A_17, %dma_wait3A_82] : memref<10112x128xf32, #tpu.memory_space<vmem_shared>> -> memref<64x128xf32, #tpu.memory_space<vmem_shared>>
      %dma_wait3A_84 = arith.constant 0 : i32
      %dma_wait3A_85 = tpu.memref_slice %arg16[%add3A_17, %dma_wait3A_84] : memref<10112x128xf32, #tpu.memory_space<vmem_shared>> -> memref<64x128xf32, #tpu.memory_space<vmem_shared>>
      tpu.wait_dma2 semaphore(%run_scoped3A : memref<!tpu.dma_semaphore, #tpu.memory_space<semaphore_mem>>) src(%arg14 : memref<64x128xf32, #tpu.memory_space<vmem>>) dst(%dma_wait3A_85 : memref<64x128xf32, #tpu.memory_space<vmem_shared>>)
      tpu.yield
    }) : () -> ()
    %add3A_18 = arith.constant 320 : i32
    %add3A_19 = arith.addi %mul3A_2, %add3A_18 : i32
    "tpu.region"() ({
      %run_scoped3A = tpu.sem_alloc : memref<!tpu.dma_semaphore, #tpu.memory_space<semaphore_mem>>
      %dma_start3A_78 = arith.constant 0 : i32
      %dma_start3A_79 = tpu.memref_slice %arg16[%add3A_19, %dma_start3A_78] : memref<10112x128xf32, #tpu.memory_space<vmem_shared>> -> memref<64x128xf32, #tpu.memory_space<vmem_shared>>
      %dma_start3A_80 = arith.constant 0 : i32
      %dma_start3A_81 = tpu.memref_slice %arg16[%add3A_19, %dma_start3A_80] : memref<10112x128xf32, #tpu.memory_space<vmem_shared>> -> memref<64x128xf32, #tpu.memory_space<vmem_shared>>
      tpu.enqueue_dma source(%arg14 : memref<64x128xf32, #tpu.memory_space<vmem>>) target(%dma_start3A_81 : memref<64x128xf32, #tpu.memory_space<vmem_shared>>) target_semaphore(%run_scoped3A : memref<!tpu.dma_semaphore, #tpu.memory_space<semaphore_mem>>)
      %dma_wait3A_82 = arith.constant 0 : i32
      %dma_wait3A_83 = tpu.memref_slice %arg16[%add3A_19, %dma_wait3A_82] : memref<10112x128xf32, #tpu.memory_space<vmem_shared>> -> memref<64x128xf32, #tpu.memory_space<vmem_shared>>
      %dma_wait3A_84 = arith.constant 0 : i32
      %dma_wait3A_85 = tpu.memref_slice %arg16[%add3A_19, %dma_wait3A_84] : memref<10112x128xf32, #tpu.memory_space<vmem_shared>> -> memref<64x128xf32, #tpu.memory_space<vmem_shared>>
      tpu.wait_dma2 semaphore(%run_scoped3A : memref<!tpu.dma_semaphore, #tpu.memory_space<semaphore_mem>>) src(%arg14 : memref<64x128xf32, #tpu.memory_space<vmem>>) dst(%dma_wait3A_85 : memref<64x128xf32, #tpu.memory_space<vmem_shared>>)
      tpu.yield
    }) : () -> ()
    %add3A_20 = arith.constant 384 : i32
    %add3A_21 = arith.addi %mul3A_2, %add3A_20 : i32
    "tpu.region"() ({
      %run_scoped3A = tpu.sem_alloc : memref<!tpu.dma_semaphore, #tpu.memory_space<semaphore_mem>>
      %dma_start3A_78 = arith.constant 0 : i32
      %dma_start3A_79 = tpu.memref_slice %arg16[%add3A_21, %dma_start3A_78] : memref<10112x128xf32, #tpu.memory_space<vmem_shared>> -> memref<64x128xf32, #tpu.memory_space<vmem_shared>>
      %dma_start3A_80 = arith.constant 0 : i32
      %dma_start3A_81 = tpu.memref_slice %arg16[%add3A_21, %dma_start3A_80] : memref<10112x128xf32, #tpu.memory_space<vmem_shared>> -> memref<64x128xf32, #tpu.memory_space<vmem_shared>>
      tpu.enqueue_dma source(%arg14 : memref<64x128xf32, #tpu.memory_space<vmem>>) target(%dma_start3A_81 : memref<64x128xf32, #tpu.memory_space<vmem_shared>>) target_semaphore(%run_scoped3A : memref<!tpu.dma_semaphore, #tpu.memory_space<semaphore_mem>>)
      %dma_wait3A_82 = arith.constant 0 : i32
      %dma_wait3A_83 = tpu.memref_slice %arg16[%add3A_21, %dma_wait3A_82] : memref<10112x128xf32, #tpu.memory_space<vmem_shared>> -> memref<64x128xf32, #tpu.memory_space<vmem_shared>>
      %dma_wait3A_84 = arith.constant 0 : i32
      %dma_wait3A_85 = tpu.memref_slice %arg16[%add3A_21, %dma_wait3A_84] : memref<10112x128xf32, #tpu.memory_space<vmem_shared>> -> memref<64x128xf32, #tpu.memory_space<vmem_shared>>
      tpu.wait_dma2 semaphore(%run_scoped3A : memref<!tpu.dma_semaphore, #tpu.memory_space<semaphore_mem>>) src(%arg14 : memref<64x128xf32, #tpu.memory_space<vmem>>) dst(%dma_wait3A_85 : memref<64x128xf32, #tpu.memory_space<vmem_shared>>)
      tpu.yield
    }) : () -> ()
    %add3A_22 = arith.constant 448 : i32
    %add3A_23 = arith.addi %mul3A_2, %add3A_22 : i32
    "tpu.region"() ({
      %run_scoped3A = tpu.sem_alloc : memref<!tpu.dma_semaphore, #tpu.memory_space<semaphore_mem>>
      %dma_start3A_78 = arith.constant 0 : i32
      %dma_start3A_79 = tpu.memref_slice %arg16[%add3A_23, %dma_start3A_78] : memref<10112x128xf32, #tpu.memory_space<vmem_shared>> -> memref<64x128xf32, #tpu.memory_space<vmem_shared>>
      %dma_start3A_80 = arith.constant 0 : i32
      %dma_start3A_81 = tpu.memref_slice %arg16[%add3A_23, %dma_start3A_80] : memref<10112x128xf32, #tpu.memory_space<vmem_shared>> -> memref<64x128xf32, #tpu.memory_space<vmem_shared>>
      tpu.enqueue_dma source(%arg14 : memref<64x128xf32, #tpu.memory_space<vmem>>) target(%dma_start3A_81 : memref<64x128xf32, #tpu.memory_space<vmem_shared>>) target_semaphore(%run_scoped3A : memref<!tpu.dma_semaphore, #tpu.memory_space<semaphore_mem>>)
      %dma_wait3A_82 = arith.constant 0 : i32
      %dma_wait3A_83 = tpu.memref_slice %arg16[%add3A_23, %dma_wait3A_82] : memref<10112x128xf32, #tpu.memory_space<vmem_shared>> -> memref<64x128xf32, #tpu.memory_space<vmem_shared>>
      %dma_wait3A_84 = arith.constant 0 : i32
      %dma_wait3A_85 = tpu.memref_slice %arg16[%add3A_23, %dma_wait3A_84] : memref<10112x128xf32, #tpu.memory_space<vmem_shared>> -> memref<64x128xf32, #tpu.memory_space<vmem_shared>>
      tpu.wait_dma2 semaphore(%run_scoped3A : memref<!tpu.dma_semaphore, #tpu.memory_space<semaphore_mem>>) src(%arg14 : memref<64x128xf32, #tpu.memory_space<vmem>>) dst(%dma_wait3A_85 : memref<64x128xf32, #tpu.memory_space<vmem_shared>>)
      tpu.yield
    }) : () -> ()
    %add3A_24 = arith.constant 512 : i32
    %add3A_25 = arith.addi %mul3A_2, %add3A_24 : i32
    "tpu.region"() ({
      %run_scoped3A = tpu.sem_alloc : memref<!tpu.dma_semaphore, #tpu.memory_space<semaphore_mem>>
      %dma_start3A_78 = arith.constant 0 : i32
      %dma_start3A_79 = tpu.memref_slice %arg16[%add3A_25, %dma_start3A_78] : memref<10112x128xf32, #tpu.memory_space<vmem_shared>> -> memref<64x128xf32, #tpu.memory_space<vmem_shared>>
      %dma_start3A_80 = arith.constant 0 : i32
      %dma_start3A_81 = tpu.memref_slice %arg16[%add3A_25, %dma_start3A_80] : memref<10112x128xf32, #tpu.memory_space<vmem_shared>> -> memref<64x128xf32, #tpu.memory_space<vmem_shared>>
      tpu.enqueue_dma source(%arg14 : memref<64x128xf32, #tpu.memory_space<vmem>>) target(%dma_start3A_81 : memref<64x128xf32, #tpu.memory_space<vmem_shared>>) target_semaphore(%run_scoped3A : memref<!tpu.dma_semaphore, #tpu.memory_space<semaphore_mem>>)
      %dma_wait3A_82 = arith.constant 0 : i32
      %dma_wait3A_83 = tpu.memref_slice %arg16[%add3A_25, %dma_wait3A_82] : memref<10112x128xf32, #tpu.memory_space<vmem_shared>> -> memref<64x128xf32, #tpu.memory_space<vmem_shared>>
      %dma_wait3A_84 = arith.constant 0 : i32
      %dma_wait3A_85 = tpu.memref_slice %arg16[%add3A_25, %dma_wait3A_84] : memref<10112x128xf32, #tpu.memory_space<vmem_shared>> -> memref<64x128xf32, #tpu.memory_space<vmem_shared>>
      tpu.wait_dma2 semaphore(%run_scoped3A : memref<!tpu.dma_semaphore, #tpu.memory_space<semaphore_mem>>) src(%arg14 : memref<64x128xf32, #tpu.memory_space<vmem>>) dst(%dma_wait3A_85 : memref<64x128xf32, #tpu.memory_space<vmem_shared>>)
      tpu.yield
    }) : () -> ()
    %add3A_26 = arith.constant 632 : i32
    %add3A_27 = arith.addi %mul3A_2, %add3A_26 : i32
    %sub3A = arith.constant 56 : i32
    %sub3A_28 = arith.subi %add3A_27, %sub3A : i32
    "tpu.region"() ({
      %run_scoped3A = tpu.sem_alloc : memref<!tpu.dma_semaphore, #tpu.memory_space<semaphore_mem>>
      %dma_start3A_78 = arith.constant 0 : i32
      %dma_start3A_79 = arith.constant 0 : i32
      %dma_start3A_80 = tpu.memref_slice %arg14[%dma_start3A_78, %dma_start3A_79] : memref<64x128xf32, #tpu.memory_space<vmem>> -> memref<56x128xf32, #tpu.memory_space<vmem>>
      %dma_start3A_81 = arith.constant 0 : i32
      %dma_start3A_82 = tpu.memref_slice %arg16[%sub3A_28, %dma_start3A_81] : memref<10112x128xf32, #tpu.memory_space<vmem_shared>> -> memref<56x128xf32, #tpu.memory_space<vmem_shared>>
      %dma_start3A_83 = arith.constant 0 : i32
      %dma_start3A_84 = tpu.memref_slice %arg16[%sub3A_28, %dma_start3A_83] : memref<10112x128xf32, #tpu.memory_space<vmem_shared>> -> memref<56x128xf32, #tpu.memory_space<vmem_shared>>
      %dma_start3A_85 = arith.constant 0 : i32
      %dma_start3A_86 = arith.constant 0 : i32
      %dma_start3A_87 = tpu.memref_slice %arg14[%dma_start3A_85, %dma_start3A_86] : memref<64x128xf32, #tpu.memory_space<vmem>> -> memref<56x128xf32, #tpu.memory_space<vmem>>
      tpu.enqueue_dma source(%dma_start3A_87 : memref<56x128xf32, #tpu.memory_space<vmem>>) target(%dma_start3A_84 : memref<56x128xf32, #tpu.memory_space<vmem_shared>>) target_semaphore(%run_scoped3A : memref<!tpu.dma_semaphore, #tpu.memory_space<semaphore_mem>>)
      %dma_wait3A_88 = arith.constant 0 : i32
      %dma_wait3A_89 = arith.constant 0 : i32
      %dma_wait3A_90 = tpu.memref_slice %arg14[%dma_wait3A_88, %dma_wait3A_89] : memref<64x128xf32, #tpu.memory_space<vmem>> -> memref<56x128xf32, #tpu.memory_space<vmem>>
      %dma_wait3A_91 = arith.constant 0 : i32
      %dma_wait3A_92 = tpu.memref_slice %arg16[%sub3A_28, %dma_wait3A_91] : memref<10112x128xf32, #tpu.memory_space<vmem_shared>> -> memref<56x128xf32, #tpu.memory_space<vmem_shared>>
      %dma_wait3A_93 = arith.constant 0 : i32
      %dma_wait3A_94 = tpu.memref_slice %arg16[%sub3A_28, %dma_wait3A_93] : memref<10112x128xf32, #tpu.memory_space<vmem_shared>> -> memref<56x128xf32, #tpu.memory_space<vmem_shared>>
      %dma_wait3A_95 = arith.constant 0 : i32
      %dma_wait3A_96 = arith.constant 0 : i32
      %dma_wait3A_97 = tpu.memref_slice %arg14[%dma_wait3A_95, %dma_wait3A_96] : memref<64x128xf32, #tpu.memory_space<vmem>> -> memref<56x128xf32, #tpu.memory_space<vmem>>
      tpu.wait_dma2 semaphore(%run_scoped3A : memref<!tpu.dma_semaphore, #tpu.memory_space<semaphore_mem>>) src(%dma_wait3A_97 : memref<56x128xf32, #tpu.memory_space<vmem>>) dst(%dma_wait3A_94 : memref<56x128xf32, #tpu.memory_space<vmem_shared>>)
      tpu.yield
    }) : () -> ()
    %barrier3A = arith.constant 0 : index
    tpu.barrier barrier_id(%barrier3A)
    %dma_start3A = arith.constant 0 : i32
    %dma_start3A_29 = arith.constant 0 : i32
    %dma_start3A_30 = tpu.memref_slice %arg3[%add3A, %dma_start3A, %dma_start3A_29] : memref<32x80x128xi32, #tpu.memory_space<hbm>> -> memref<1x1x128xi32, #tpu.memory_space<hbm>>
    %dma_start3A_31 = tpu.memref_squeeze %dma_start3A_30 : memref<1x1x128xi32, #tpu.memory_space<hbm>> -> memref<128xi32, #tpu.memory_space<hbm>>
    %dma_start3A_32 = arith.constant 0 : i32
    %dma_start3A_33 = tpu.memref_slice %arg3[%add3A, %dma_start3A, %dma_start3A_32] : memref<32x80x128xi32, #tpu.memory_space<hbm>> -> memref<1x1x128xi32, #tpu.memory_space<hbm>>
    %dma_start3A_34 = tpu.memref_squeeze %dma_start3A_33 : memref<1x1x128xi32, #tpu.memory_space<hbm>> -> memref<128xi32, #tpu.memory_space<hbm>>
    tpu.enqueue_dma source(%dma_start3A_34 : memref<128xi32, #tpu.memory_space<hbm>>) target(%arg6 : memref<128xi32, #tpu.memory_space<vmem>>) target_semaphore(%arg17 : memref<!tpu.dma_semaphore, #tpu.memory_space<semaphore_mem>>)
    %dma_start3A_35 = arith.constant 0 : i32
    %dma_start3A_36 = arith.constant 0 : i32
    %dma_start3A_37 = tpu.memref_slice %arg4[%add3A, %dma_start3A_35, %dma_start3A_36] : memref<32x80x128xi32, #tpu.memory_space<hbm>> -> memref<1x1x64xi32, #tpu.memory_space<hbm>>
    %dma_start3A_38 = tpu.memref_squeeze %dma_start3A_37 : memref<1x1x64xi32, #tpu.memory_space<hbm>> -> memref<64xi32, #tpu.memory_space<hbm>>
    %dma_start3A_39 = arith.constant 0 : i32
    %dma_start3A_40 = tpu.memref_slice %arg4[%add3A, %dma_start3A_35, %dma_start3A_39] : memref<32x80x128xi32, #tpu.memory_space<hbm>> -> memref<1x1x64xi32, #tpu.memory_space<hbm>>
    %dma_start3A_41 = tpu.memref_squeeze %dma_start3A_40 : memref<1x1x64xi32, #tpu.memory_space<hbm>> -> memref<64xi32, #tpu.memory_space<hbm>>
    tpu.enqueue_dma source(%dma_start3A_41 : memref<64xi32, #tpu.memory_space<hbm>>) target(%arg8 : memref<64xi32, #tpu.memory_space<vmem>>) target_semaphore(%arg19 : memref<!tpu.dma_semaphore, #tpu.memory_space<semaphore_mem>>)
    %dma_start3A_42 = arith.constant 0 : i32
    %dma_start3A_43 = arith.constant 64 : i32
    %dma_start3A_44 = tpu.memref_slice %arg4[%add3A, %dma_start3A_42, %dma_start3A_43] : memref<32x80x128xi32, #tpu.memory_space<hbm>> -> memref<1x1x64xi32, #tpu.memory_space<hbm>>
    %dma_start3A_45 = tpu.memref_squeeze %dma_start3A_44 : memref<1x1x64xi32, #tpu.memory_space<hbm>> -> memref<64xi32, #tpu.memory_space<hbm>>
    %dma_start3A_46 = arith.constant 64 : i32
    %dma_start3A_47 = tpu.memref_slice %arg4[%add3A, %dma_start3A_42, %dma_start3A_46] : memref<32x80x128xi32, #tpu.memory_space<hbm>> -> memref<1x1x64xi32, #tpu.memory_space<hbm>>
    %dma_start3A_48 = tpu.memref_squeeze %dma_start3A_47 : memref<1x1x64xi32, #tpu.memory_space<hbm>> -> memref<64xi32, #tpu.memory_space<hbm>>
    tpu.enqueue_dma source(%dma_start3A_48 : memref<64xi32, #tpu.memory_space<hbm>>) target(%arg9 : memref<64xi32, #tpu.memory_space<vmem>>) target_semaphore(%arg20 : memref<!tpu.dma_semaphore, #tpu.memory_space<semaphore_mem>>)
    %dma_start3A_49 = arith.constant 1 : i32
    %dma_start3A_50 = arith.constant 0 : i32
    %dma_start3A_51 = tpu.memref_slice %arg3[%add3A, %dma_start3A_49, %dma_start3A_50] : memref<32x80x128xi32, #tpu.memory_space<hbm>> -> memref<1x1x128xi32, #tpu.memory_space<hbm>>
    %dma_start3A_52 = tpu.memref_squeeze %dma_start3A_51 : memref<1x1x128xi32, #tpu.memory_space<hbm>> -> memref<128xi32, #tpu.memory_space<hbm>>
    %dma_start3A_53 = arith.constant 0 : i32
    %dma_start3A_54 = tpu.memref_slice %arg3[%add3A, %dma_start3A_49, %dma_start3A_53] : memref<32x80x128xi32, #tpu.memory_space<hbm>> -> memref<1x1x128xi32, #tpu.memory_space<hbm>>
    %dma_start3A_55 = tpu.memref_squeeze %dma_start3A_54 : memref<1x1x128xi32, #tpu.memory_space<hbm>> -> memref<128xi32, #tpu.memory_space<hbm>>
    tpu.enqueue_dma source(%dma_start3A_55 : memref<128xi32, #tpu.memory_space<hbm>>) target(%arg7 : memref<128xi32, #tpu.memory_space<vmem>>) target_semaphore(%arg18 : memref<!tpu.dma_semaphore, #tpu.memory_space<semaphore_mem>>)
    %dma_wait3A = arith.constant 0 : i32
    %dma_wait3A_56 = arith.constant 0 : i32
    %dma_wait3A_57 = tpu.memref_slice %arg3[%add3A, %dma_wait3A, %dma_wait3A_56] : memref<32x80x128xi32, #tpu.memory_space<hbm>> -> memref<1x1x128xi32, #tpu.memory_space<hbm>>
    %dma_wait3A_58 = tpu.memref_squeeze %dma_wait3A_57 : memref<1x1x128xi32, #tpu.memory_space<hbm>> -> memref<128xi32, #tpu.memory_space<hbm>>
    %dma_wait3A_59 = arith.constant 0 : i32
    %dma_wait3A_60 = tpu.memref_slice %arg3[%add3A, %dma_wait3A, %dma_wait3A_59] : memref<32x80x128xi32, #tpu.memory_space<hbm>> -> memref<1x1x128xi32, #tpu.memory_space<hbm>>
    %dma_wait3A_61 = tpu.memref_squeeze %dma_wait3A_60 : memref<1x1x128xi32, #tpu.memory_space<hbm>> -> memref<128xi32, #tpu.memory_space<hbm>>
    tpu.wait_dma2 semaphore(%arg17 : memref<!tpu.dma_semaphore, #tpu.memory_space<semaphore_mem>>) src(%dma_wait3A_61 : memref<128xi32, #tpu.memory_space<hbm>>) dst(%arg6 : memref<128xi32, #tpu.memory_space<vmem>>)
    %dma_start3A_62 = arith.constant 0 : i32
    %dma_start3A_63 = arith.constant 0 : i32
    %dma_start3A_64 = tpu.memref_slice %arg2[%dma_start3A_62, %dma_start3A_63] : memref<10112x64xi32, #tpu.memory_space<hbm>> -> memref<10112x64xi32, #tpu.memory_space<hbm>>
    tpu.enqueue_indirect_dma source(%dma_start3A_64 : memref<10112x64xi32, #tpu.memory_space<hbm>>) target(%arg12 : memref<128x64xi32, #tpu.memory_space<vmem>>) offsets(%arg6 : memref<128xi32, #tpu.memory_space<vmem>>) semaphore(%arg23 : memref<!tpu.dma_semaphore, #tpu.memory_space<semaphore_mem>>)
    %scan3A_65 = arith.constant 0 : i32
    %scan3A_66 = arith.constant 0 : i32
    %scan3A_67 = arith.constant 40 : i32
    %scan3A_68 = arith.addi %scan3A_66, %scan3A_67 : i32
    %scan3A_69 = arith.constant 1 : i32
    scf.for %scan3A_78 = %scan3A_66 to %scan3A_68 step %scan3A_69  : i32 {
      %mul3A_79 = arith.constant 2 : i32
      %mul3A_80 = arith.muli %scan3A_78, %mul3A_79 : i32
      %add3A_81 = arith.constant 0 : i32
      %add3A_82 = arith.addi %mul3A_80, %add3A_81 : i32
      %dma_wait3A_83 = arith.constant 0 : i32
      %dma_wait3A_84 = arith.constant 0 : i32
      %dma_wait3A_85 = tpu.memref_slice %arg2[%dma_wait3A_83, %dma_wait3A_84] : memref<10112x64xi32, #tpu.memory_space<hbm>> -> memref<10112x64xi32, #tpu.memory_space<hbm>>
      tpu.wait_indirect_dma semaphore(%arg23 : memref<!tpu.dma_semaphore, #tpu.memory_space<semaphore_mem>>) src(%dma_wait3A_85 : memref<10112x64xi32, #tpu.memory_space<hbm>>) dst(%arg12 : memref<128x64xi32, #tpu.memory_space<vmem>>)
      %add3A_86 = arith.constant 1 : i32
      %add3A_87 = arith.addi %add3A_82, %add3A_86 : i32
      %lt3A = arith.constant 80 : i32
      %lt3A_88 = arith.cmpi slt, %add3A_87, %lt3A : i32
      %convert_element_type3A = arith.extui %lt3A_88 : i1 to i32
      %cond3A = arith.constant 0 : i32
      %cond3A_89 = arith.cmpi ne, %convert_element_type3A, %cond3A : i32
      scf.if %cond3A_89 {
        %add3A_211 = arith.constant 1 : i32
        %add3A_212 = arith.addi %add3A_82, %add3A_211 : i32
        %dma_wait3A_213 = arith.constant 0 : i32
        %dma_wait3A_214 = tpu.memref_slice %arg3[%add3A, %add3A_212, %dma_wait3A_213] : memref<32x80x128xi32, #tpu.memory_space<hbm>> -> memref<1x1x128xi32, #tpu.memory_space<hbm>>
        %dma_wait3A_215 = tpu.memref_squeeze %dma_wait3A_214 : memref<1x1x128xi32, #tpu.memory_space<hbm>> -> memref<128xi32, #tpu.memory_space<hbm>>
        %dma_wait3A_216 = arith.constant 0 : i32
        %dma_wait3A_217 = tpu.memref_slice %arg3[%add3A, %add3A_212, %dma_wait3A_216] : memref<32x80x128xi32, #tpu.memory_space<hbm>> -> memref<1x1x128xi32, #tpu.memory_space<hbm>>
        %dma_wait3A_218 = tpu.memref_squeeze %dma_wait3A_217 : memref<1x1x128xi32, #tpu.memory_space<hbm>> -> memref<128xi32, #tpu.memory_space<hbm>>
        tpu.wait_dma2 semaphore(%arg18 : memref<!tpu.dma_semaphore, #tpu.memory_space<semaphore_mem>>) src(%dma_wait3A_218 : memref<128xi32, #tpu.memory_space<hbm>>) dst(%arg7 : memref<128xi32, #tpu.memory_space<vmem>>)
        %dma_start3A_219 = arith.constant 0 : i32
        %dma_start3A_220 = arith.constant 0 : i32
        %dma_start3A_221 = tpu.memref_slice %arg2[%dma_start3A_219, %dma_start3A_220] : memref<10112x64xi32, #tpu.memory_space<hbm>> -> memref<10112x64xi32, #tpu.memory_space<hbm>>
        tpu.enqueue_indirect_dma source(%dma_start3A_221 : memref<10112x64xi32, #tpu.memory_space<hbm>>) target(%arg13 : memref<128x64xi32, #tpu.memory_space<vmem>>) offsets(%arg7 : memref<128xi32, #tpu.memory_space<vmem>>) semaphore(%arg24 : memref<!tpu.dma_semaphore, #tpu.memory_space<semaphore_mem>>)
      } else {
      }
      %ge3A = arith.constant 1 : i32
      %ge3A_90 = arith.cmpi sge, %add3A_82, %ge3A : i32
      %convert_element_type3A_91 = arith.extui %ge3A_90 : i1 to i32
      %cond3A_92 = arith.constant 0 : i32
      %cond3A_93 = arith.cmpi ne, %convert_element_type3A_91, %cond3A_92 : i32
      scf.if %cond3A_93 {
        %dma_wait3A_211 = arith.constant 0 : i32
        %dma_wait3A_212 = arith.constant 0 : i32
        %dma_wait3A_213 = tpu.memref_slice %arg16[%dma_wait3A_211, %dma_wait3A_212] : memref<10112x128xf32, #tpu.memory_space<vmem_shared>> -> memref<10112x128xf32, #tpu.memory_space<vmem_shared>>
        tpu.wait_indirect_dma semaphore(%arg25 : memref<!tpu.dma_semaphore, #tpu.memory_space<semaphore_mem>>) src(%arg14 : memref<64x128xf32, #tpu.memory_space<vmem>>) dst(%dma_wait3A_213 : memref<10112x128xf32, #tpu.memory_space<vmem_shared>>)
      } else {
      }
      %scan3A_94 = arith.constant 0 : i32
      %scan3A_95 = arith.constant 0 : i32
      %scan3A_96 = arith.constant 64 : i32
      %scan3A_97 = arith.addi %scan3A_95, %scan3A_96 : i32
      %scan3A_98 = arith.constant 1 : i32
      scf.for %scan3A_211 = %scan3A_95 to %scan3A_97 step %scan3A_98  : i32 {
        %add3A_212 = arith.constant 0 : i32
        %add3A_213 = arith.addi %add3A_212, %scan3A_211 : i32
        %get3A = arith.index_cast %add3A_213 : i32 to index
        %get3A_214 = arith.constant 0 : index
        %get3A_215 = tpu.vector_load %arg12[%get3A, %get3A_214] {strides = array<i32>} : memref<128x64xi32, #tpu.memory_space<vmem>>, vector<1x16xi32>,
        %get3A_216 = vector.shape_cast %get3A_215 : vector<1x16xi32> to vector<16xi32>
        %shift_left3A = arith.constant 16 : i32
        %shift_left3A_217 = vector.broadcast %shift_left3A : i32 to vector<16xi32>
        %shift_left3A_218 = arith.shli %get3A_216, %shift_left3A_217 : vector<16xi32>
        %bitcast_convert_type3A = tpu.bitcast %shift_left3A_218 : vector<16xi32> -> vector<16xf32>
        %swap3A = arith.index_cast %scan3A_211 : i32 to index
        %swap3A_219 = arith.constant 0 : index
        %swap3A_220 = tpu.vector_load %arg14[%swap3A, %swap3A_219] {strides = array<i32>} : memref<64x128xf32, #tpu.memory_space<vmem>>, vector<1x16xf32>,
        %swap3A_221 = vector.shape_cast %swap3A_220 : vector<1x16xf32> to vector<16xf32>
        %swap3A_222 = vector.shape_cast %bitcast_convert_type3A : vector<16xf32> to vector<1x16xf32>
        tpu.vector_store %arg14[%swap3A, %swap3A_219], %swap3A_222 {strides = array<i32>} : memref<64x128xf32, #tpu.memory_space<vmem>>, vector<1x16xf32>,
        %broadcast_in_dim3A = arith.constant -65536 : i32
        %broadcast_in_dim3A_223 = vector.broadcast %broadcast_in_dim3A : i32 to vector<16xi32>
        %and3A = arith.andi %get3A_216, %broadcast_in_dim3A_223 : vector<16xi32>
        %bitcast_convert_type3A_224 = tpu.bitcast %and3A : vector<16xi32> -> vector<16xf32>
        %swap3A_225 = arith.index_cast %scan3A_211 : i32 to index
        %swap3A_226 = arith.constant 64 : index
        %swap3A_227 = tpu.vector_load %arg14[%swap3A_225, %swap3A_226] {strides = array<i32>} : memref<64x128xf32, #tpu.memory_space<vmem>>, vector<1x16xf32>,
        %swap3A_228 = vector.shape_cast %swap3A_227 : vector<1x16xf32> to vector<16xf32>
        %swap3A_229 = vector.shape_cast %bitcast_convert_type3A_224 : vector<16xf32> to vector<1x16xf32>
        tpu.vector_store %arg14[%swap3A_225, %swap3A_226], %swap3A_229 {strides = array<i32>} : memref<64x128xf32, #tpu.memory_space<vmem>>, vector<1x16xf32>,
        %add3A_230 = arith.constant 0 : i32
        %add3A_231 = arith.addi %add3A_230, %scan3A_211 : i32
        %get3A_232 = arith.index_cast %add3A_231 : i32 to index
        %get3A_233 = arith.constant 16 : index
        %get3A_234 = tpu.vector_load %arg12[%get3A_232, %get3A_233] {strides = array<i32>} : memref<128x64xi32, #tpu.memory_space<vmem>>, vector<1x16xi32>,
        %get3A_235 = vector.shape_cast %get3A_234 : vector<1x16xi32> to vector<16xi32>
        %shift_left3A_236 = arith.constant 16 : i32
        %shift_left3A_237 = vector.broadcast %shift_left3A_236 : i32 to vector<16xi32>
        %shift_left3A_238 = arith.shli %get3A_235, %shift_left3A_237 : vector<16xi32>
        %bitcast_convert_type3A_239 = tpu.bitcast %shift_left3A_238 : vector<16xi32> -> vector<16xf32>
        %swap3A_240 = arith.index_cast %scan3A_211 : i32 to index
        %swap3A_241 = arith.constant 16 : index
        %swap3A_242 = tpu.vector_load %arg14[%swap3A_240, %swap3A_241] {strides = array<i32>} : memref<64x128xf32, #tpu.memory_space<vmem>>, vector<1x16xf32>,
        %swap3A_243 = vector.shape_cast %swap3A_242 : vector<1x16xf32> to vector<16xf32>
        %swap3A_244 = vector.shape_cast %bitcast_convert_type3A_239 : vector<16xf32> to vector<1x16xf32>
        tpu.vector_store %arg14[%swap3A_240, %swap3A_241], %swap3A_244 {strides = array<i32>} : memref<64x128xf32, #tpu.memory_space<vmem>>, vector<1x16xf32>,
        %broadcast_in_dim3A_245 = arith.constant -65536 : i32
        %broadcast_in_dim3A_246 = vector.broadcast %broadcast_in_dim3A_245 : i32 to vector<16xi32>
        %and3A_247 = arith.andi %get3A_235, %broadcast_in_dim3A_246 : vector<16xi32>
        %bitcast_convert_type3A_248 = tpu.bitcast %and3A_247 : vector<16xi32> -> vector<16xf32>
        %swap3A_249 = arith.index_cast %scan3A_211 : i32 to index
        %swap3A_250 = arith.constant 80 : index
        %swap3A_251 = tpu.vector_load %arg14[%swap3A_249, %swap3A_250] {strides = array<i32>} : memref<64x128xf32, #tpu.memory_space<vmem>>, vector<1x16xf32>,
        %swap3A_252 = vector.shape_cast %swap3A_251 : vector<1x16xf32> to vector<16xf32>
        %swap3A_253 = vector.shape_cast %bitcast_convert_type3A_248 : vector<16xf32> to vector<1x16xf32>
        tpu.vector_store %arg14[%swap3A_249, %swap3A_250], %swap3A_253 {strides = array<i32>} : memref<64x128xf32, #tpu.memory_space<vmem>>, vector<1x16xf32>,
        %add3A_254 = arith.constant 0 : i32
        %add3A_255 = arith.addi %add3A_254, %scan3A_211 : i32
        %get3A_256 = arith.index_cast %add3A_255 : i32 to index
        %get3A_257 = arith.constant 32 : index
        %get3A_258 = tpu.vector_load %arg12[%get3A_256, %get3A_257] {strides = array<i32>} : memref<128x64xi32, #tpu.memory_space<vmem>>, vector<1x16xi32>,
        %get3A_259 = vector.shape_cast %get3A_258 : vector<1x16xi32> to vector<16xi32>
        %shift_left3A_260 = arith.constant 16 : i32
        %shift_left3A_261 = vector.broadcast %shift_left3A_260 : i32 to vector<16xi32>
        %shift_left3A_262 = arith.shli %get3A_259, %shift_left3A_261 : vector<16xi32>
        %bitcast_convert_type3A_263 = tpu.bitcast %shift_left3A_262 : vector<16xi32> -> vector<16xf32>
        %swap3A_264 = arith.index_cast %scan3A_211 : i32 to index
        %swap3A_265 = arith.constant 32 : index
        %swap3A_266 = tpu.vector_load %arg14[%swap3A_264, %swap3A_265] {strides = array<i32>} : memref<64x128xf32, #tpu.memory_space<vmem>>, vector<1x16xf32>,
        %swap3A_267 = vector.shape_cast %swap3A_266 : vector<1x16xf32> to vector<16xf32>
        %swap3A_268 = vector.shape_cast %bitcast_convert_type3A_263 : vector<16xf32> to vector<1x16xf32>
        tpu.vector_store %arg14[%swap3A_264, %swap3A_265], %swap3A_268 {strides = array<i32>} : memref<64x128xf32, #tpu.memory_space<vmem>>, vector<1x16xf32>,
        %broadcast_in_dim3A_269 = arith.constant -65536 : i32
        %broadcast_in_dim3A_270 = vector.broadcast %broadcast_in_dim3A_269 : i32 to vector<16xi32>
        %and3A_271 = arith.andi %get3A_259, %broadcast_in_dim3A_270 : vector<16xi32>
        %bitcast_convert_type3A_272 = tpu.bitcast %and3A_271 : vector<16xi32> -> vector<16xf32>
        %swap3A_273 = arith.index_cast %scan3A_211 : i32 to index
        %swap3A_274 = arith.constant 96 : index
        %swap3A_275 = tpu.vector_load %arg14[%swap3A_273, %swap3A_274] {strides = array<i32>} : memref<64x128xf32, #tpu.memory_space<vmem>>, vector<1x16xf32>,
        %swap3A_276 = vector.shape_cast %swap3A_275 : vector<1x16xf32> to vector<16xf32>
        %swap3A_277 = vector.shape_cast %bitcast_convert_type3A_272 : vector<16xf32> to vector<1x16xf32>
        tpu.vector_store %arg14[%swap3A_273, %swap3A_274], %swap3A_277 {strides = array<i32>} : memref<64x128xf32, #tpu.memory_space<vmem>>, vector<1x16xf32>,
        %add3A_278 = arith.constant 0 : i32
        %add3A_279 = arith.addi %add3A_278, %scan3A_211 : i32
        %get3A_280 = arith.index_cast %add3A_279 : i32 to index
        %get3A_281 = arith.constant 48 : index
        %get3A_282 = tpu.vector_load %arg12[%get3A_280, %get3A_281] {strides = array<i32>} : memref<128x64xi32, #tpu.memory_space<vmem>>, vector<1x16xi32>,
        %get3A_283 = vector.shape_cast %get3A_282 : vector<1x16xi32> to vector<16xi32>
        %shift_left3A_284 = arith.constant 16 : i32
        %shift_left3A_285 = vector.broadcast %shift_left3A_284 : i32 to vector<16xi32>
        %shift_left3A_286 = arith.shli %get3A_283, %shift_left3A_285 : vector<16xi32>
        %bitcast_convert_type3A_287 = tpu.bitcast %shift_left3A_286 : vector<16xi32> -> vector<16xf32>
        %swap3A_288 = arith.index_cast %scan3A_211 : i32 to index
        %swap3A_289 = arith.constant 48 : index
        %swap3A_290 = tpu.vector_load %arg14[%swap3A_288, %swap3A_289] {strides = array<i32>} : memref<64x128xf32, #tpu.memory_space<vmem>>, vector<1x16xf32>,
        %swap3A_291 = vector.shape_cast %swap3A_290 : vector<1x16xf32> to vector<16xf32>
        %swap3A_292 = vector.shape_cast %bitcast_convert_type3A_287 : vector<16xf32> to vector<1x16xf32>
        tpu.vector_store %arg14[%swap3A_288, %swap3A_289], %swap3A_292 {strides = array<i32>} : memref<64x128xf32, #tpu.memory_space<vmem>>, vector<1x16xf32>,
        %broadcast_in_dim3A_293 = arith.constant -65536 : i32
        %broadcast_in_dim3A_294 = vector.broadcast %broadcast_in_dim3A_293 : i32 to vector<16xi32>
        %and3A_295 = arith.andi %get3A_283, %broadcast_in_dim3A_294 : vector<16xi32>
        %bitcast_convert_type3A_296 = tpu.bitcast %and3A_295 : vector<16xi32> -> vector<16xf32>
        %swap3A_297 = arith.index_cast %scan3A_211 : i32 to index
        %swap3A_298 = arith.constant 112 : index
        %swap3A_299 = tpu.vector_load %arg14[%swap3A_297, %swap3A_298] {strides = array<i32>} : memref<64x128xf32, #tpu.memory_space<vmem>>, vector<1x16xf32>,
        %swap3A_300 = vector.shape_cast %swap3A_299 : vector<1x16xf32> to vector<16xf32>
        %swap3A_301 = vector.shape_cast %bitcast_convert_type3A_296 : vector<16xf32> to vector<1x16xf32>
        tpu.vector_store %arg14[%swap3A_297, %swap3A_298], %swap3A_301 {strides = array<i32>} : memref<64x128xf32, #tpu.memory_space<vmem>>, vector<1x16xf32>,
      }
      %scan3A_99 = arith.constant 64 : i32
      %dma_wait3A_100 = arith.constant 0 : i32
      %dma_wait3A_101 = tpu.memref_slice %arg4[%add3A, %add3A_82, %dma_wait3A_100] : memref<32x80x128xi32, #tpu.memory_space<hbm>> -> memref<1x1x64xi32, #tpu.memory_space<hbm>>
      %dma_wait3A_102 = tpu.memref_squeeze %dma_wait3A_101 : memref<1x1x64xi32, #tpu.memory_space<hbm>> -> memref<64xi32, #tpu.memory_space<hbm>>
      %dma_wait3A_103 = arith.constant 0 : i32
      %dma_wait3A_104 = tpu.memref_slice %arg4[%add3A, %add3A_82, %dma_wait3A_103] : memref<32x80x128xi32, #tpu.memory_space<hbm>> -> memref<1x1x64xi32, #tpu.memory_space<hbm>>
      %dma_wait3A_105 = tpu.memref_squeeze %dma_wait3A_104 : memref<1x1x64xi32, #tpu.memory_space<hbm>> -> memref<64xi32, #tpu.memory_space<hbm>>
      tpu.wait_dma2 semaphore(%arg19 : memref<!tpu.dma_semaphore, #tpu.memory_space<semaphore_mem>>) src(%dma_wait3A_105 : memref<64xi32, #tpu.memory_space<hbm>>) dst(%arg8 : memref<64xi32, #tpu.memory_space<vmem>>)
      %dma_start3A_106 = arith.constant 0 : i32
      %dma_start3A_107 = arith.constant 0 : i32
      %dma_start3A_108 = tpu.memref_slice %arg16[%dma_start3A_106, %dma_start3A_107] : memref<10112x128xf32, #tpu.memory_space<vmem_shared>> -> memref<10112x128xf32, #tpu.memory_space<vmem_shared>>
      tpu.enqueue_indirect_dma source(%arg14 : memref<64x128xf32, #tpu.memory_space<vmem>>) target(%dma_start3A_108 : memref<10112x128xf32, #tpu.memory_space<vmem_shared>>) offsets(%arg8 : memref<64xi32, #tpu.memory_space<vmem>>) semaphore(%arg25 : memref<!tpu.dma_semaphore, #tpu.memory_space<semaphore_mem>>) {add = true}
      %ge3A_109 = arith.constant 1 : i32
      %ge3A_110 = arith.cmpi sge, %add3A_82, %ge3A_109 : i32
      %convert_element_type3A_111 = arith.extui %ge3A_110 : i1 to i32
      %cond3A_112 = arith.constant 0 : i32
      %cond3A_113 = arith.cmpi ne, %convert_element_type3A_111, %cond3A_112 : i32
      scf.if %cond3A_113 {
        %dma_wait3A_211 = arith.constant 0 : i32
        %dma_wait3A_212 = arith.constant 0 : i32
        %dma_wait3A_213 = tpu.memref_slice %arg16[%dma_wait3A_211, %dma_wait3A_212] : memref<10112x128xf32, #tpu.memory_space<vmem_shared>> -> memref<10112x128xf32, #tpu.memory_space<vmem_shared>>
        tpu.wait_indirect_dma semaphore(%arg26 : memref<!tpu.dma_semaphore, #tpu.memory_space<semaphore_mem>>) src(%arg15 : memref<64x128xf32, #tpu.memory_space<vmem>>) dst(%dma_wait3A_213 : memref<10112x128xf32, #tpu.memory_space<vmem_shared>>)
      } else {
      }
      %scan3A_114 = arith.constant 0 : i32
      %scan3A_115 = arith.constant 0 : i32
      %scan3A_116 = arith.constant 64 : i32
      %scan3A_117 = arith.addi %scan3A_115, %scan3A_116 : i32
      %scan3A_118 = arith.constant 1 : i32
      scf.for %scan3A_211 = %scan3A_115 to %scan3A_117 step %scan3A_118  : i32 {
        %add3A_212 = arith.constant 64 : i32
        %add3A_213 = arith.addi %add3A_212, %scan3A_211 : i32
        %get3A = arith.index_cast %add3A_213 : i32 to index
        %get3A_214 = arith.constant 0 : index
        %get3A_215 = tpu.vector_load %arg12[%get3A, %get3A_214] {strides = array<i32>} : memref<128x64xi32, #tpu.memory_space<vmem>>, vector<1x16xi32>,
        %get3A_216 = vector.shape_cast %get3A_215 : vector<1x16xi32> to vector<16xi32>
        %shift_left3A = arith.constant 16 : i32
        %shift_left3A_217 = vector.broadcast %shift_left3A : i32 to vector<16xi32>
        %shift_left3A_218 = arith.shli %get3A_216, %shift_left3A_217 : vector<16xi32>
        %bitcast_convert_type3A = tpu.bitcast %shift_left3A_218 : vector<16xi32> -> vector<16xf32>
        %swap3A = arith.index_cast %scan3A_211 : i32 to index
        %swap3A_219 = arith.constant 0 : index
        %swap3A_220 = tpu.vector_load %arg15[%swap3A, %swap3A_219] {strides = array<i32>} : memref<64x128xf32, #tpu.memory_space<vmem>>, vector<1x16xf32>,
        %swap3A_221 = vector.shape_cast %swap3A_220 : vector<1x16xf32> to vector<16xf32>
        %swap3A_222 = vector.shape_cast %bitcast_convert_type3A : vector<16xf32> to vector<1x16xf32>
        tpu.vector_store %arg15[%swap3A, %swap3A_219], %swap3A_222 {strides = array<i32>} : memref<64x128xf32, #tpu.memory_space<vmem>>, vector<1x16xf32>,
        %broadcast_in_dim3A = arith.constant -65536 : i32
        %broadcast_in_dim3A_223 = vector.broadcast %broadcast_in_dim3A : i32 to vector<16xi32>
        %and3A = arith.andi %get3A_216, %broadcast_in_dim3A_223 : vector<16xi32>
        %bitcast_convert_type3A_224 = tpu.bitcast %and3A : vector<16xi32> -> vector<16xf32>
        %swap3A_225 = arith.index_cast %scan3A_211 : i32 to index
        %swap3A_226 = arith.constant 64 : index
        %swap3A_227 = tpu.vector_load %arg15[%swap3A_225, %swap3A_226] {strides = array<i32>} : memref<64x128xf32, #tpu.memory_space<vmem>>, vector<1x16xf32>,
        %swap3A_228 = vector.shape_cast %swap3A_227 : vector<1x16xf32> to vector<16xf32>
        %swap3A_229 = vector.shape_cast %bitcast_convert_type3A_224 : vector<16xf32> to vector<1x16xf32>
        tpu.vector_store %arg15[%swap3A_225, %swap3A_226], %swap3A_229 {strides = array<i32>} : memref<64x128xf32, #tpu.memory_space<vmem>>, vector<1x16xf32>,
        %add3A_230 = arith.constant 64 : i32
        %add3A_231 = arith.addi %add3A_230, %scan3A_211 : i32
        %get3A_232 = arith.index_cast %add3A_231 : i32 to index
        %get3A_233 = arith.constant 16 : index
        %get3A_234 = tpu.vector_load %arg12[%get3A_232, %get3A_233] {strides = array<i32>} : memref<128x64xi32, #tpu.memory_space<vmem>>, vector<1x16xi32>,
        %get3A_235 = vector.shape_cast %get3A_234 : vector<1x16xi32> to vector<16xi32>
        %shift_left3A_236 = arith.constant 16 : i32
        %shift_left3A_237 = vector.broadcast %shift_left3A_236 : i32 to vector<16xi32>
        %shift_left3A_238 = arith.shli %get3A_235, %shift_left3A_237 : vector<16xi32>
        %bitcast_convert_type3A_239 = tpu.bitcast %shift_left3A_238 : vector<16xi32> -> vector<16xf32>
        %swap3A_240 = arith.index_cast %scan3A_211 : i32 to index
        %swap3A_241 = arith.constant 16 : index
        %swap3A_242 = tpu.vector_load %arg15[%swap3A_240, %swap3A_241] {strides = array<i32>} : memref<64x128xf32, #tpu.memory_space<vmem>>, vector<1x16xf32>,
        %swap3A_243 = vector.shape_cast %swap3A_242 : vector<1x16xf32> to vector<16xf32>
        %swap3A_244 = vector.shape_cast %bitcast_convert_type3A_239 : vector<16xf32> to vector<1x16xf32>
        tpu.vector_store %arg15[%swap3A_240, %swap3A_241], %swap3A_244 {strides = array<i32>} : memref<64x128xf32, #tpu.memory_space<vmem>>, vector<1x16xf32>,
        %broadcast_in_dim3A_245 = arith.constant -65536 : i32
        %broadcast_in_dim3A_246 = vector.broadcast %broadcast_in_dim3A_245 : i32 to vector<16xi32>
        %and3A_247 = arith.andi %get3A_235, %broadcast_in_dim3A_246 : vector<16xi32>
        %bitcast_convert_type3A_248 = tpu.bitcast %and3A_247 : vector<16xi32> -> vector<16xf32>
        %swap3A_249 = arith.index_cast %scan3A_211 : i32 to index
        %swap3A_250 = arith.constant 80 : index
        %swap3A_251 = tpu.vector_load %arg15[%swap3A_249, %swap3A_250] {strides = array<i32>} : memref<64x128xf32, #tpu.memory_space<vmem>>, vector<1x16xf32>,
        %swap3A_252 = vector.shape_cast %swap3A_251 : vector<1x16xf32> to vector<16xf32>
        %swap3A_253 = vector.shape_cast %bitcast_convert_type3A_248 : vector<16xf32> to vector<1x16xf32>
        tpu.vector_store %arg15[%swap3A_249, %swap3A_250], %swap3A_253 {strides = array<i32>} : memref<64x128xf32, #tpu.memory_space<vmem>>, vector<1x16xf32>,
        %add3A_254 = arith.constant 64 : i32
        %add3A_255 = arith.addi %add3A_254, %scan3A_211 : i32
        %get3A_256 = arith.index_cast %add3A_255 : i32 to index
        %get3A_257 = arith.constant 32 : index
        %get3A_258 = tpu.vector_load %arg12[%get3A_256, %get3A_257] {strides = array<i32>} : memref<128x64xi32, #tpu.memory_space<vmem>>, vector<1x16xi32>,
        %get3A_259 = vector.shape_cast %get3A_258 : vector<1x16xi32> to vector<16xi32>
        %shift_left3A_260 = arith.constant 16 : i32
        %shift_left3A_261 = vector.broadcast %shift_left3A_260 : i32 to vector<16xi32>
        %shift_left3A_262 = arith.shli %get3A_259, %shift_left3A_261 : vector<16xi32>
        %bitcast_convert_type3A_263 = tpu.bitcast %shift_left3A_262 : vector<16xi32> -> vector<16xf32>
        %swap3A_264 = arith.index_cast %scan3A_211 : i32 to index
        %swap3A_265 = arith.constant 32 : index
        %swap3A_266 = tpu.vector_load %arg15[%swap3A_264, %swap3A_265] {strides = array<i32>} : memref<64x128xf32, #tpu.memory_space<vmem>>, vector<1x16xf32>,
        %swap3A_267 = vector.shape_cast %swap3A_266 : vector<1x16xf32> to vector<16xf32>
        %swap3A_268 = vector.shape_cast %bitcast_convert_type3A_263 : vector<16xf32> to vector<1x16xf32>
        tpu.vector_store %arg15[%swap3A_264, %swap3A_265], %swap3A_268 {strides = array<i32>} : memref<64x128xf32, #tpu.memory_space<vmem>>, vector<1x16xf32>,
        %broadcast_in_dim3A_269 = arith.constant -65536 : i32
        %broadcast_in_dim3A_270 = vector.broadcast %broadcast_in_dim3A_269 : i32 to vector<16xi32>
        %and3A_271 = arith.andi %get3A_259, %broadcast_in_dim3A_270 : vector<16xi32>
        %bitcast_convert_type3A_272 = tpu.bitcast %and3A_271 : vector<16xi32> -> vector<16xf32>
        %swap3A_273 = arith.index_cast %scan3A_211 : i32 to index
        %swap3A_274 = arith.constant 96 : index
        %swap3A_275 = tpu.vector_load %arg15[%swap3A_273, %swap3A_274] {strides = array<i32>} : memref<64x128xf32, #tpu.memory_space<vmem>>, vector<1x16xf32>,
        %swap3A_276 = vector.shape_cast %swap3A_275 : vector<1x16xf32> to vector<16xf32>
        %swap3A_277 = vector.shape_cast %bitcast_convert_type3A_272 : vector<16xf32> to vector<1x16xf32>
        tpu.vector_store %arg15[%swap3A_273, %swap3A_274], %swap3A_277 {strides = array<i32>} : memref<64x128xf32, #tpu.memory_space<vmem>>, vector<1x16xf32>,
        %add3A_278 = arith.constant 64 : i32
        %add3A_279 = arith.addi %add3A_278, %scan3A_211 : i32
        %get3A_280 = arith.index_cast %add3A_279 : i32 to index
        %get3A_281 = arith.constant 48 : index
        %get3A_282 = tpu.vector_load %arg12[%get3A_280, %get3A_281] {strides = array<i32>} : memref<128x64xi32, #tpu.memory_space<vmem>>, vector<1x16xi32>,
        %get3A_283 = vector.shape_cast %get3A_282 : vector<1x16xi32> to vector<16xi32>
        %shift_left3A_284 = arith.constant 16 : i32
        %shift_left3A_285 = vector.broadcast %shift_left3A_284 : i32 to vector<16xi32>
        %shift_left3A_286 = arith.shli %get3A_283, %shift_left3A_285 : vector<16xi32>
        %bitcast_convert_type3A_287 = tpu.bitcast %shift_left3A_286 : vector<16xi32> -> vector<16xf32>
        %swap3A_288 = arith.index_cast %scan3A_211 : i32 to index
        %swap3A_289 = arith.constant 48 : index
        %swap3A_290 = tpu.vector_load %arg15[%swap3A_288, %swap3A_289] {strides = array<i32>} : memref<64x128xf32, #tpu.memory_space<vmem>>, vector<1x16xf32>,
        %swap3A_291 = vector.shape_cast %swap3A_290 : vector<1x16xf32> to vector<16xf32>
        %swap3A_292 = vector.shape_cast %bitcast_convert_type3A_287 : vector<16xf32> to vector<1x16xf32>
        tpu.vector_store %arg15[%swap3A_288, %swap3A_289], %swap3A_292 {strides = array<i32>} : memref<64x128xf32, #tpu.memory_space<vmem>>, vector<1x16xf32>,
        %broadcast_in_dim3A_293 = arith.constant -65536 : i32
        %broadcast_in_dim3A_294 = vector.broadcast %broadcast_in_dim3A_293 : i32 to vector<16xi32>
        %and3A_295 = arith.andi %get3A_283, %broadcast_in_dim3A_294 : vector<16xi32>
        %bitcast_convert_type3A_296 = tpu.bitcast %and3A_295 : vector<16xi32> -> vector<16xf32>
        %swap3A_297 = arith.index_cast %scan3A_211 : i32 to index
        %swap3A_298 = arith.constant 112 : index
        %swap3A_299 = tpu.vector_load %arg15[%swap3A_297, %swap3A_298] {strides = array<i32>} : memref<64x128xf32, #tpu.memory_space<vmem>>, vector<1x16xf32>,
        %swap3A_300 = vector.shape_cast %swap3A_299 : vector<1x16xf32> to vector<16xf32>
        %swap3A_301 = vector.shape_cast %bitcast_convert_type3A_296 : vector<16xf32> to vector<1x16xf32>
        tpu.vector_store %arg15[%swap3A_297, %swap3A_298], %swap3A_301 {strides = array<i32>} : memref<64x128xf32, #tpu.memory_space<vmem>>, vector<1x16xf32>,
      }
      %scan3A_119 = arith.constant 64 : i32
      %dma_wait3A_120 = arith.constant 64 : i32
      %dma_wait3A_121 = tpu.memref_slice %arg4[%add3A, %add3A_82, %dma_wait3A_120] : memref<32x80x128xi32, #tpu.memory_space<hbm>> -> memref<1x1x64xi32, #tpu.memory_space<hbm>>
      %dma_wait3A_122 = tpu.memref_squeeze %dma_wait3A_121 : memref<1x1x64xi32, #tpu.memory_space<hbm>> -> memref<64xi32, #tpu.memory_space<hbm>>
      %dma_wait3A_123 = arith.constant 64 : i32
      %dma_wait3A_124 = tpu.memref_slice %arg4[%add3A, %add3A_82, %dma_wait3A_123] : memref<32x80x128xi32, #tpu.memory_space<hbm>> -> memref<1x1x64xi32, #tpu.memory_space<hbm>>
      %dma_wait3A_125 = tpu.memref_squeeze %dma_wait3A_124 : memref<1x1x64xi32, #tpu.memory_space<hbm>> -> memref<64xi32, #tpu.memory_space<hbm>>
      tpu.wait_dma2 semaphore(%arg20 : memref<!tpu.dma_semaphore, #tpu.memory_space<semaphore_mem>>) src(%dma_wait3A_125 : memref<64xi32, #tpu.memory_space<hbm>>) dst(%arg9 : memref<64xi32, #tpu.memory_space<vmem>>)
      %dma_start3A_126 = arith.constant 0 : i32
      %dma_start3A_127 = arith.constant 0 : i32
      %dma_start3A_128 = tpu.memref_slice %arg16[%dma_start3A_126, %dma_start3A_127] : memref<10112x128xf32, #tpu.memory_space<vmem_shared>> -> memref<10112x128xf32, #tpu.memory_space<vmem_shared>>
      tpu.enqueue_indirect_dma source(%arg15 : memref<64x128xf32, #tpu.memory_space<vmem>>) target(%dma_start3A_128 : memref<10112x128xf32, #tpu.memory_space<vmem_shared>>) offsets(%arg9 : memref<64xi32, #tpu.memory_space<vmem>>) semaphore(%arg26 : memref<!tpu.dma_semaphore, #tpu.memory_space<semaphore_mem>>) {add = true}
      %add3A_129 = arith.constant 1 : i32
      %add3A_130 = arith.addi %add3A_82, %add3A_129 : i32
      %lt3A_131 = arith.constant 80 : i32
      %lt3A_132 = arith.cmpi slt, %add3A_130, %lt3A_131 : i32
      %convert_element_type3A_133 = arith.extui %lt3A_132 : i1 to i32
      %cond3A_134 = arith.constant 0 : i32
      %cond3A_135 = arith.cmpi ne, %convert_element_type3A_133, %cond3A_134 : i32
      scf.if %cond3A_135 {
        %add3A_211 = arith.constant 1 : i32
        %add3A_212 = arith.addi %add3A_82, %add3A_211 : i32
        %dma_start3A_213 = arith.constant 0 : i32
        %dma_start3A_214 = tpu.memref_slice %arg4[%add3A, %add3A_212, %dma_start3A_213] : memref<32x80x128xi32, #tpu.memory_space<hbm>> -> memref<1x1x64xi32, #tpu.memory_space<hbm>>
        %dma_start3A_215 = tpu.memref_squeeze %dma_start3A_214 : memref<1x1x64xi32, #tpu.memory_space<hbm>> -> memref<64xi32, #tpu.memory_space<hbm>>
        %dma_start3A_216 = arith.constant 0 : i32
        %dma_start3A_217 = tpu.memref_slice %arg4[%add3A, %add3A_212, %dma_start3A_216] : memref<32x80x128xi32, #tpu.memory_space<hbm>> -> memref<1x1x64xi32, #tpu.memory_space<hbm>>
        %dma_start3A_218 = tpu.memref_squeeze %dma_start3A_217 : memref<1x1x64xi32, #tpu.memory_space<hbm>> -> memref<64xi32, #tpu.memory_space<hbm>>
        tpu.enqueue_dma source(%dma_start3A_218 : memref<64xi32, #tpu.memory_space<hbm>>) target(%arg10 : memref<64xi32, #tpu.memory_space<vmem>>) target_semaphore(%arg21 : memref<!tpu.dma_semaphore, #tpu.memory_space<semaphore_mem>>)
        %add3A_219 = arith.constant 1 : i32
        %add3A_220 = arith.addi %add3A_82, %add3A_219 : i32
        %dma_start3A_221 = arith.constant 64 : i32
        %dma_start3A_222 = tpu.memref_slice %arg4[%add3A, %add3A_220, %dma_start3A_221] : memref<32x80x128xi32, #tpu.memory_space<hbm>> -> memref<1x1x64xi32, #tpu.memory_space<hbm>>
        %dma_start3A_223 = tpu.memref_squeeze %dma_start3A_222 : memref<1x1x64xi32, #tpu.memory_space<hbm>> -> memref<64xi32, #tpu.memory_space<hbm>>
        %dma_start3A_224 = arith.constant 64 : i32
        %dma_start3A_225 = tpu.memref_slice %arg4[%add3A, %add3A_220, %dma_start3A_224] : memref<32x80x128xi32, #tpu.memory_space<hbm>> -> memref<1x1x64xi32, #tpu.memory_space<hbm>>
        %dma_start3A_226 = tpu.memref_squeeze %dma_start3A_225 : memref<1x1x64xi32, #tpu.memory_space<hbm>> -> memref<64xi32, #tpu.memory_space<hbm>>
        tpu.enqueue_dma source(%dma_start3A_226 : memref<64xi32, #tpu.memory_space<hbm>>) target(%arg11 : memref<64xi32, #tpu.memory_space<vmem>>) target_semaphore(%arg22 : memref<!tpu.dma_semaphore, #tpu.memory_space<semaphore_mem>>)
      } else {
      }
      %add3A_136 = arith.constant 2 : i32
      %add3A_137 = arith.addi %add3A_82, %add3A_136 : i32
      %lt3A_138 = arith.constant 80 : i32
      %lt3A_139 = arith.cmpi slt, %add3A_137, %lt3A_138 : i32
      %convert_element_type3A_140 = arith.extui %lt3A_139 : i1 to i32
      %cond3A_141 = arith.constant 0 : i32
      %cond3A_142 = arith.cmpi ne, %convert_element_type3A_140, %cond3A_141 : i32
      scf.if %cond3A_142 {
        %add3A_211 = arith.constant 2 : i32
        %add3A_212 = arith.addi %add3A_82, %add3A_211 : i32
        %dma_start3A_213 = arith.constant 0 : i32
        %dma_start3A_214 = tpu.memref_slice %arg3[%add3A, %add3A_212, %dma_start3A_213] : memref<32x80x128xi32, #tpu.memory_space<hbm>> -> memref<1x1x128xi32, #tpu.memory_space<hbm>>
        %dma_start3A_215 = tpu.memref_squeeze %dma_start3A_214 : memref<1x1x128xi32, #tpu.memory_space<hbm>> -> memref<128xi32, #tpu.memory_space<hbm>>
        %dma_start3A_216 = arith.constant 0 : i32
        %dma_start3A_217 = tpu.memref_slice %arg3[%add3A, %add3A_212, %dma_start3A_216] : memref<32x80x128xi32, #tpu.memory_space<hbm>> -> memref<1x1x128xi32, #tpu.memory_space<hbm>>
        %dma_start3A_218 = tpu.memref_squeeze %dma_start3A_217 : memref<1x1x128xi32, #tpu.memory_space<hbm>> -> memref<128xi32, #tpu.memory_space<hbm>>
        tpu.enqueue_dma source(%dma_start3A_218 : memref<128xi32, #tpu.memory_space<hbm>>) target(%arg6 : memref<128xi32, #tpu.memory_space<vmem>>) target_semaphore(%arg17 : memref<!tpu.dma_semaphore, #tpu.memory_space<semaphore_mem>>)
      } else {
      }
      %mul3A_143 = arith.constant 2 : i32
      %mul3A_144 = arith.muli %scan3A_78, %mul3A_143 : i32
      %add3A_145 = arith.constant 1 : i32
      %add3A_146 = arith.addi %mul3A_144, %add3A_145 : i32
      %dma_wait3A_147 = arith.constant 0 : i32
      %dma_wait3A_148 = arith.constant 0 : i32
      %dma_wait3A_149 = tpu.memref_slice %arg2[%dma_wait3A_147, %dma_wait3A_148] : memref<10112x64xi32, #tpu.memory_space<hbm>> -> memref<10112x64xi32, #tpu.memory_space<hbm>>
      tpu.wait_indirect_dma semaphore(%arg24 : memref<!tpu.dma_semaphore, #tpu.memory_space<semaphore_mem>>) src(%dma_wait3A_149 : memref<10112x64xi32, #tpu.memory_space<hbm>>) dst(%arg13 : memref<128x64xi32, #tpu.memory_space<vmem>>)
      %add3A_150 = arith.constant 1 : i32
      %add3A_151 = arith.addi %add3A_146, %add3A_150 : i32
      %lt3A_152 = arith.constant 80 : i32
      %lt3A_153 = arith.cmpi slt, %add3A_151, %lt3A_152 : i32
      %convert_element_type3A_154 = arith.extui %lt3A_153 : i1 to i32
      %cond3A_155 = arith.constant 0 : i32
      %cond3A_156 = arith.cmpi ne, %convert_element_type3A_154, %cond3A_155 : i32
      scf.if %cond3A_156 {
        %add3A_211 = arith.constant 1 : i32
        %add3A_212 = arith.addi %add3A_146, %add3A_211 : i32
        %dma_wait3A_213 = arith.constant 0 : i32
        %dma_wait3A_214 = tpu.memref_slice %arg3[%add3A, %add3A_212, %dma_wait3A_213] : memref<32x80x128xi32, #tpu.memory_space<hbm>> -> memref<1x1x128xi32, #tpu.memory_space<hbm>>
        %dma_wait3A_215 = tpu.memref_squeeze %dma_wait3A_214 : memref<1x1x128xi32, #tpu.memory_space<hbm>> -> memref<128xi32, #tpu.memory_space<hbm>>
        %dma_wait3A_216 = arith.constant 0 : i32
        %dma_wait3A_217 = tpu.memref_slice %arg3[%add3A, %add3A_212, %dma_wait3A_216] : memref<32x80x128xi32, #tpu.memory_space<hbm>> -> memref<1x1x128xi32, #tpu.memory_space<hbm>>
        %dma_wait3A_218 = tpu.memref_squeeze %dma_wait3A_217 : memref<1x1x128xi32, #tpu.memory_space<hbm>> -> memref<128xi32, #tpu.memory_space<hbm>>
        tpu.wait_dma2 semaphore(%arg17 : memref<!tpu.dma_semaphore, #tpu.memory_space<semaphore_mem>>) src(%dma_wait3A_218 : memref<128xi32, #tpu.memory_space<hbm>>) dst(%arg6 : memref<128xi32, #tpu.memory_space<vmem>>)
        %dma_start3A_219 = arith.constant 0 : i32
        %dma_start3A_220 = arith.constant 0 : i32
        %dma_start3A_221 = tpu.memref_slice %arg2[%dma_start3A_219, %dma_start3A_220] : memref<10112x64xi32, #tpu.memory_space<hbm>> -> memref<10112x64xi32, #tpu.memory_space<hbm>>
        tpu.enqueue_indirect_dma source(%dma_start3A_221 : memref<10112x64xi32, #tpu.memory_space<hbm>>) target(%arg12 : memref<128x64xi32, #tpu.memory_space<vmem>>) offsets(%arg6 : memref<128xi32, #tpu.memory_space<vmem>>) semaphore(%arg23 : memref<!tpu.dma_semaphore, #tpu.memory_space<semaphore_mem>>)
      } else {
      }
      %ge3A_157 = arith.constant 1 : i32
      %ge3A_158 = arith.cmpi sge, %add3A_146, %ge3A_157 : i32
      %convert_element_type3A_159 = arith.extui %ge3A_158 : i1 to i32
      %cond3A_160 = arith.constant 0 : i32
      %cond3A_161 = arith.cmpi ne, %convert_element_type3A_159, %cond3A_160 : i32
      scf.if %cond3A_161 {
        %dma_wait3A_211 = arith.constant 0 : i32
        %dma_wait3A_212 = arith.constant 0 : i32
        %dma_wait3A_213 = tpu.memref_slice %arg16[%dma_wait3A_211, %dma_wait3A_212] : memref<10112x128xf32, #tpu.memory_space<vmem_shared>> -> memref<10112x128xf32, #tpu.memory_space<vmem_shared>>
        tpu.wait_indirect_dma semaphore(%arg25 : memref<!tpu.dma_semaphore, #tpu.memory_space<semaphore_mem>>) src(%arg14 : memref<64x128xf32, #tpu.memory_space<vmem>>) dst(%dma_wait3A_213 : memref<10112x128xf32, #tpu.memory_space<vmem_shared>>)
      } else {
      }
      %scan3A_162 = arith.constant 0 : i32
      %scan3A_163 = arith.constant 0 : i32
      %scan3A_164 = arith.constant 64 : i32
      %scan3A_165 = arith.addi %scan3A_163, %scan3A_164 : i32
      %scan3A_166 = arith.constant 1 : i32
      scf.for %scan3A_211 = %scan3A_163 to %scan3A_165 step %scan3A_166  : i32 {
        %add3A_212 = arith.constant 0 : i32
        %add3A_213 = arith.addi %add3A_212, %scan3A_211 : i32
        %get3A = arith.index_cast %add3A_213 : i32 to index
        %get3A_214 = arith.constant 0 : index
        %get3A_215 = tpu.vector_load %arg13[%get3A, %get3A_214] {strides = array<i32>} : memref<128x64xi32, #tpu.memory_space<vmem>>, vector<1x16xi32>,
        %get3A_216 = vector.shape_cast %get3A_215 : vector<1x16xi32> to vector<16xi32>
        %shift_left3A = arith.constant 16 : i32
        %shift_left3A_217 = vector.broadcast %shift_left3A : i32 to vector<16xi32>
        %shift_left3A_218 = arith.shli %get3A_216, %shift_left3A_217 : vector<16xi32>
        %bitcast_convert_type3A = tpu.bitcast %shift_left3A_218 : vector<16xi32> -> vector<16xf32>
        %swap3A = arith.index_cast %scan3A_211 : i32 to index
        %swap3A_219 = arith.constant 0 : index
        %swap3A_220 = tpu.vector_load %arg14[%swap3A, %swap3A_219] {strides = array<i32>} : memref<64x128xf32, #tpu.memory_space<vmem>>, vector<1x16xf32>,
        %swap3A_221 = vector.shape_cast %swap3A_220 : vector<1x16xf32> to vector<16xf32>
        %swap3A_222 = vector.shape_cast %bitcast_convert_type3A : vector<16xf32> to vector<1x16xf32>
        tpu.vector_store %arg14[%swap3A, %swap3A_219], %swap3A_222 {strides = array<i32>} : memref<64x128xf32, #tpu.memory_space<vmem>>, vector<1x16xf32>,
        %broadcast_in_dim3A = arith.constant -65536 : i32
        %broadcast_in_dim3A_223 = vector.broadcast %broadcast_in_dim3A : i32 to vector<16xi32>
        %and3A = arith.andi %get3A_216, %broadcast_in_dim3A_223 : vector<16xi32>
        %bitcast_convert_type3A_224 = tpu.bitcast %and3A : vector<16xi32> -> vector<16xf32>
        %swap3A_225 = arith.index_cast %scan3A_211 : i32 to index
        %swap3A_226 = arith.constant 64 : index
        %swap3A_227 = tpu.vector_load %arg14[%swap3A_225, %swap3A_226] {strides = array<i32>} : memref<64x128xf32, #tpu.memory_space<vmem>>, vector<1x16xf32>,
        %swap3A_228 = vector.shape_cast %swap3A_227 : vector<1x16xf32> to vector<16xf32>
        %swap3A_229 = vector.shape_cast %bitcast_convert_type3A_224 : vector<16xf32> to vector<1x16xf32>
        tpu.vector_store %arg14[%swap3A_225, %swap3A_226], %swap3A_229 {strides = array<i32>} : memref<64x128xf32, #tpu.memory_space<vmem>>, vector<1x16xf32>,
        %add3A_230 = arith.constant 0 : i32
        %add3A_231 = arith.addi %add3A_230, %scan3A_211 : i32
        %get3A_232 = arith.index_cast %add3A_231 : i32 to index
        %get3A_233 = arith.constant 16 : index
        %get3A_234 = tpu.vector_load %arg13[%get3A_232, %get3A_233] {strides = array<i32>} : memref<128x64xi32, #tpu.memory_space<vmem>>, vector<1x16xi32>,
        %get3A_235 = vector.shape_cast %get3A_234 : vector<1x16xi32> to vector<16xi32>
        %shift_left3A_236 = arith.constant 16 : i32
        %shift_left3A_237 = vector.broadcast %shift_left3A_236 : i32 to vector<16xi32>
        %shift_left3A_238 = arith.shli %get3A_235, %shift_left3A_237 : vector<16xi32>
        %bitcast_convert_type3A_239 = tpu.bitcast %shift_left3A_238 : vector<16xi32> -> vector<16xf32>
        %swap3A_240 = arith.index_cast %scan3A_211 : i32 to index
        %swap3A_241 = arith.constant 16 : index
        %swap3A_242 = tpu.vector_load %arg14[%swap3A_240, %swap3A_241] {strides = array<i32>} : memref<64x128xf32, #tpu.memory_space<vmem>>, vector<1x16xf32>,
        %swap3A_243 = vector.shape_cast %swap3A_242 : vector<1x16xf32> to vector<16xf32>
        %swap3A_244 = vector.shape_cast %bitcast_convert_type3A_239 : vector<16xf32> to vector<1x16xf32>
        tpu.vector_store %arg14[%swap3A_240, %swap3A_241], %swap3A_244 {strides = array<i32>} : memref<64x128xf32, #tpu.memory_space<vmem>>, vector<1x16xf32>,
        %broadcast_in_dim3A_245 = arith.constant -65536 : i32
        %broadcast_in_dim3A_246 = vector.broadcast %broadcast_in_dim3A_245 : i32 to vector<16xi32>
        %and3A_247 = arith.andi %get3A_235, %broadcast_in_dim3A_246 : vector<16xi32>
        %bitcast_convert_type3A_248 = tpu.bitcast %and3A_247 : vector<16xi32> -> vector<16xf32>
        %swap3A_249 = arith.index_cast %scan3A_211 : i32 to index
        %swap3A_250 = arith.constant 80 : index
        %swap3A_251 = tpu.vector_load %arg14[%swap3A_249, %swap3A_250] {strides = array<i32>} : memref<64x128xf32, #tpu.memory_space<vmem>>, vector<1x16xf32>,
        %swap3A_252 = vector.shape_cast %swap3A_251 : vector<1x16xf32> to vector<16xf32>
        %swap3A_253 = vector.shape_cast %bitcast_convert_type3A_248 : vector<16xf32> to vector<1x16xf32>
        tpu.vector_store %arg14[%swap3A_249, %swap3A_250], %swap3A_253 {strides = array<i32>} : memref<64x128xf32, #tpu.memory_space<vmem>>, vector<1x16xf32>,
        %add3A_254 = arith.constant 0 : i32
        %add3A_255 = arith.addi %add3A_254, %scan3A_211 : i32
        %get3A_256 = arith.index_cast %add3A_255 : i32 to index
        %get3A_257 = arith.constant 32 : index
        %get3A_258 = tpu.vector_load %arg13[%get3A_256, %get3A_257] {strides = array<i32>} : memref<128x64xi32, #tpu.memory_space<vmem>>, vector<1x16xi32>,
        %get3A_259 = vector.shape_cast %get3A_258 : vector<1x16xi32> to vector<16xi32>
        %shift_left3A_260 = arith.constant 16 : i32
        %shift_left3A_261 = vector.broadcast %shift_left3A_260 : i32 to vector<16xi32>
        %shift_left3A_262 = arith.shli %get3A_259, %shift_left3A_261 : vector<16xi32>
        %bitcast_convert_type3A_263 = tpu.bitcast %shift_left3A_262 : vector<16xi32> -> vector<16xf32>
        %swap3A_264 = arith.index_cast %scan3A_211 : i32 to index
        %swap3A_265 = arith.constant 32 : index
        %swap3A_266 = tpu.vector_load %arg14[%swap3A_264, %swap3A_265] {strides = array<i32>} : memref<64x128xf32, #tpu.memory_space<vmem>>, vector<1x16xf32>,
        %swap3A_267 = vector.shape_cast %swap3A_266 : vector<1x16xf32> to vector<16xf32>
        %swap3A_268 = vector.shape_cast %bitcast_convert_type3A_263 : vector<16xf32> to vector<1x16xf32>
        tpu.vector_store %arg14[%swap3A_264, %swap3A_265], %swap3A_268 {strides = array<i32>} : memref<64x128xf32, #tpu.memory_space<vmem>>, vector<1x16xf32>,
        %broadcast_in_dim3A_269 = arith.constant -65536 : i32
        %broadcast_in_dim3A_270 = vector.broadcast %broadcast_in_dim3A_269 : i32 to vector<16xi32>
        %and3A_271 = arith.andi %get3A_259, %broadcast_in_dim3A_270 : vector<16xi32>
        %bitcast_convert_type3A_272 = tpu.bitcast %and3A_271 : vector<16xi32> -> vector<16xf32>
        %swap3A_273 = arith.index_cast %scan3A_211 : i32 to index
        %swap3A_274 = arith.constant 96 : index
        %swap3A_275 = tpu.vector_load %arg14[%swap3A_273, %swap3A_274] {strides = array<i32>} : memref<64x128xf32, #tpu.memory_space<vmem>>, vector<1x16xf32>,
        %swap3A_276 = vector.shape_cast %swap3A_275 : vector<1x16xf32> to vector<16xf32>
        %swap3A_277 = vector.shape_cast %bitcast_convert_type3A_272 : vector<16xf32> to vector<1x16xf32>
        tpu.vector_store %arg14[%swap3A_273, %swap3A_274], %swap3A_277 {strides = array<i32>} : memref<64x128xf32, #tpu.memory_space<vmem>>, vector<1x16xf32>,
        %add3A_278 = arith.constant 0 : i32
        %add3A_279 = arith.addi %add3A_278, %scan3A_211 : i32
        %get3A_280 = arith.index_cast %add3A_279 : i32 to index
        %get3A_281 = arith.constant 48 : index
        %get3A_282 = tpu.vector_load %arg13[%get3A_280, %get3A_281] {strides = array<i32>} : memref<128x64xi32, #tpu.memory_space<vmem>>, vector<1x16xi32>,
        %get3A_283 = vector.shape_cast %get3A_282 : vector<1x16xi32> to vector<16xi32>
        %shift_left3A_284 = arith.constant 16 : i32
        %shift_left3A_285 = vector.broadcast %shift_left3A_284 : i32 to vector<16xi32>
        %shift_left3A_286 = arith.shli %get3A_283, %shift_left3A_285 : vector<16xi32>
        %bitcast_convert_type3A_287 = tpu.bitcast %shift_left3A_286 : vector<16xi32> -> vector<16xf32>
        %swap3A_288 = arith.index_cast %scan3A_211 : i32 to index
        %swap3A_289 = arith.constant 48 : index
        %swap3A_290 = tpu.vector_load %arg14[%swap3A_288, %swap3A_289] {strides = array<i32>} : memref<64x128xf32, #tpu.memory_space<vmem>>, vector<1x16xf32>,
        %swap3A_291 = vector.shape_cast %swap3A_290 : vector<1x16xf32> to vector<16xf32>
        %swap3A_292 = vector.shape_cast %bitcast_convert_type3A_287 : vector<16xf32> to vector<1x16xf32>
        tpu.vector_store %arg14[%swap3A_288, %swap3A_289], %swap3A_292 {strides = array<i32>} : memref<64x128xf32, #tpu.memory_space<vmem>>, vector<1x16xf32>,
        %broadcast_in_dim3A_293 = arith.constant -65536 : i32
        %broadcast_in_dim3A_294 = vector.broadcast %broadcast_in_dim3A_293 : i32 to vector<16xi32>
        %and3A_295 = arith.andi %get3A_283, %broadcast_in_dim3A_294 : vector<16xi32>
        %bitcast_convert_type3A_296 = tpu.bitcast %and3A_295 : vector<16xi32> -> vector<16xf32>
        %swap3A_297 = arith.index_cast %scan3A_211 : i32 to index
        %swap3A_298 = arith.constant 112 : index
        %swap3A_299 = tpu.vector_load %arg14[%swap3A_297, %swap3A_298] {strides = array<i32>} : memref<64x128xf32, #tpu.memory_space<vmem>>, vector<1x16xf32>,
        %swap3A_300 = vector.shape_cast %swap3A_299 : vector<1x16xf32> to vector<16xf32>
        %swap3A_301 = vector.shape_cast %bitcast_convert_type3A_296 : vector<16xf32> to vector<1x16xf32>
        tpu.vector_store %arg14[%swap3A_297, %swap3A_298], %swap3A_301 {strides = array<i32>} : memref<64x128xf32, #tpu.memory_space<vmem>>, vector<1x16xf32>,
      }
      %scan3A_167 = arith.constant 64 : i32
      %dma_wait3A_168 = arith.constant 0 : i32
      %dma_wait3A_169 = tpu.memref_slice %arg4[%add3A, %add3A_146, %dma_wait3A_168] : memref<32x80x128xi32, #tpu.memory_space<hbm>> -> memref<1x1x64xi32, #tpu.memory_space<hbm>>
      %dma_wait3A_170 = tpu.memref_squeeze %dma_wait3A_169 : memref<1x1x64xi32, #tpu.memory_space<hbm>> -> memref<64xi32, #tpu.memory_space<hbm>>
      %dma_wait3A_171 = arith.constant 0 : i32
      %dma_wait3A_172 = tpu.memref_slice %arg4[%add3A, %add3A_146, %dma_wait3A_171] : memref<32x80x128xi32, #tpu.memory_space<hbm>> -> memref<1x1x64xi32, #tpu.memory_space<hbm>>
      %dma_wait3A_173 = tpu.memref_squeeze %dma_wait3A_172 : memref<1x1x64xi32, #tpu.memory_space<hbm>> -> memref<64xi32, #tpu.memory_space<hbm>>
      tpu.wait_dma2 semaphore(%arg21 : memref<!tpu.dma_semaphore, #tpu.memory_space<semaphore_mem>>) src(%dma_wait3A_173 : memref<64xi32, #tpu.memory_space<hbm>>) dst(%arg10 : memref<64xi32, #tpu.memory_space<vmem>>)
      %dma_start3A_174 = arith.constant 0 : i32
      %dma_start3A_175 = arith.constant 0 : i32
      %dma_start3A_176 = tpu.memref_slice %arg16[%dma_start3A_174, %dma_start3A_175] : memref<10112x128xf32, #tpu.memory_space<vmem_shared>> -> memref<10112x128xf32, #tpu.memory_space<vmem_shared>>
      tpu.enqueue_indirect_dma source(%arg14 : memref<64x128xf32, #tpu.memory_space<vmem>>) target(%dma_start3A_176 : memref<10112x128xf32, #tpu.memory_space<vmem_shared>>) offsets(%arg10 : memref<64xi32, #tpu.memory_space<vmem>>) semaphore(%arg25 : memref<!tpu.dma_semaphore, #tpu.memory_space<semaphore_mem>>) {add = true}
      %ge3A_177 = arith.constant 1 : i32
      %ge3A_178 = arith.cmpi sge, %add3A_146, %ge3A_177 : i32
      %convert_element_type3A_179 = arith.extui %ge3A_178 : i1 to i32
      %cond3A_180 = arith.constant 0 : i32
      %cond3A_181 = arith.cmpi ne, %convert_element_type3A_179, %cond3A_180 : i32
      scf.if %cond3A_181 {
        %dma_wait3A_211 = arith.constant 0 : i32
        %dma_wait3A_212 = arith.constant 0 : i32
        %dma_wait3A_213 = tpu.memref_slice %arg16[%dma_wait3A_211, %dma_wait3A_212] : memref<10112x128xf32, #tpu.memory_space<vmem_shared>> -> memref<10112x128xf32, #tpu.memory_space<vmem_shared>>
        tpu.wait_indirect_dma semaphore(%arg26 : memref<!tpu.dma_semaphore, #tpu.memory_space<semaphore_mem>>) src(%arg15 : memref<64x128xf32, #tpu.memory_space<vmem>>) dst(%dma_wait3A_213 : memref<10112x128xf32, #tpu.memory_space<vmem_shared>>)
      } else {
      }
      %scan3A_182 = arith.constant 0 : i32
      %scan3A_183 = arith.constant 0 : i32
      %scan3A_184 = arith.constant 64 : i32
      %scan3A_185 = arith.addi %scan3A_183, %scan3A_184 : i32
      %scan3A_186 = arith.constant 1 : i32
      scf.for %scan3A_211 = %scan3A_183 to %scan3A_185 step %scan3A_186  : i32 {
        %add3A_212 = arith.constant 64 : i32
        %add3A_213 = arith.addi %add3A_212, %scan3A_211 : i32
        %get3A = arith.index_cast %add3A_213 : i32 to index
        %get3A_214 = arith.constant 0 : index
        %get3A_215 = tpu.vector_load %arg13[%get3A, %get3A_214] {strides = array<i32>} : memref<128x64xi32, #tpu.memory_space<vmem>>, vector<1x16xi32>,
        %get3A_216 = vector.shape_cast %get3A_215 : vector<1x16xi32> to vector<16xi32>
        %shift_left3A = arith.constant 16 : i32
        %shift_left3A_217 = vector.broadcast %shift_left3A : i32 to vector<16xi32>
        %shift_left3A_218 = arith.shli %get3A_216, %shift_left3A_217 : vector<16xi32>
        %bitcast_convert_type3A = tpu.bitcast %shift_left3A_218 : vector<16xi32> -> vector<16xf32>
        %swap3A = arith.index_cast %scan3A_211 : i32 to index
        %swap3A_219 = arith.constant 0 : index
        %swap3A_220 = tpu.vector_load %arg15[%swap3A, %swap3A_219] {strides = array<i32>} : memref<64x128xf32, #tpu.memory_space<vmem>>, vector<1x16xf32>,
        %swap3A_221 = vector.shape_cast %swap3A_220 : vector<1x16xf32> to vector<16xf32>
        %swap3A_222 = vector.shape_cast %bitcast_convert_type3A : vector<16xf32> to vector<1x16xf32>
        tpu.vector_store %arg15[%swap3A, %swap3A_219], %swap3A_222 {strides = array<i32>} : memref<64x128xf32, #tpu.memory_space<vmem>>, vector<1x16xf32>,
        %broadcast_in_dim3A = arith.constant -65536 : i32
        %broadcast_in_dim3A_223 = vector.broadcast %broadcast_in_dim3A : i32 to vector<16xi32>
        %and3A = arith.andi %get3A_216, %broadcast_in_dim3A_223 : vector<16xi32>
        %bitcast_convert_type3A_224 = tpu.bitcast %and3A : vector<16xi32> -> vector<16xf32>
        %swap3A_225 = arith.index_cast %scan3A_211 : i32 to index
        %swap3A_226 = arith.constant 64 : index
        %swap3A_227 = tpu.vector_load %arg15[%swap3A_225, %swap3A_226] {strides = array<i32>} : memref<64x128xf32, #tpu.memory_space<vmem>>, vector<1x16xf32>,
        %swap3A_228 = vector.shape_cast %swap3A_227 : vector<1x16xf32> to vector<16xf32>
        %swap3A_229 = vector.shape_cast %bitcast_convert_type3A_224 : vector<16xf32> to vector<1x16xf32>
        tpu.vector_store %arg15[%swap3A_225, %swap3A_226], %swap3A_229 {strides = array<i32>} : memref<64x128xf32, #tpu.memory_space<vmem>>, vector<1x16xf32>,
        %add3A_230 = arith.constant 64 : i32
        %add3A_231 = arith.addi %add3A_230, %scan3A_211 : i32
        %get3A_232 = arith.index_cast %add3A_231 : i32 to index
        %get3A_233 = arith.constant 16 : index
        %get3A_234 = tpu.vector_load %arg13[%get3A_232, %get3A_233] {strides = array<i32>} : memref<128x64xi32, #tpu.memory_space<vmem>>, vector<1x16xi32>,
        %get3A_235 = vector.shape_cast %get3A_234 : vector<1x16xi32> to vector<16xi32>
        %shift_left3A_236 = arith.constant 16 : i32
        %shift_left3A_237 = vector.broadcast %shift_left3A_236 : i32 to vector<16xi32>
        %shift_left3A_238 = arith.shli %get3A_235, %shift_left3A_237 : vector<16xi32>
        %bitcast_convert_type3A_239 = tpu.bitcast %shift_left3A_238 : vector<16xi32> -> vector<16xf32>
        %swap3A_240 = arith.index_cast %scan3A_211 : i32 to index
        %swap3A_241 = arith.constant 16 : index
        %swap3A_242 = tpu.vector_load %arg15[%swap3A_240, %swap3A_241] {strides = array<i32>} : memref<64x128xf32, #tpu.memory_space<vmem>>, vector<1x16xf32>,
        %swap3A_243 = vector.shape_cast %swap3A_242 : vector<1x16xf32> to vector<16xf32>
        %swap3A_244 = vector.shape_cast %bitcast_convert_type3A_239 : vector<16xf32> to vector<1x16xf32>
        tpu.vector_store %arg15[%swap3A_240, %swap3A_241], %swap3A_244 {strides = array<i32>} : memref<64x128xf32, #tpu.memory_space<vmem>>, vector<1x16xf32>,
        %broadcast_in_dim3A_245 = arith.constant -65536 : i32
        %broadcast_in_dim3A_246 = vector.broadcast %broadcast_in_dim3A_245 : i32 to vector<16xi32>
        %and3A_247 = arith.andi %get3A_235, %broadcast_in_dim3A_246 : vector<16xi32>
        %bitcast_convert_type3A_248 = tpu.bitcast %and3A_247 : vector<16xi32> -> vector<16xf32>
        %swap3A_249 = arith.index_cast %scan3A_211 : i32 to index
        %swap3A_250 = arith.constant 80 : index
        %swap3A_251 = tpu.vector_load %arg15[%swap3A_249, %swap3A_250] {strides = array<i32>} : memref<64x128xf32, #tpu.memory_space<vmem>>, vector<1x16xf32>,
        %swap3A_252 = vector.shape_cast %swap3A_251 : vector<1x16xf32> to vector<16xf32>
        %swap3A_253 = vector.shape_cast %bitcast_convert_type3A_248 : vector<16xf32> to vector<1x16xf32>
        tpu.vector_store %arg15[%swap3A_249, %swap3A_250], %swap3A_253 {strides = array<i32>} : memref<64x128xf32, #tpu.memory_space<vmem>>, vector<1x16xf32>,
        %add3A_254 = arith.constant 64 : i32
        %add3A_255 = arith.addi %add3A_254, %scan3A_211 : i32
        %get3A_256 = arith.index_cast %add3A_255 : i32 to index
        %get3A_257 = arith.constant 32 : index
        %get3A_258 = tpu.vector_load %arg13[%get3A_256, %get3A_257] {strides = array<i32>} : memref<128x64xi32, #tpu.memory_space<vmem>>, vector<1x16xi32>,
        %get3A_259 = vector.shape_cast %get3A_258 : vector<1x16xi32> to vector<16xi32>
        %shift_left3A_260 = arith.constant 16 : i32
        %shift_left3A_261 = vector.broadcast %shift_left3A_260 : i32 to vector<16xi32>
        %shift_left3A_262 = arith.shli %get3A_259, %shift_left3A_261 : vector<16xi32>
        %bitcast_convert_type3A_263 = tpu.bitcast %shift_left3A_262 : vector<16xi32> -> vector<16xf32>
        %swap3A_264 = arith.index_cast %scan3A_211 : i32 to index
        %swap3A_265 = arith.constant 32 : index
        %swap3A_266 = tpu.vector_load %arg15[%swap3A_264, %swap3A_265] {strides = array<i32>} : memref<64x128xf32, #tpu.memory_space<vmem>>, vector<1x16xf32>,
        %swap3A_267 = vector.shape_cast %swap3A_266 : vector<1x16xf32> to vector<16xf32>
        %swap3A_268 = vector.shape_cast %bitcast_convert_type3A_263 : vector<16xf32> to vector<1x16xf32>
        tpu.vector_store %arg15[%swap3A_264, %swap3A_265], %swap3A_268 {strides = array<i32>} : memref<64x128xf32, #tpu.memory_space<vmem>>, vector<1x16xf32>,
        %broadcast_in_dim3A_269 = arith.constant -65536 : i32
        %broadcast_in_dim3A_270 = vector.broadcast %broadcast_in_dim3A_269 : i32 to vector<16xi32>
        %and3A_271 = arith.andi %get3A_259, %broadcast_in_dim3A_270 : vector<16xi32>
        %bitcast_convert_type3A_272 = tpu.bitcast %and3A_271 : vector<16xi32> -> vector<16xf32>
        %swap3A_273 = arith.index_cast %scan3A_211 : i32 to index
        %swap3A_274 = arith.constant 96 : index
        %swap3A_275 = tpu.vector_load %arg15[%swap3A_273, %swap3A_274] {strides = array<i32>} : memref<64x128xf32, #tpu.memory_space<vmem>>, vector<1x16xf32>,
        %swap3A_276 = vector.shape_cast %swap3A_275 : vector<1x16xf32> to vector<16xf32>
        %swap3A_277 = vector.shape_cast %bitcast_convert_type3A_272 : vector<16xf32> to vector<1x16xf32>
        tpu.vector_store %arg15[%swap3A_273, %swap3A_274], %swap3A_277 {strides = array<i32>} : memref<64x128xf32, #tpu.memory_space<vmem>>, vector<1x16xf32>,
        %add3A_278 = arith.constant 64 : i32
        %add3A_279 = arith.addi %add3A_278, %scan3A_211 : i32
        %get3A_280 = arith.index_cast %add3A_279 : i32 to index
        %get3A_281 = arith.constant 48 : index
        %get3A_282 = tpu.vector_load %arg13[%get3A_280, %get3A_281] {strides = array<i32>} : memref<128x64xi32, #tpu.memory_space<vmem>>, vector<1x16xi32>,
        %get3A_283 = vector.shape_cast %get3A_282 : vector<1x16xi32> to vector<16xi32>
        %shift_left3A_284 = arith.constant 16 : i32
        %shift_left3A_285 = vector.broadcast %shift_left3A_284 : i32 to vector<16xi32>
        %shift_left3A_286 = arith.shli %get3A_283, %shift_left3A_285 : vector<16xi32>
        %bitcast_convert_type3A_287 = tpu.bitcast %shift_left3A_286 : vector<16xi32> -> vector<16xf32>
        %swap3A_288 = arith.index_cast %scan3A_211 : i32 to index
        %swap3A_289 = arith.constant 48 : index
        %swap3A_290 = tpu.vector_load %arg15[%swap3A_288, %swap3A_289] {strides = array<i32>} : memref<64x128xf32, #tpu.memory_space<vmem>>, vector<1x16xf32>,
        %swap3A_291 = vector.shape_cast %swap3A_290 : vector<1x16xf32> to vector<16xf32>
        %swap3A_292 = vector.shape_cast %bitcast_convert_type3A_287 : vector<16xf32> to vector<1x16xf32>
        tpu.vector_store %arg15[%swap3A_288, %swap3A_289], %swap3A_292 {strides = array<i32>} : memref<64x128xf32, #tpu.memory_space<vmem>>, vector<1x16xf32>,
        %broadcast_in_dim3A_293 = arith.constant -65536 : i32
        %broadcast_in_dim3A_294 = vector.broadcast %broadcast_in_dim3A_293 : i32 to vector<16xi32>
        %and3A_295 = arith.andi %get3A_283, %broadcast_in_dim3A_294 : vector<16xi32>
        %bitcast_convert_type3A_296 = tpu.bitcast %and3A_295 : vector<16xi32> -> vector<16xf32>
        %swap3A_297 = arith.index_cast %scan3A_211 : i32 to index
        %swap3A_298 = arith.constant 112 : index
        %swap3A_299 = tpu.vector_load %arg15[%swap3A_297, %swap3A_298] {strides = array<i32>} : memref<64x128xf32, #tpu.memory_space<vmem>>, vector<1x16xf32>,
        %swap3A_300 = vector.shape_cast %swap3A_299 : vector<1x16xf32> to vector<16xf32>
        %swap3A_301 = vector.shape_cast %bitcast_convert_type3A_296 : vector<16xf32> to vector<1x16xf32>
        tpu.vector_store %arg15[%swap3A_297, %swap3A_298], %swap3A_301 {strides = array<i32>} : memref<64x128xf32, #tpu.memory_space<vmem>>, vector<1x16xf32>,
      }
      %scan3A_187 = arith.constant 64 : i32
      %dma_wait3A_188 = arith.constant 64 : i32
      %dma_wait3A_189 = tpu.memref_slice %arg4[%add3A, %add3A_146, %dma_wait3A_188] : memref<32x80x128xi32, #tpu.memory_space<hbm>> -> memref<1x1x64xi32, #tpu.memory_space<hbm>>
      %dma_wait3A_190 = tpu.memref_squeeze %dma_wait3A_189 : memref<1x1x64xi32, #tpu.memory_space<hbm>> -> memref<64xi32, #tpu.memory_space<hbm>>
      %dma_wait3A_191 = arith.constant 64 : i32
      %dma_wait3A_192 = tpu.memref_slice %arg4[%add3A, %add3A_146, %dma_wait3A_191] : memref<32x80x128xi32, #tpu.memory_space<hbm>> -> memref<1x1x64xi32, #tpu.memory_space<hbm>>
      %dma_wait3A_193 = tpu.memref_squeeze %dma_wait3A_192 : memref<1x1x64xi32, #tpu.memory_space<hbm>> -> memref<64xi32, #tpu.memory_space<hbm>>
      tpu.wait_dma2 semaphore(%arg22 : memref<!tpu.dma_semaphore, #tpu.memory_space<semaphore_mem>>) src(%dma_wait3A_193 : memref<64xi32, #tpu.memory_space<hbm>>) dst(%arg11 : memref<64xi32, #tpu.memory_space<vmem>>)
      %dma_start3A_194 = arith.constant 0 : i32
      %dma_start3A_195 = arith.constant 0 : i32
      %dma_start3A_196 = tpu.memref_slice %arg16[%dma_start3A_194, %dma_start3A_195] : memref<10112x128xf32, #tpu.memory_space<vmem_shared>> -> memref<10112x128xf32, #tpu.memory_space<vmem_shared>>
      tpu.enqueue_indirect_dma source(%arg15 : memref<64x128xf32, #tpu.memory_space<vmem>>) target(%dma_start3A_196 : memref<10112x128xf32, #tpu.memory_space<vmem_shared>>) offsets(%arg11 : memref<64xi32, #tpu.memory_space<vmem>>) semaphore(%arg26 : memref<!tpu.dma_semaphore, #tpu.memory_space<semaphore_mem>>) {add = true}
      %add3A_197 = arith.constant 1 : i32
      %add3A_198 = arith.addi %add3A_146, %add3A_197 : i32
      %lt3A_199 = arith.constant 80 : i32
      %lt3A_200 = arith.cmpi slt, %add3A_198, %lt3A_199 : i32
      %convert_element_type3A_201 = arith.extui %lt3A_200 : i1 to i32
      %cond3A_202 = arith.constant 0 : i32
      %cond3A_203 = arith.cmpi ne, %convert_element_type3A_201, %cond3A_202 : i32
      scf.if %cond3A_203 {
        %add3A_211 = arith.constant 1 : i32
        %add3A_212 = arith.addi %add3A_146, %add3A_211 : i32
        %dma_start3A_213 = arith.constant 0 : i32
        %dma_start3A_214 = tpu.memref_slice %arg4[%add3A, %add3A_212, %dma_start3A_213] : memref<32x80x128xi32, #tpu.memory_space<hbm>> -> memref<1x1x64xi32, #tpu.memory_space<hbm>>
        %dma_start3A_215 = tpu.memref_squeeze %dma_start3A_214 : memref<1x1x64xi32, #tpu.memory_space<hbm>> -> memref<64xi32, #tpu.memory_space<hbm>>
        %dma_start3A_216 = arith.constant 0 : i32
        %dma_start3A_217 = tpu.memref_slice %arg4[%add3A, %add3A_212, %dma_start3A_216] : memref<32x80x128xi32, #tpu.memory_space<hbm>> -> memref<1x1x64xi32, #tpu.memory_space<hbm>>
        %dma_start3A_218 = tpu.memref_squeeze %dma_start3A_217 : memref<1x1x64xi32, #tpu.memory_space<hbm>> -> memref<64xi32, #tpu.memory_space<hbm>>
        tpu.enqueue_dma source(%dma_start3A_218 : memref<64xi32, #tpu.memory_space<hbm>>) target(%arg8 : memref<64xi32, #tpu.memory_space<vmem>>) target_semaphore(%arg19 : memref<!tpu.dma_semaphore, #tpu.memory_space<semaphore_mem>>)
        %add3A_219 = arith.constant 1 : i32
        %add3A_220 = arith.addi %add3A_146, %add3A_219 : i32
        %dma_start3A_221 = arith.constant 64 : i32
        %dma_start3A_222 = tpu.memref_slice %arg4[%add3A, %add3A_220, %dma_start3A_221] : memref<32x80x128xi32, #tpu.memory_space<hbm>> -> memref<1x1x64xi32, #tpu.memory_space<hbm>>
        %dma_start3A_223 = tpu.memref_squeeze %dma_start3A_222 : memref<1x1x64xi32, #tpu.memory_space<hbm>> -> memref<64xi32, #tpu.memory_space<hbm>>
        %dma_start3A_224 = arith.constant 64 : i32
        %dma_start3A_225 = tpu.memref_slice %arg4[%add3A, %add3A_220, %dma_start3A_224] : memref<32x80x128xi32, #tpu.memory_space<hbm>> -> memref<1x1x64xi32, #tpu.memory_space<hbm>>
        %dma_start3A_226 = tpu.memref_squeeze %dma_start3A_225 : memref<1x1x64xi32, #tpu.memory_space<hbm>> -> memref<64xi32, #tpu.memory_space<hbm>>
        tpu.enqueue_dma source(%dma_start3A_226 : memref<64xi32, #tpu.memory_space<hbm>>) target(%arg9 : memref<64xi32, #tpu.memory_space<vmem>>) target_semaphore(%arg20 : memref<!tpu.dma_semaphore, #tpu.memory_space<semaphore_mem>>)
      } else {
      }
      %add3A_204 = arith.constant 2 : i32
      %add3A_205 = arith.addi %add3A_146, %add3A_204 : i32
      %lt3A_206 = arith.constant 80 : i32
      %lt3A_207 = arith.cmpi slt, %add3A_205, %lt3A_206 : i32
      %convert_element_type3A_208 = arith.extui %lt3A_207 : i1 to i32
      %cond3A_209 = arith.constant 0 : i32
      %cond3A_210 = arith.cmpi ne, %convert_element_type3A_208, %cond3A_209 : i32
      scf.if %cond3A_210 {
        %add3A_211 = arith.constant 2 : i32
        %add3A_212 = arith.addi %add3A_146, %add3A_211 : i32
        %dma_start3A_213 = arith.constant 0 : i32
        %dma_start3A_214 = tpu.memref_slice %arg3[%add3A, %add3A_212, %dma_start3A_213] : memref<32x80x128xi32, #tpu.memory_space<hbm>> -> memref<1x1x128xi32, #tpu.memory_space<hbm>>
        %dma_start3A_215 = tpu.memref_squeeze %dma_start3A_214 : memref<1x1x128xi32, #tpu.memory_space<hbm>> -> memref<128xi32, #tpu.memory_space<hbm>>
        %dma_start3A_216 = arith.constant 0 : i32
        %dma_start3A_217 = tpu.memref_slice %arg3[%add3A, %add3A_212, %dma_start3A_216] : memref<32x80x128xi32, #tpu.memory_space<hbm>> -> memref<1x1x128xi32, #tpu.memory_space<hbm>>
        %dma_start3A_218 = tpu.memref_squeeze %dma_start3A_217 : memref<1x1x128xi32, #tpu.memory_space<hbm>> -> memref<128xi32, #tpu.memory_space<hbm>>
        tpu.enqueue_dma source(%dma_start3A_218 : memref<128xi32, #tpu.memory_space<hbm>>) target(%arg7 : memref<128xi32, #tpu.memory_space<vmem>>) target_semaphore(%arg18 : memref<!tpu.dma_semaphore, #tpu.memory_space<semaphore_mem>>)
      } else {
      }
    }
    %scan3A_70 = arith.constant 40 : i32
    %dma_wait3A_71 = arith.constant 0 : i32
    %dma_wait3A_72 = arith.constant 0 : i32
    %dma_wait3A_73 = tpu.memref_slice %arg16[%dma_wait3A_71, %dma_wait3A_72] : memref<10112x128xf32, #tpu.memory_space<vmem_shared>> -> memref<10112x128xf32, #tpu.memory_space<vmem_shared>>
    tpu.wait_indirect_dma semaphore(%arg25 : memref<!tpu.dma_semaphore, #tpu.memory_space<semaphore_mem>>) src(%arg14 : memref<64x128xf32, #tpu.memory_space<vmem>>) dst(%dma_wait3A_73 : memref<10112x128xf32, #tpu.memory_space<vmem_shared>>)
    %dma_wait3A_74 = arith.constant 0 : i32
    %dma_wait3A_75 = arith.constant 0 : i32
    %dma_wait3A_76 = tpu.memref_slice %arg16[%dma_wait3A_74, %dma_wait3A_75] : memref<10112x128xf32, #tpu.memory_space<vmem_shared>> -> memref<10112x128xf32, #tpu.memory_space<vmem_shared>>
    tpu.wait_indirect_dma semaphore(%arg26 : memref<!tpu.dma_semaphore, #tpu.memory_space<semaphore_mem>>) src(%arg15 : memref<64x128xf32, #tpu.memory_space<vmem>>) dst(%dma_wait3A_76 : memref<10112x128xf32, #tpu.memory_space<vmem_shared>>)
    %barrier3A_77 = arith.constant 0 : index
    tpu.barrier barrier_id(%barrier3A_77)
    "tpu.region"() ({
      %run_scoped3A = tpu.sem_alloc : memref<!tpu.dma_semaphore, #tpu.memory_space<semaphore_mem>>
      %dma_start3A_78 = arith.constant 0 : i32
      %dma_start3A_79 = tpu.memref_slice %arg5[%arg0, %mul3A_2, %dma_start3A_78] : memref<2x10112x128xf32, #tpu.memory_space<hbm>> -> memref<1x632x128xf32, #tpu.memory_space<hbm>>
      %dma_start3A_80 = tpu.memref_squeeze %dma_start3A_79 : memref<1x632x128xf32, #tpu.memory_space<hbm>> -> memref<632x128xf32, #tpu.memory_space<hbm>>
      %dma_start3A_81 = arith.constant 0 : i32
      %dma_start3A_82 = tpu.memref_slice %arg16[%mul3A_2, %dma_start3A_81] : memref<10112x128xf32, #tpu.memory_space<vmem_shared>> -> memref<632x128xf32, #tpu.memory_space<vmem_shared>>
      tpu.enqueue_dma source(%dma_start3A_82 : memref<632x128xf32, #tpu.memory_space<vmem_shared>>) target(%dma_start3A_80 : memref<632x128xf32, #tpu.memory_space<hbm>>) target_semaphore(%run_scoped3A : memref<!tpu.dma_semaphore, #tpu.memory_space<semaphore_mem>>)
      %dma_wait3A_83 = arith.constant 0 : i32
      %dma_wait3A_84 = tpu.memref_slice %arg5[%arg0, %mul3A_2, %dma_wait3A_83] : memref<2x10112x128xf32, #tpu.memory_space<hbm>> -> memref<1x632x128xf32, #tpu.memory_space<hbm>>
      %dma_wait3A_85 = tpu.memref_squeeze %dma_wait3A_84 : memref<1x632x128xf32, #tpu.memory_space<hbm>> -> memref<632x128xf32, #tpu.memory_space<hbm>>
      %dma_wait3A_86 = arith.constant 0 : i32
      %dma_wait3A_87 = tpu.memref_slice %arg16[%mul3A_2, %dma_wait3A_86] : memref<10112x128xf32, #tpu.memory_space<vmem_shared>> -> memref<632x128xf32, #tpu.memory_space<vmem_shared>>
      tpu.wait_dma2 semaphore(%run_scoped3A : memref<!tpu.dma_semaphore, #tpu.memory_space<semaphore_mem>>) src(%dma_wait3A_87 : memref<632x128xf32, #tpu.memory_space<vmem_shared>>) dst(%dma_wait3A_85 : memref<632x128xf32, #tpu.memory_space<hbm>>)
      tpu.yield
    }) : () -> ()
    return
  }
}

#map = affine_map<(d0, d1) -> (0, 0)>
#map1 = affine_map<(d0, d1) -> (0, 0, 0)>
module attributes {stable_mosaic.version = 14 : i64} {
  func.func @k(%arg0: i32, %arg1: i32, %arg2: memref<10000x64xi32, #tpu.memory_space<hbm>>, %arg3: memref<32x80x128xi32, #tpu.memory_space<hbm>>, %arg4: memref<32x80x128xi32, #tpu.memory_space<hbm>>, %arg5: memref<2x10112x128xf32, #tpu.memory_space<hbm>>, %arg6: memref<128xi32, #tpu.memory_space<vmem>>, %arg7: memref<128xi32, #tpu.memory_space<vmem>>, %arg8: memref<64xi32, #tpu.memory_space<vmem>>, %arg9: memref<64xi32, #tpu.memory_space<vmem>>, %arg10: memref<64xi32, #tpu.memory_space<vmem>>, %arg11: memref<64xi32, #tpu.memory_space<vmem>>, %arg12: memref<128x64xi32, #tpu.memory_space<vmem>>, %arg13: memref<128x64xi32, #tpu.memory_space<vmem>>, %arg14: memref<64x128xf32, #tpu.memory_space<vmem>>, %arg15: memref<64x128xf32, #tpu.memory_space<vmem>>, %arg16: memref<10112x128xf32, #tpu.memory_space<vmem_shared>>, %arg17: memref<!tpu.dma_semaphore, #tpu.memory_space<semaphore_mem>>, %arg18: memref<!tpu.dma_semaphore, #tpu.memory_space<semaphore_mem>>, %arg19: memref<!tpu.dma_semaphore, #tpu.memory_space<semaphore_mem>>, %arg20: memref<!tpu.dma_semaphore, #tpu.memory_space<semaphore_mem>>, %arg21: memref<!tpu.dma_semaphore, #tpu.memory_space<semaphore_mem>>, %arg22: memref<!tpu.dma_semaphore, #tpu.memory_space<semaphore_mem>>, %arg23: memref<!tpu.dma_semaphore, #tpu.memory_space<semaphore_mem>>, %arg24: memref<!tpu.dma_semaphore, #tpu.memory_space<semaphore_mem>>, %arg25: memref<!tpu.dma_semaphore, #tpu.memory_space<semaphore_mem>>, %arg26: memref<!tpu.dma_semaphore, #tpu.memory_space<semaphore_mem>>) attributes {dimension_semantics = [#tpu.dimension_semantics<core_parallel>, #tpu.dimension_semantics<subcore_parallel>], iteration_bounds = array<i64: 2, 16>, scalar_prefetch = 0 : i64, scratch_operands = 21 : i64, tpu.core_type = #tpu.core_type<sc_vector_subcore>, window_params = [{transform_indices = #map}, {transform_indices = #map1}, {transform_indices = #map1}, {transform_indices = #map1}]} {
    %mul3A = arith.constant 16 : i32
    %mul3A_0 = arith.muli %arg0, %mul3A : i32
    %add3A = arith.addi %mul3A_0, %arg1 : i32
    %mul3A_1 = arith.constant 632 : i32
    %mul3A_2 = arith.muli %arg1, %mul3A_1 : i32
    %scan3A = arith.constant 0 : i32
    %scan3A_3 = arith.constant 0 : i32
    %scan3A_4 = arith.constant 512 : i32
    %scan3A_5 = arith.addi %scan3A_3, %scan3A_4 : i32
    %scan3A_6 = arith.constant 1 : i32
    scf.for %scan3A_78 = %scan3A_3 to %scan3A_5 step %scan3A_6  : i32 {
      %broadcast_in_dim3A = arith.constant 0.000000e+00 : f32
      %broadcast_in_dim3A_79 = vector.broadcast %broadcast_in_dim3A : f32 to vector<16xf32>
      %shift_right_arithmetic3A = arith.constant 3 : i32
      %shift_right_arithmetic3A_80 = arith.shrsi %scan3A_78, %shift_right_arithmetic3A : i32
      %and3A = arith.constant 7 : i32
      %and3A_81 = arith.andi %scan3A_78, %and3A : i32
      %mul3A_82 = arith.constant 16 : i32
      %mul3A_83 = arith.muli %and3A_81, %mul3A_82 : i32
      %swap3A = arith.index_cast %shift_right_arithmetic3A_80 : i32 to index
      %swap3A_84 = arith.index_cast %mul3A_83 : i32 to index
      %swap3A_85 = tpu.vector_load %arg14[%swap3A, %swap3A_84] {strides = array<i32>} : memref<64x128xf32, #tpu.memory_space<vmem>>, vector<1x16xf32>,
      %swap3A_86 = vector.shape_cast %swap3A_85 : vector<1x16xf32> to vector<16xf32>
      %swap3A_87 = vector.shape_cast %broadcast_in_dim3A_79 : vector<16xf32> to vector<1x16xf32>
      tpu.vector_store %arg14[%swap3A, %swap3A_84], %swap3A_87 {strides = array<i32>} : memref<64x128xf32, #tpu.memory_space<vmem>>, vector<1x16xf32>,
    }
    %scan3A_7 = arith.constant 512 : i32
    %add3A_8 = arith.constant 0 : i32
    %add3A_9 = arith.addi %mul3A_2, %add3A_8 : i32
    "tpu.region"() ({
      %run_scoped3A = tpu.sem_alloc : memref<!tpu.dma_semaphore, #tpu.memory_space<semaphore_mem>>
      %dma_start3A_78 = arith.constant 0 : i32
      %dma_start3A_79 = tpu.memref_slice %arg16[%add3A_9, %dma_start3A_78] : memref<10112x128xf32, #tpu.memory_space<vmem_shared>> -> memref<64x128xf32, #tpu.memory_space<vmem_shared>>
      %dma_start3A_80 = arith.constant 0 : i32
      %dma_start3A_81 = tpu.memref_slice %arg16[%add3A_9, %dma_start3A_80] : memref<10112x128xf32, #tpu.memory_space<vmem_shared>> -> memref<64x128xf32, #tpu.memory_space<vmem_shared>>
      tpu.enqueue_dma source(%arg14 : memref<64x128xf32, #tpu.memory_space<vmem>>) target(%dma_start3A_81 : memref<64x128xf32, #tpu.memory_space<vmem_shared>>) target_semaphore(%run_scoped3A : memref<!tpu.dma_semaphore, #tpu.memory_space<semaphore_mem>>)
      %dma_wait3A_82 = arith.constant 0 : i32
      %dma_wait3A_83 = tpu.memref_slice %arg16[%add3A_9, %dma_wait3A_82] : memref<10112x128xf32, #tpu.memory_space<vmem_shared>> -> memref<64x128xf32, #tpu.memory_space<vmem_shared>>
      %dma_wait3A_84 = arith.constant 0 : i32
      %dma_wait3A_85 = tpu.memref_slice %arg16[%add3A_9, %dma_wait3A_84] : memref<10112x128xf32, #tpu.memory_space<vmem_shared>> -> memref<64x128xf32, #tpu.memory_space<vmem_shared>>
      tpu.wait_dma2 semaphore(%run_scoped3A : memref<!tpu.dma_semaphore, #tpu.memory_space<semaphore_mem>>) src(%arg14 : memref<64x128xf32, #tpu.memory_space<vmem>>) dst(%dma_wait3A_85 : memref<64x128xf32, #tpu.memory_space<vmem_shared>>)
      tpu.yield
    }) : () -> ()
    %add3A_10 = arith.constant 64 : i32
    %add3A_11 = arith.addi %mul3A_2, %add3A_10 : i32
    "tpu.region"() ({
      %run_scoped3A = tpu.sem_alloc : memref<!tpu.dma_semaphore, #tpu.memory_space<semaphore_mem>>
      %dma_start3A_78 = arith.constant 0 : i32
      %dma_start3A_79 = tpu.memref_slice %arg16[%add3A_11, %dma_start3A_78] : memref<10112x128xf32, #tpu.memory_space<vmem_shared>> -> memref<64x128xf32, #tpu.memory_space<vmem_shared>>
      %dma_start3A_80 = arith.constant 0 : i32
      %dma_start3A_81 = tpu.memref_slice %arg16[%add3A_11, %dma_start3A_80] : memref<10112x128xf32, #tpu.memory_space<vmem_shared>> -> memref<64x128xf32, #tpu.memory_space<vmem_shared>>
      tpu.enqueue_dma source(%arg14 : memref<64x128xf32, #tpu.memory_space<vmem>>) target(%dma_start3A_81 : memref<64x128xf32, #tpu.memory_space<vmem_shared>>) target_semaphore(%run_scoped3A : memref<!tpu.dma_semaphore, #tpu.memory_space<semaphore_mem>>)
      %dma_wait3A_82 = arith.constant 0 : i32
      %dma_wait3A_83 = tpu.memref_slice %arg16[%add3A_11, %dma_wait3A_82] : memref<10112x128xf32, #tpu.memory_space<vmem_shared>> -> memref<64x128xf32, #tpu.memory_space<vmem_shared>>
      %dma_wait3A_84 = arith.constant 0 : i32
      %dma_wait3A_85 = tpu.memref_slice %arg16[%add3A_11, %dma_wait3A_84] : memref<10112x128xf32, #tpu.memory_space<vmem_shared>> -> memref<64x128xf32, #tpu.memory_space<vmem_shared>>
      tpu.wait_dma2 semaphore(%run_scoped3A : memref<!tpu.dma_semaphore, #tpu.memory_space<semaphore_mem>>) src(%arg14 : memref<64x128xf32, #tpu.memory_space<vmem>>) dst(%dma_wait3A_85 : memref<64x128xf32, #tpu.memory_space<vmem_shared>>)
      tpu.yield
    }) : () -> ()
    %add3A_12 = arith.constant 128 : i32
    %add3A_13 = arith.addi %mul3A_2, %add3A_12 : i32
    "tpu.region"() ({
      %run_scoped3A = tpu.sem_alloc : memref<!tpu.dma_semaphore, #tpu.memory_space<semaphore_mem>>
      %dma_start3A_78 = arith.constant 0 : i32
      %dma_start3A_79 = tpu.memref_slice %arg16[%add3A_13, %dma_start3A_78] : memref<10112x128xf32, #tpu.memory_space<vmem_shared>> -> memref<64x128xf32, #tpu.memory_space<vmem_shared>>
      %dma_start3A_80 = arith.constant 0 : i32
      %dma_start3A_81 = tpu.memref_slice %arg16[%add3A_13, %dma_start3A_80] : memref<10112x128xf32, #tpu.memory_space<vmem_shared>> -> memref<64x128xf32, #tpu.memory_space<vmem_shared>>
      tpu.enqueue_dma source(%arg14 : memref<64x128xf32, #tpu.memory_space<vmem>>) target(%dma_start3A_81 : memref<64x128xf32, #tpu.memory_space<vmem_shared>>) target_semaphore(%run_scoped3A : memref<!tpu.dma_semaphore, #tpu.memory_space<semaphore_mem>>)
      %dma_wait3A_82 = arith.constant 0 : i32
      %dma_wait3A_83 = tpu.memref_slice %arg16[%add3A_13, %dma_wait3A_82] : memref<10112x128xf32, #tpu.memory_space<vmem_shared>> -> memref<64x128xf32, #tpu.memory_space<vmem_shared>>
      %dma_wait3A_84 = arith.constant 0 : i32
      %dma_wait3A_85 = tpu.memref_slice %arg16[%add3A_13, %dma_wait3A_84] : memref<10112x128xf32, #tpu.memory_space<vmem_shared>> -> memref<64x128xf32, #tpu.memory_space<vmem_shared>>
      tpu.wait_dma2 semaphore(%run_scoped3A : memref<!tpu.dma_semaphore, #tpu.memory_space<semaphore_mem>>) src(%arg14 : memref<64x128xf32, #tpu.memory_space<vmem>>) dst(%dma_wait3A_85 : memref<64x128xf32, #tpu.memory_space<vmem_shared>>)
      tpu.yield
    }) : () -> ()
    %add3A_14 = arith.constant 192 : i32
    %add3A_15 = arith.addi %mul3A_2, %add3A_14 : i32
    "tpu.region"() ({
      %run_scoped3A = tpu.sem_alloc : memref<!tpu.dma_semaphore, #tpu.memory_space<semaphore_mem>>
      %dma_start3A_78 = arith.constant 0 : i32
      %dma_start3A_79 = tpu.memref_slice %arg16[%add3A_15, %dma_start3A_78] : memref<10112x128xf32, #tpu.memory_space<vmem_shared>> -> memref<64x128xf32, #tpu.memory_space<vmem_shared>>
      %dma_start3A_80 = arith.constant 0 : i32
      %dma_start3A_81 = tpu.memref_slice %arg16[%add3A_15, %dma_start3A_80] : memref<10112x128xf32, #tpu.memory_space<vmem_shared>> -> memref<64x128xf32, #tpu.memory_space<vmem_shared>>
      tpu.enqueue_dma source(%arg14 : memref<64x128xf32, #tpu.memory_space<vmem>>) target(%dma_start3A_81 : memref<64x128xf32, #tpu.memory_space<vmem_shared>>) target_semaphore(%run_scoped3A : memref<!tpu.dma_semaphore, #tpu.memory_space<semaphore_mem>>)
      %dma_wait3A_82 = arith.constant 0 : i32
      %dma_wait3A_83 = tpu.memref_slice %arg16[%add3A_15, %dma_wait3A_82] : memref<10112x128xf32, #tpu.memory_space<vmem_shared>> -> memref<64x128xf32, #tpu.memory_space<vmem_shared>>
      %dma_wait3A_84 = arith.constant 0 : i32
      %dma_wait3A_85 = tpu.memref_slice %arg16[%add3A_15, %dma_wait3A_84] : memref<10112x128xf32, #tpu.memory_space<vmem_shared>> -> memref<64x128xf32, #tpu.memory_space<vmem_shared>>
      tpu.wait_dma2 semaphore(%run_scoped3A : memref<!tpu.dma_semaphore, #tpu.memory_space<semaphore_mem>>) src(%arg14 : memref<64x128xf32, #tpu.memory_space<vmem>>) dst(%dma_wait3A_85 : memref<64x128xf32, #tpu.memory_space<vmem_shared>>)
      tpu.yield
    }) : () -> ()
    %add3A_16 = arith.constant 256 : i32
    %add3A_17 = arith.addi %mul3A_2, %add3A_16 : i32
    "tpu.region"() ({
      %run_scoped3A = tpu.sem_alloc : memref<!tpu.dma_semaphore, #tpu.memory_space<semaphore_mem>>
      %dma_start3A_78 = arith.constant 0 : i32
      %dma_start3A_79 = tpu.memref_slice %arg16[%add3A_17, %dma_start3A_78] : memref<10112x128xf32, #tpu.memory_space<vmem_shared>> -> memref<64x128xf32, #tpu.memory_space<vmem_shared>>
      %dma_start3A_80 = arith.constant 0 : i32
      %dma_start3A_81 = tpu.memref_slice %arg16[%add3A_17, %dma_start3A_80] : memref<10112x128xf32, #tpu.memory_space<vmem_shared>> -> memref<64x128xf32, #tpu.memory_space<vmem_shared>>
      tpu.enqueue_dma source(%arg14 : memref<64x128xf32, #tpu.memory_space<vmem>>) target(%dma_start3A_81 : memref<64x128xf32, #tpu.memory_space<vmem_shared>>) target_semaphore(%run_scoped3A : memref<!tpu.dma_semaphore, #tpu.memory_space<semaphore_mem>>)
      %dma_wait3A_82 = arith.constant 0 : i32
      %dma_wait3A_83 = tpu.memref_slice %arg16[%add3A_17, %dma_wait3A_82] : memref<10112x128xf32, #tpu.memory_space<vmem_shared>> -> memref<64x128xf32, #tpu.memory_space<vmem_shared>>
      %dma_wait3A_84 = arith.constant 0 : i32
      %dma_wait3A_85 = tpu.memref_slice %arg16[%add3A_17, %dma_wait3A_84] : memref<10112x128xf32, #tpu.memory_space<vmem_shared>> -> memref<64x128xf32, #tpu.memory_space<vmem_shared>>
      tpu.wait_dma2 semaphore(%run_scoped3A : memref<!tpu.dma_semaphore, #tpu.memory_space<semaphore_mem>>) src(%arg14 : memref<64x128xf32, #tpu.memory_space<vmem>>) dst(%dma_wait3A_85 : memref<64x128xf32, #tpu.memory_space<vmem_shared>>)
      tpu.yield
    }) : () -> ()
    %add3A_18 = arith.constant 320 : i32
    %add3A_19 = arith.addi %mul3A_2, %add3A_18 : i32
    "tpu.region"() ({
      %run_scoped3A = tpu.sem_alloc : memref<!tpu.dma_semaphore, #tpu.memory_space<semaphore_mem>>
      %dma_start3A_78 = arith.constant 0 : i32
      %dma_start3A_79 = tpu.memref_slice %arg16[%add3A_19, %dma_start3A_78] : memref<10112x128xf32, #tpu.memory_space<vmem_shared>> -> memref<64x128xf32, #tpu.memory_space<vmem_shared>>
      %dma_start3A_80 = arith.constant 0 : i32
      %dma_start3A_81 = tpu.memref_slice %arg16[%add3A_19, %dma_start3A_80] : memref<10112x128xf32, #tpu.memory_space<vmem_shared>> -> memref<64x128xf32, #tpu.memory_space<vmem_shared>>
      tpu.enqueue_dma source(%arg14 : memref<64x128xf32, #tpu.memory_space<vmem>>) target(%dma_start3A_81 : memref<64x128xf32, #tpu.memory_space<vmem_shared>>) target_semaphore(%run_scoped3A : memref<!tpu.dma_semaphore, #tpu.memory_space<semaphore_mem>>)
      %dma_wait3A_82 = arith.constant 0 : i32
      %dma_wait3A_83 = tpu.memref_slice %arg16[%add3A_19, %dma_wait3A_82] : memref<10112x128xf32, #tpu.memory_space<vmem_shared>> -> memref<64x128xf32, #tpu.memory_space<vmem_shared>>
      %dma_wait3A_84 = arith.constant 0 : i32
      %dma_wait3A_85 = tpu.memref_slice %arg16[%add3A_19, %dma_wait3A_84] : memref<10112x128xf32, #tpu.memory_space<vmem_shared>> -> memref<64x128xf32, #tpu.memory_space<vmem_shared>>
      tpu.wait_dma2 semaphore(%run_scoped3A : memref<!tpu.dma_semaphore, #tpu.memory_space<semaphore_mem>>) src(%arg14 : memref<64x128xf32, #tpu.memory_space<vmem>>) dst(%dma_wait3A_85 : memref<64x128xf32, #tpu.memory_space<vmem_shared>>)
      tpu.yield
    }) : () -> ()
    %add3A_20 = arith.constant 384 : i32
    %add3A_21 = arith.addi %mul3A_2, %add3A_20 : i32
    "tpu.region"() ({
      %run_scoped3A = tpu.sem_alloc : memref<!tpu.dma_semaphore, #tpu.memory_space<semaphore_mem>>
      %dma_start3A_78 = arith.constant 0 : i32
      %dma_start3A_79 = tpu.memref_slice %arg16[%add3A_21, %dma_start3A_78] : memref<10112x128xf32, #tpu.memory_space<vmem_shared>> -> memref<64x128xf32, #tpu.memory_space<vmem_shared>>
      %dma_start3A_80 = arith.constant 0 : i32
      %dma_start3A_81 = tpu.memref_slice %arg16[%add3A_21, %dma_start3A_80] : memref<10112x128xf32, #tpu.memory_space<vmem_shared>> -> memref<64x128xf32, #tpu.memory_space<vmem_shared>>
      tpu.enqueue_dma source(%arg14 : memref<64x128xf32, #tpu.memory_space<vmem>>) target(%dma_start3A_81 : memref<64x128xf32, #tpu.memory_space<vmem_shared>>) target_semaphore(%run_scoped3A : memref<!tpu.dma_semaphore, #tpu.memory_space<semaphore_mem>>)
      %dma_wait3A_82 = arith.constant 0 : i32
      %dma_wait3A_83 = tpu.memref_slice %arg16[%add3A_21, %dma_wait3A_82] : memref<10112x128xf32, #tpu.memory_space<vmem_shared>> -> memref<64x128xf32, #tpu.memory_space<vmem_shared>>
      %dma_wait3A_84 = arith.constant 0 : i32
      %dma_wait3A_85 = tpu.memref_slice %arg16[%add3A_21, %dma_wait3A_84] : memref<10112x128xf32, #tpu.memory_space<vmem_shared>> -> memref<64x128xf32, #tpu.memory_space<vmem_shared>>
      tpu.wait_dma2 semaphore(%run_scoped3A : memref<!tpu.dma_semaphore, #tpu.memory_space<semaphore_mem>>) src(%arg14 : memref<64x128xf32, #tpu.memory_space<vmem>>) dst(%dma_wait3A_85 : memref<64x128xf32, #tpu.memory_space<vmem_shared>>)
      tpu.yield
    }) : () -> ()
    %add3A_22 = arith.constant 448 : i32
    %add3A_23 = arith.addi %mul3A_2, %add3A_22 : i32
    "tpu.region"() ({
      %run_scoped3A = tpu.sem_alloc : memref<!tpu.dma_semaphore, #tpu.memory_space<semaphore_mem>>
      %dma_start3A_78 = arith.constant 0 : i32
      %dma_start3A_79 = tpu.memref_slice %arg16[%add3A_23, %dma_start3A_78] : memref<10112x128xf32, #tpu.memory_space<vmem_shared>> -> memref<64x128xf32, #tpu.memory_space<vmem_shared>>
      %dma_start3A_80 = arith.constant 0 : i32
      %dma_start3A_81 = tpu.memref_slice %arg16[%add3A_23, %dma_start3A_80] : memref<10112x128xf32, #tpu.memory_space<vmem_shared>> -> memref<64x128xf32, #tpu.memory_space<vmem_shared>>
      tpu.enqueue_dma source(%arg14 : memref<64x128xf32, #tpu.memory_space<vmem>>) target(%dma_start3A_81 : memref<64x128xf32, #tpu.memory_space<vmem_shared>>) target_semaphore(%run_scoped3A : memref<!tpu.dma_semaphore, #tpu.memory_space<semaphore_mem>>)
      %dma_wait3A_82 = arith.constant 0 : i32
      %dma_wait3A_83 = tpu.memref_slice %arg16[%add3A_23, %dma_wait3A_82] : memref<10112x128xf32, #tpu.memory_space<vmem_shared>> -> memref<64x128xf32, #tpu.memory_space<vmem_shared>>
      %dma_wait3A_84 = arith.constant 0 : i32
      %dma_wait3A_85 = tpu.memref_slice %arg16[%add3A_23, %dma_wait3A_84] : memref<10112x128xf32, #tpu.memory_space<vmem_shared>> -> memref<64x128xf32, #tpu.memory_space<vmem_shared>>
      tpu.wait_dma2 semaphore(%run_scoped3A : memref<!tpu.dma_semaphore, #tpu.memory_space<semaphore_mem>>) src(%arg14 : memref<64x128xf32, #tpu.memory_space<vmem>>) dst(%dma_wait3A_85 : memref<64x128xf32, #tpu.memory_space<vmem_shared>>)
      tpu.yield
    }) : () -> ()
    %add3A_24 = arith.constant 512 : i32
    %add3A_25 = arith.addi %mul3A_2, %add3A_24 : i32
    "tpu.region"() ({
      %run_scoped3A = tpu.sem_alloc : memref<!tpu.dma_semaphore, #tpu.memory_space<semaphore_mem>>
      %dma_start3A_78 = arith.constant 0 : i32
      %dma_start3A_79 = tpu.memref_slice %arg16[%add3A_25, %dma_start3A_78] : memref<10112x128xf32, #tpu.memory_space<vmem_shared>> -> memref<64x128xf32, #tpu.memory_space<vmem_shared>>
      %dma_start3A_80 = arith.constant 0 : i32
      %dma_start3A_81 = tpu.memref_slice %arg16[%add3A_25, %dma_start3A_80] : memref<10112x128xf32, #tpu.memory_space<vmem_shared>> -> memref<64x128xf32, #tpu.memory_space<vmem_shared>>
      tpu.enqueue_dma source(%arg14 : memref<64x128xf32, #tpu.memory_space<vmem>>) target(%dma_start3A_81 : memref<64x128xf32, #tpu.memory_space<vmem_shared>>) target_semaphore(%run_scoped3A : memref<!tpu.dma_semaphore, #tpu.memory_space<semaphore_mem>>)
      %dma_wait3A_82 = arith.constant 0 : i32
      %dma_wait3A_83 = tpu.memref_slice %arg16[%add3A_25, %dma_wait3A_82] : memref<10112x128xf32, #tpu.memory_space<vmem_shared>> -> memref<64x128xf32, #tpu.memory_space<vmem_shared>>
      %dma_wait3A_84 = arith.constant 0 : i32
      %dma_wait3A_85 = tpu.memref_slice %arg16[%add3A_25, %dma_wait3A_84] : memref<10112x128xf32, #tpu.memory_space<vmem_shared>> -> memref<64x128xf32, #tpu.memory_space<vmem_shared>>
      tpu.wait_dma2 semaphore(%run_scoped3A : memref<!tpu.dma_semaphore, #tpu.memory_space<semaphore_mem>>) src(%arg14 : memref<64x128xf32, #tpu.memory_space<vmem>>) dst(%dma_wait3A_85 : memref<64x128xf32, #tpu.memory_space<vmem_shared>>)
      tpu.yield
    }) : () -> ()
    %add3A_26 = arith.constant 632 : i32
    %add3A_27 = arith.addi %mul3A_2, %add3A_26 : i32
    %sub3A = arith.constant 56 : i32
    %sub3A_28 = arith.subi %add3A_27, %sub3A : i32
    "tpu.region"() ({
      %run_scoped3A = tpu.sem_alloc : memref<!tpu.dma_semaphore, #tpu.memory_space<semaphore_mem>>
      %dma_start3A_78 = arith.constant 0 : i32
      %dma_start3A_79 = arith.constant 0 : i32
      %dma_start3A_80 = tpu.memref_slice %arg14[%dma_start3A_78, %dma_start3A_79] : memref<64x128xf32, #tpu.memory_space<vmem>> -> memref<56x128xf32, #tpu.memory_space<vmem>>
      %dma_start3A_81 = arith.constant 0 : i32
      %dma_start3A_82 = tpu.memref_slice %arg16[%sub3A_28, %dma_start3A_81] : memref<10112x128xf32, #tpu.memory_space<vmem_shared>> -> memref<56x128xf32, #tpu.memory_space<vmem_shared>>
      %dma_start3A_83 = arith.constant 0 : i32
      %dma_start3A_84 = tpu.memref_slice %arg16[%sub3A_28, %dma_start3A_83] : memref<10112x128xf32, #tpu.memory_space<vmem_shared>> -> memref<56x128xf32, #tpu.memory_space<vmem_shared>>
      %dma_start3A_85 = arith.constant 0 : i32
      %dma_start3A_86 = arith.constant 0 : i32
      %dma_start3A_87 = tpu.memref_slice %arg14[%dma_start3A_85, %dma_start3A_86] : memref<64x128xf32, #tpu.memory_space<vmem>> -> memref<56x128xf32, #tpu.memory_space<vmem>>
      tpu.enqueue_dma source(%dma_start3A_87 : memref<56x128xf32, #tpu.memory_space<vmem>>) target(%dma_start3A_84 : memref<56x128xf32, #tpu.memory_space<vmem_shared>>) target_semaphore(%run_scoped3A : memref<!tpu.dma_semaphore, #tpu.memory_space<semaphore_mem>>)
      %dma_wait3A_88 = arith.constant 0 : i32
      %dma_wait3A_89 = arith.constant 0 : i32
      %dma_wait3A_90 = tpu.memref_slice %arg14[%dma_wait3A_88, %dma_wait3A_89] : memref<64x128xf32, #tpu.memory_space<vmem>> -> memref<56x128xf32, #tpu.memory_space<vmem>>
      %dma_wait3A_91 = arith.constant 0 : i32
      %dma_wait3A_92 = tpu.memref_slice %arg16[%sub3A_28, %dma_wait3A_91] : memref<10112x128xf32, #tpu.memory_space<vmem_shared>> -> memref<56x128xf32, #tpu.memory_space<vmem_shared>>
      %dma_wait3A_93 = arith.constant 0 : i32
      %dma_wait3A_94 = tpu.memref_slice %arg16[%sub3A_28, %dma_wait3A_93] : memref<10112x128xf32, #tpu.memory_space<vmem_shared>> -> memref<56x128xf32, #tpu.memory_space<vmem_shared>>
      %dma_wait3A_95 = arith.constant 0 : i32
      %dma_wait3A_96 = arith.constant 0 : i32
      %dma_wait3A_97 = tpu.memref_slice %arg14[%dma_wait3A_95, %dma_wait3A_96] : memref<64x128xf32, #tpu.memory_space<vmem>> -> memref<56x128xf32, #tpu.memory_space<vmem>>
      tpu.wait_dma2 semaphore(%run_scoped3A : memref<!tpu.dma_semaphore, #tpu.memory_space<semaphore_mem>>) src(%dma_wait3A_97 : memref<56x128xf32, #tpu.memory_space<vmem>>) dst(%dma_wait3A_94 : memref<56x128xf32, #tpu.memory_space<vmem_shared>>)
      tpu.yield
    }) : () -> ()
    %barrier3A = arith.constant 0 : index
    tpu.barrier barrier_id(%barrier3A)
    %dma_start3A = arith.constant 0 : i32
    %dma_start3A_29 = arith.constant 0 : i32
    %dma_start3A_30 = tpu.memref_slice %arg3[%add3A, %dma_start3A, %dma_start3A_29] : memref<32x80x128xi32, #tpu.memory_space<hbm>> -> memref<1x1x128xi32, #tpu.memory_space<hbm>>
    %dma_start3A_31 = tpu.memref_squeeze %dma_start3A_30 : memref<1x1x128xi32, #tpu.memory_space<hbm>> -> memref<128xi32, #tpu.memory_space<hbm>>
    %dma_start3A_32 = arith.constant 0 : i32
    %dma_start3A_33 = tpu.memref_slice %arg3[%add3A, %dma_start3A, %dma_start3A_32] : memref<32x80x128xi32, #tpu.memory_space<hbm>> -> memref<1x1x128xi32, #tpu.memory_space<hbm>>
    %dma_start3A_34 = tpu.memref_squeeze %dma_start3A_33 : memref<1x1x128xi32, #tpu.memory_space<hbm>> -> memref<128xi32, #tpu.memory_space<hbm>>
    tpu.enqueue_dma source(%dma_start3A_34 : memref<128xi32, #tpu.memory_space<hbm>>) target(%arg6 : memref<128xi32, #tpu.memory_space<vmem>>) target_semaphore(%arg17 : memref<!tpu.dma_semaphore, #tpu.memory_space<semaphore_mem>>)
    %dma_start3A_35 = arith.constant 0 : i32
    %dma_start3A_36 = arith.constant 0 : i32
    %dma_start3A_37 = tpu.memref_slice %arg4[%add3A, %dma_start3A_35, %dma_start3A_36] : memref<32x80x128xi32, #tpu.memory_space<hbm>> -> memref<1x1x64xi32, #tpu.memory_space<hbm>>
    %dma_start3A_38 = tpu.memref_squeeze %dma_start3A_37 : memref<1x1x64xi32, #tpu.memory_space<hbm>> -> memref<64xi32, #tpu.memory_space<hbm>>
    %dma_start3A_39 = arith.constant 0 : i32
    %dma_start3A_40 = tpu.memref_slice %arg4[%add3A, %dma_start3A_35, %dma_start3A_39] : memref<32x80x128xi32, #tpu.memory_space<hbm>> -> memref<1x1x64xi32, #tpu.memory_space<hbm>>
    %dma_start3A_41 = tpu.memref_squeeze %dma_start3A_40 : memref<1x1x64xi32, #tpu.memory_space<hbm>> -> memref<64xi32, #tpu.memory_space<hbm>>
    tpu.enqueue_dma source(%dma_start3A_41 : memref<64xi32, #tpu.memory_space<hbm>>) target(%arg8 : memref<64xi32, #tpu.memory_space<vmem>>) target_semaphore(%arg19 : memref<!tpu.dma_semaphore, #tpu.memory_space<semaphore_mem>>)
    %dma_start3A_42 = arith.constant 0 : i32
    %dma_start3A_43 = arith.constant 64 : i32
    %dma_start3A_44 = tpu.memref_slice %arg4[%add3A, %dma_start3A_42, %dma_start3A_43] : memref<32x80x128xi32, #tpu.memory_space<hbm>> -> memref<1x1x64xi32, #tpu.memory_space<hbm>>
    %dma_start3A_45 = tpu.memref_squeeze %dma_start3A_44 : memref<1x1x64xi32, #tpu.memory_space<hbm>> -> memref<64xi32, #tpu.memory_space<hbm>>
    %dma_start3A_46 = arith.constant 64 : i32
    %dma_start3A_47 = tpu.memref_slice %arg4[%add3A, %dma_start3A_42, %dma_start3A_46] : memref<32x80x128xi32, #tpu.memory_space<hbm>> -> memref<1x1x64xi32, #tpu.memory_space<hbm>>
    %dma_start3A_48 = tpu.memref_squeeze %dma_start3A_47 : memref<1x1x64xi32, #tpu.memory_space<hbm>> -> memref<64xi32, #tpu.memory_space<hbm>>
    tpu.enqueue_dma source(%dma_start3A_48 : memref<64xi32, #tpu.memory_space<hbm>>) target(%arg9 : memref<64xi32, #tpu.memory_space<vmem>>) target_semaphore(%arg20 : memref<!tpu.dma_semaphore, #tpu.memory_space<semaphore_mem>>)
    %dma_start3A_49 = arith.constant 1 : i32
    %dma_start3A_50 = arith.constant 0 : i32
    %dma_start3A_51 = tpu.memref_slice %arg3[%add3A, %dma_start3A_49, %dma_start3A_50] : memref<32x80x128xi32, #tpu.memory_space<hbm>> -> memref<1x1x128xi32, #tpu.memory_space<hbm>>
    %dma_start3A_52 = tpu.memref_squeeze %dma_start3A_51 : memref<1x1x128xi32, #tpu.memory_space<hbm>> -> memref<128xi32, #tpu.memory_space<hbm>>
    %dma_start3A_53 = arith.constant 0 : i32
    %dma_start3A_54 = tpu.memref_slice %arg3[%add3A, %dma_start3A_49, %dma_start3A_53] : memref<32x80x128xi32, #tpu.memory_space<hbm>> -> memref<1x1x128xi32, #tpu.memory_space<hbm>>
    %dma_start3A_55 = tpu.memref_squeeze %dma_start3A_54 : memref<1x1x128xi32, #tpu.memory_space<hbm>> -> memref<128xi32, #tpu.memory_space<hbm>>
    tpu.enqueue_dma source(%dma_start3A_55 : memref<128xi32, #tpu.memory_space<hbm>>) target(%arg7 : memref<128xi32, #tpu.memory_space<vmem>>) target_semaphore(%arg18 : memref<!tpu.dma_semaphore, #tpu.memory_space<semaphore_mem>>)
    %dma_wait3A = arith.constant 0 : i32
    %dma_wait3A_56 = arith.constant 0 : i32
    %dma_wait3A_57 = tpu.memref_slice %arg3[%add3A, %dma_wait3A, %dma_wait3A_56] : memref<32x80x128xi32, #tpu.memory_space<hbm>> -> memref<1x1x128xi32, #tpu.memory_space<hbm>>
    %dma_wait3A_58 = tpu.memref_squeeze %dma_wait3A_57 : memref<1x1x128xi32, #tpu.memory_space<hbm>> -> memref<128xi32, #tpu.memory_space<hbm>>
    %dma_wait3A_59 = arith.constant 0 : i32
    %dma_wait3A_60 = tpu.memref_slice %arg3[%add3A, %dma_wait3A, %dma_wait3A_59] : memref<32x80x128xi32, #tpu.memory_space<hbm>> -> memref<1x1x128xi32, #tpu.memory_space<hbm>>
    %dma_wait3A_61 = tpu.memref_squeeze %dma_wait3A_60 : memref<1x1x128xi32, #tpu.memory_space<hbm>> -> memref<128xi32, #tpu.memory_space<hbm>>
    tpu.wait_dma2 semaphore(%arg17 : memref<!tpu.dma_semaphore, #tpu.memory_space<semaphore_mem>>) src(%dma_wait3A_61 : memref<128xi32, #tpu.memory_space<hbm>>) dst(%arg6 : memref<128xi32, #tpu.memory_space<vmem>>)
    %dma_start3A_62 = arith.constant 0 : i32
    %dma_start3A_63 = arith.constant 0 : i32
    %dma_start3A_64 = tpu.memref_slice %arg2[%dma_start3A_62, %dma_start3A_63] : memref<10000x64xi32, #tpu.memory_space<hbm>> -> memref<10000x64xi32, #tpu.memory_space<hbm>>
    tpu.enqueue_indirect_dma source(%dma_start3A_64 : memref<10000x64xi32, #tpu.memory_space<hbm>>) target(%arg12 : memref<128x64xi32, #tpu.memory_space<vmem>>) offsets(%arg6 : memref<128xi32, #tpu.memory_space<vmem>>) semaphore(%arg23 : memref<!tpu.dma_semaphore, #tpu.memory_space<semaphore_mem>>)
    %scan3A_65 = arith.constant 0 : i32
    %scan3A_66 = arith.constant 0 : i32
    %scan3A_67 = arith.constant 40 : i32
    %scan3A_68 = arith.addi %scan3A_66, %scan3A_67 : i32
    %scan3A_69 = arith.constant 1 : i32
    scf.for %scan3A_78 = %scan3A_66 to %scan3A_68 step %scan3A_69  : i32 {
      %mul3A_79 = arith.constant 2 : i32
      %mul3A_80 = arith.muli %scan3A_78, %mul3A_79 : i32
      %add3A_81 = arith.constant 0 : i32
      %add3A_82 = arith.addi %mul3A_80, %add3A_81 : i32
      %dma_wait3A_83 = arith.constant 0 : i32
      %dma_wait3A_84 = arith.constant 0 : i32
      %dma_wait3A_85 = tpu.memref_slice %arg2[%dma_wait3A_83, %dma_wait3A_84] : memref<10000x64xi32, #tpu.memory_space<hbm>> -> memref<10000x64xi32, #tpu.memory_space<hbm>>
      tpu.wait_indirect_dma semaphore(%arg23 : memref<!tpu.dma_semaphore, #tpu.memory_space<semaphore_mem>>) src(%dma_wait3A_85 : memref<10000x64xi32, #tpu.memory_space<hbm>>) dst(%arg12 : memref<128x64xi32, #tpu.memory_space<vmem>>)
      %add3A_86 = arith.constant 1 : i32
      %add3A_87 = arith.addi %add3A_82, %add3A_86 : i32
      %lt3A = arith.constant 80 : i32
      %lt3A_88 = arith.cmpi slt, %add3A_87, %lt3A : i32
      %convert_element_type3A = arith.extui %lt3A_88 : i1 to i32
      %cond3A = arith.constant 0 : i32
      %cond3A_89 = arith.cmpi ne, %convert_element_type3A, %cond3A : i32
      scf.if %cond3A_89 {
        %add3A_211 = arith.constant 1 : i32
        %add3A_212 = arith.addi %add3A_82, %add3A_211 : i32
        %dma_wait3A_213 = arith.constant 0 : i32
        %dma_wait3A_214 = tpu.memref_slice %arg3[%add3A, %add3A_212, %dma_wait3A_213] : memref<32x80x128xi32, #tpu.memory_space<hbm>> -> memref<1x1x128xi32, #tpu.memory_space<hbm>>
        %dma_wait3A_215 = tpu.memref_squeeze %dma_wait3A_214 : memref<1x1x128xi32, #tpu.memory_space<hbm>> -> memref<128xi32, #tpu.memory_space<hbm>>
        %dma_wait3A_216 = arith.constant 0 : i32
        %dma_wait3A_217 = tpu.memref_slice %arg3[%add3A, %add3A_212, %dma_wait3A_216] : memref<32x80x128xi32, #tpu.memory_space<hbm>> -> memref<1x1x128xi32, #tpu.memory_space<hbm>>
        %dma_wait3A_218 = tpu.memref_squeeze %dma_wait3A_217 : memref<1x1x128xi32, #tpu.memory_space<hbm>> -> memref<128xi32, #tpu.memory_space<hbm>>
        tpu.wait_dma2 semaphore(%arg18 : memref<!tpu.dma_semaphore, #tpu.memory_space<semaphore_mem>>) src(%dma_wait3A_218 : memref<128xi32, #tpu.memory_space<hbm>>) dst(%arg7 : memref<128xi32, #tpu.memory_space<vmem>>)
        %dma_start3A_219 = arith.constant 0 : i32
        %dma_start3A_220 = arith.constant 0 : i32
        %dma_start3A_221 = tpu.memref_slice %arg2[%dma_start3A_219, %dma_start3A_220] : memref<10000x64xi32, #tpu.memory_space<hbm>> -> memref<10000x64xi32, #tpu.memory_space<hbm>>
        tpu.enqueue_indirect_dma source(%dma_start3A_221 : memref<10000x64xi32, #tpu.memory_space<hbm>>) target(%arg13 : memref<128x64xi32, #tpu.memory_space<vmem>>) offsets(%arg7 : memref<128xi32, #tpu.memory_space<vmem>>) semaphore(%arg24 : memref<!tpu.dma_semaphore, #tpu.memory_space<semaphore_mem>>)
      } else {
      }
      %ge3A = arith.constant 1 : i32
      %ge3A_90 = arith.cmpi sge, %add3A_82, %ge3A : i32
      %convert_element_type3A_91 = arith.extui %ge3A_90 : i1 to i32
      %cond3A_92 = arith.constant 0 : i32
      %cond3A_93 = arith.cmpi ne, %convert_element_type3A_91, %cond3A_92 : i32
      scf.if %cond3A_93 {
        %dma_wait3A_211 = arith.constant 0 : i32
        %dma_wait3A_212 = arith.constant 0 : i32
        %dma_wait3A_213 = tpu.memref_slice %arg16[%dma_wait3A_211, %dma_wait3A_212] : memref<10112x128xf32, #tpu.memory_space<vmem_shared>> -> memref<10112x128xf32, #tpu.memory_space<vmem_shared>>
        tpu.wait_indirect_dma semaphore(%arg25 : memref<!tpu.dma_semaphore, #tpu.memory_space<semaphore_mem>>) src(%arg14 : memref<64x128xf32, #tpu.memory_space<vmem>>) dst(%dma_wait3A_213 : memref<10112x128xf32, #tpu.memory_space<vmem_shared>>)
      } else {
      }
      %scan3A_94 = arith.constant 0 : i32
      %scan3A_95 = arith.constant 0 : i32
      %scan3A_96 = arith.constant 64 : i32
      %scan3A_97 = arith.addi %scan3A_95, %scan3A_96 : i32
      %scan3A_98 = arith.constant 1 : i32
      scf.for %scan3A_211 = %scan3A_95 to %scan3A_97 step %scan3A_98  : i32 {
        %add3A_212 = arith.constant 0 : i32
        %add3A_213 = arith.addi %add3A_212, %scan3A_211 : i32
        %get3A = arith.index_cast %add3A_213 : i32 to index
        %get3A_214 = arith.constant 0 : index
        %get3A_215 = tpu.vector_load %arg12[%get3A, %get3A_214] {strides = array<i32>} : memref<128x64xi32, #tpu.memory_space<vmem>>, vector<1x16xi32>,
        %get3A_216 = vector.shape_cast %get3A_215 : vector<1x16xi32> to vector<16xi32>
        %shift_left3A = arith.constant 16 : i32
        %shift_left3A_217 = vector.broadcast %shift_left3A : i32 to vector<16xi32>
        %shift_left3A_218 = arith.shli %get3A_216, %shift_left3A_217 : vector<16xi32>
        %bitcast_convert_type3A = tpu.bitcast %shift_left3A_218 : vector<16xi32> -> vector<16xf32>
        %swap3A = arith.index_cast %scan3A_211 : i32 to index
        %swap3A_219 = arith.constant 0 : index
        %swap3A_220 = tpu.vector_load %arg14[%swap3A, %swap3A_219] {strides = array<i32>} : memref<64x128xf32, #tpu.memory_space<vmem>>, vector<1x16xf32>,
        %swap3A_221 = vector.shape_cast %swap3A_220 : vector<1x16xf32> to vector<16xf32>
        %swap3A_222 = vector.shape_cast %bitcast_convert_type3A : vector<16xf32> to vector<1x16xf32>
        tpu.vector_store %arg14[%swap3A, %swap3A_219], %swap3A_222 {strides = array<i32>} : memref<64x128xf32, #tpu.memory_space<vmem>>, vector<1x16xf32>,
        %broadcast_in_dim3A = arith.constant -65536 : i32
        %broadcast_in_dim3A_223 = vector.broadcast %broadcast_in_dim3A : i32 to vector<16xi32>
        %and3A = arith.andi %get3A_216, %broadcast_in_dim3A_223 : vector<16xi32>
        %bitcast_convert_type3A_224 = tpu.bitcast %and3A : vector<16xi32> -> vector<16xf32>
        %swap3A_225 = arith.index_cast %scan3A_211 : i32 to index
        %swap3A_226 = arith.constant 64 : index
        %swap3A_227 = tpu.vector_load %arg14[%swap3A_225, %swap3A_226] {strides = array<i32>} : memref<64x128xf32, #tpu.memory_space<vmem>>, vector<1x16xf32>,
        %swap3A_228 = vector.shape_cast %swap3A_227 : vector<1x16xf32> to vector<16xf32>
        %swap3A_229 = vector.shape_cast %bitcast_convert_type3A_224 : vector<16xf32> to vector<1x16xf32>
        tpu.vector_store %arg14[%swap3A_225, %swap3A_226], %swap3A_229 {strides = array<i32>} : memref<64x128xf32, #tpu.memory_space<vmem>>, vector<1x16xf32>,
        %add3A_230 = arith.constant 0 : i32
        %add3A_231 = arith.addi %add3A_230, %scan3A_211 : i32
        %get3A_232 = arith.index_cast %add3A_231 : i32 to index
        %get3A_233 = arith.constant 16 : index
        %get3A_234 = tpu.vector_load %arg12[%get3A_232, %get3A_233] {strides = array<i32>} : memref<128x64xi32, #tpu.memory_space<vmem>>, vector<1x16xi32>,
        %get3A_235 = vector.shape_cast %get3A_234 : vector<1x16xi32> to vector<16xi32>
        %shift_left3A_236 = arith.constant 16 : i32
        %shift_left3A_237 = vector.broadcast %shift_left3A_236 : i32 to vector<16xi32>
        %shift_left3A_238 = arith.shli %get3A_235, %shift_left3A_237 : vector<16xi32>
        %bitcast_convert_type3A_239 = tpu.bitcast %shift_left3A_238 : vector<16xi32> -> vector<16xf32>
        %swap3A_240 = arith.index_cast %scan3A_211 : i32 to index
        %swap3A_241 = arith.constant 16 : index
        %swap3A_242 = tpu.vector_load %arg14[%swap3A_240, %swap3A_241] {strides = array<i32>} : memref<64x128xf32, #tpu.memory_space<vmem>>, vector<1x16xf32>,
        %swap3A_243 = vector.shape_cast %swap3A_242 : vector<1x16xf32> to vector<16xf32>
        %swap3A_244 = vector.shape_cast %bitcast_convert_type3A_239 : vector<16xf32> to vector<1x16xf32>
        tpu.vector_store %arg14[%swap3A_240, %swap3A_241], %swap3A_244 {strides = array<i32>} : memref<64x128xf32, #tpu.memory_space<vmem>>, vector<1x16xf32>,
        %broadcast_in_dim3A_245 = arith.constant -65536 : i32
        %broadcast_in_dim3A_246 = vector.broadcast %broadcast_in_dim3A_245 : i32 to vector<16xi32>
        %and3A_247 = arith.andi %get3A_235, %broadcast_in_dim3A_246 : vector<16xi32>
        %bitcast_convert_type3A_248 = tpu.bitcast %and3A_247 : vector<16xi32> -> vector<16xf32>
        %swap3A_249 = arith.index_cast %scan3A_211 : i32 to index
        %swap3A_250 = arith.constant 80 : index
        %swap3A_251 = tpu.vector_load %arg14[%swap3A_249, %swap3A_250] {strides = array<i32>} : memref<64x128xf32, #tpu.memory_space<vmem>>, vector<1x16xf32>,
        %swap3A_252 = vector.shape_cast %swap3A_251 : vector<1x16xf32> to vector<16xf32>
        %swap3A_253 = vector.shape_cast %bitcast_convert_type3A_248 : vector<16xf32> to vector<1x16xf32>
        tpu.vector_store %arg14[%swap3A_249, %swap3A_250], %swap3A_253 {strides = array<i32>} : memref<64x128xf32, #tpu.memory_space<vmem>>, vector<1x16xf32>,
        %add3A_254 = arith.constant 0 : i32
        %add3A_255 = arith.addi %add3A_254, %scan3A_211 : i32
        %get3A_256 = arith.index_cast %add3A_255 : i32 to index
        %get3A_257 = arith.constant 32 : index
        %get3A_258 = tpu.vector_load %arg12[%get3A_256, %get3A_257] {strides = array<i32>} : memref<128x64xi32, #tpu.memory_space<vmem>>, vector<1x16xi32>,
        %get3A_259 = vector.shape_cast %get3A_258 : vector<1x16xi32> to vector<16xi32>
        %shift_left3A_260 = arith.constant 16 : i32
        %shift_left3A_261 = vector.broadcast %shift_left3A_260 : i32 to vector<16xi32>
        %shift_left3A_262 = arith.shli %get3A_259, %shift_left3A_261 : vector<16xi32>
        %bitcast_convert_type3A_263 = tpu.bitcast %shift_left3A_262 : vector<16xi32> -> vector<16xf32>
        %swap3A_264 = arith.index_cast %scan3A_211 : i32 to index
        %swap3A_265 = arith.constant 32 : index
        %swap3A_266 = tpu.vector_load %arg14[%swap3A_264, %swap3A_265] {strides = array<i32>} : memref<64x128xf32, #tpu.memory_space<vmem>>, vector<1x16xf32>,
        %swap3A_267 = vector.shape_cast %swap3A_266 : vector<1x16xf32> to vector<16xf32>
        %swap3A_268 = vector.shape_cast %bitcast_convert_type3A_263 : vector<16xf32> to vector<1x16xf32>
        tpu.vector_store %arg14[%swap3A_264, %swap3A_265], %swap3A_268 {strides = array<i32>} : memref<64x128xf32, #tpu.memory_space<vmem>>, vector<1x16xf32>,
        %broadcast_in_dim3A_269 = arith.constant -65536 : i32
        %broadcast_in_dim3A_270 = vector.broadcast %broadcast_in_dim3A_269 : i32 to vector<16xi32>
        %and3A_271 = arith.andi %get3A_259, %broadcast_in_dim3A_270 : vector<16xi32>
        %bitcast_convert_type3A_272 = tpu.bitcast %and3A_271 : vector<16xi32> -> vector<16xf32>
        %swap3A_273 = arith.index_cast %scan3A_211 : i32 to index
        %swap3A_274 = arith.constant 96 : index
        %swap3A_275 = tpu.vector_load %arg14[%swap3A_273, %swap3A_274] {strides = array<i32>} : memref<64x128xf32, #tpu.memory_space<vmem>>, vector<1x16xf32>,
        %swap3A_276 = vector.shape_cast %swap3A_275 : vector<1x16xf32> to vector<16xf32>
        %swap3A_277 = vector.shape_cast %bitcast_convert_type3A_272 : vector<16xf32> to vector<1x16xf32>
        tpu.vector_store %arg14[%swap3A_273, %swap3A_274], %swap3A_277 {strides = array<i32>} : memref<64x128xf32, #tpu.memory_space<vmem>>, vector<1x16xf32>,
        %add3A_278 = arith.constant 0 : i32
        %add3A_279 = arith.addi %add3A_278, %scan3A_211 : i32
        %get3A_280 = arith.index_cast %add3A_279 : i32 to index
        %get3A_281 = arith.constant 48 : index
        %get3A_282 = tpu.vector_load %arg12[%get3A_280, %get3A_281] {strides = array<i32>} : memref<128x64xi32, #tpu.memory_space<vmem>>, vector<1x16xi32>,
        %get3A_283 = vector.shape_cast %get3A_282 : vector<1x16xi32> to vector<16xi32>
        %shift_left3A_284 = arith.constant 16 : i32
        %shift_left3A_285 = vector.broadcast %shift_left3A_284 : i32 to vector<16xi32>
        %shift_left3A_286 = arith.shli %get3A_283, %shift_left3A_285 : vector<16xi32>
        %bitcast_convert_type3A_287 = tpu.bitcast %shift_left3A_286 : vector<16xi32> -> vector<16xf32>
        %swap3A_288 = arith.index_cast %scan3A_211 : i32 to index
        %swap3A_289 = arith.constant 48 : index
        %swap3A_290 = tpu.vector_load %arg14[%swap3A_288, %swap3A_289] {strides = array<i32>} : memref<64x128xf32, #tpu.memory_space<vmem>>, vector<1x16xf32>,
        %swap3A_291 = vector.shape_cast %swap3A_290 : vector<1x16xf32> to vector<16xf32>
        %swap3A_292 = vector.shape_cast %bitcast_convert_type3A_287 : vector<16xf32> to vector<1x16xf32>
        tpu.vector_store %arg14[%swap3A_288, %swap3A_289], %swap3A_292 {strides = array<i32>} : memref<64x128xf32, #tpu.memory_space<vmem>>, vector<1x16xf32>,
        %broadcast_in_dim3A_293 = arith.constant -65536 : i32
        %broadcast_in_dim3A_294 = vector.broadcast %broadcast_in_dim3A_293 : i32 to vector<16xi32>
        %and3A_295 = arith.andi %get3A_283, %broadcast_in_dim3A_294 : vector<16xi32>
        %bitcast_convert_type3A_296 = tpu.bitcast %and3A_295 : vector<16xi32> -> vector<16xf32>
        %swap3A_297 = arith.index_cast %scan3A_211 : i32 to index
        %swap3A_298 = arith.constant 112 : index
        %swap3A_299 = tpu.vector_load %arg14[%swap3A_297, %swap3A_298] {strides = array<i32>} : memref<64x128xf32, #tpu.memory_space<vmem>>, vector<1x16xf32>,
        %swap3A_300 = vector.shape_cast %swap3A_299 : vector<1x16xf32> to vector<16xf32>
        %swap3A_301 = vector.shape_cast %bitcast_convert_type3A_296 : vector<16xf32> to vector<1x16xf32>
        tpu.vector_store %arg14[%swap3A_297, %swap3A_298], %swap3A_301 {strides = array<i32>} : memref<64x128xf32, #tpu.memory_space<vmem>>, vector<1x16xf32>,
      }
      %scan3A_99 = arith.constant 64 : i32
      %dma_wait3A_100 = arith.constant 0 : i32
      %dma_wait3A_101 = tpu.memref_slice %arg4[%add3A, %add3A_82, %dma_wait3A_100] : memref<32x80x128xi32, #tpu.memory_space<hbm>> -> memref<1x1x64xi32, #tpu.memory_space<hbm>>
      %dma_wait3A_102 = tpu.memref_squeeze %dma_wait3A_101 : memref<1x1x64xi32, #tpu.memory_space<hbm>> -> memref<64xi32, #tpu.memory_space<hbm>>
      %dma_wait3A_103 = arith.constant 0 : i32
      %dma_wait3A_104 = tpu.memref_slice %arg4[%add3A, %add3A_82, %dma_wait3A_103] : memref<32x80x128xi32, #tpu.memory_space<hbm>> -> memref<1x1x64xi32, #tpu.memory_space<hbm>>
      %dma_wait3A_105 = tpu.memref_squeeze %dma_wait3A_104 : memref<1x1x64xi32, #tpu.memory_space<hbm>> -> memref<64xi32, #tpu.memory_space<hbm>>
      tpu.wait_dma2 semaphore(%arg19 : memref<!tpu.dma_semaphore, #tpu.memory_space<semaphore_mem>>) src(%dma_wait3A_105 : memref<64xi32, #tpu.memory_space<hbm>>) dst(%arg8 : memref<64xi32, #tpu.memory_space<vmem>>)
      %dma_start3A_106 = arith.constant 0 : i32
      %dma_start3A_107 = arith.constant 0 : i32
      %dma_start3A_108 = tpu.memref_slice %arg16[%dma_start3A_106, %dma_start3A_107] : memref<10112x128xf32, #tpu.memory_space<vmem_shared>> -> memref<10112x128xf32, #tpu.memory_space<vmem_shared>>
      tpu.enqueue_indirect_dma source(%arg14 : memref<64x128xf32, #tpu.memory_space<vmem>>) target(%dma_start3A_108 : memref<10112x128xf32, #tpu.memory_space<vmem_shared>>) offsets(%arg8 : memref<64xi32, #tpu.memory_space<vmem>>) semaphore(%arg25 : memref<!tpu.dma_semaphore, #tpu.memory_space<semaphore_mem>>) {add = true}
      %ge3A_109 = arith.constant 1 : i32
      %ge3A_110 = arith.cmpi sge, %add3A_82, %ge3A_109 : i32
      %convert_element_type3A_111 = arith.extui %ge3A_110 : i1 to i32
      %cond3A_112 = arith.constant 0 : i32
      %cond3A_113 = arith.cmpi ne, %convert_element_type3A_111, %cond3A_112 : i32
      scf.if %cond3A_113 {
        %dma_wait3A_211 = arith.constant 0 : i32
        %dma_wait3A_212 = arith.constant 0 : i32
        %dma_wait3A_213 = tpu.memref_slice %arg16[%dma_wait3A_211, %dma_wait3A_212] : memref<10112x128xf32, #tpu.memory_space<vmem_shared>> -> memref<10112x128xf32, #tpu.memory_space<vmem_shared>>
        tpu.wait_indirect_dma semaphore(%arg26 : memref<!tpu.dma_semaphore, #tpu.memory_space<semaphore_mem>>) src(%arg15 : memref<64x128xf32, #tpu.memory_space<vmem>>) dst(%dma_wait3A_213 : memref<10112x128xf32, #tpu.memory_space<vmem_shared>>)
      } else {
      }
      %scan3A_114 = arith.constant 0 : i32
      %scan3A_115 = arith.constant 0 : i32
      %scan3A_116 = arith.constant 64 : i32
      %scan3A_117 = arith.addi %scan3A_115, %scan3A_116 : i32
      %scan3A_118 = arith.constant 1 : i32
      scf.for %scan3A_211 = %scan3A_115 to %scan3A_117 step %scan3A_118  : i32 {
        %add3A_212 = arith.constant 64 : i32
        %add3A_213 = arith.addi %add3A_212, %scan3A_211 : i32
        %get3A = arith.index_cast %add3A_213 : i32 to index
        %get3A_214 = arith.constant 0 : index
        %get3A_215 = tpu.vector_load %arg12[%get3A, %get3A_214] {strides = array<i32>} : memref<128x64xi32, #tpu.memory_space<vmem>>, vector<1x16xi32>,
        %get3A_216 = vector.shape_cast %get3A_215 : vector<1x16xi32> to vector<16xi32>
        %shift_left3A = arith.constant 16 : i32
        %shift_left3A_217 = vector.broadcast %shift_left3A : i32 to vector<16xi32>
        %shift_left3A_218 = arith.shli %get3A_216, %shift_left3A_217 : vector<16xi32>
        %bitcast_convert_type3A = tpu.bitcast %shift_left3A_218 : vector<16xi32> -> vector<16xf32>
        %swap3A = arith.index_cast %scan3A_211 : i32 to index
        %swap3A_219 = arith.constant 0 : index
        %swap3A_220 = tpu.vector_load %arg15[%swap3A, %swap3A_219] {strides = array<i32>} : memref<64x128xf32, #tpu.memory_space<vmem>>, vector<1x16xf32>,
        %swap3A_221 = vector.shape_cast %swap3A_220 : vector<1x16xf32> to vector<16xf32>
        %swap3A_222 = vector.shape_cast %bitcast_convert_type3A : vector<16xf32> to vector<1x16xf32>
        tpu.vector_store %arg15[%swap3A, %swap3A_219], %swap3A_222 {strides = array<i32>} : memref<64x128xf32, #tpu.memory_space<vmem>>, vector<1x16xf32>,
        %broadcast_in_dim3A = arith.constant -65536 : i32
        %broadcast_in_dim3A_223 = vector.broadcast %broadcast_in_dim3A : i32 to vector<16xi32>
        %and3A = arith.andi %get3A_216, %broadcast_in_dim3A_223 : vector<16xi32>
        %bitcast_convert_type3A_224 = tpu.bitcast %and3A : vector<16xi32> -> vector<16xf32>
        %swap3A_225 = arith.index_cast %scan3A_211 : i32 to index
        %swap3A_226 = arith.constant 64 : index
        %swap3A_227 = tpu.vector_load %arg15[%swap3A_225, %swap3A_226] {strides = array<i32>} : memref<64x128xf32, #tpu.memory_space<vmem>>, vector<1x16xf32>,
        %swap3A_228 = vector.shape_cast %swap3A_227 : vector<1x16xf32> to vector<16xf32>
        %swap3A_229 = vector.shape_cast %bitcast_convert_type3A_224 : vector<16xf32> to vector<1x16xf32>
        tpu.vector_store %arg15[%swap3A_225, %swap3A_226], %swap3A_229 {strides = array<i32>} : memref<64x128xf32, #tpu.memory_space<vmem>>, vector<1x16xf32>,
        %add3A_230 = arith.constant 64 : i32
        %add3A_231 = arith.addi %add3A_230, %scan3A_211 : i32
        %get3A_232 = arith.index_cast %add3A_231 : i32 to index
        %get3A_233 = arith.constant 16 : index
        %get3A_234 = tpu.vector_load %arg12[%get3A_232, %get3A_233] {strides = array<i32>} : memref<128x64xi32, #tpu.memory_space<vmem>>, vector<1x16xi32>,
        %get3A_235 = vector.shape_cast %get3A_234 : vector<1x16xi32> to vector<16xi32>
        %shift_left3A_236 = arith.constant 16 : i32
        %shift_left3A_237 = vector.broadcast %shift_left3A_236 : i32 to vector<16xi32>
        %shift_left3A_238 = arith.shli %get3A_235, %shift_left3A_237 : vector<16xi32>
        %bitcast_convert_type3A_239 = tpu.bitcast %shift_left3A_238 : vector<16xi32> -> vector<16xf32>
        %swap3A_240 = arith.index_cast %scan3A_211 : i32 to index
        %swap3A_241 = arith.constant 16 : index
        %swap3A_242 = tpu.vector_load %arg15[%swap3A_240, %swap3A_241] {strides = array<i32>} : memref<64x128xf32, #tpu.memory_space<vmem>>, vector<1x16xf32>,
        %swap3A_243 = vector.shape_cast %swap3A_242 : vector<1x16xf32> to vector<16xf32>
        %swap3A_244 = vector.shape_cast %bitcast_convert_type3A_239 : vector<16xf32> to vector<1x16xf32>
        tpu.vector_store %arg15[%swap3A_240, %swap3A_241], %swap3A_244 {strides = array<i32>} : memref<64x128xf32, #tpu.memory_space<vmem>>, vector<1x16xf32>,
        %broadcast_in_dim3A_245 = arith.constant -65536 : i32
        %broadcast_in_dim3A_246 = vector.broadcast %broadcast_in_dim3A_245 : i32 to vector<16xi32>
        %and3A_247 = arith.andi %get3A_235, %broadcast_in_dim3A_246 : vector<16xi32>
        %bitcast_convert_type3A_248 = tpu.bitcast %and3A_247 : vector<16xi32> -> vector<16xf32>
        %swap3A_249 = arith.index_cast %scan3A_211 : i32 to index
        %swap3A_250 = arith.constant 80 : index
        %swap3A_251 = tpu.vector_load %arg15[%swap3A_249, %swap3A_250] {strides = array<i32>} : memref<64x128xf32, #tpu.memory_space<vmem>>, vector<1x16xf32>,
        %swap3A_252 = vector.shape_cast %swap3A_251 : vector<1x16xf32> to vector<16xf32>
        %swap3A_253 = vector.shape_cast %bitcast_convert_type3A_248 : vector<16xf32> to vector<1x16xf32>
        tpu.vector_store %arg15[%swap3A_249, %swap3A_250], %swap3A_253 {strides = array<i32>} : memref<64x128xf32, #tpu.memory_space<vmem>>, vector<1x16xf32>,
        %add3A_254 = arith.constant 64 : i32
        %add3A_255 = arith.addi %add3A_254, %scan3A_211 : i32
        %get3A_256 = arith.index_cast %add3A_255 : i32 to index
        %get3A_257 = arith.constant 32 : index
        %get3A_258 = tpu.vector_load %arg12[%get3A_256, %get3A_257] {strides = array<i32>} : memref<128x64xi32, #tpu.memory_space<vmem>>, vector<1x16xi32>,
        %get3A_259 = vector.shape_cast %get3A_258 : vector<1x16xi32> to vector<16xi32>
        %shift_left3A_260 = arith.constant 16 : i32
        %shift_left3A_261 = vector.broadcast %shift_left3A_260 : i32 to vector<16xi32>
        %shift_left3A_262 = arith.shli %get3A_259, %shift_left3A_261 : vector<16xi32>
        %bitcast_convert_type3A_263 = tpu.bitcast %shift_left3A_262 : vector<16xi32> -> vector<16xf32>
        %swap3A_264 = arith.index_cast %scan3A_211 : i32 to index
        %swap3A_265 = arith.constant 32 : index
        %swap3A_266 = tpu.vector_load %arg15[%swap3A_264, %swap3A_265] {strides = array<i32>} : memref<64x128xf32, #tpu.memory_space<vmem>>, vector<1x16xf32>,
        %swap3A_267 = vector.shape_cast %swap3A_266 : vector<1x16xf32> to vector<16xf32>
        %swap3A_268 = vector.shape_cast %bitcast_convert_type3A_263 : vector<16xf32> to vector<1x16xf32>
        tpu.vector_store %arg15[%swap3A_264, %swap3A_265], %swap3A_268 {strides = array<i32>} : memref<64x128xf32, #tpu.memory_space<vmem>>, vector<1x16xf32>,
        %broadcast_in_dim3A_269 = arith.constant -65536 : i32
        %broadcast_in_dim3A_270 = vector.broadcast %broadcast_in_dim3A_269 : i32 to vector<16xi32>
        %and3A_271 = arith.andi %get3A_259, %broadcast_in_dim3A_270 : vector<16xi32>
        %bitcast_convert_type3A_272 = tpu.bitcast %and3A_271 : vector<16xi32> -> vector<16xf32>
        %swap3A_273 = arith.index_cast %scan3A_211 : i32 to index
        %swap3A_274 = arith.constant 96 : index
        %swap3A_275 = tpu.vector_load %arg15[%swap3A_273, %swap3A_274] {strides = array<i32>} : memref<64x128xf32, #tpu.memory_space<vmem>>, vector<1x16xf32>,
        %swap3A_276 = vector.shape_cast %swap3A_275 : vector<1x16xf32> to vector<16xf32>
        %swap3A_277 = vector.shape_cast %bitcast_convert_type3A_272 : vector<16xf32> to vector<1x16xf32>
        tpu.vector_store %arg15[%swap3A_273, %swap3A_274], %swap3A_277 {strides = array<i32>} : memref<64x128xf32, #tpu.memory_space<vmem>>, vector<1x16xf32>,
        %add3A_278 = arith.constant 64 : i32
        %add3A_279 = arith.addi %add3A_278, %scan3A_211 : i32
        %get3A_280 = arith.index_cast %add3A_279 : i32 to index
        %get3A_281 = arith.constant 48 : index
        %get3A_282 = tpu.vector_load %arg12[%get3A_280, %get3A_281] {strides = array<i32>} : memref<128x64xi32, #tpu.memory_space<vmem>>, vector<1x16xi32>,
        %get3A_283 = vector.shape_cast %get3A_282 : vector<1x16xi32> to vector<16xi32>
        %shift_left3A_284 = arith.constant 16 : i32
        %shift_left3A_285 = vector.broadcast %shift_left3A_284 : i32 to vector<16xi32>
        %shift_left3A_286 = arith.shli %get3A_283, %shift_left3A_285 : vector<16xi32>
        %bitcast_convert_type3A_287 = tpu.bitcast %shift_left3A_286 : vector<16xi32> -> vector<16xf32>
        %swap3A_288 = arith.index_cast %scan3A_211 : i32 to index
        %swap3A_289 = arith.constant 48 : index
        %swap3A_290 = tpu.vector_load %arg15[%swap3A_288, %swap3A_289] {strides = array<i32>} : memref<64x128xf32, #tpu.memory_space<vmem>>, vector<1x16xf32>,
        %swap3A_291 = vector.shape_cast %swap3A_290 : vector<1x16xf32> to vector<16xf32>
        %swap3A_292 = vector.shape_cast %bitcast_convert_type3A_287 : vector<16xf32> to vector<1x16xf32>
        tpu.vector_store %arg15[%swap3A_288, %swap3A_289], %swap3A_292 {strides = array<i32>} : memref<64x128xf32, #tpu.memory_space<vmem>>, vector<1x16xf32>,
        %broadcast_in_dim3A_293 = arith.constant -65536 : i32
        %broadcast_in_dim3A_294 = vector.broadcast %broadcast_in_dim3A_293 : i32 to vector<16xi32>
        %and3A_295 = arith.andi %get3A_283, %broadcast_in_dim3A_294 : vector<16xi32>
        %bitcast_convert_type3A_296 = tpu.bitcast %and3A_295 : vector<16xi32> -> vector<16xf32>
        %swap3A_297 = arith.index_cast %scan3A_211 : i32 to index
        %swap3A_298 = arith.constant 112 : index
        %swap3A_299 = tpu.vector_load %arg15[%swap3A_297, %swap3A_298] {strides = array<i32>} : memref<64x128xf32, #tpu.memory_space<vmem>>, vector<1x16xf32>,
        %swap3A_300 = vector.shape_cast %swap3A_299 : vector<1x16xf32> to vector<16xf32>
        %swap3A_301 = vector.shape_cast %bitcast_convert_type3A_296 : vector<16xf32> to vector<1x16xf32>
        tpu.vector_store %arg15[%swap3A_297, %swap3A_298], %swap3A_301 {strides = array<i32>} : memref<64x128xf32, #tpu.memory_space<vmem>>, vector<1x16xf32>,
      }
      %scan3A_119 = arith.constant 64 : i32
      %dma_wait3A_120 = arith.constant 64 : i32
      %dma_wait3A_121 = tpu.memref_slice %arg4[%add3A, %add3A_82, %dma_wait3A_120] : memref<32x80x128xi32, #tpu.memory_space<hbm>> -> memref<1x1x64xi32, #tpu.memory_space<hbm>>
      %dma_wait3A_122 = tpu.memref_squeeze %dma_wait3A_121 : memref<1x1x64xi32, #tpu.memory_space<hbm>> -> memref<64xi32, #tpu.memory_space<hbm>>
      %dma_wait3A_123 = arith.constant 64 : i32
      %dma_wait3A_124 = tpu.memref_slice %arg4[%add3A, %add3A_82, %dma_wait3A_123] : memref<32x80x128xi32, #tpu.memory_space<hbm>> -> memref<1x1x64xi32, #tpu.memory_space<hbm>>
      %dma_wait3A_125 = tpu.memref_squeeze %dma_wait3A_124 : memref<1x1x64xi32, #tpu.memory_space<hbm>> -> memref<64xi32, #tpu.memory_space<hbm>>
      tpu.wait_dma2 semaphore(%arg20 : memref<!tpu.dma_semaphore, #tpu.memory_space<semaphore_mem>>) src(%dma_wait3A_125 : memref<64xi32, #tpu.memory_space<hbm>>) dst(%arg9 : memref<64xi32, #tpu.memory_space<vmem>>)
      %dma_start3A_126 = arith.constant 0 : i32
      %dma_start3A_127 = arith.constant 0 : i32
      %dma_start3A_128 = tpu.memref_slice %arg16[%dma_start3A_126, %dma_start3A_127] : memref<10112x128xf32, #tpu.memory_space<vmem_shared>> -> memref<10112x128xf32, #tpu.memory_space<vmem_shared>>
      tpu.enqueue_indirect_dma source(%arg15 : memref<64x128xf32, #tpu.memory_space<vmem>>) target(%dma_start3A_128 : memref<10112x128xf32, #tpu.memory_space<vmem_shared>>) offsets(%arg9 : memref<64xi32, #tpu.memory_space<vmem>>) semaphore(%arg26 : memref<!tpu.dma_semaphore, #tpu.memory_space<semaphore_mem>>) {add = true}
      %add3A_129 = arith.constant 1 : i32
      %add3A_130 = arith.addi %add3A_82, %add3A_129 : i32
      %lt3A_131 = arith.constant 80 : i32
      %lt3A_132 = arith.cmpi slt, %add3A_130, %lt3A_131 : i32
      %convert_element_type3A_133 = arith.extui %lt3A_132 : i1 to i32
      %cond3A_134 = arith.constant 0 : i32
      %cond3A_135 = arith.cmpi ne, %convert_element_type3A_133, %cond3A_134 : i32
      scf.if %cond3A_135 {
        %add3A_211 = arith.constant 1 : i32
        %add3A_212 = arith.addi %add3A_82, %add3A_211 : i32
        %dma_start3A_213 = arith.constant 0 : i32
        %dma_start3A_214 = tpu.memref_slice %arg4[%add3A, %add3A_212, %dma_start3A_213] : memref<32x80x128xi32, #tpu.memory_space<hbm>> -> memref<1x1x64xi32, #tpu.memory_space<hbm>>
        %dma_start3A_215 = tpu.memref_squeeze %dma_start3A_214 : memref<1x1x64xi32, #tpu.memory_space<hbm>> -> memref<64xi32, #tpu.memory_space<hbm>>
        %dma_start3A_216 = arith.constant 0 : i32
        %dma_start3A_217 = tpu.memref_slice %arg4[%add3A, %add3A_212, %dma_start3A_216] : memref<32x80x128xi32, #tpu.memory_space<hbm>> -> memref<1x1x64xi32, #tpu.memory_space<hbm>>
        %dma_start3A_218 = tpu.memref_squeeze %dma_start3A_217 : memref<1x1x64xi32, #tpu.memory_space<hbm>> -> memref<64xi32, #tpu.memory_space<hbm>>
        tpu.enqueue_dma source(%dma_start3A_218 : memref<64xi32, #tpu.memory_space<hbm>>) target(%arg10 : memref<64xi32, #tpu.memory_space<vmem>>) target_semaphore(%arg21 : memref<!tpu.dma_semaphore, #tpu.memory_space<semaphore_mem>>)
        %add3A_219 = arith.constant 1 : i32
        %add3A_220 = arith.addi %add3A_82, %add3A_219 : i32
        %dma_start3A_221 = arith.constant 64 : i32
        %dma_start3A_222 = tpu.memref_slice %arg4[%add3A, %add3A_220, %dma_start3A_221] : memref<32x80x128xi32, #tpu.memory_space<hbm>> -> memref<1x1x64xi32, #tpu.memory_space<hbm>>
        %dma_start3A_223 = tpu.memref_squeeze %dma_start3A_222 : memref<1x1x64xi32, #tpu.memory_space<hbm>> -> memref<64xi32, #tpu.memory_space<hbm>>
        %dma_start3A_224 = arith.constant 64 : i32
        %dma_start3A_225 = tpu.memref_slice %arg4[%add3A, %add3A_220, %dma_start3A_224] : memref<32x80x128xi32, #tpu.memory_space<hbm>> -> memref<1x1x64xi32, #tpu.memory_space<hbm>>
        %dma_start3A_226 = tpu.memref_squeeze %dma_start3A_225 : memref<1x1x64xi32, #tpu.memory_space<hbm>> -> memref<64xi32, #tpu.memory_space<hbm>>
        tpu.enqueue_dma source(%dma_start3A_226 : memref<64xi32, #tpu.memory_space<hbm>>) target(%arg11 : memref<64xi32, #tpu.memory_space<vmem>>) target_semaphore(%arg22 : memref<!tpu.dma_semaphore, #tpu.memory_space<semaphore_mem>>)
      } else {
      }
      %add3A_136 = arith.constant 2 : i32
      %add3A_137 = arith.addi %add3A_82, %add3A_136 : i32
      %lt3A_138 = arith.constant 80 : i32
      %lt3A_139 = arith.cmpi slt, %add3A_137, %lt3A_138 : i32
      %convert_element_type3A_140 = arith.extui %lt3A_139 : i1 to i32
      %cond3A_141 = arith.constant 0 : i32
      %cond3A_142 = arith.cmpi ne, %convert_element_type3A_140, %cond3A_141 : i32
      scf.if %cond3A_142 {
        %add3A_211 = arith.constant 2 : i32
        %add3A_212 = arith.addi %add3A_82, %add3A_211 : i32
        %dma_start3A_213 = arith.constant 0 : i32
        %dma_start3A_214 = tpu.memref_slice %arg3[%add3A, %add3A_212, %dma_start3A_213] : memref<32x80x128xi32, #tpu.memory_space<hbm>> -> memref<1x1x128xi32, #tpu.memory_space<hbm>>
        %dma_start3A_215 = tpu.memref_squeeze %dma_start3A_214 : memref<1x1x128xi32, #tpu.memory_space<hbm>> -> memref<128xi32, #tpu.memory_space<hbm>>
        %dma_start3A_216 = arith.constant 0 : i32
        %dma_start3A_217 = tpu.memref_slice %arg3[%add3A, %add3A_212, %dma_start3A_216] : memref<32x80x128xi32, #tpu.memory_space<hbm>> -> memref<1x1x128xi32, #tpu.memory_space<hbm>>
        %dma_start3A_218 = tpu.memref_squeeze %dma_start3A_217 : memref<1x1x128xi32, #tpu.memory_space<hbm>> -> memref<128xi32, #tpu.memory_space<hbm>>
        tpu.enqueue_dma source(%dma_start3A_218 : memref<128xi32, #tpu.memory_space<hbm>>) target(%arg6 : memref<128xi32, #tpu.memory_space<vmem>>) target_semaphore(%arg17 : memref<!tpu.dma_semaphore, #tpu.memory_space<semaphore_mem>>)
      } else {
      }
      %mul3A_143 = arith.constant 2 : i32
      %mul3A_144 = arith.muli %scan3A_78, %mul3A_143 : i32
      %add3A_145 = arith.constant 1 : i32
      %add3A_146 = arith.addi %mul3A_144, %add3A_145 : i32
      %dma_wait3A_147 = arith.constant 0 : i32
      %dma_wait3A_148 = arith.constant 0 : i32
      %dma_wait3A_149 = tpu.memref_slice %arg2[%dma_wait3A_147, %dma_wait3A_148] : memref<10000x64xi32, #tpu.memory_space<hbm>> -> memref<10000x64xi32, #tpu.memory_space<hbm>>
      tpu.wait_indirect_dma semaphore(%arg24 : memref<!tpu.dma_semaphore, #tpu.memory_space<semaphore_mem>>) src(%dma_wait3A_149 : memref<10000x64xi32, #tpu.memory_space<hbm>>) dst(%arg13 : memref<128x64xi32, #tpu.memory_space<vmem>>)
      %add3A_150 = arith.constant 1 : i32
      %add3A_151 = arith.addi %add3A_146, %add3A_150 : i32
      %lt3A_152 = arith.constant 80 : i32
      %lt3A_153 = arith.cmpi slt, %add3A_151, %lt3A_152 : i32
      %convert_element_type3A_154 = arith.extui %lt3A_153 : i1 to i32
      %cond3A_155 = arith.constant 0 : i32
      %cond3A_156 = arith.cmpi ne, %convert_element_type3A_154, %cond3A_155 : i32
      scf.if %cond3A_156 {
        %add3A_211 = arith.constant 1 : i32
        %add3A_212 = arith.addi %add3A_146, %add3A_211 : i32
        %dma_wait3A_213 = arith.constant 0 : i32
        %dma_wait3A_214 = tpu.memref_slice %arg3[%add3A, %add3A_212, %dma_wait3A_213] : memref<32x80x128xi32, #tpu.memory_space<hbm>> -> memref<1x1x128xi32, #tpu.memory_space<hbm>>
        %dma_wait3A_215 = tpu.memref_squeeze %dma_wait3A_214 : memref<1x1x128xi32, #tpu.memory_space<hbm>> -> memref<128xi32, #tpu.memory_space<hbm>>
        %dma_wait3A_216 = arith.constant 0 : i32
        %dma_wait3A_217 = tpu.memref_slice %arg3[%add3A, %add3A_212, %dma_wait3A_216] : memref<32x80x128xi32, #tpu.memory_space<hbm>> -> memref<1x1x128xi32, #tpu.memory_space<hbm>>
        %dma_wait3A_218 = tpu.memref_squeeze %dma_wait3A_217 : memref<1x1x128xi32, #tpu.memory_space<hbm>> -> memref<128xi32, #tpu.memory_space<hbm>>
        tpu.wait_dma2 semaphore(%arg17 : memref<!tpu.dma_semaphore, #tpu.memory_space<semaphore_mem>>) src(%dma_wait3A_218 : memref<128xi32, #tpu.memory_space<hbm>>) dst(%arg6 : memref<128xi32, #tpu.memory_space<vmem>>)
        %dma_start3A_219 = arith.constant 0 : i32
        %dma_start3A_220 = arith.constant 0 : i32
        %dma_start3A_221 = tpu.memref_slice %arg2[%dma_start3A_219, %dma_start3A_220] : memref<10000x64xi32, #tpu.memory_space<hbm>> -> memref<10000x64xi32, #tpu.memory_space<hbm>>
        tpu.enqueue_indirect_dma source(%dma_start3A_221 : memref<10000x64xi32, #tpu.memory_space<hbm>>) target(%arg12 : memref<128x64xi32, #tpu.memory_space<vmem>>) offsets(%arg6 : memref<128xi32, #tpu.memory_space<vmem>>) semaphore(%arg23 : memref<!tpu.dma_semaphore, #tpu.memory_space<semaphore_mem>>)
      } else {
      }
      %ge3A_157 = arith.constant 1 : i32
      %ge3A_158 = arith.cmpi sge, %add3A_146, %ge3A_157 : i32
      %convert_element_type3A_159 = arith.extui %ge3A_158 : i1 to i32
      %cond3A_160 = arith.constant 0 : i32
      %cond3A_161 = arith.cmpi ne, %convert_element_type3A_159, %cond3A_160 : i32
      scf.if %cond3A_161 {
        %dma_wait3A_211 = arith.constant 0 : i32
        %dma_wait3A_212 = arith.constant 0 : i32
        %dma_wait3A_213 = tpu.memref_slice %arg16[%dma_wait3A_211, %dma_wait3A_212] : memref<10112x128xf32, #tpu.memory_space<vmem_shared>> -> memref<10112x128xf32, #tpu.memory_space<vmem_shared>>
        tpu.wait_indirect_dma semaphore(%arg25 : memref<!tpu.dma_semaphore, #tpu.memory_space<semaphore_mem>>) src(%arg14 : memref<64x128xf32, #tpu.memory_space<vmem>>) dst(%dma_wait3A_213 : memref<10112x128xf32, #tpu.memory_space<vmem_shared>>)
      } else {
      }
      %scan3A_162 = arith.constant 0 : i32
      %scan3A_163 = arith.constant 0 : i32
      %scan3A_164 = arith.constant 64 : i32
      %scan3A_165 = arith.addi %scan3A_163, %scan3A_164 : i32
      %scan3A_166 = arith.constant 1 : i32
      scf.for %scan3A_211 = %scan3A_163 to %scan3A_165 step %scan3A_166  : i32 {
        %add3A_212 = arith.constant 0 : i32
        %add3A_213 = arith.addi %add3A_212, %scan3A_211 : i32
        %get3A = arith.index_cast %add3A_213 : i32 to index
        %get3A_214 = arith.constant 0 : index
        %get3A_215 = tpu.vector_load %arg13[%get3A, %get3A_214] {strides = array<i32>} : memref<128x64xi32, #tpu.memory_space<vmem>>, vector<1x16xi32>,
        %get3A_216 = vector.shape_cast %get3A_215 : vector<1x16xi32> to vector<16xi32>
        %shift_left3A = arith.constant 16 : i32
        %shift_left3A_217 = vector.broadcast %shift_left3A : i32 to vector<16xi32>
        %shift_left3A_218 = arith.shli %get3A_216, %shift_left3A_217 : vector<16xi32>
        %bitcast_convert_type3A = tpu.bitcast %shift_left3A_218 : vector<16xi32> -> vector<16xf32>
        %swap3A = arith.index_cast %scan3A_211 : i32 to index
        %swap3A_219 = arith.constant 0 : index
        %swap3A_220 = tpu.vector_load %arg14[%swap3A, %swap3A_219] {strides = array<i32>} : memref<64x128xf32, #tpu.memory_space<vmem>>, vector<1x16xf32>,
        %swap3A_221 = vector.shape_cast %swap3A_220 : vector<1x16xf32> to vector<16xf32>
        %swap3A_222 = vector.shape_cast %bitcast_convert_type3A : vector<16xf32> to vector<1x16xf32>
        tpu.vector_store %arg14[%swap3A, %swap3A_219], %swap3A_222 {strides = array<i32>} : memref<64x128xf32, #tpu.memory_space<vmem>>, vector<1x16xf32>,
        %broadcast_in_dim3A = arith.constant -65536 : i32
        %broadcast_in_dim3A_223 = vector.broadcast %broadcast_in_dim3A : i32 to vector<16xi32>
        %and3A = arith.andi %get3A_216, %broadcast_in_dim3A_223 : vector<16xi32>
        %bitcast_convert_type3A_224 = tpu.bitcast %and3A : vector<16xi32> -> vector<16xf32>
        %swap3A_225 = arith.index_cast %scan3A_211 : i32 to index
        %swap3A_226 = arith.constant 64 : index
        %swap3A_227 = tpu.vector_load %arg14[%swap3A_225, %swap3A_226] {strides = array<i32>} : memref<64x128xf32, #tpu.memory_space<vmem>>, vector<1x16xf32>,
        %swap3A_228 = vector.shape_cast %swap3A_227 : vector<1x16xf32> to vector<16xf32>
        %swap3A_229 = vector.shape_cast %bitcast_convert_type3A_224 : vector<16xf32> to vector<1x16xf32>
        tpu.vector_store %arg14[%swap3A_225, %swap3A_226], %swap3A_229 {strides = array<i32>} : memref<64x128xf32, #tpu.memory_space<vmem>>, vector<1x16xf32>,
        %add3A_230 = arith.constant 0 : i32
        %add3A_231 = arith.addi %add3A_230, %scan3A_211 : i32
        %get3A_232 = arith.index_cast %add3A_231 : i32 to index
        %get3A_233 = arith.constant 16 : index
        %get3A_234 = tpu.vector_load %arg13[%get3A_232, %get3A_233] {strides = array<i32>} : memref<128x64xi32, #tpu.memory_space<vmem>>, vector<1x16xi32>,
        %get3A_235 = vector.shape_cast %get3A_234 : vector<1x16xi32> to vector<16xi32>
        %shift_left3A_236 = arith.constant 16 : i32
        %shift_left3A_237 = vector.broadcast %shift_left3A_236 : i32 to vector<16xi32>
        %shift_left3A_238 = arith.shli %get3A_235, %shift_left3A_237 : vector<16xi32>
        %bitcast_convert_type3A_239 = tpu.bitcast %shift_left3A_238 : vector<16xi32> -> vector<16xf32>
        %swap3A_240 = arith.index_cast %scan3A_211 : i32 to index
        %swap3A_241 = arith.constant 16 : index
        %swap3A_242 = tpu.vector_load %arg14[%swap3A_240, %swap3A_241] {strides = array<i32>} : memref<64x128xf32, #tpu.memory_space<vmem>>, vector<1x16xf32>,
        %swap3A_243 = vector.shape_cast %swap3A_242 : vector<1x16xf32> to vector<16xf32>
        %swap3A_244 = vector.shape_cast %bitcast_convert_type3A_239 : vector<16xf32> to vector<1x16xf32>
        tpu.vector_store %arg14[%swap3A_240, %swap3A_241], %swap3A_244 {strides = array<i32>} : memref<64x128xf32, #tpu.memory_space<vmem>>, vector<1x16xf32>,
        %broadcast_in_dim3A_245 = arith.constant -65536 : i32
        %broadcast_in_dim3A_246 = vector.broadcast %broadcast_in_dim3A_245 : i32 to vector<16xi32>
        %and3A_247 = arith.andi %get3A_235, %broadcast_in_dim3A_246 : vector<16xi32>
        %bitcast_convert_type3A_248 = tpu.bitcast %and3A_247 : vector<16xi32> -> vector<16xf32>
        %swap3A_249 = arith.index_cast %scan3A_211 : i32 to index
        %swap3A_250 = arith.constant 80 : index
        %swap3A_251 = tpu.vector_load %arg14[%swap3A_249, %swap3A_250] {strides = array<i32>} : memref<64x128xf32, #tpu.memory_space<vmem>>, vector<1x16xf32>,
        %swap3A_252 = vector.shape_cast %swap3A_251 : vector<1x16xf32> to vector<16xf32>
        %swap3A_253 = vector.shape_cast %bitcast_convert_type3A_248 : vector<16xf32> to vector<1x16xf32>
        tpu.vector_store %arg14[%swap3A_249, %swap3A_250], %swap3A_253 {strides = array<i32>} : memref<64x128xf32, #tpu.memory_space<vmem>>, vector<1x16xf32>,
        %add3A_254 = arith.constant 0 : i32
        %add3A_255 = arith.addi %add3A_254, %scan3A_211 : i32
        %get3A_256 = arith.index_cast %add3A_255 : i32 to index
        %get3A_257 = arith.constant 32 : index
        %get3A_258 = tpu.vector_load %arg13[%get3A_256, %get3A_257] {strides = array<i32>} : memref<128x64xi32, #tpu.memory_space<vmem>>, vector<1x16xi32>,
        %get3A_259 = vector.shape_cast %get3A_258 : vector<1x16xi32> to vector<16xi32>
        %shift_left3A_260 = arith.constant 16 : i32
        %shift_left3A_261 = vector.broadcast %shift_left3A_260 : i32 to vector<16xi32>
        %shift_left3A_262 = arith.shli %get3A_259, %shift_left3A_261 : vector<16xi32>
        %bitcast_convert_type3A_263 = tpu.bitcast %shift_left3A_262 : vector<16xi32> -> vector<16xf32>
        %swap3A_264 = arith.index_cast %scan3A_211 : i32 to index
        %swap3A_265 = arith.constant 32 : index
        %swap3A_266 = tpu.vector_load %arg14[%swap3A_264, %swap3A_265] {strides = array<i32>} : memref<64x128xf32, #tpu.memory_space<vmem>>, vector<1x16xf32>,
        %swap3A_267 = vector.shape_cast %swap3A_266 : vector<1x16xf32> to vector<16xf32>
        %swap3A_268 = vector.shape_cast %bitcast_convert_type3A_263 : vector<16xf32> to vector<1x16xf32>
        tpu.vector_store %arg14[%swap3A_264, %swap3A_265], %swap3A_268 {strides = array<i32>} : memref<64x128xf32, #tpu.memory_space<vmem>>, vector<1x16xf32>,
        %broadcast_in_dim3A_269 = arith.constant -65536 : i32
        %broadcast_in_dim3A_270 = vector.broadcast %broadcast_in_dim3A_269 : i32 to vector<16xi32>
        %and3A_271 = arith.andi %get3A_259, %broadcast_in_dim3A_270 : vector<16xi32>
        %bitcast_convert_type3A_272 = tpu.bitcast %and3A_271 : vector<16xi32> -> vector<16xf32>
        %swap3A_273 = arith.index_cast %scan3A_211 : i32 to index
        %swap3A_274 = arith.constant 96 : index
        %swap3A_275 = tpu.vector_load %arg14[%swap3A_273, %swap3A_274] {strides = array<i32>} : memref<64x128xf32, #tpu.memory_space<vmem>>, vector<1x16xf32>,
        %swap3A_276 = vector.shape_cast %swap3A_275 : vector<1x16xf32> to vector<16xf32>
        %swap3A_277 = vector.shape_cast %bitcast_convert_type3A_272 : vector<16xf32> to vector<1x16xf32>
        tpu.vector_store %arg14[%swap3A_273, %swap3A_274], %swap3A_277 {strides = array<i32>} : memref<64x128xf32, #tpu.memory_space<vmem>>, vector<1x16xf32>,
        %add3A_278 = arith.constant 0 : i32
        %add3A_279 = arith.addi %add3A_278, %scan3A_211 : i32
        %get3A_280 = arith.index_cast %add3A_279 : i32 to index
        %get3A_281 = arith.constant 48 : index
        %get3A_282 = tpu.vector_load %arg13[%get3A_280, %get3A_281] {strides = array<i32>} : memref<128x64xi32, #tpu.memory_space<vmem>>, vector<1x16xi32>,
        %get3A_283 = vector.shape_cast %get3A_282 : vector<1x16xi32> to vector<16xi32>
        %shift_left3A_284 = arith.constant 16 : i32
        %shift_left3A_285 = vector.broadcast %shift_left3A_284 : i32 to vector<16xi32>
        %shift_left3A_286 = arith.shli %get3A_283, %shift_left3A_285 : vector<16xi32>
        %bitcast_convert_type3A_287 = tpu.bitcast %shift_left3A_286 : vector<16xi32> -> vector<16xf32>
        %swap3A_288 = arith.index_cast %scan3A_211 : i32 to index
        %swap3A_289 = arith.constant 48 : index
        %swap3A_290 = tpu.vector_load %arg14[%swap3A_288, %swap3A_289] {strides = array<i32>} : memref<64x128xf32, #tpu.memory_space<vmem>>, vector<1x16xf32>,
        %swap3A_291 = vector.shape_cast %swap3A_290 : vector<1x16xf32> to vector<16xf32>
        %swap3A_292 = vector.shape_cast %bitcast_convert_type3A_287 : vector<16xf32> to vector<1x16xf32>
        tpu.vector_store %arg14[%swap3A_288, %swap3A_289], %swap3A_292 {strides = array<i32>} : memref<64x128xf32, #tpu.memory_space<vmem>>, vector<1x16xf32>,
        %broadcast_in_dim3A_293 = arith.constant -65536 : i32
        %broadcast_in_dim3A_294 = vector.broadcast %broadcast_in_dim3A_293 : i32 to vector<16xi32>
        %and3A_295 = arith.andi %get3A_283, %broadcast_in_dim3A_294 : vector<16xi32>
        %bitcast_convert_type3A_296 = tpu.bitcast %and3A_295 : vector<16xi32> -> vector<16xf32>
        %swap3A_297 = arith.index_cast %scan3A_211 : i32 to index
        %swap3A_298 = arith.constant 112 : index
        %swap3A_299 = tpu.vector_load %arg14[%swap3A_297, %swap3A_298] {strides = array<i32>} : memref<64x128xf32, #tpu.memory_space<vmem>>, vector<1x16xf32>,
        %swap3A_300 = vector.shape_cast %swap3A_299 : vector<1x16xf32> to vector<16xf32>
        %swap3A_301 = vector.shape_cast %bitcast_convert_type3A_296 : vector<16xf32> to vector<1x16xf32>
        tpu.vector_store %arg14[%swap3A_297, %swap3A_298], %swap3A_301 {strides = array<i32>} : memref<64x128xf32, #tpu.memory_space<vmem>>, vector<1x16xf32>,
      }
      %scan3A_167 = arith.constant 64 : i32
      %dma_wait3A_168 = arith.constant 0 : i32
      %dma_wait3A_169 = tpu.memref_slice %arg4[%add3A, %add3A_146, %dma_wait3A_168] : memref<32x80x128xi32, #tpu.memory_space<hbm>> -> memref<1x1x64xi32, #tpu.memory_space<hbm>>
      %dma_wait3A_170 = tpu.memref_squeeze %dma_wait3A_169 : memref<1x1x64xi32, #tpu.memory_space<hbm>> -> memref<64xi32, #tpu.memory_space<hbm>>
      %dma_wait3A_171 = arith.constant 0 : i32
      %dma_wait3A_172 = tpu.memref_slice %arg4[%add3A, %add3A_146, %dma_wait3A_171] : memref<32x80x128xi32, #tpu.memory_space<hbm>> -> memref<1x1x64xi32, #tpu.memory_space<hbm>>
      %dma_wait3A_173 = tpu.memref_squeeze %dma_wait3A_172 : memref<1x1x64xi32, #tpu.memory_space<hbm>> -> memref<64xi32, #tpu.memory_space<hbm>>
      tpu.wait_dma2 semaphore(%arg21 : memref<!tpu.dma_semaphore, #tpu.memory_space<semaphore_mem>>) src(%dma_wait3A_173 : memref<64xi32, #tpu.memory_space<hbm>>) dst(%arg10 : memref<64xi32, #tpu.memory_space<vmem>>)
      %dma_start3A_174 = arith.constant 0 : i32
      %dma_start3A_175 = arith.constant 0 : i32
      %dma_start3A_176 = tpu.memref_slice %arg16[%dma_start3A_174, %dma_start3A_175] : memref<10112x128xf32, #tpu.memory_space<vmem_shared>> -> memref<10112x128xf32, #tpu.memory_space<vmem_shared>>
      tpu.enqueue_indirect_dma source(%arg14 : memref<64x128xf32, #tpu.memory_space<vmem>>) target(%dma_start3A_176 : memref<10112x128xf32, #tpu.memory_space<vmem_shared>>) offsets(%arg10 : memref<64xi32, #tpu.memory_space<vmem>>) semaphore(%arg25 : memref<!tpu.dma_semaphore, #tpu.memory_space<semaphore_mem>>) {add = true}
      %ge3A_177 = arith.constant 1 : i32
      %ge3A_178 = arith.cmpi sge, %add3A_146, %ge3A_177 : i32
      %convert_element_type3A_179 = arith.extui %ge3A_178 : i1 to i32
      %cond3A_180 = arith.constant 0 : i32
      %cond3A_181 = arith.cmpi ne, %convert_element_type3A_179, %cond3A_180 : i32
      scf.if %cond3A_181 {
        %dma_wait3A_211 = arith.constant 0 : i32
        %dma_wait3A_212 = arith.constant 0 : i32
        %dma_wait3A_213 = tpu.memref_slice %arg16[%dma_wait3A_211, %dma_wait3A_212] : memref<10112x128xf32, #tpu.memory_space<vmem_shared>> -> memref<10112x128xf32, #tpu.memory_space<vmem_shared>>
        tpu.wait_indirect_dma semaphore(%arg26 : memref<!tpu.dma_semaphore, #tpu.memory_space<semaphore_mem>>) src(%arg15 : memref<64x128xf32, #tpu.memory_space<vmem>>) dst(%dma_wait3A_213 : memref<10112x128xf32, #tpu.memory_space<vmem_shared>>)
      } else {
      }
      %scan3A_182 = arith.constant 0 : i32
      %scan3A_183 = arith.constant 0 : i32
      %scan3A_184 = arith.constant 64 : i32
      %scan3A_185 = arith.addi %scan3A_183, %scan3A_184 : i32
      %scan3A_186 = arith.constant 1 : i32
      scf.for %scan3A_211 = %scan3A_183 to %scan3A_185 step %scan3A_186  : i32 {
        %add3A_212 = arith.constant 64 : i32
        %add3A_213 = arith.addi %add3A_212, %scan3A_211 : i32
        %get3A = arith.index_cast %add3A_213 : i32 to index
        %get3A_214 = arith.constant 0 : index
        %get3A_215 = tpu.vector_load %arg13[%get3A, %get3A_214] {strides = array<i32>} : memref<128x64xi32, #tpu.memory_space<vmem>>, vector<1x16xi32>,
        %get3A_216 = vector.shape_cast %get3A_215 : vector<1x16xi32> to vector<16xi32>
        %shift_left3A = arith.constant 16 : i32
        %shift_left3A_217 = vector.broadcast %shift_left3A : i32 to vector<16xi32>
        %shift_left3A_218 = arith.shli %get3A_216, %shift_left3A_217 : vector<16xi32>
        %bitcast_convert_type3A = tpu.bitcast %shift_left3A_218 : vector<16xi32> -> vector<16xf32>
        %swap3A = arith.index_cast %scan3A_211 : i32 to index
        %swap3A_219 = arith.constant 0 : index
        %swap3A_220 = tpu.vector_load %arg15[%swap3A, %swap3A_219] {strides = array<i32>} : memref<64x128xf32, #tpu.memory_space<vmem>>, vector<1x16xf32>,
        %swap3A_221 = vector.shape_cast %swap3A_220 : vector<1x16xf32> to vector<16xf32>
        %swap3A_222 = vector.shape_cast %bitcast_convert_type3A : vector<16xf32> to vector<1x16xf32>
        tpu.vector_store %arg15[%swap3A, %swap3A_219], %swap3A_222 {strides = array<i32>} : memref<64x128xf32, #tpu.memory_space<vmem>>, vector<1x16xf32>,
        %broadcast_in_dim3A = arith.constant -65536 : i32
        %broadcast_in_dim3A_223 = vector.broadcast %broadcast_in_dim3A : i32 to vector<16xi32>
        %and3A = arith.andi %get3A_216, %broadcast_in_dim3A_223 : vector<16xi32>
        %bitcast_convert_type3A_224 = tpu.bitcast %and3A : vector<16xi32> -> vector<16xf32>
        %swap3A_225 = arith.index_cast %scan3A_211 : i32 to index
        %swap3A_226 = arith.constant 64 : index
        %swap3A_227 = tpu.vector_load %arg15[%swap3A_225, %swap3A_226] {strides = array<i32>} : memref<64x128xf32, #tpu.memory_space<vmem>>, vector<1x16xf32>,
        %swap3A_228 = vector.shape_cast %swap3A_227 : vector<1x16xf32> to vector<16xf32>
        %swap3A_229 = vector.shape_cast %bitcast_convert_type3A_224 : vector<16xf32> to vector<1x16xf32>
        tpu.vector_store %arg15[%swap3A_225, %swap3A_226], %swap3A_229 {strides = array<i32>} : memref<64x128xf32, #tpu.memory_space<vmem>>, vector<1x16xf32>,
        %add3A_230 = arith.constant 64 : i32
        %add3A_231 = arith.addi %add3A_230, %scan3A_211 : i32
        %get3A_232 = arith.index_cast %add3A_231 : i32 to index
        %get3A_233 = arith.constant 16 : index
        %get3A_234 = tpu.vector_load %arg13[%get3A_232, %get3A_233] {strides = array<i32>} : memref<128x64xi32, #tpu.memory_space<vmem>>, vector<1x16xi32>,
        %get3A_235 = vector.shape_cast %get3A_234 : vector<1x16xi32> to vector<16xi32>
        %shift_left3A_236 = arith.constant 16 : i32
        %shift_left3A_237 = vector.broadcast %shift_left3A_236 : i32 to vector<16xi32>
        %shift_left3A_238 = arith.shli %get3A_235, %shift_left3A_237 : vector<16xi32>
        %bitcast_convert_type3A_239 = tpu.bitcast %shift_left3A_238 : vector<16xi32> -> vector<16xf32>
        %swap3A_240 = arith.index_cast %scan3A_211 : i32 to index
        %swap3A_241 = arith.constant 16 : index
        %swap3A_242 = tpu.vector_load %arg15[%swap3A_240, %swap3A_241] {strides = array<i32>} : memref<64x128xf32, #tpu.memory_space<vmem>>, vector<1x16xf32>,
        %swap3A_243 = vector.shape_cast %swap3A_242 : vector<1x16xf32> to vector<16xf32>
        %swap3A_244 = vector.shape_cast %bitcast_convert_type3A_239 : vector<16xf32> to vector<1x16xf32>
        tpu.vector_store %arg15[%swap3A_240, %swap3A_241], %swap3A_244 {strides = array<i32>} : memref<64x128xf32, #tpu.memory_space<vmem>>, vector<1x16xf32>,
        %broadcast_in_dim3A_245 = arith.constant -65536 : i32
        %broadcast_in_dim3A_246 = vector.broadcast %broadcast_in_dim3A_245 : i32 to vector<16xi32>
        %and3A_247 = arith.andi %get3A_235, %broadcast_in_dim3A_246 : vector<16xi32>
        %bitcast_convert_type3A_248 = tpu.bitcast %and3A_247 : vector<16xi32> -> vector<16xf32>
        %swap3A_249 = arith.index_cast %scan3A_211 : i32 to index
        %swap3A_250 = arith.constant 80 : index
        %swap3A_251 = tpu.vector_load %arg15[%swap3A_249, %swap3A_250] {strides = array<i32>} : memref<64x128xf32, #tpu.memory_space<vmem>>, vector<1x16xf32>,
        %swap3A_252 = vector.shape_cast %swap3A_251 : vector<1x16xf32> to vector<16xf32>
        %swap3A_253 = vector.shape_cast %bitcast_convert_type3A_248 : vector<16xf32> to vector<1x16xf32>
        tpu.vector_store %arg15[%swap3A_249, %swap3A_250], %swap3A_253 {strides = array<i32>} : memref<64x128xf32, #tpu.memory_space<vmem>>, vector<1x16xf32>,
        %add3A_254 = arith.constant 64 : i32
        %add3A_255 = arith.addi %add3A_254, %scan3A_211 : i32
        %get3A_256 = arith.index_cast %add3A_255 : i32 to index
        %get3A_257 = arith.constant 32 : index
        %get3A_258 = tpu.vector_load %arg13[%get3A_256, %get3A_257] {strides = array<i32>} : memref<128x64xi32, #tpu.memory_space<vmem>>, vector<1x16xi32>,
        %get3A_259 = vector.shape_cast %get3A_258 : vector<1x16xi32> to vector<16xi32>
        %shift_left3A_260 = arith.constant 16 : i32
        %shift_left3A_261 = vector.broadcast %shift_left3A_260 : i32 to vector<16xi32>
        %shift_left3A_262 = arith.shli %get3A_259, %shift_left3A_261 : vector<16xi32>
        %bitcast_convert_type3A_263 = tpu.bitcast %shift_left3A_262 : vector<16xi32> -> vector<16xf32>
        %swap3A_264 = arith.index_cast %scan3A_211 : i32 to index
        %swap3A_265 = arith.constant 32 : index
        %swap3A_266 = tpu.vector_load %arg15[%swap3A_264, %swap3A_265] {strides = array<i32>} : memref<64x128xf32, #tpu.memory_space<vmem>>, vector<1x16xf32>,
        %swap3A_267 = vector.shape_cast %swap3A_266 : vector<1x16xf32> to vector<16xf32>
        %swap3A_268 = vector.shape_cast %bitcast_convert_type3A_263 : vector<16xf32> to vector<1x16xf32>
        tpu.vector_store %arg15[%swap3A_264, %swap3A_265], %swap3A_268 {strides = array<i32>} : memref<64x128xf32, #tpu.memory_space<vmem>>, vector<1x16xf32>,
        %broadcast_in_dim3A_269 = arith.constant -65536 : i32
        %broadcast_in_dim3A_270 = vector.broadcast %broadcast_in_dim3A_269 : i32 to vector<16xi32>
        %and3A_271 = arith.andi %get3A_259, %broadcast_in_dim3A_270 : vector<16xi32>
        %bitcast_convert_type3A_272 = tpu.bitcast %and3A_271 : vector<16xi32> -> vector<16xf32>
        %swap3A_273 = arith.index_cast %scan3A_211 : i32 to index
        %swap3A_274 = arith.constant 96 : index
        %swap3A_275 = tpu.vector_load %arg15[%swap3A_273, %swap3A_274] {strides = array<i32>} : memref<64x128xf32, #tpu.memory_space<vmem>>, vector<1x16xf32>,
        %swap3A_276 = vector.shape_cast %swap3A_275 : vector<1x16xf32> to vector<16xf32>
        %swap3A_277 = vector.shape_cast %bitcast_convert_type3A_272 : vector<16xf32> to vector<1x16xf32>
        tpu.vector_store %arg15[%swap3A_273, %swap3A_274], %swap3A_277 {strides = array<i32>} : memref<64x128xf32, #tpu.memory_space<vmem>>, vector<1x16xf32>,
        %add3A_278 = arith.constant 64 : i32
        %add3A_279 = arith.addi %add3A_278, %scan3A_211 : i32
        %get3A_280 = arith.index_cast %add3A_279 : i32 to index
        %get3A_281 = arith.constant 48 : index
        %get3A_282 = tpu.vector_load %arg13[%get3A_280, %get3A_281] {strides = array<i32>} : memref<128x64xi32, #tpu.memory_space<vmem>>, vector<1x16xi32>,
        %get3A_283 = vector.shape_cast %get3A_282 : vector<1x16xi32> to vector<16xi32>
        %shift_left3A_284 = arith.constant 16 : i32
        %shift_left3A_285 = vector.broadcast %shift_left3A_284 : i32 to vector<16xi32>
        %shift_left3A_286 = arith.shli %get3A_283, %shift_left3A_285 : vector<16xi32>
        %bitcast_convert_type3A_287 = tpu.bitcast %shift_left3A_286 : vector<16xi32> -> vector<16xf32>
        %swap3A_288 = arith.index_cast %scan3A_211 : i32 to index
        %swap3A_289 = arith.constant 48 : index
        %swap3A_290 = tpu.vector_load %arg15[%swap3A_288, %swap3A_289] {strides = array<i32>} : memref<64x128xf32, #tpu.memory_space<vmem>>, vector<1x16xf32>,
        %swap3A_291 = vector.shape_cast %swap3A_290 : vector<1x16xf32> to vector<16xf32>
        %swap3A_292 = vector.shape_cast %bitcast_convert_type3A_287 : vector<16xf32> to vector<1x16xf32>
        tpu.vector_store %arg15[%swap3A_288, %swap3A_289], %swap3A_292 {strides = array<i32>} : memref<64x128xf32, #tpu.memory_space<vmem>>, vector<1x16xf32>,
        %broadcast_in_dim3A_293 = arith.constant -65536 : i32
        %broadcast_in_dim3A_294 = vector.broadcast %broadcast_in_dim3A_293 : i32 to vector<16xi32>
        %and3A_295 = arith.andi %get3A_283, %broadcast_in_dim3A_294 : vector<16xi32>
        %bitcast_convert_type3A_296 = tpu.bitcast %and3A_295 : vector<16xi32> -> vector<16xf32>
        %swap3A_297 = arith.index_cast %scan3A_211 : i32 to index
        %swap3A_298 = arith.constant 112 : index
        %swap3A_299 = tpu.vector_load %arg15[%swap3A_297, %swap3A_298] {strides = array<i32>} : memref<64x128xf32, #tpu.memory_space<vmem>>, vector<1x16xf32>,
        %swap3A_300 = vector.shape_cast %swap3A_299 : vector<1x16xf32> to vector<16xf32>
        %swap3A_301 = vector.shape_cast %bitcast_convert_type3A_296 : vector<16xf32> to vector<1x16xf32>
        tpu.vector_store %arg15[%swap3A_297, %swap3A_298], %swap3A_301 {strides = array<i32>} : memref<64x128xf32, #tpu.memory_space<vmem>>, vector<1x16xf32>,
      }
      %scan3A_187 = arith.constant 64 : i32
      %dma_wait3A_188 = arith.constant 64 : i32
      %dma_wait3A_189 = tpu.memref_slice %arg4[%add3A, %add3A_146, %dma_wait3A_188] : memref<32x80x128xi32, #tpu.memory_space<hbm>> -> memref<1x1x64xi32, #tpu.memory_space<hbm>>
      %dma_wait3A_190 = tpu.memref_squeeze %dma_wait3A_189 : memref<1x1x64xi32, #tpu.memory_space<hbm>> -> memref<64xi32, #tpu.memory_space<hbm>>
      %dma_wait3A_191 = arith.constant 64 : i32
      %dma_wait3A_192 = tpu.memref_slice %arg4[%add3A, %add3A_146, %dma_wait3A_191] : memref<32x80x128xi32, #tpu.memory_space<hbm>> -> memref<1x1x64xi32, #tpu.memory_space<hbm>>
      %dma_wait3A_193 = tpu.memref_squeeze %dma_wait3A_192 : memref<1x1x64xi32, #tpu.memory_space<hbm>> -> memref<64xi32, #tpu.memory_space<hbm>>
      tpu.wait_dma2 semaphore(%arg22 : memref<!tpu.dma_semaphore, #tpu.memory_space<semaphore_mem>>) src(%dma_wait3A_193 : memref<64xi32, #tpu.memory_space<hbm>>) dst(%arg11 : memref<64xi32, #tpu.memory_space<vmem>>)
      %dma_start3A_194 = arith.constant 0 : i32
      %dma_start3A_195 = arith.constant 0 : i32
      %dma_start3A_196 = tpu.memref_slice %arg16[%dma_start3A_194, %dma_start3A_195] : memref<10112x128xf32, #tpu.memory_space<vmem_shared>> -> memref<10112x128xf32, #tpu.memory_space<vmem_shared>>
      tpu.enqueue_indirect_dma source(%arg15 : memref<64x128xf32, #tpu.memory_space<vmem>>) target(%dma_start3A_196 : memref<10112x128xf32, #tpu.memory_space<vmem_shared>>) offsets(%arg11 : memref<64xi32, #tpu.memory_space<vmem>>) semaphore(%arg26 : memref<!tpu.dma_semaphore, #tpu.memory_space<semaphore_mem>>) {add = true}
      %add3A_197 = arith.constant 1 : i32
      %add3A_198 = arith.addi %add3A_146, %add3A_197 : i32
      %lt3A_199 = arith.constant 80 : i32
      %lt3A_200 = arith.cmpi slt, %add3A_198, %lt3A_199 : i32
      %convert_element_type3A_201 = arith.extui %lt3A_200 : i1 to i32
      %cond3A_202 = arith.constant 0 : i32
      %cond3A_203 = arith.cmpi ne, %convert_element_type3A_201, %cond3A_202 : i32
      scf.if %cond3A_203 {
        %add3A_211 = arith.constant 1 : i32
        %add3A_212 = arith.addi %add3A_146, %add3A_211 : i32
        %dma_start3A_213 = arith.constant 0 : i32
        %dma_start3A_214 = tpu.memref_slice %arg4[%add3A, %add3A_212, %dma_start3A_213] : memref<32x80x128xi32, #tpu.memory_space<hbm>> -> memref<1x1x64xi32, #tpu.memory_space<hbm>>
        %dma_start3A_215 = tpu.memref_squeeze %dma_start3A_214 : memref<1x1x64xi32, #tpu.memory_space<hbm>> -> memref<64xi32, #tpu.memory_space<hbm>>
        %dma_start3A_216 = arith.constant 0 : i32
        %dma_start3A_217 = tpu.memref_slice %arg4[%add3A, %add3A_212, %dma_start3A_216] : memref<32x80x128xi32, #tpu.memory_space<hbm>> -> memref<1x1x64xi32, #tpu.memory_space<hbm>>
        %dma_start3A_218 = tpu.memref_squeeze %dma_start3A_217 : memref<1x1x64xi32, #tpu.memory_space<hbm>> -> memref<64xi32, #tpu.memory_space<hbm>>
        tpu.enqueue_dma source(%dma_start3A_218 : memref<64xi32, #tpu.memory_space<hbm>>) target(%arg8 : memref<64xi32, #tpu.memory_space<vmem>>) target_semaphore(%arg19 : memref<!tpu.dma_semaphore, #tpu.memory_space<semaphore_mem>>)
        %add3A_219 = arith.constant 1 : i32
        %add3A_220 = arith.addi %add3A_146, %add3A_219 : i32
        %dma_start3A_221 = arith.constant 64 : i32
        %dma_start3A_222 = tpu.memref_slice %arg4[%add3A, %add3A_220, %dma_start3A_221] : memref<32x80x128xi32, #tpu.memory_space<hbm>> -> memref<1x1x64xi32, #tpu.memory_space<hbm>>
        %dma_start3A_223 = tpu.memref_squeeze %dma_start3A_222 : memref<1x1x64xi32, #tpu.memory_space<hbm>> -> memref<64xi32, #tpu.memory_space<hbm>>
        %dma_start3A_224 = arith.constant 64 : i32
        %dma_start3A_225 = tpu.memref_slice %arg4[%add3A, %add3A_220, %dma_start3A_224] : memref<32x80x128xi32, #tpu.memory_space<hbm>> -> memref<1x1x64xi32, #tpu.memory_space<hbm>>
        %dma_start3A_226 = tpu.memref_squeeze %dma_start3A_225 : memref<1x1x64xi32, #tpu.memory_space<hbm>> -> memref<64xi32, #tpu.memory_space<hbm>>
        tpu.enqueue_dma source(%dma_start3A_226 : memref<64xi32, #tpu.memory_space<hbm>>) target(%arg9 : memref<64xi32, #tpu.memory_space<vmem>>) target_semaphore(%arg20 : memref<!tpu.dma_semaphore, #tpu.memory_space<semaphore_mem>>)
      } else {
      }
      %add3A_204 = arith.constant 2 : i32
      %add3A_205 = arith.addi %add3A_146, %add3A_204 : i32
      %lt3A_206 = arith.constant 80 : i32
      %lt3A_207 = arith.cmpi slt, %add3A_205, %lt3A_206 : i32
      %convert_element_type3A_208 = arith.extui %lt3A_207 : i1 to i32
      %cond3A_209 = arith.constant 0 : i32
      %cond3A_210 = arith.cmpi ne, %convert_element_type3A_208, %cond3A_209 : i32
      scf.if %cond3A_210 {
        %add3A_211 = arith.constant 2 : i32
        %add3A_212 = arith.addi %add3A_146, %add3A_211 : i32
        %dma_start3A_213 = arith.constant 0 : i32
        %dma_start3A_214 = tpu.memref_slice %arg3[%add3A, %add3A_212, %dma_start3A_213] : memref<32x80x128xi32, #tpu.memory_space<hbm>> -> memref<1x1x128xi32, #tpu.memory_space<hbm>>
        %dma_start3A_215 = tpu.memref_squeeze %dma_start3A_214 : memref<1x1x128xi32, #tpu.memory_space<hbm>> -> memref<128xi32, #tpu.memory_space<hbm>>
        %dma_start3A_216 = arith.constant 0 : i32
        %dma_start3A_217 = tpu.memref_slice %arg3[%add3A, %add3A_212, %dma_start3A_216] : memref<32x80x128xi32, #tpu.memory_space<hbm>> -> memref<1x1x128xi32, #tpu.memory_space<hbm>>
        %dma_start3A_218 = tpu.memref_squeeze %dma_start3A_217 : memref<1x1x128xi32, #tpu.memory_space<hbm>> -> memref<128xi32, #tpu.memory_space<hbm>>
        tpu.enqueue_dma source(%dma_start3A_218 : memref<128xi32, #tpu.memory_space<hbm>>) target(%arg7 : memref<128xi32, #tpu.memory_space<vmem>>) target_semaphore(%arg18 : memref<!tpu.dma_semaphore, #tpu.memory_space<semaphore_mem>>)
      } else {
      }
    }
    %scan3A_70 = arith.constant 40 : i32
    %dma_wait3A_71 = arith.constant 0 : i32
    %dma_wait3A_72 = arith.constant 0 : i32
    %dma_wait3A_73 = tpu.memref_slice %arg16[%dma_wait3A_71, %dma_wait3A_72] : memref<10112x128xf32, #tpu.memory_space<vmem_shared>> -> memref<10112x128xf32, #tpu.memory_space<vmem_shared>>
    tpu.wait_indirect_dma semaphore(%arg25 : memref<!tpu.dma_semaphore, #tpu.memory_space<semaphore_mem>>) src(%arg14 : memref<64x128xf32, #tpu.memory_space<vmem>>) dst(%dma_wait3A_73 : memref<10112x128xf32, #tpu.memory_space<vmem_shared>>)
    %dma_wait3A_74 = arith.constant 0 : i32
    %dma_wait3A_75 = arith.constant 0 : i32
    %dma_wait3A_76 = tpu.memref_slice %arg16[%dma_wait3A_74, %dma_wait3A_75] : memref<10112x128xf32, #tpu.memory_space<vmem_shared>> -> memref<10112x128xf32, #tpu.memory_space<vmem_shared>>
    tpu.wait_indirect_dma semaphore(%arg26 : memref<!tpu.dma_semaphore, #tpu.memory_space<semaphore_mem>>) src(%arg15 : memref<64x128xf32, #tpu.memory_space<vmem>>) dst(%dma_wait3A_76 : memref<10112x128xf32, #tpu.memory_space<vmem_shared>>)
    %barrier3A_77 = arith.constant 0 : index
    tpu.barrier barrier_id(%barrier3A_77)
    "tpu.region"() ({
      %run_scoped3A = tpu.sem_alloc : memref<!tpu.dma_semaphore, #tpu.memory_space<semaphore_mem>>
      %dma_start3A_78 = arith.constant 0 : i32
      %dma_start3A_79 = tpu.memref_slice %arg5[%arg0, %mul3A_2, %dma_start3A_78] : memref<2x10112x128xf32, #tpu.memory_space<hbm>> -> memref<1x632x128xf32, #tpu.memory_space<hbm>>
      %dma_start3A_80 = tpu.memref_squeeze %dma_start3A_79 : memref<1x632x128xf32, #tpu.memory_space<hbm>> -> memref<632x128xf32, #tpu.memory_space<hbm>>
      %dma_start3A_81 = arith.constant 0 : i32
      %dma_start3A_82 = tpu.memref_slice %arg16[%mul3A_2, %dma_start3A_81] : memref<10112x128xf32, #tpu.memory_space<vmem_shared>> -> memref<632x128xf32, #tpu.memory_space<vmem_shared>>
      tpu.enqueue_dma source(%dma_start3A_82 : memref<632x128xf32, #tpu.memory_space<vmem_shared>>) target(%dma_start3A_80 : memref<632x128xf32, #tpu.memory_space<hbm>>) target_semaphore(%run_scoped3A : memref<!tpu.dma_semaphore, #tpu.memory_space<semaphore_mem>>)
      %dma_wait3A_83 = arith.constant 0 : i32
      %dma_wait3A_84 = tpu.memref_slice %arg5[%arg0, %mul3A_2, %dma_wait3A_83] : memref<2x10112x128xf32, #tpu.memory_space<hbm>> -> memref<1x632x128xf32, #tpu.memory_space<hbm>>
      %dma_wait3A_85 = tpu.memref_squeeze %dma_wait3A_84 : memref<1x632x128xf32, #tpu.memory_space<hbm>> -> memref<632x128xf32, #tpu.memory_space<hbm>>
      %dma_wait3A_86 = arith.constant 0 : i32
      %dma_wait3A_87 = tpu.memref_slice %arg16[%mul3A_2, %dma_wait3A_86] : memref<10112x128xf32, #tpu.memory_space<vmem_shared>> -> memref<632x128xf32, #tpu.memory_space<vmem_shared>>
      tpu.wait_dma2 semaphore(%run_scoped3A : memref<!tpu.dma_semaphore, #tpu.memory_space<semaphore_mem>>) src(%dma_wait3A_87 : memref<632x128xf32, #tpu.memory_space<vmem_shared>>) dst(%dma_wait3A_85 : memref<632x128xf32, #tpu.memory_space<hbm>>)
      tpu.yield
    }) : () -> ()
    return
  }
}

#map = affine_map<(d0, d1) -> (0, 0, 0, 0)>
#map1 = affine_map<(d0, d1) -> (0, 0, 0)>
module attributes {stable_mosaic.version = 14 : i64} {
  func.func @k(%arg0: i32, %arg1: i32, %arg2: memref<32x160x64x32xf32, #tpu.memory_space<hbm>>, %arg3: memref<32x160x64xi32, #tpu.memory_space<hbm>>, %arg4: memref<2x10112x128xf32, #tpu.memory_space<hbm>>, %arg5: memref<64xi32, #tpu.memory_space<vmem>>, %arg6: memref<64xi32, #tpu.memory_space<vmem>>, %arg7: memref<64xi32, #tpu.memory_space<vmem>>, %arg8: memref<64xi32, #tpu.memory_space<vmem>>, %arg9: memref<64x32xf32, #tpu.memory_space<vmem>>, %arg10: memref<64x32xf32, #tpu.memory_space<vmem>>, %arg11: memref<64x128xf32, #tpu.memory_space<vmem>>, %arg12: memref<64x128xf32, #tpu.memory_space<vmem>>, %arg13: memref<10112x128xf32, #tpu.memory_space<vmem_shared>>, %arg14: memref<!tpu.dma_semaphore, #tpu.memory_space<semaphore_mem>>, %arg15: memref<!tpu.dma_semaphore, #tpu.memory_space<semaphore_mem>>, %arg16: memref<!tpu.dma_semaphore, #tpu.memory_space<semaphore_mem>>, %arg17: memref<!tpu.dma_semaphore, #tpu.memory_space<semaphore_mem>>, %arg18: memref<!tpu.dma_semaphore, #tpu.memory_space<semaphore_mem>>, %arg19: memref<!tpu.dma_semaphore, #tpu.memory_space<semaphore_mem>>, %arg20: memref<!tpu.dma_semaphore, #tpu.memory_space<semaphore_mem>>, %arg21: memref<!tpu.dma_semaphore, #tpu.memory_space<semaphore_mem>>) attributes {dimension_semantics = [#tpu.dimension_semantics<core_parallel>, #tpu.dimension_semantics<subcore_parallel>], iteration_bounds = array<i64: 2, 16>, scalar_prefetch = 0 : i64, scratch_operands = 17 : i64, tpu.core_type = #tpu.core_type<sc_vector_subcore>, window_params = [{transform_indices = #map}, {transform_indices = #map1}, {transform_indices = #map1}]} {
    %mul3A = arith.constant 16 : i32
    %mul3A_0 = arith.muli %arg0, %mul3A : i32
    %add3A = arith.addi %mul3A_0, %arg1 : i32
    %mul3A_1 = arith.constant 632 : i32
    %mul3A_2 = arith.muli %arg1, %mul3A_1 : i32
    %scan3A = arith.constant 0 : i32
    %scan3A_3 = arith.constant 0 : i32
    %scan3A_4 = arith.constant 512 : i32
    %scan3A_5 = arith.addi %scan3A_3, %scan3A_4 : i32
    %scan3A_6 = arith.constant 1 : i32
    scf.for %scan3A_72 = %scan3A_3 to %scan3A_5 step %scan3A_6  : i32 {
      %broadcast_in_dim3A = arith.constant 0.000000e+00 : f32
      %broadcast_in_dim3A_73 = vector.broadcast %broadcast_in_dim3A : f32 to vector<16xf32>
      %shift_right_arithmetic3A = arith.constant 3 : i32
      %shift_right_arithmetic3A_74 = arith.shrsi %scan3A_72, %shift_right_arithmetic3A : i32
      %and3A = arith.constant 7 : i32
      %and3A_75 = arith.andi %scan3A_72, %and3A : i32
      %mul3A_76 = arith.constant 16 : i32
      %mul3A_77 = arith.muli %and3A_75, %mul3A_76 : i32
      %swap3A = arith.index_cast %shift_right_arithmetic3A_74 : i32 to index
      %swap3A_78 = arith.index_cast %mul3A_77 : i32 to index
      %swap3A_79 = tpu.vector_load %arg11[%swap3A, %swap3A_78] {strides = array<i32>} : memref<64x128xf32, #tpu.memory_space<vmem>>, vector<1x16xf32>,
      %swap3A_80 = vector.shape_cast %swap3A_79 : vector<1x16xf32> to vector<16xf32>
      %swap3A_81 = vector.shape_cast %broadcast_in_dim3A_73 : vector<16xf32> to vector<1x16xf32>
      tpu.vector_store %arg11[%swap3A, %swap3A_78], %swap3A_81 {strides = array<i32>} : memref<64x128xf32, #tpu.memory_space<vmem>>, vector<1x16xf32>,
      %broadcast_in_dim3A_82 = arith.constant 0.000000e+00 : f32
      %broadcast_in_dim3A_83 = vector.broadcast %broadcast_in_dim3A_82 : f32 to vector<16xf32>
      %shift_right_arithmetic3A_84 = arith.constant 3 : i32
      %shift_right_arithmetic3A_85 = arith.shrsi %scan3A_72, %shift_right_arithmetic3A_84 : i32
      %and3A_86 = arith.constant 7 : i32
      %and3A_87 = arith.andi %scan3A_72, %and3A_86 : i32
      %mul3A_88 = arith.constant 16 : i32
      %mul3A_89 = arith.muli %and3A_87, %mul3A_88 : i32
      %swap3A_90 = arith.index_cast %shift_right_arithmetic3A_85 : i32 to index
      %swap3A_91 = arith.index_cast %mul3A_89 : i32 to index
      %swap3A_92 = tpu.vector_load %arg12[%swap3A_90, %swap3A_91] {strides = array<i32>} : memref<64x128xf32, #tpu.memory_space<vmem>>, vector<1x16xf32>,
      %swap3A_93 = vector.shape_cast %swap3A_92 : vector<1x16xf32> to vector<16xf32>
      %swap3A_94 = vector.shape_cast %broadcast_in_dim3A_83 : vector<16xf32> to vector<1x16xf32>
      tpu.vector_store %arg12[%swap3A_90, %swap3A_91], %swap3A_94 {strides = array<i32>} : memref<64x128xf32, #tpu.memory_space<vmem>>, vector<1x16xf32>,
    }
    %scan3A_7 = arith.constant 512 : i32
    %add3A_8 = arith.constant 0 : i32
    %add3A_9 = arith.addi %mul3A_2, %add3A_8 : i32
    "tpu.region"() ({
      %run_scoped3A = tpu.sem_alloc : memref<!tpu.dma_semaphore, #tpu.memory_space<semaphore_mem>>
      %dma_start3A_72 = arith.constant 0 : i32
      %dma_start3A_73 = tpu.memref_slice %arg13[%add3A_9, %dma_start3A_72] : memref<10112x128xf32, #tpu.memory_space<vmem_shared>> -> memref<64x128xf32, #tpu.memory_space<vmem_shared>>
      %dma_start3A_74 = arith.constant 0 : i32
      %dma_start3A_75 = tpu.memref_slice %arg13[%add3A_9, %dma_start3A_74] : memref<10112x128xf32, #tpu.memory_space<vmem_shared>> -> memref<64x128xf32, #tpu.memory_space<vmem_shared>>
      tpu.enqueue_dma source(%arg11 : memref<64x128xf32, #tpu.memory_space<vmem>>) target(%dma_start3A_75 : memref<64x128xf32, #tpu.memory_space<vmem_shared>>) target_semaphore(%run_scoped3A : memref<!tpu.dma_semaphore, #tpu.memory_space<semaphore_mem>>)
      %dma_wait3A_76 = arith.constant 0 : i32
      %dma_wait3A_77 = tpu.memref_slice %arg13[%add3A_9, %dma_wait3A_76] : memref<10112x128xf32, #tpu.memory_space<vmem_shared>> -> memref<64x128xf32, #tpu.memory_space<vmem_shared>>
      %dma_wait3A_78 = arith.constant 0 : i32
      %dma_wait3A_79 = tpu.memref_slice %arg13[%add3A_9, %dma_wait3A_78] : memref<10112x128xf32, #tpu.memory_space<vmem_shared>> -> memref<64x128xf32, #tpu.memory_space<vmem_shared>>
      tpu.wait_dma2 semaphore(%run_scoped3A : memref<!tpu.dma_semaphore, #tpu.memory_space<semaphore_mem>>) src(%arg11 : memref<64x128xf32, #tpu.memory_space<vmem>>) dst(%dma_wait3A_79 : memref<64x128xf32, #tpu.memory_space<vmem_shared>>)
      tpu.yield
    }) : () -> ()
    %add3A_10 = arith.constant 64 : i32
    %add3A_11 = arith.addi %mul3A_2, %add3A_10 : i32
    "tpu.region"() ({
      %run_scoped3A = tpu.sem_alloc : memref<!tpu.dma_semaphore, #tpu.memory_space<semaphore_mem>>
      %dma_start3A_72 = arith.constant 0 : i32
      %dma_start3A_73 = tpu.memref_slice %arg13[%add3A_11, %dma_start3A_72] : memref<10112x128xf32, #tpu.memory_space<vmem_shared>> -> memref<64x128xf32, #tpu.memory_space<vmem_shared>>
      %dma_start3A_74 = arith.constant 0 : i32
      %dma_start3A_75 = tpu.memref_slice %arg13[%add3A_11, %dma_start3A_74] : memref<10112x128xf32, #tpu.memory_space<vmem_shared>> -> memref<64x128xf32, #tpu.memory_space<vmem_shared>>
      tpu.enqueue_dma source(%arg11 : memref<64x128xf32, #tpu.memory_space<vmem>>) target(%dma_start3A_75 : memref<64x128xf32, #tpu.memory_space<vmem_shared>>) target_semaphore(%run_scoped3A : memref<!tpu.dma_semaphore, #tpu.memory_space<semaphore_mem>>)
      %dma_wait3A_76 = arith.constant 0 : i32
      %dma_wait3A_77 = tpu.memref_slice %arg13[%add3A_11, %dma_wait3A_76] : memref<10112x128xf32, #tpu.memory_space<vmem_shared>> -> memref<64x128xf32, #tpu.memory_space<vmem_shared>>
      %dma_wait3A_78 = arith.constant 0 : i32
      %dma_wait3A_79 = tpu.memref_slice %arg13[%add3A_11, %dma_wait3A_78] : memref<10112x128xf32, #tpu.memory_space<vmem_shared>> -> memref<64x128xf32, #tpu.memory_space<vmem_shared>>
      tpu.wait_dma2 semaphore(%run_scoped3A : memref<!tpu.dma_semaphore, #tpu.memory_space<semaphore_mem>>) src(%arg11 : memref<64x128xf32, #tpu.memory_space<vmem>>) dst(%dma_wait3A_79 : memref<64x128xf32, #tpu.memory_space<vmem_shared>>)
      tpu.yield
    }) : () -> ()
    %add3A_12 = arith.constant 128 : i32
    %add3A_13 = arith.addi %mul3A_2, %add3A_12 : i32
    "tpu.region"() ({
      %run_scoped3A = tpu.sem_alloc : memref<!tpu.dma_semaphore, #tpu.memory_space<semaphore_mem>>
      %dma_start3A_72 = arith.constant 0 : i32
      %dma_start3A_73 = tpu.memref_slice %arg13[%add3A_13, %dma_start3A_72] : memref<10112x128xf32, #tpu.memory_space<vmem_shared>> -> memref<64x128xf32, #tpu.memory_space<vmem_shared>>
      %dma_start3A_74 = arith.constant 0 : i32
      %dma_start3A_75 = tpu.memref_slice %arg13[%add3A_13, %dma_start3A_74] : memref<10112x128xf32, #tpu.memory_space<vmem_shared>> -> memref<64x128xf32, #tpu.memory_space<vmem_shared>>
      tpu.enqueue_dma source(%arg11 : memref<64x128xf32, #tpu.memory_space<vmem>>) target(%dma_start3A_75 : memref<64x128xf32, #tpu.memory_space<vmem_shared>>) target_semaphore(%run_scoped3A : memref<!tpu.dma_semaphore, #tpu.memory_space<semaphore_mem>>)
      %dma_wait3A_76 = arith.constant 0 : i32
      %dma_wait3A_77 = tpu.memref_slice %arg13[%add3A_13, %dma_wait3A_76] : memref<10112x128xf32, #tpu.memory_space<vmem_shared>> -> memref<64x128xf32, #tpu.memory_space<vmem_shared>>
      %dma_wait3A_78 = arith.constant 0 : i32
      %dma_wait3A_79 = tpu.memref_slice %arg13[%add3A_13, %dma_wait3A_78] : memref<10112x128xf32, #tpu.memory_space<vmem_shared>> -> memref<64x128xf32, #tpu.memory_space<vmem_shared>>
      tpu.wait_dma2 semaphore(%run_scoped3A : memref<!tpu.dma_semaphore, #tpu.memory_space<semaphore_mem>>) src(%arg11 : memref<64x128xf32, #tpu.memory_space<vmem>>) dst(%dma_wait3A_79 : memref<64x128xf32, #tpu.memory_space<vmem_shared>>)
      tpu.yield
    }) : () -> ()
    %add3A_14 = arith.constant 192 : i32
    %add3A_15 = arith.addi %mul3A_2, %add3A_14 : i32
    "tpu.region"() ({
      %run_scoped3A = tpu.sem_alloc : memref<!tpu.dma_semaphore, #tpu.memory_space<semaphore_mem>>
      %dma_start3A_72 = arith.constant 0 : i32
      %dma_start3A_73 = tpu.memref_slice %arg13[%add3A_15, %dma_start3A_72] : memref<10112x128xf32, #tpu.memory_space<vmem_shared>> -> memref<64x128xf32, #tpu.memory_space<vmem_shared>>
      %dma_start3A_74 = arith.constant 0 : i32
      %dma_start3A_75 = tpu.memref_slice %arg13[%add3A_15, %dma_start3A_74] : memref<10112x128xf32, #tpu.memory_space<vmem_shared>> -> memref<64x128xf32, #tpu.memory_space<vmem_shared>>
      tpu.enqueue_dma source(%arg11 : memref<64x128xf32, #tpu.memory_space<vmem>>) target(%dma_start3A_75 : memref<64x128xf32, #tpu.memory_space<vmem_shared>>) target_semaphore(%run_scoped3A : memref<!tpu.dma_semaphore, #tpu.memory_space<semaphore_mem>>)
      %dma_wait3A_76 = arith.constant 0 : i32
      %dma_wait3A_77 = tpu.memref_slice %arg13[%add3A_15, %dma_wait3A_76] : memref<10112x128xf32, #tpu.memory_space<vmem_shared>> -> memref<64x128xf32, #tpu.memory_space<vmem_shared>>
      %dma_wait3A_78 = arith.constant 0 : i32
      %dma_wait3A_79 = tpu.memref_slice %arg13[%add3A_15, %dma_wait3A_78] : memref<10112x128xf32, #tpu.memory_space<vmem_shared>> -> memref<64x128xf32, #tpu.memory_space<vmem_shared>>
      tpu.wait_dma2 semaphore(%run_scoped3A : memref<!tpu.dma_semaphore, #tpu.memory_space<semaphore_mem>>) src(%arg11 : memref<64x128xf32, #tpu.memory_space<vmem>>) dst(%dma_wait3A_79 : memref<64x128xf32, #tpu.memory_space<vmem_shared>>)
      tpu.yield
    }) : () -> ()
    %add3A_16 = arith.constant 256 : i32
    %add3A_17 = arith.addi %mul3A_2, %add3A_16 : i32
    "tpu.region"() ({
      %run_scoped3A = tpu.sem_alloc : memref<!tpu.dma_semaphore, #tpu.memory_space<semaphore_mem>>
      %dma_start3A_72 = arith.constant 0 : i32
      %dma_start3A_73 = tpu.memref_slice %arg13[%add3A_17, %dma_start3A_72] : memref<10112x128xf32, #tpu.memory_space<vmem_shared>> -> memref<64x128xf32, #tpu.memory_space<vmem_shared>>
      %dma_start3A_74 = arith.constant 0 : i32
      %dma_start3A_75 = tpu.memref_slice %arg13[%add3A_17, %dma_start3A_74] : memref<10112x128xf32, #tpu.memory_space<vmem_shared>> -> memref<64x128xf32, #tpu.memory_space<vmem_shared>>
      tpu.enqueue_dma source(%arg11 : memref<64x128xf32, #tpu.memory_space<vmem>>) target(%dma_start3A_75 : memref<64x128xf32, #tpu.memory_space<vmem_shared>>) target_semaphore(%run_scoped3A : memref<!tpu.dma_semaphore, #tpu.memory_space<semaphore_mem>>)
      %dma_wait3A_76 = arith.constant 0 : i32
      %dma_wait3A_77 = tpu.memref_slice %arg13[%add3A_17, %dma_wait3A_76] : memref<10112x128xf32, #tpu.memory_space<vmem_shared>> -> memref<64x128xf32, #tpu.memory_space<vmem_shared>>
      %dma_wait3A_78 = arith.constant 0 : i32
      %dma_wait3A_79 = tpu.memref_slice %arg13[%add3A_17, %dma_wait3A_78] : memref<10112x128xf32, #tpu.memory_space<vmem_shared>> -> memref<64x128xf32, #tpu.memory_space<vmem_shared>>
      tpu.wait_dma2 semaphore(%run_scoped3A : memref<!tpu.dma_semaphore, #tpu.memory_space<semaphore_mem>>) src(%arg11 : memref<64x128xf32, #tpu.memory_space<vmem>>) dst(%dma_wait3A_79 : memref<64x128xf32, #tpu.memory_space<vmem_shared>>)
      tpu.yield
    }) : () -> ()
    %add3A_18 = arith.constant 320 : i32
    %add3A_19 = arith.addi %mul3A_2, %add3A_18 : i32
    "tpu.region"() ({
      %run_scoped3A = tpu.sem_alloc : memref<!tpu.dma_semaphore, #tpu.memory_space<semaphore_mem>>
      %dma_start3A_72 = arith.constant 0 : i32
      %dma_start3A_73 = tpu.memref_slice %arg13[%add3A_19, %dma_start3A_72] : memref<10112x128xf32, #tpu.memory_space<vmem_shared>> -> memref<64x128xf32, #tpu.memory_space<vmem_shared>>
      %dma_start3A_74 = arith.constant 0 : i32
      %dma_start3A_75 = tpu.memref_slice %arg13[%add3A_19, %dma_start3A_74] : memref<10112x128xf32, #tpu.memory_space<vmem_shared>> -> memref<64x128xf32, #tpu.memory_space<vmem_shared>>
      tpu.enqueue_dma source(%arg11 : memref<64x128xf32, #tpu.memory_space<vmem>>) target(%dma_start3A_75 : memref<64x128xf32, #tpu.memory_space<vmem_shared>>) target_semaphore(%run_scoped3A : memref<!tpu.dma_semaphore, #tpu.memory_space<semaphore_mem>>)
      %dma_wait3A_76 = arith.constant 0 : i32
      %dma_wait3A_77 = tpu.memref_slice %arg13[%add3A_19, %dma_wait3A_76] : memref<10112x128xf32, #tpu.memory_space<vmem_shared>> -> memref<64x128xf32, #tpu.memory_space<vmem_shared>>
      %dma_wait3A_78 = arith.constant 0 : i32
      %dma_wait3A_79 = tpu.memref_slice %arg13[%add3A_19, %dma_wait3A_78] : memref<10112x128xf32, #tpu.memory_space<vmem_shared>> -> memref<64x128xf32, #tpu.memory_space<vmem_shared>>
      tpu.wait_dma2 semaphore(%run_scoped3A : memref<!tpu.dma_semaphore, #tpu.memory_space<semaphore_mem>>) src(%arg11 : memref<64x128xf32, #tpu.memory_space<vmem>>) dst(%dma_wait3A_79 : memref<64x128xf32, #tpu.memory_space<vmem_shared>>)
      tpu.yield
    }) : () -> ()
    %add3A_20 = arith.constant 384 : i32
    %add3A_21 = arith.addi %mul3A_2, %add3A_20 : i32
    "tpu.region"() ({
      %run_scoped3A = tpu.sem_alloc : memref<!tpu.dma_semaphore, #tpu.memory_space<semaphore_mem>>
      %dma_start3A_72 = arith.constant 0 : i32
      %dma_start3A_73 = tpu.memref_slice %arg13[%add3A_21, %dma_start3A_72] : memref<10112x128xf32, #tpu.memory_space<vmem_shared>> -> memref<64x128xf32, #tpu.memory_space<vmem_shared>>
      %dma_start3A_74 = arith.constant 0 : i32
      %dma_start3A_75 = tpu.memref_slice %arg13[%add3A_21, %dma_start3A_74] : memref<10112x128xf32, #tpu.memory_space<vmem_shared>> -> memref<64x128xf32, #tpu.memory_space<vmem_shared>>
      tpu.enqueue_dma source(%arg11 : memref<64x128xf32, #tpu.memory_space<vmem>>) target(%dma_start3A_75 : memref<64x128xf32, #tpu.memory_space<vmem_shared>>) target_semaphore(%run_scoped3A : memref<!tpu.dma_semaphore, #tpu.memory_space<semaphore_mem>>)
      %dma_wait3A_76 = arith.constant 0 : i32
      %dma_wait3A_77 = tpu.memref_slice %arg13[%add3A_21, %dma_wait3A_76] : memref<10112x128xf32, #tpu.memory_space<vmem_shared>> -> memref<64x128xf32, #tpu.memory_space<vmem_shared>>
      %dma_wait3A_78 = arith.constant 0 : i32
      %dma_wait3A_79 = tpu.memref_slice %arg13[%add3A_21, %dma_wait3A_78] : memref<10112x128xf32, #tpu.memory_space<vmem_shared>> -> memref<64x128xf32, #tpu.memory_space<vmem_shared>>
      tpu.wait_dma2 semaphore(%run_scoped3A : memref<!tpu.dma_semaphore, #tpu.memory_space<semaphore_mem>>) src(%arg11 : memref<64x128xf32, #tpu.memory_space<vmem>>) dst(%dma_wait3A_79 : memref<64x128xf32, #tpu.memory_space<vmem_shared>>)
      tpu.yield
    }) : () -> ()
    %add3A_22 = arith.constant 448 : i32
    %add3A_23 = arith.addi %mul3A_2, %add3A_22 : i32
    "tpu.region"() ({
      %run_scoped3A = tpu.sem_alloc : memref<!tpu.dma_semaphore, #tpu.memory_space<semaphore_mem>>
      %dma_start3A_72 = arith.constant 0 : i32
      %dma_start3A_73 = tpu.memref_slice %arg13[%add3A_23, %dma_start3A_72] : memref<10112x128xf32, #tpu.memory_space<vmem_shared>> -> memref<64x128xf32, #tpu.memory_space<vmem_shared>>
      %dma_start3A_74 = arith.constant 0 : i32
      %dma_start3A_75 = tpu.memref_slice %arg13[%add3A_23, %dma_start3A_74] : memref<10112x128xf32, #tpu.memory_space<vmem_shared>> -> memref<64x128xf32, #tpu.memory_space<vmem_shared>>
      tpu.enqueue_dma source(%arg11 : memref<64x128xf32, #tpu.memory_space<vmem>>) target(%dma_start3A_75 : memref<64x128xf32, #tpu.memory_space<vmem_shared>>) target_semaphore(%run_scoped3A : memref<!tpu.dma_semaphore, #tpu.memory_space<semaphore_mem>>)
      %dma_wait3A_76 = arith.constant 0 : i32
      %dma_wait3A_77 = tpu.memref_slice %arg13[%add3A_23, %dma_wait3A_76] : memref<10112x128xf32, #tpu.memory_space<vmem_shared>> -> memref<64x128xf32, #tpu.memory_space<vmem_shared>>
      %dma_wait3A_78 = arith.constant 0 : i32
      %dma_wait3A_79 = tpu.memref_slice %arg13[%add3A_23, %dma_wait3A_78] : memref<10112x128xf32, #tpu.memory_space<vmem_shared>> -> memref<64x128xf32, #tpu.memory_space<vmem_shared>>
      tpu.wait_dma2 semaphore(%run_scoped3A : memref<!tpu.dma_semaphore, #tpu.memory_space<semaphore_mem>>) src(%arg11 : memref<64x128xf32, #tpu.memory_space<vmem>>) dst(%dma_wait3A_79 : memref<64x128xf32, #tpu.memory_space<vmem_shared>>)
      tpu.yield
    }) : () -> ()
    %add3A_24 = arith.constant 512 : i32
    %add3A_25 = arith.addi %mul3A_2, %add3A_24 : i32
    "tpu.region"() ({
      %run_scoped3A = tpu.sem_alloc : memref<!tpu.dma_semaphore, #tpu.memory_space<semaphore_mem>>
      %dma_start3A_72 = arith.constant 0 : i32
      %dma_start3A_73 = tpu.memref_slice %arg13[%add3A_25, %dma_start3A_72] : memref<10112x128xf32, #tpu.memory_space<vmem_shared>> -> memref<64x128xf32, #tpu.memory_space<vmem_shared>>
      %dma_start3A_74 = arith.constant 0 : i32
      %dma_start3A_75 = tpu.memref_slice %arg13[%add3A_25, %dma_start3A_74] : memref<10112x128xf32, #tpu.memory_space<vmem_shared>> -> memref<64x128xf32, #tpu.memory_space<vmem_shared>>
      tpu.enqueue_dma source(%arg11 : memref<64x128xf32, #tpu.memory_space<vmem>>) target(%dma_start3A_75 : memref<64x128xf32, #tpu.memory_space<vmem_shared>>) target_semaphore(%run_scoped3A : memref<!tpu.dma_semaphore, #tpu.memory_space<semaphore_mem>>)
      %dma_wait3A_76 = arith.constant 0 : i32
      %dma_wait3A_77 = tpu.memref_slice %arg13[%add3A_25, %dma_wait3A_76] : memref<10112x128xf32, #tpu.memory_space<vmem_shared>> -> memref<64x128xf32, #tpu.memory_space<vmem_shared>>
      %dma_wait3A_78 = arith.constant 0 : i32
      %dma_wait3A_79 = tpu.memref_slice %arg13[%add3A_25, %dma_wait3A_78] : memref<10112x128xf32, #tpu.memory_space<vmem_shared>> -> memref<64x128xf32, #tpu.memory_space<vmem_shared>>
      tpu.wait_dma2 semaphore(%run_scoped3A : memref<!tpu.dma_semaphore, #tpu.memory_space<semaphore_mem>>) src(%arg11 : memref<64x128xf32, #tpu.memory_space<vmem>>) dst(%dma_wait3A_79 : memref<64x128xf32, #tpu.memory_space<vmem_shared>>)
      tpu.yield
    }) : () -> ()
    %add3A_26 = arith.constant 632 : i32
    %add3A_27 = arith.addi %mul3A_2, %add3A_26 : i32
    %sub3A = arith.constant 56 : i32
    %sub3A_28 = arith.subi %add3A_27, %sub3A : i32
    "tpu.region"() ({
      %run_scoped3A = tpu.sem_alloc : memref<!tpu.dma_semaphore, #tpu.memory_space<semaphore_mem>>
      %dma_start3A_72 = arith.constant 0 : i32
      %dma_start3A_73 = arith.constant 0 : i32
      %dma_start3A_74 = tpu.memref_slice %arg11[%dma_start3A_72, %dma_start3A_73] : memref<64x128xf32, #tpu.memory_space<vmem>> -> memref<56x128xf32, #tpu.memory_space<vmem>>
      %dma_start3A_75 = arith.constant 0 : i32
      %dma_start3A_76 = tpu.memref_slice %arg13[%sub3A_28, %dma_start3A_75] : memref<10112x128xf32, #tpu.memory_space<vmem_shared>> -> memref<56x128xf32, #tpu.memory_space<vmem_shared>>
      %dma_start3A_77 = arith.constant 0 : i32
      %dma_start3A_78 = tpu.memref_slice %arg13[%sub3A_28, %dma_start3A_77] : memref<10112x128xf32, #tpu.memory_space<vmem_shared>> -> memref<56x128xf32, #tpu.memory_space<vmem_shared>>
      %dma_start3A_79 = arith.constant 0 : i32
      %dma_start3A_80 = arith.constant 0 : i32
      %dma_start3A_81 = tpu.memref_slice %arg11[%dma_start3A_79, %dma_start3A_80] : memref<64x128xf32, #tpu.memory_space<vmem>> -> memref<56x128xf32, #tpu.memory_space<vmem>>
      tpu.enqueue_dma source(%dma_start3A_81 : memref<56x128xf32, #tpu.memory_space<vmem>>) target(%dma_start3A_78 : memref<56x128xf32, #tpu.memory_space<vmem_shared>>) target_semaphore(%run_scoped3A : memref<!tpu.dma_semaphore, #tpu.memory_space<semaphore_mem>>)
      %dma_wait3A_82 = arith.constant 0 : i32
      %dma_wait3A_83 = arith.constant 0 : i32
      %dma_wait3A_84 = tpu.memref_slice %arg11[%dma_wait3A_82, %dma_wait3A_83] : memref<64x128xf32, #tpu.memory_space<vmem>> -> memref<56x128xf32, #tpu.memory_space<vmem>>
      %dma_wait3A_85 = arith.constant 0 : i32
      %dma_wait3A_86 = tpu.memref_slice %arg13[%sub3A_28, %dma_wait3A_85] : memref<10112x128xf32, #tpu.memory_space<vmem_shared>> -> memref<56x128xf32, #tpu.memory_space<vmem_shared>>
      %dma_wait3A_87 = arith.constant 0 : i32
      %dma_wait3A_88 = tpu.memref_slice %arg13[%sub3A_28, %dma_wait3A_87] : memref<10112x128xf32, #tpu.memory_space<vmem_shared>> -> memref<56x128xf32, #tpu.memory_space<vmem_shared>>
      %dma_wait3A_89 = arith.constant 0 : i32
      %dma_wait3A_90 = arith.constant 0 : i32
      %dma_wait3A_91 = tpu.memref_slice %arg11[%dma_wait3A_89, %dma_wait3A_90] : memref<64x128xf32, #tpu.memory_space<vmem>> -> memref<56x128xf32, #tpu.memory_space<vmem>>
      tpu.wait_dma2 semaphore(%run_scoped3A : memref<!tpu.dma_semaphore, #tpu.memory_space<semaphore_mem>>) src(%dma_wait3A_91 : memref<56x128xf32, #tpu.memory_space<vmem>>) dst(%dma_wait3A_88 : memref<56x128xf32, #tpu.memory_space<vmem_shared>>)
      tpu.yield
    }) : () -> ()
    %barrier3A = arith.constant 0 : index
    tpu.barrier barrier_id(%barrier3A)
    %dma_start3A = arith.constant 0 : i32
    %dma_start3A_29 = arith.constant 0 : i32
    %dma_start3A_30 = arith.constant 0 : i32
    %dma_start3A_31 = tpu.memref_slice %arg2[%add3A, %dma_start3A, %dma_start3A_29, %dma_start3A_30] : memref<32x160x64x32xf32, #tpu.memory_space<hbm>> -> memref<1x1x64x32xf32, #tpu.memory_space<hbm>>
    %dma_start3A_32 = tpu.memref_squeeze %dma_start3A_31 : memref<1x1x64x32xf32, #tpu.memory_space<hbm>> -> memref<64x32xf32, #tpu.memory_space<hbm>>
    %dma_start3A_33 = arith.constant 0 : i32
    %dma_start3A_34 = arith.constant 0 : i32
    %dma_start3A_35 = tpu.memref_slice %arg2[%add3A, %dma_start3A, %dma_start3A_33, %dma_start3A_34] : memref<32x160x64x32xf32, #tpu.memory_space<hbm>> -> memref<1x1x64x32xf32, #tpu.memory_space<hbm>>
    %dma_start3A_36 = tpu.memref_squeeze %dma_start3A_35 : memref<1x1x64x32xf32, #tpu.memory_space<hbm>> -> memref<64x32xf32, #tpu.memory_space<hbm>>
    tpu.enqueue_dma source(%dma_start3A_36 : memref<64x32xf32, #tpu.memory_space<hbm>>) target(%arg9 : memref<64x32xf32, #tpu.memory_space<vmem>>) target_semaphore(%arg18 : memref<!tpu.dma_semaphore, #tpu.memory_space<semaphore_mem>>)
    %dma_start3A_37 = arith.constant 0 : i32
    %dma_start3A_38 = arith.constant 0 : i32
    %dma_start3A_39 = tpu.memref_slice %arg3[%add3A, %dma_start3A_37, %dma_start3A_38] : memref<32x160x64xi32, #tpu.memory_space<hbm>> -> memref<1x1x64xi32, #tpu.memory_space<hbm>>
    %dma_start3A_40 = tpu.memref_squeeze %dma_start3A_39 : memref<1x1x64xi32, #tpu.memory_space<hbm>> -> memref<64xi32, #tpu.memory_space<hbm>>
    %dma_start3A_41 = arith.constant 0 : i32
    %dma_start3A_42 = tpu.memref_slice %arg3[%add3A, %dma_start3A_37, %dma_start3A_41] : memref<32x160x64xi32, #tpu.memory_space<hbm>> -> memref<1x1x64xi32, #tpu.memory_space<hbm>>
    %dma_start3A_43 = tpu.memref_squeeze %dma_start3A_42 : memref<1x1x64xi32, #tpu.memory_space<hbm>> -> memref<64xi32, #tpu.memory_space<hbm>>
    tpu.enqueue_dma source(%dma_start3A_43 : memref<64xi32, #tpu.memory_space<hbm>>) target(%arg5 : memref<64xi32, #tpu.memory_space<vmem>>) target_semaphore(%arg14 : memref<!tpu.dma_semaphore, #tpu.memory_space<semaphore_mem>>)
    %dma_start3A_44 = arith.constant 1 : i32
    %dma_start3A_45 = arith.constant 0 : i32
    %dma_start3A_46 = arith.constant 0 : i32
    %dma_start3A_47 = tpu.memref_slice %arg2[%add3A, %dma_start3A_44, %dma_start3A_45, %dma_start3A_46] : memref<32x160x64x32xf32, #tpu.memory_space<hbm>> -> memref<1x1x64x32xf32, #tpu.memory_space<hbm>>
    %dma_start3A_48 = tpu.memref_squeeze %dma_start3A_47 : memref<1x1x64x32xf32, #tpu.memory_space<hbm>> -> memref<64x32xf32, #tpu.memory_space<hbm>>
    %dma_start3A_49 = arith.constant 0 : i32
    %dma_start3A_50 = arith.constant 0 : i32
    %dma_start3A_51 = tpu.memref_slice %arg2[%add3A, %dma_start3A_44, %dma_start3A_49, %dma_start3A_50] : memref<32x160x64x32xf32, #tpu.memory_space<hbm>> -> memref<1x1x64x32xf32, #tpu.memory_space<hbm>>
    %dma_start3A_52 = tpu.memref_squeeze %dma_start3A_51 : memref<1x1x64x32xf32, #tpu.memory_space<hbm>> -> memref<64x32xf32, #tpu.memory_space<hbm>>
    tpu.enqueue_dma source(%dma_start3A_52 : memref<64x32xf32, #tpu.memory_space<hbm>>) target(%arg10 : memref<64x32xf32, #tpu.memory_space<vmem>>) target_semaphore(%arg19 : memref<!tpu.dma_semaphore, #tpu.memory_space<semaphore_mem>>)
    %dma_start3A_53 = arith.constant 1 : i32
    %dma_start3A_54 = arith.constant 0 : i32
    %dma_start3A_55 = tpu.memref_slice %arg3[%add3A, %dma_start3A_53, %dma_start3A_54] : memref<32x160x64xi32, #tpu.memory_space<hbm>> -> memref<1x1x64xi32, #tpu.memory_space<hbm>>
    %dma_start3A_56 = tpu.memref_squeeze %dma_start3A_55 : memref<1x1x64xi32, #tpu.memory_space<hbm>> -> memref<64xi32, #tpu.memory_space<hbm>>
    %dma_start3A_57 = arith.constant 0 : i32
    %dma_start3A_58 = tpu.memref_slice %arg3[%add3A, %dma_start3A_53, %dma_start3A_57] : memref<32x160x64xi32, #tpu.memory_space<hbm>> -> memref<1x1x64xi32, #tpu.memory_space<hbm>>
    %dma_start3A_59 = tpu.memref_squeeze %dma_start3A_58 : memref<1x1x64xi32, #tpu.memory_space<hbm>> -> memref<64xi32, #tpu.memory_space<hbm>>
    tpu.enqueue_dma source(%dma_start3A_59 : memref<64xi32, #tpu.memory_space<hbm>>) target(%arg6 : memref<64xi32, #tpu.memory_space<vmem>>) target_semaphore(%arg15 : memref<!tpu.dma_semaphore, #tpu.memory_space<semaphore_mem>>)
    %scan3A_60 = arith.constant 0 : i32
    %scan3A_61 = arith.constant 0 : i32
    %scan3A_62 = arith.constant 40 : i32
    %scan3A_63 = arith.addi %scan3A_61, %scan3A_62 : i32
    %scan3A_64 = arith.constant 1 : i32
    scf.for %scan3A_72 = %scan3A_61 to %scan3A_63 step %scan3A_64  : i32 {
      %mul3A_73 = arith.constant 4 : i32
      %mul3A_74 = arith.muli %scan3A_72, %mul3A_73 : i32
      %add3A_75 = arith.constant 0 : i32
      %add3A_76 = arith.addi %mul3A_74, %add3A_75 : i32
      %dma_wait3A_77 = arith.constant 0 : i32
      %dma_wait3A_78 = arith.constant 0 : i32
      %dma_wait3A_79 = tpu.memref_slice %arg2[%add3A, %add3A_76, %dma_wait3A_77, %dma_wait3A_78] : memref<32x160x64x32xf32, #tpu.memory_space<hbm>> -> memref<1x1x64x32xf32, #tpu.memory_space<hbm>>
      %dma_wait3A_80 = tpu.memref_squeeze %dma_wait3A_79 : memref<1x1x64x32xf32, #tpu.memory_space<hbm>> -> memref<64x32xf32, #tpu.memory_space<hbm>>
      %dma_wait3A_81 = arith.constant 0 : i32
      %dma_wait3A_82 = arith.constant 0 : i32
      %dma_wait3A_83 = tpu.memref_slice %arg2[%add3A, %add3A_76, %dma_wait3A_81, %dma_wait3A_82] : memref<32x160x64x32xf32, #tpu.memory_space<hbm>> -> memref<1x1x64x32xf32, #tpu.memory_space<hbm>>
      %dma_wait3A_84 = tpu.memref_squeeze %dma_wait3A_83 : memref<1x1x64x32xf32, #tpu.memory_space<hbm>> -> memref<64x32xf32, #tpu.memory_space<hbm>>
      tpu.wait_dma2 semaphore(%arg18 : memref<!tpu.dma_semaphore, #tpu.memory_space<semaphore_mem>>) src(%dma_wait3A_84 : memref<64x32xf32, #tpu.memory_space<hbm>>) dst(%arg9 : memref<64x32xf32, #tpu.memory_space<vmem>>)
      %ge3A = arith.constant 2 : i32
      %ge3A_85 = arith.cmpi sge, %add3A_76, %ge3A : i32
      %convert_element_type3A = arith.extui %ge3A_85 : i1 to i32
      %cond3A = arith.constant 0 : i32
      %cond3A_86 = arith.cmpi ne, %convert_element_type3A, %cond3A : i32
      scf.if %cond3A_86 {
        %dma_wait3A_225 = arith.constant 0 : i32
        %dma_wait3A_226 = arith.constant 0 : i32
        %dma_wait3A_227 = tpu.memref_slice %arg13[%dma_wait3A_225, %dma_wait3A_226] : memref<10112x128xf32, #tpu.memory_space<vmem_shared>> -> memref<10112x128xf32, #tpu.memory_space<vmem_shared>>
        tpu.wait_indirect_dma semaphore(%arg20 : memref<!tpu.dma_semaphore, #tpu.memory_space<semaphore_mem>>) src(%arg11 : memref<64x128xf32, #tpu.memory_space<vmem>>) dst(%dma_wait3A_227 : memref<10112x128xf32, #tpu.memory_space<vmem_shared>>)
      } else {
      }
      %scan3A_87 = arith.constant 0 : i32
      %scan3A_88 = arith.constant 0 : i32
      %scan3A_89 = arith.constant 128 : i32
      %scan3A_90 = arith.addi %scan3A_88, %scan3A_89 : i32
      %scan3A_91 = arith.constant 1 : i32
      scf.for %scan3A_225 = %scan3A_88 to %scan3A_90 step %scan3A_91  : i32 {
        %shift_right_arithmetic3A = arith.constant 1 : i32
        %shift_right_arithmetic3A_226 = arith.shrsi %scan3A_225, %shift_right_arithmetic3A : i32
        %and3A = arith.constant 1 : i32
        %and3A_227 = arith.andi %scan3A_225, %and3A : i32
        %mul3A_228 = arith.constant 16 : i32
        %mul3A_229 = arith.muli %and3A_227, %mul3A_228 : i32
        %get3A = arith.index_cast %shift_right_arithmetic3A_226 : i32 to index
        %get3A_230 = arith.index_cast %mul3A_229 : i32 to index
        %get3A_231 = tpu.vector_load %arg9[%get3A, %get3A_230] {strides = array<i32>} : memref<64x32xf32, #tpu.memory_space<vmem>>, vector<1x16xf32>,
        %get3A_232 = vector.shape_cast %get3A_231 : vector<1x16xf32> to vector<16xf32>
        %shift_right_arithmetic3A_233 = arith.constant 1 : i32
        %shift_right_arithmetic3A_234 = arith.shrsi %scan3A_225, %shift_right_arithmetic3A_233 : i32
        %and3A_235 = arith.constant 1 : i32
        %and3A_236 = arith.andi %scan3A_225, %and3A_235 : i32
        %mul3A_237 = arith.constant 16 : i32
        %mul3A_238 = arith.muli %and3A_236, %mul3A_237 : i32
        %swap3A = arith.index_cast %shift_right_arithmetic3A_234 : i32 to index
        %swap3A_239 = arith.index_cast %mul3A_238 : i32 to index
        %swap3A_240 = tpu.vector_load %arg11[%swap3A, %swap3A_239] {strides = array<i32>} : memref<64x128xf32, #tpu.memory_space<vmem>>, vector<1x16xf32>,
        %swap3A_241 = vector.shape_cast %swap3A_240 : vector<1x16xf32> to vector<16xf32>
        %swap3A_242 = vector.shape_cast %get3A_232 : vector<16xf32> to vector<1x16xf32>
        tpu.vector_store %arg11[%swap3A, %swap3A_239], %swap3A_242 {strides = array<i32>} : memref<64x128xf32, #tpu.memory_space<vmem>>, vector<1x16xf32>,
      }
      %scan3A_92 = arith.constant 128 : i32
      %dma_wait3A_93 = arith.constant 0 : i32
      %dma_wait3A_94 = tpu.memref_slice %arg3[%add3A, %add3A_76, %dma_wait3A_93] : memref<32x160x64xi32, #tpu.memory_space<hbm>> -> memref<1x1x64xi32, #tpu.memory_space<hbm>>
      %dma_wait3A_95 = tpu.memref_squeeze %dma_wait3A_94 : memref<1x1x64xi32, #tpu.memory_space<hbm>> -> memref<64xi32, #tpu.memory_space<hbm>>
      %dma_wait3A_96 = arith.constant 0 : i32
      %dma_wait3A_97 = tpu.memref_slice %arg3[%add3A, %add3A_76, %dma_wait3A_96] : memref<32x160x64xi32, #tpu.memory_space<hbm>> -> memref<1x1x64xi32, #tpu.memory_space<hbm>>
      %dma_wait3A_98 = tpu.memref_squeeze %dma_wait3A_97 : memref<1x1x64xi32, #tpu.memory_space<hbm>> -> memref<64xi32, #tpu.memory_space<hbm>>
      tpu.wait_dma2 semaphore(%arg14 : memref<!tpu.dma_semaphore, #tpu.memory_space<semaphore_mem>>) src(%dma_wait3A_98 : memref<64xi32, #tpu.memory_space<hbm>>) dst(%arg5 : memref<64xi32, #tpu.memory_space<vmem>>)
      %dma_start3A_99 = arith.constant 0 : i32
      %dma_start3A_100 = arith.constant 0 : i32
      %dma_start3A_101 = tpu.memref_slice %arg13[%dma_start3A_99, %dma_start3A_100] : memref<10112x128xf32, #tpu.memory_space<vmem_shared>> -> memref<10112x128xf32, #tpu.memory_space<vmem_shared>>
      tpu.enqueue_indirect_dma source(%arg11 : memref<64x128xf32, #tpu.memory_space<vmem>>) target(%dma_start3A_101 : memref<10112x128xf32, #tpu.memory_space<vmem_shared>>) offsets(%arg5 : memref<64xi32, #tpu.memory_space<vmem>>) semaphore(%arg20 : memref<!tpu.dma_semaphore, #tpu.memory_space<semaphore_mem>>) {add = true}
      %add3A_102 = arith.constant 2 : i32
      %add3A_103 = arith.addi %add3A_76, %add3A_102 : i32
      %lt3A = arith.constant 160 : i32
      %lt3A_104 = arith.cmpi slt, %add3A_103, %lt3A : i32
      %convert_element_type3A_105 = arith.extui %lt3A_104 : i1 to i32
      %cond3A_106 = arith.constant 0 : i32
      %cond3A_107 = arith.cmpi ne, %convert_element_type3A_105, %cond3A_106 : i32
      scf.if %cond3A_107 {
        %add3A_225 = arith.constant 2 : i32
        %add3A_226 = arith.addi %add3A_76, %add3A_225 : i32
        %dma_start3A_227 = arith.constant 0 : i32
        %dma_start3A_228 = arith.constant 0 : i32
        %dma_start3A_229 = tpu.memref_slice %arg2[%add3A, %add3A_226, %dma_start3A_227, %dma_start3A_228] : memref<32x160x64x32xf32, #tpu.memory_space<hbm>> -> memref<1x1x64x32xf32, #tpu.memory_space<hbm>>
        %dma_start3A_230 = tpu.memref_squeeze %dma_start3A_229 : memref<1x1x64x32xf32, #tpu.memory_space<hbm>> -> memref<64x32xf32, #tpu.memory_space<hbm>>
        %dma_start3A_231 = arith.constant 0 : i32
        %dma_start3A_232 = arith.constant 0 : i32
        %dma_start3A_233 = tpu.memref_slice %arg2[%add3A, %add3A_226, %dma_start3A_231, %dma_start3A_232] : memref<32x160x64x32xf32, #tpu.memory_space<hbm>> -> memref<1x1x64x32xf32, #tpu.memory_space<hbm>>
        %dma_start3A_234 = tpu.memref_squeeze %dma_start3A_233 : memref<1x1x64x32xf32, #tpu.memory_space<hbm>> -> memref<64x32xf32, #tpu.memory_space<hbm>>
        tpu.enqueue_dma source(%dma_start3A_234 : memref<64x32xf32, #tpu.memory_space<hbm>>) target(%arg9 : memref<64x32xf32, #tpu.memory_space<vmem>>) target_semaphore(%arg18 : memref<!tpu.dma_semaphore, #tpu.memory_space<semaphore_mem>>)
        %add3A_235 = arith.constant 2 : i32
        %add3A_236 = arith.addi %add3A_76, %add3A_235 : i32
        %dma_start3A_237 = arith.constant 0 : i32
        %dma_start3A_238 = tpu.memref_slice %arg3[%add3A, %add3A_236, %dma_start3A_237] : memref<32x160x64xi32, #tpu.memory_space<hbm>> -> memref<1x1x64xi32, #tpu.memory_space<hbm>>
        %dma_start3A_239 = tpu.memref_squeeze %dma_start3A_238 : memref<1x1x64xi32, #tpu.memory_space<hbm>> -> memref<64xi32, #tpu.memory_space<hbm>>
        %dma_start3A_240 = arith.constant 0 : i32
        %dma_start3A_241 = tpu.memref_slice %arg3[%add3A, %add3A_236, %dma_start3A_240] : memref<32x160x64xi32, #tpu.memory_space<hbm>> -> memref<1x1x64xi32, #tpu.memory_space<hbm>>
        %dma_start3A_242 = tpu.memref_squeeze %dma_start3A_241 : memref<1x1x64xi32, #tpu.memory_space<hbm>> -> memref<64xi32, #tpu.memory_space<hbm>>
        tpu.enqueue_dma source(%dma_start3A_242 : memref<64xi32, #tpu.memory_space<hbm>>) target(%arg7 : memref<64xi32, #tpu.memory_space<vmem>>) target_semaphore(%arg16 : memref<!tpu.dma_semaphore, #tpu.memory_space<semaphore_mem>>)
      } else {
      }
      %mul3A_108 = arith.constant 4 : i32
      %mul3A_109 = arith.muli %scan3A_72, %mul3A_108 : i32
      %add3A_110 = arith.constant 1 : i32
      %add3A_111 = arith.addi %mul3A_109, %add3A_110 : i32
      %dma_wait3A_112 = arith.constant 0 : i32
      %dma_wait3A_113 = arith.constant 0 : i32
      %dma_wait3A_114 = tpu.memref_slice %arg2[%add3A, %add3A_111, %dma_wait3A_112, %dma_wait3A_113] : memref<32x160x64x32xf32, #tpu.memory_space<hbm>> -> memref<1x1x64x32xf32, #tpu.memory_space<hbm>>
      %dma_wait3A_115 = tpu.memref_squeeze %dma_wait3A_114 : memref<1x1x64x32xf32, #tpu.memory_space<hbm>> -> memref<64x32xf32, #tpu.memory_space<hbm>>
      %dma_wait3A_116 = arith.constant 0 : i32
      %dma_wait3A_117 = arith.constant 0 : i32
      %dma_wait3A_118 = tpu.memref_slice %arg2[%add3A, %add3A_111, %dma_wait3A_116, %dma_wait3A_117] : memref<32x160x64x32xf32, #tpu.memory_space<hbm>> -> memref<1x1x64x32xf32, #tpu.memory_space<hbm>>
      %dma_wait3A_119 = tpu.memref_squeeze %dma_wait3A_118 : memref<1x1x64x32xf32, #tpu.memory_space<hbm>> -> memref<64x32xf32, #tpu.memory_space<hbm>>
      tpu.wait_dma2 semaphore(%arg19 : memref<!tpu.dma_semaphore, #tpu.memory_space<semaphore_mem>>) src(%dma_wait3A_119 : memref<64x32xf32, #tpu.memory_space<hbm>>) dst(%arg10 : memref<64x32xf32, #tpu.memory_space<vmem>>)
      %ge3A_120 = arith.constant 2 : i32
      %ge3A_121 = arith.cmpi sge, %add3A_111, %ge3A_120 : i32
      %convert_element_type3A_122 = arith.extui %ge3A_121 : i1 to i32
      %cond3A_123 = arith.constant 0 : i32
      %cond3A_124 = arith.cmpi ne, %convert_element_type3A_122, %cond3A_123 : i32
      scf.if %cond3A_124 {
        %dma_wait3A_225 = arith.constant 0 : i32
        %dma_wait3A_226 = arith.constant 0 : i32
        %dma_wait3A_227 = tpu.memref_slice %arg13[%dma_wait3A_225, %dma_wait3A_226] : memref<10112x128xf32, #tpu.memory_space<vmem_shared>> -> memref<10112x128xf32, #tpu.memory_space<vmem_shared>>
        tpu.wait_indirect_dma semaphore(%arg21 : memref<!tpu.dma_semaphore, #tpu.memory_space<semaphore_mem>>) src(%arg12 : memref<64x128xf32, #tpu.memory_space<vmem>>) dst(%dma_wait3A_227 : memref<10112x128xf32, #tpu.memory_space<vmem_shared>>)
      } else {
      }
      %scan3A_125 = arith.constant 0 : i32
      %scan3A_126 = arith.constant 0 : i32
      %scan3A_127 = arith.constant 128 : i32
      %scan3A_128 = arith.addi %scan3A_126, %scan3A_127 : i32
      %scan3A_129 = arith.constant 1 : i32
      scf.for %scan3A_225 = %scan3A_126 to %scan3A_128 step %scan3A_129  : i32 {
        %shift_right_arithmetic3A = arith.constant 1 : i32
        %shift_right_arithmetic3A_226 = arith.shrsi %scan3A_225, %shift_right_arithmetic3A : i32
        %and3A = arith.constant 1 : i32
        %and3A_227 = arith.andi %scan3A_225, %and3A : i32
        %mul3A_228 = arith.constant 16 : i32
        %mul3A_229 = arith.muli %and3A_227, %mul3A_228 : i32
        %get3A = arith.index_cast %shift_right_arithmetic3A_226 : i32 to index
        %get3A_230 = arith.index_cast %mul3A_229 : i32 to index
        %get3A_231 = tpu.vector_load %arg10[%get3A, %get3A_230] {strides = array<i32>} : memref<64x32xf32, #tpu.memory_space<vmem>>, vector<1x16xf32>,
        %get3A_232 = vector.shape_cast %get3A_231 : vector<1x16xf32> to vector<16xf32>
        %shift_right_arithmetic3A_233 = arith.constant 1 : i32
        %shift_right_arithmetic3A_234 = arith.shrsi %scan3A_225, %shift_right_arithmetic3A_233 : i32
        %and3A_235 = arith.constant 1 : i32
        %and3A_236 = arith.andi %scan3A_225, %and3A_235 : i32
        %mul3A_237 = arith.constant 16 : i32
        %mul3A_238 = arith.muli %and3A_236, %mul3A_237 : i32
        %swap3A = arith.index_cast %shift_right_arithmetic3A_234 : i32 to index
        %swap3A_239 = arith.index_cast %mul3A_238 : i32 to index
        %swap3A_240 = tpu.vector_load %arg12[%swap3A, %swap3A_239] {strides = array<i32>} : memref<64x128xf32, #tpu.memory_space<vmem>>, vector<1x16xf32>,
        %swap3A_241 = vector.shape_cast %swap3A_240 : vector<1x16xf32> to vector<16xf32>
        %swap3A_242 = vector.shape_cast %get3A_232 : vector<16xf32> to vector<1x16xf32>
        tpu.vector_store %arg12[%swap3A, %swap3A_239], %swap3A_242 {strides = array<i32>} : memref<64x128xf32, #tpu.memory_space<vmem>>, vector<1x16xf32>,
      }
      %scan3A_130 = arith.constant 128 : i32
      %dma_wait3A_131 = arith.constant 0 : i32
      %dma_wait3A_132 = tpu.memref_slice %arg3[%add3A, %add3A_111, %dma_wait3A_131] : memref<32x160x64xi32, #tpu.memory_space<hbm>> -> memref<1x1x64xi32, #tpu.memory_space<hbm>>
      %dma_wait3A_133 = tpu.memref_squeeze %dma_wait3A_132 : memref<1x1x64xi32, #tpu.memory_space<hbm>> -> memref<64xi32, #tpu.memory_space<hbm>>
      %dma_wait3A_134 = arith.constant 0 : i32
      %dma_wait3A_135 = tpu.memref_slice %arg3[%add3A, %add3A_111, %dma_wait3A_134] : memref<32x160x64xi32, #tpu.memory_space<hbm>> -> memref<1x1x64xi32, #tpu.memory_space<hbm>>
      %dma_wait3A_136 = tpu.memref_squeeze %dma_wait3A_135 : memref<1x1x64xi32, #tpu.memory_space<hbm>> -> memref<64xi32, #tpu.memory_space<hbm>>
      tpu.wait_dma2 semaphore(%arg15 : memref<!tpu.dma_semaphore, #tpu.memory_space<semaphore_mem>>) src(%dma_wait3A_136 : memref<64xi32, #tpu.memory_space<hbm>>) dst(%arg6 : memref<64xi32, #tpu.memory_space<vmem>>)
      %dma_start3A_137 = arith.constant 0 : i32
      %dma_start3A_138 = arith.constant 0 : i32
      %dma_start3A_139 = tpu.memref_slice %arg13[%dma_start3A_137, %dma_start3A_138] : memref<10112x128xf32, #tpu.memory_space<vmem_shared>> -> memref<10112x128xf32, #tpu.memory_space<vmem_shared>>
      tpu.enqueue_indirect_dma source(%arg12 : memref<64x128xf32, #tpu.memory_space<vmem>>) target(%dma_start3A_139 : memref<10112x128xf32, #tpu.memory_space<vmem_shared>>) offsets(%arg6 : memref<64xi32, #tpu.memory_space<vmem>>) semaphore(%arg21 : memref<!tpu.dma_semaphore, #tpu.memory_space<semaphore_mem>>) {add = true}
      %add3A_140 = arith.constant 2 : i32
      %add3A_141 = arith.addi %add3A_111, %add3A_140 : i32
      %lt3A_142 = arith.constant 160 : i32
      %lt3A_143 = arith.cmpi slt, %add3A_141, %lt3A_142 : i32
      %convert_element_type3A_144 = arith.extui %lt3A_143 : i1 to i32
      %cond3A_145 = arith.constant 0 : i32
      %cond3A_146 = arith.cmpi ne, %convert_element_type3A_144, %cond3A_145 : i32
      scf.if %cond3A_146 {
        %add3A_225 = arith.constant 2 : i32
        %add3A_226 = arith.addi %add3A_111, %add3A_225 : i32
        %dma_start3A_227 = arith.constant 0 : i32
        %dma_start3A_228 = arith.constant 0 : i32
        %dma_start3A_229 = tpu.memref_slice %arg2[%add3A, %add3A_226, %dma_start3A_227, %dma_start3A_228] : memref<32x160x64x32xf32, #tpu.memory_space<hbm>> -> memref<1x1x64x32xf32, #tpu.memory_space<hbm>>
        %dma_start3A_230 = tpu.memref_squeeze %dma_start3A_229 : memref<1x1x64x32xf32, #tpu.memory_space<hbm>> -> memref<64x32xf32, #tpu.memory_space<hbm>>
        %dma_start3A_231 = arith.constant 0 : i32
        %dma_start3A_232 = arith.constant 0 : i32
        %dma_start3A_233 = tpu.memref_slice %arg2[%add3A, %add3A_226, %dma_start3A_231, %dma_start3A_232] : memref<32x160x64x32xf32, #tpu.memory_space<hbm>> -> memref<1x1x64x32xf32, #tpu.memory_space<hbm>>
        %dma_start3A_234 = tpu.memref_squeeze %dma_start3A_233 : memref<1x1x64x32xf32, #tpu.memory_space<hbm>> -> memref<64x32xf32, #tpu.memory_space<hbm>>
        tpu.enqueue_dma source(%dma_start3A_234 : memref<64x32xf32, #tpu.memory_space<hbm>>) target(%arg10 : memref<64x32xf32, #tpu.memory_space<vmem>>) target_semaphore(%arg19 : memref<!tpu.dma_semaphore, #tpu.memory_space<semaphore_mem>>)
        %add3A_235 = arith.constant 2 : i32
        %add3A_236 = arith.addi %add3A_111, %add3A_235 : i32
        %dma_start3A_237 = arith.constant 0 : i32
        %dma_start3A_238 = tpu.memref_slice %arg3[%add3A, %add3A_236, %dma_start3A_237] : memref<32x160x64xi32, #tpu.memory_space<hbm>> -> memref<1x1x64xi32, #tpu.memory_space<hbm>>
        %dma_start3A_239 = tpu.memref_squeeze %dma_start3A_238 : memref<1x1x64xi32, #tpu.memory_space<hbm>> -> memref<64xi32, #tpu.memory_space<hbm>>
        %dma_start3A_240 = arith.constant 0 : i32
        %dma_start3A_241 = tpu.memref_slice %arg3[%add3A, %add3A_236, %dma_start3A_240] : memref<32x160x64xi32, #tpu.memory_space<hbm>> -> memref<1x1x64xi32, #tpu.memory_space<hbm>>
        %dma_start3A_242 = tpu.memref_squeeze %dma_start3A_241 : memref<1x1x64xi32, #tpu.memory_space<hbm>> -> memref<64xi32, #tpu.memory_space<hbm>>
        tpu.enqueue_dma source(%dma_start3A_242 : memref<64xi32, #tpu.memory_space<hbm>>) target(%arg8 : memref<64xi32, #tpu.memory_space<vmem>>) target_semaphore(%arg17 : memref<!tpu.dma_semaphore, #tpu.memory_space<semaphore_mem>>)
      } else {
      }
      %mul3A_147 = arith.constant 4 : i32
      %mul3A_148 = arith.muli %scan3A_72, %mul3A_147 : i32
      %add3A_149 = arith.constant 2 : i32
      %add3A_150 = arith.addi %mul3A_148, %add3A_149 : i32
      %dma_wait3A_151 = arith.constant 0 : i32
      %dma_wait3A_152 = arith.constant 0 : i32
      %dma_wait3A_153 = tpu.memref_slice %arg2[%add3A, %add3A_150, %dma_wait3A_151, %dma_wait3A_152] : memref<32x160x64x32xf32, #tpu.memory_space<hbm>> -> memref<1x1x64x32xf32, #tpu.memory_space<hbm>>
      %dma_wait3A_154 = tpu.memref_squeeze %dma_wait3A_153 : memref<1x1x64x32xf32, #tpu.memory_space<hbm>> -> memref<64x32xf32, #tpu.memory_space<hbm>>
      %dma_wait3A_155 = arith.constant 0 : i32
      %dma_wait3A_156 = arith.constant 0 : i32
      %dma_wait3A_157 = tpu.memref_slice %arg2[%add3A, %add3A_150, %dma_wait3A_155, %dma_wait3A_156] : memref<32x160x64x32xf32, #tpu.memory_space<hbm>> -> memref<1x1x64x32xf32, #tpu.memory_space<hbm>>
      %dma_wait3A_158 = tpu.memref_squeeze %dma_wait3A_157 : memref<1x1x64x32xf32, #tpu.memory_space<hbm>> -> memref<64x32xf32, #tpu.memory_space<hbm>>
      tpu.wait_dma2 semaphore(%arg18 : memref<!tpu.dma_semaphore, #tpu.memory_space<semaphore_mem>>) src(%dma_wait3A_158 : memref<64x32xf32, #tpu.memory_space<hbm>>) dst(%arg9 : memref<64x32xf32, #tpu.memory_space<vmem>>)
      %ge3A_159 = arith.constant 2 : i32
      %ge3A_160 = arith.cmpi sge, %add3A_150, %ge3A_159 : i32
      %convert_element_type3A_161 = arith.extui %ge3A_160 : i1 to i32
      %cond3A_162 = arith.constant 0 : i32
      %cond3A_163 = arith.cmpi ne, %convert_element_type3A_161, %cond3A_162 : i32
      scf.if %cond3A_163 {
        %dma_wait3A_225 = arith.constant 0 : i32
        %dma_wait3A_226 = arith.constant 0 : i32
        %dma_wait3A_227 = tpu.memref_slice %arg13[%dma_wait3A_225, %dma_wait3A_226] : memref<10112x128xf32, #tpu.memory_space<vmem_shared>> -> memref<10112x128xf32, #tpu.memory_space<vmem_shared>>
        tpu.wait_indirect_dma semaphore(%arg20 : memref<!tpu.dma_semaphore, #tpu.memory_space<semaphore_mem>>) src(%arg11 : memref<64x128xf32, #tpu.memory_space<vmem>>) dst(%dma_wait3A_227 : memref<10112x128xf32, #tpu.memory_space<vmem_shared>>)
      } else {
      }
      %scan3A_164 = arith.constant 0 : i32
      %scan3A_165 = arith.constant 0 : i32
      %scan3A_166 = arith.constant 128 : i32
      %scan3A_167 = arith.addi %scan3A_165, %scan3A_166 : i32
      %scan3A_168 = arith.constant 1 : i32
      scf.for %scan3A_225 = %scan3A_165 to %scan3A_167 step %scan3A_168  : i32 {
        %shift_right_arithmetic3A = arith.constant 1 : i32
        %shift_right_arithmetic3A_226 = arith.shrsi %scan3A_225, %shift_right_arithmetic3A : i32
        %and3A = arith.constant 1 : i32
        %and3A_227 = arith.andi %scan3A_225, %and3A : i32
        %mul3A_228 = arith.constant 16 : i32
        %mul3A_229 = arith.muli %and3A_227, %mul3A_228 : i32
        %get3A = arith.index_cast %shift_right_arithmetic3A_226 : i32 to index
        %get3A_230 = arith.index_cast %mul3A_229 : i32 to index
        %get3A_231 = tpu.vector_load %arg9[%get3A, %get3A_230] {strides = array<i32>} : memref<64x32xf32, #tpu.memory_space<vmem>>, vector<1x16xf32>,
        %get3A_232 = vector.shape_cast %get3A_231 : vector<1x16xf32> to vector<16xf32>
        %shift_right_arithmetic3A_233 = arith.constant 1 : i32
        %shift_right_arithmetic3A_234 = arith.shrsi %scan3A_225, %shift_right_arithmetic3A_233 : i32
        %and3A_235 = arith.constant 1 : i32
        %and3A_236 = arith.andi %scan3A_225, %and3A_235 : i32
        %mul3A_237 = arith.constant 16 : i32
        %mul3A_238 = arith.muli %and3A_236, %mul3A_237 : i32
        %swap3A = arith.index_cast %shift_right_arithmetic3A_234 : i32 to index
        %swap3A_239 = arith.index_cast %mul3A_238 : i32 to index
        %swap3A_240 = tpu.vector_load %arg11[%swap3A, %swap3A_239] {strides = array<i32>} : memref<64x128xf32, #tpu.memory_space<vmem>>, vector<1x16xf32>,
        %swap3A_241 = vector.shape_cast %swap3A_240 : vector<1x16xf32> to vector<16xf32>
        %swap3A_242 = vector.shape_cast %get3A_232 : vector<16xf32> to vector<1x16xf32>
        tpu.vector_store %arg11[%swap3A, %swap3A_239], %swap3A_242 {strides = array<i32>} : memref<64x128xf32, #tpu.memory_space<vmem>>, vector<1x16xf32>,
      }
      %scan3A_169 = arith.constant 128 : i32
      %dma_wait3A_170 = arith.constant 0 : i32
      %dma_wait3A_171 = tpu.memref_slice %arg3[%add3A, %add3A_150, %dma_wait3A_170] : memref<32x160x64xi32, #tpu.memory_space<hbm>> -> memref<1x1x64xi32, #tpu.memory_space<hbm>>
      %dma_wait3A_172 = tpu.memref_squeeze %dma_wait3A_171 : memref<1x1x64xi32, #tpu.memory_space<hbm>> -> memref<64xi32, #tpu.memory_space<hbm>>
      %dma_wait3A_173 = arith.constant 0 : i32
      %dma_wait3A_174 = tpu.memref_slice %arg3[%add3A, %add3A_150, %dma_wait3A_173] : memref<32x160x64xi32, #tpu.memory_space<hbm>> -> memref<1x1x64xi32, #tpu.memory_space<hbm>>
      %dma_wait3A_175 = tpu.memref_squeeze %dma_wait3A_174 : memref<1x1x64xi32, #tpu.memory_space<hbm>> -> memref<64xi32, #tpu.memory_space<hbm>>
      tpu.wait_dma2 semaphore(%arg16 : memref<!tpu.dma_semaphore, #tpu.memory_space<semaphore_mem>>) src(%dma_wait3A_175 : memref<64xi32, #tpu.memory_space<hbm>>) dst(%arg7 : memref<64xi32, #tpu.memory_space<vmem>>)
      %dma_start3A_176 = arith.constant 0 : i32
      %dma_start3A_177 = arith.constant 0 : i32
      %dma_start3A_178 = tpu.memref_slice %arg13[%dma_start3A_176, %dma_start3A_177] : memref<10112x128xf32, #tpu.memory_space<vmem_shared>> -> memref<10112x128xf32, #tpu.memory_space<vmem_shared>>
      tpu.enqueue_indirect_dma source(%arg11 : memref<64x128xf32, #tpu.memory_space<vmem>>) target(%dma_start3A_178 : memref<10112x128xf32, #tpu.memory_space<vmem_shared>>) offsets(%arg7 : memref<64xi32, #tpu.memory_space<vmem>>) semaphore(%arg20 : memref<!tpu.dma_semaphore, #tpu.memory_space<semaphore_mem>>) {add = true}
      %add3A_179 = arith.constant 2 : i32
      %add3A_180 = arith.addi %add3A_150, %add3A_179 : i32
      %lt3A_181 = arith.constant 160 : i32
      %lt3A_182 = arith.cmpi slt, %add3A_180, %lt3A_181 : i32
      %convert_element_type3A_183 = arith.extui %lt3A_182 : i1 to i32
      %cond3A_184 = arith.constant 0 : i32
      %cond3A_185 = arith.cmpi ne, %convert_element_type3A_183, %cond3A_184 : i32
      scf.if %cond3A_185 {
        %add3A_225 = arith.constant 2 : i32
        %add3A_226 = arith.addi %add3A_150, %add3A_225 : i32
        %dma_start3A_227 = arith.constant 0 : i32
        %dma_start3A_228 = arith.constant 0 : i32
        %dma_start3A_229 = tpu.memref_slice %arg2[%add3A, %add3A_226, %dma_start3A_227, %dma_start3A_228] : memref<32x160x64x32xf32, #tpu.memory_space<hbm>> -> memref<1x1x64x32xf32, #tpu.memory_space<hbm>>
        %dma_start3A_230 = tpu.memref_squeeze %dma_start3A_229 : memref<1x1x64x32xf32, #tpu.memory_space<hbm>> -> memref<64x32xf32, #tpu.memory_space<hbm>>
        %dma_start3A_231 = arith.constant 0 : i32
        %dma_start3A_232 = arith.constant 0 : i32
        %dma_start3A_233 = tpu.memref_slice %arg2[%add3A, %add3A_226, %dma_start3A_231, %dma_start3A_232] : memref<32x160x64x32xf32, #tpu.memory_space<hbm>> -> memref<1x1x64x32xf32, #tpu.memory_space<hbm>>
        %dma_start3A_234 = tpu.memref_squeeze %dma_start3A_233 : memref<1x1x64x32xf32, #tpu.memory_space<hbm>> -> memref<64x32xf32, #tpu.memory_space<hbm>>
        tpu.enqueue_dma source(%dma_start3A_234 : memref<64x32xf32, #tpu.memory_space<hbm>>) target(%arg9 : memref<64x32xf32, #tpu.memory_space<vmem>>) target_semaphore(%arg18 : memref<!tpu.dma_semaphore, #tpu.memory_space<semaphore_mem>>)
        %add3A_235 = arith.constant 2 : i32
        %add3A_236 = arith.addi %add3A_150, %add3A_235 : i32
        %dma_start3A_237 = arith.constant 0 : i32
        %dma_start3A_238 = tpu.memref_slice %arg3[%add3A, %add3A_236, %dma_start3A_237] : memref<32x160x64xi32, #tpu.memory_space<hbm>> -> memref<1x1x64xi32, #tpu.memory_space<hbm>>
        %dma_start3A_239 = tpu.memref_squeeze %dma_start3A_238 : memref<1x1x64xi32, #tpu.memory_space<hbm>> -> memref<64xi32, #tpu.memory_space<hbm>>
        %dma_start3A_240 = arith.constant 0 : i32
        %dma_start3A_241 = tpu.memref_slice %arg3[%add3A, %add3A_236, %dma_start3A_240] : memref<32x160x64xi32, #tpu.memory_space<hbm>> -> memref<1x1x64xi32, #tpu.memory_space<hbm>>
        %dma_start3A_242 = tpu.memref_squeeze %dma_start3A_241 : memref<1x1x64xi32, #tpu.memory_space<hbm>> -> memref<64xi32, #tpu.memory_space<hbm>>
        tpu.enqueue_dma source(%dma_start3A_242 : memref<64xi32, #tpu.memory_space<hbm>>) target(%arg5 : memref<64xi32, #tpu.memory_space<vmem>>) target_semaphore(%arg14 : memref<!tpu.dma_semaphore, #tpu.memory_space<semaphore_mem>>)
      } else {
      }
      %mul3A_186 = arith.constant 4 : i32
      %mul3A_187 = arith.muli %scan3A_72, %mul3A_186 : i32
      %add3A_188 = arith.constant 3 : i32
      %add3A_189 = arith.addi %mul3A_187, %add3A_188 : i32
      %dma_wait3A_190 = arith.constant 0 : i32
      %dma_wait3A_191 = arith.constant 0 : i32
      %dma_wait3A_192 = tpu.memref_slice %arg2[%add3A, %add3A_189, %dma_wait3A_190, %dma_wait3A_191] : memref<32x160x64x32xf32, #tpu.memory_space<hbm>> -> memref<1x1x64x32xf32, #tpu.memory_space<hbm>>
      %dma_wait3A_193 = tpu.memref_squeeze %dma_wait3A_192 : memref<1x1x64x32xf32, #tpu.memory_space<hbm>> -> memref<64x32xf32, #tpu.memory_space<hbm>>
      %dma_wait3A_194 = arith.constant 0 : i32
      %dma_wait3A_195 = arith.constant 0 : i32
      %dma_wait3A_196 = tpu.memref_slice %arg2[%add3A, %add3A_189, %dma_wait3A_194, %dma_wait3A_195] : memref<32x160x64x32xf32, #tpu.memory_space<hbm>> -> memref<1x1x64x32xf32, #tpu.memory_space<hbm>>
      %dma_wait3A_197 = tpu.memref_squeeze %dma_wait3A_196 : memref<1x1x64x32xf32, #tpu.memory_space<hbm>> -> memref<64x32xf32, #tpu.memory_space<hbm>>
      tpu.wait_dma2 semaphore(%arg19 : memref<!tpu.dma_semaphore, #tpu.memory_space<semaphore_mem>>) src(%dma_wait3A_197 : memref<64x32xf32, #tpu.memory_space<hbm>>) dst(%arg10 : memref<64x32xf32, #tpu.memory_space<vmem>>)
      %ge3A_198 = arith.constant 2 : i32
      %ge3A_199 = arith.cmpi sge, %add3A_189, %ge3A_198 : i32
      %convert_element_type3A_200 = arith.extui %ge3A_199 : i1 to i32
      %cond3A_201 = arith.constant 0 : i32
      %cond3A_202 = arith.cmpi ne, %convert_element_type3A_200, %cond3A_201 : i32
      scf.if %cond3A_202 {
        %dma_wait3A_225 = arith.constant 0 : i32
        %dma_wait3A_226 = arith.constant 0 : i32
        %dma_wait3A_227 = tpu.memref_slice %arg13[%dma_wait3A_225, %dma_wait3A_226] : memref<10112x128xf32, #tpu.memory_space<vmem_shared>> -> memref<10112x128xf32, #tpu.memory_space<vmem_shared>>
        tpu.wait_indirect_dma semaphore(%arg21 : memref<!tpu.dma_semaphore, #tpu.memory_space<semaphore_mem>>) src(%arg12 : memref<64x128xf32, #tpu.memory_space<vmem>>) dst(%dma_wait3A_227 : memref<10112x128xf32, #tpu.memory_space<vmem_shared>>)
      } else {
      }
      %scan3A_203 = arith.constant 0 : i32
      %scan3A_204 = arith.constant 0 : i32
      %scan3A_205 = arith.constant 128 : i32
      %scan3A_206 = arith.addi %scan3A_204, %scan3A_205 : i32
      %scan3A_207 = arith.constant 1 : i32
      scf.for %scan3A_225 = %scan3A_204 to %scan3A_206 step %scan3A_207  : i32 {
        %shift_right_arithmetic3A = arith.constant 1 : i32
        %shift_right_arithmetic3A_226 = arith.shrsi %scan3A_225, %shift_right_arithmetic3A : i32
        %and3A = arith.constant 1 : i32
        %and3A_227 = arith.andi %scan3A_225, %and3A : i32
        %mul3A_228 = arith.constant 16 : i32
        %mul3A_229 = arith.muli %and3A_227, %mul3A_228 : i32
        %get3A = arith.index_cast %shift_right_arithmetic3A_226 : i32 to index
        %get3A_230 = arith.index_cast %mul3A_229 : i32 to index
        %get3A_231 = tpu.vector_load %arg10[%get3A, %get3A_230] {strides = array<i32>} : memref<64x32xf32, #tpu.memory_space<vmem>>, vector<1x16xf32>,
        %get3A_232 = vector.shape_cast %get3A_231 : vector<1x16xf32> to vector<16xf32>
        %shift_right_arithmetic3A_233 = arith.constant 1 : i32
        %shift_right_arithmetic3A_234 = arith.shrsi %scan3A_225, %shift_right_arithmetic3A_233 : i32
        %and3A_235 = arith.constant 1 : i32
        %and3A_236 = arith.andi %scan3A_225, %and3A_235 : i32
        %mul3A_237 = arith.constant 16 : i32
        %mul3A_238 = arith.muli %and3A_236, %mul3A_237 : i32
        %swap3A = arith.index_cast %shift_right_arithmetic3A_234 : i32 to index
        %swap3A_239 = arith.index_cast %mul3A_238 : i32 to index
        %swap3A_240 = tpu.vector_load %arg12[%swap3A, %swap3A_239] {strides = array<i32>} : memref<64x128xf32, #tpu.memory_space<vmem>>, vector<1x16xf32>,
        %swap3A_241 = vector.shape_cast %swap3A_240 : vector<1x16xf32> to vector<16xf32>
        %swap3A_242 = vector.shape_cast %get3A_232 : vector<16xf32> to vector<1x16xf32>
        tpu.vector_store %arg12[%swap3A, %swap3A_239], %swap3A_242 {strides = array<i32>} : memref<64x128xf32, #tpu.memory_space<vmem>>, vector<1x16xf32>,
      }
      %scan3A_208 = arith.constant 128 : i32
      %dma_wait3A_209 = arith.constant 0 : i32
      %dma_wait3A_210 = tpu.memref_slice %arg3[%add3A, %add3A_189, %dma_wait3A_209] : memref<32x160x64xi32, #tpu.memory_space<hbm>> -> memref<1x1x64xi32, #tpu.memory_space<hbm>>
      %dma_wait3A_211 = tpu.memref_squeeze %dma_wait3A_210 : memref<1x1x64xi32, #tpu.memory_space<hbm>> -> memref<64xi32, #tpu.memory_space<hbm>>
      %dma_wait3A_212 = arith.constant 0 : i32
      %dma_wait3A_213 = tpu.memref_slice %arg3[%add3A, %add3A_189, %dma_wait3A_212] : memref<32x160x64xi32, #tpu.memory_space<hbm>> -> memref<1x1x64xi32, #tpu.memory_space<hbm>>
      %dma_wait3A_214 = tpu.memref_squeeze %dma_wait3A_213 : memref<1x1x64xi32, #tpu.memory_space<hbm>> -> memref<64xi32, #tpu.memory_space<hbm>>
      tpu.wait_dma2 semaphore(%arg17 : memref<!tpu.dma_semaphore, #tpu.memory_space<semaphore_mem>>) src(%dma_wait3A_214 : memref<64xi32, #tpu.memory_space<hbm>>) dst(%arg8 : memref<64xi32, #tpu.memory_space<vmem>>)
      %dma_start3A_215 = arith.constant 0 : i32
      %dma_start3A_216 = arith.constant 0 : i32
      %dma_start3A_217 = tpu.memref_slice %arg13[%dma_start3A_215, %dma_start3A_216] : memref<10112x128xf32, #tpu.memory_space<vmem_shared>> -> memref<10112x128xf32, #tpu.memory_space<vmem_shared>>
      tpu.enqueue_indirect_dma source(%arg12 : memref<64x128xf32, #tpu.memory_space<vmem>>) target(%dma_start3A_217 : memref<10112x128xf32, #tpu.memory_space<vmem_shared>>) offsets(%arg8 : memref<64xi32, #tpu.memory_space<vmem>>) semaphore(%arg21 : memref<!tpu.dma_semaphore, #tpu.memory_space<semaphore_mem>>) {add = true}
      %add3A_218 = arith.constant 2 : i32
      %add3A_219 = arith.addi %add3A_189, %add3A_218 : i32
      %lt3A_220 = arith.constant 160 : i32
      %lt3A_221 = arith.cmpi slt, %add3A_219, %lt3A_220 : i32
      %convert_element_type3A_222 = arith.extui %lt3A_221 : i1 to i32
      %cond3A_223 = arith.constant 0 : i32
      %cond3A_224 = arith.cmpi ne, %convert_element_type3A_222, %cond3A_223 : i32
      scf.if %cond3A_224 {
        %add3A_225 = arith.constant 2 : i32
        %add3A_226 = arith.addi %add3A_189, %add3A_225 : i32
        %dma_start3A_227 = arith.constant 0 : i32
        %dma_start3A_228 = arith.constant 0 : i32
        %dma_start3A_229 = tpu.memref_slice %arg2[%add3A, %add3A_226, %dma_start3A_227, %dma_start3A_228] : memref<32x160x64x32xf32, #tpu.memory_space<hbm>> -> memref<1x1x64x32xf32, #tpu.memory_space<hbm>>
        %dma_start3A_230 = tpu.memref_squeeze %dma_start3A_229 : memref<1x1x64x32xf32, #tpu.memory_space<hbm>> -> memref<64x32xf32, #tpu.memory_space<hbm>>
        %dma_start3A_231 = arith.constant 0 : i32
        %dma_start3A_232 = arith.constant 0 : i32
        %dma_start3A_233 = tpu.memref_slice %arg2[%add3A, %add3A_226, %dma_start3A_231, %dma_start3A_232] : memref<32x160x64x32xf32, #tpu.memory_space<hbm>> -> memref<1x1x64x32xf32, #tpu.memory_space<hbm>>
        %dma_start3A_234 = tpu.memref_squeeze %dma_start3A_233 : memref<1x1x64x32xf32, #tpu.memory_space<hbm>> -> memref<64x32xf32, #tpu.memory_space<hbm>>
        tpu.enqueue_dma source(%dma_start3A_234 : memref<64x32xf32, #tpu.memory_space<hbm>>) target(%arg10 : memref<64x32xf32, #tpu.memory_space<vmem>>) target_semaphore(%arg19 : memref<!tpu.dma_semaphore, #tpu.memory_space<semaphore_mem>>)
        %add3A_235 = arith.constant 2 : i32
        %add3A_236 = arith.addi %add3A_189, %add3A_235 : i32
        %dma_start3A_237 = arith.constant 0 : i32
        %dma_start3A_238 = tpu.memref_slice %arg3[%add3A, %add3A_236, %dma_start3A_237] : memref<32x160x64xi32, #tpu.memory_space<hbm>> -> memref<1x1x64xi32, #tpu.memory_space<hbm>>
        %dma_start3A_239 = tpu.memref_squeeze %dma_start3A_238 : memref<1x1x64xi32, #tpu.memory_space<hbm>> -> memref<64xi32, #tpu.memory_space<hbm>>
        %dma_start3A_240 = arith.constant 0 : i32
        %dma_start3A_241 = tpu.memref_slice %arg3[%add3A, %add3A_236, %dma_start3A_240] : memref<32x160x64xi32, #tpu.memory_space<hbm>> -> memref<1x1x64xi32, #tpu.memory_space<hbm>>
        %dma_start3A_242 = tpu.memref_squeeze %dma_start3A_241 : memref<1x1x64xi32, #tpu.memory_space<hbm>> -> memref<64xi32, #tpu.memory_space<hbm>>
        tpu.enqueue_dma source(%dma_start3A_242 : memref<64xi32, #tpu.memory_space<hbm>>) target(%arg6 : memref<64xi32, #tpu.memory_space<vmem>>) target_semaphore(%arg15 : memref<!tpu.dma_semaphore, #tpu.memory_space<semaphore_mem>>)
      } else {
      }
    }
    %scan3A_65 = arith.constant 40 : i32
    %dma_wait3A = arith.constant 0 : i32
    %dma_wait3A_66 = arith.constant 0 : i32
    %dma_wait3A_67 = tpu.memref_slice %arg13[%dma_wait3A, %dma_wait3A_66] : memref<10112x128xf32, #tpu.memory_space<vmem_shared>> -> memref<10112x128xf32, #tpu.memory_space<vmem_shared>>
    tpu.wait_indirect_dma semaphore(%arg20 : memref<!tpu.dma_semaphore, #tpu.memory_space<semaphore_mem>>) src(%arg11 : memref<64x128xf32, #tpu.memory_space<vmem>>) dst(%dma_wait3A_67 : memref<10112x128xf32, #tpu.memory_space<vmem_shared>>)
    %dma_wait3A_68 = arith.constant 0 : i32
    %dma_wait3A_69 = arith.constant 0 : i32
    %dma_wait3A_70 = tpu.memref_slice %arg13[%dma_wait3A_68, %dma_wait3A_69] : memref<10112x128xf32, #tpu.memory_space<vmem_shared>> -> memref<10112x128xf32, #tpu.memory_space<vmem_shared>>
    tpu.wait_indirect_dma semaphore(%arg21 : memref<!tpu.dma_semaphore, #tpu.memory_space<semaphore_mem>>) src(%arg12 : memref<64x128xf32, #tpu.memory_space<vmem>>) dst(%dma_wait3A_70 : memref<10112x128xf32, #tpu.memory_space<vmem_shared>>)
    %barrier3A_71 = arith.constant 0 : index
    tpu.barrier barrier_id(%barrier3A_71)
    "tpu.region"() ({
      %run_scoped3A = tpu.sem_alloc : memref<!tpu.dma_semaphore, #tpu.memory_space<semaphore_mem>>
      %dma_start3A_72 = arith.constant 0 : i32
      %dma_start3A_73 = tpu.memref_slice %arg4[%arg0, %mul3A_2, %dma_start3A_72] : memref<2x10112x128xf32, #tpu.memory_space<hbm>> -> memref<1x632x128xf32, #tpu.memory_space<hbm>>
      %dma_start3A_74 = tpu.memref_squeeze %dma_start3A_73 : memref<1x632x128xf32, #tpu.memory_space<hbm>> -> memref<632x128xf32, #tpu.memory_space<hbm>>
      %dma_start3A_75 = arith.constant 0 : i32
      %dma_start3A_76 = tpu.memref_slice %arg13[%mul3A_2, %dma_start3A_75] : memref<10112x128xf32, #tpu.memory_space<vmem_shared>> -> memref<632x128xf32, #tpu.memory_space<vmem_shared>>
      tpu.enqueue_dma source(%dma_start3A_76 : memref<632x128xf32, #tpu.memory_space<vmem_shared>>) target(%dma_start3A_74 : memref<632x128xf32, #tpu.memory_space<hbm>>) target_semaphore(%run_scoped3A : memref<!tpu.dma_semaphore, #tpu.memory_space<semaphore_mem>>)
      %dma_wait3A_77 = arith.constant 0 : i32
      %dma_wait3A_78 = tpu.memref_slice %arg4[%arg0, %mul3A_2, %dma_wait3A_77] : memref<2x10112x128xf32, #tpu.memory_space<hbm>> -> memref<1x632x128xf32, #tpu.memory_space<hbm>>
      %dma_wait3A_79 = tpu.memref_squeeze %dma_wait3A_78 : memref<1x632x128xf32, #tpu.memory_space<hbm>> -> memref<632x128xf32, #tpu.memory_space<hbm>>
      %dma_wait3A_80 = arith.constant 0 : i32
      %dma_wait3A_81 = tpu.memref_slice %arg13[%mul3A_2, %dma_wait3A_80] : memref<10112x128xf32, #tpu.memory_space<vmem_shared>> -> memref<632x128xf32, #tpu.memory_space<vmem_shared>>
      tpu.wait_dma2 semaphore(%run_scoped3A : memref<!tpu.dma_semaphore, #tpu.memory_space<semaphore_mem>>) src(%dma_wait3A_81 : memref<632x128xf32, #tpu.memory_space<vmem_shared>>) dst(%dma_wait3A_79 : memref<632x128xf32, #tpu.memory_space<hbm>>)
      tpu.yield
    }) : () -> ()
    return
  }
}

module attributes {stable_mosaic.version = 14 : i64} {
  func.func @body(%arg0: i32, %arg1: memref<2x128x128xf32, #tpu.memory_space<vmem>>, %arg2: memref<2x128x128xf32, #tpu.memory_space<vmem>>, %arg3: memref<128x128xf32, #tpu.memory_space<vmem>>, %arg4: memref<128x128xf32, #tpu.memory_space<vmem>>, %arg5: memref<128x128xbf16, #tpu.memory_space<vmem>>) attributes {dimension_semantics = [#tpu.dimension_semantics<arbitrary>], iteration_bounds = array<i64: 79>, scalar_prefetch = 0 : i64, scratch_operands = 0 : i64, tpu.core_type = #tpu.core_type<tc>, window_params = [{transform_indices = @transform_0, window_bounds = array<i64: 2, 128, 128>}, {transform_indices = @transform_1, window_bounds = array<i64: 2, 128, 128>}, {pipeline_mode = #tpu.pipeline_mode<synchronous>, transform_indices = @transform_2, window_bounds = array<i64: 128, 128>}, {pipeline_mode = #tpu.pipeline_mode<synchronous>, transform_indices = @transform_3, window_bounds = array<i64: 128, 128>}, {transform_indices = @transform_4, window_bounds = array<i64: 128, 128>}]} {
    %get3A = arith.constant 0 : index
    %get3A_0 = arith.constant 0 : index
    %get3A_1 = arith.constant 0 : index
    %get3A_2 = vector.load %arg1[%get3A, %get3A_0, %get3A_1] : memref<2x128x128xf32, #tpu.memory_space<vmem>>, vector<1x128x128xf32>
    %get3A_3 = vector.shape_cast %get3A_2 : vector<1x128x128xf32> to vector<128x128xf32>
    %get3A_4 = arith.constant 1 : index
    %get3A_5 = arith.constant 0 : index
    %get3A_6 = arith.constant 0 : index
    %get3A_7 = vector.load %arg1[%get3A_4, %get3A_5, %get3A_6] : memref<2x128x128xf32, #tpu.memory_space<vmem>>, vector<1x128x128xf32>
    %get3A_8 = vector.shape_cast %get3A_7 : vector<1x128x128xf32> to vector<128x128xf32>
    %add3A = arith.addf %get3A_3, %get3A_8 : vector<128x128xf32>
    %get3A_9 = arith.constant 0 : index
    %get3A_10 = arith.constant 0 : index
    %get3A_11 = arith.constant 0 : index
    %get3A_12 = vector.load %arg2[%get3A_9, %get3A_10, %get3A_11] : memref<2x128x128xf32, #tpu.memory_space<vmem>>, vector<1x128x128xf32>
    %get3A_13 = vector.shape_cast %get3A_12 : vector<1x128x128xf32> to vector<128x128xf32>
    %get3A_14 = arith.constant 1 : index
    %get3A_15 = arith.constant 0 : index
    %get3A_16 = arith.constant 0 : index
    %get3A_17 = vector.load %arg2[%get3A_14, %get3A_15, %get3A_16] : memref<2x128x128xf32, #tpu.memory_space<vmem>>, vector<1x128x128xf32>
    %get3A_18 = vector.shape_cast %get3A_17 : vector<1x128x128xf32> to vector<128x128xf32>
    %add3A_19 = arith.addf %get3A_13, %get3A_18 : vector<128x128xf32>
    %get3A_20 = arith.constant 0 : index
    %get3A_21 = arith.constant 0 : index
    %get3A_22 = vector.load %arg3[%get3A_20, %get3A_21] : memref<128x128xf32, #tpu.memory_space<vmem>>, vector<128x128xf32>
    %dot_general3A = arith.constant dense<0.000000e+00> : vector<128x128xf32>
    %dot_general3A_23 = tpu.matmul %add3A, %get3A_22, %dot_general3A {dimension_numbers = #tpu.dot_dimension_numbers<[1], [0], [0], [1], [0, 0, 1, 1], [], []>, transpose_lhs_hint = false} : vector<128x128xf32>, vector<128x128xf32>, vector<128x128xf32> -> vector<128x128xf32>
    %get3A_24 = arith.constant 0 : index
    %get3A_25 = arith.constant 0 : index
    %get3A_26 = vector.load %arg4[%get3A_24, %get3A_25] : memref<128x128xf32, #tpu.memory_space<vmem>>, vector<128x128xf32>
    %dot_general3A_27 = arith.constant dense<0.000000e+00> : vector<128x128xf32>
    %dot_general3A_28 = tpu.matmul %add3A_19, %get3A_26, %dot_general3A_27 {dimension_numbers = #tpu.dot_dimension_numbers<[1], [0], [0], [1], [0, 0, 1, 1], [], []>, transpose_lhs_hint = false} : vector<128x128xf32>, vector<128x128xf32>, vector<128x128xf32> -> vector<128x128xf32>
    %add3A_29 = arith.addf %dot_general3A_23, %dot_general3A_28 : vector<128x128xf32>
    %max3A = arith.constant 0.000000e+00 : f32
    %max3A_30 = vector.broadcast %max3A : f32 to vector<128x128xf32>
    %max3A_31 = arith.maximumf %add3A_29, %max3A_30 : vector<128x128xf32>
    %convert_element_type3A = arith.truncf %max3A_31 : vector<128x128xf32> to vector<128x128xbf16>
    %swap3A = arith.constant 0 : index
    %swap3A_32 = arith.constant 0 : index
    %swap3A_33 = vector.load %arg5[%swap3A, %swap3A_32] : memref<128x128xbf16, #tpu.memory_space<vmem>>, vector<128x128xbf16>
    tpu.vector_store %arg5[%swap3A, %swap3A_32], %convert_element_type3A {strides = array<i32>} : memref<128x128xbf16, #tpu.memory_space<vmem>>, vector<128x128xbf16>,
    return
  }
  func.func @transform_0(%arg0: i32) -> (i32, i32, i32) {
    %c0_i32 = arith.constant 0 : i32
    %c0_i32_0 = arith.constant 0 : i32
    %c0_i32_1 = arith.constant 0 : i32
    return %c0_i32, %arg0, %c0_i32_0 : i32, i32, i32
  }
  func.func @transform_1(%arg0: i32) -> (i32, i32, i32) {
    %c0_i32 = arith.constant 0 : i32
    %c0_i32_0 = arith.constant 0 : i32
    %c0_i32_1 = arith.constant 0 : i32
    return %c0_i32, %arg0, %c0_i32_0 : i32, i32, i32
  }
  func.func @transform_2(%arg0: i32) -> (i32, i32) {
    %c0_i32 = arith.constant 0 : i32
    %c0_i32_0 = arith.constant 0 : i32
    %c0_i32_1 = arith.constant 0 : i32
    return %c0_i32, %c0_i32_0 : i32, i32
  }
  func.func @transform_3(%arg0: i32) -> (i32, i32) {
    %c0_i32 = arith.constant 0 : i32
    %c0_i32_0 = arith.constant 0 : i32
    %c0_i32_1 = arith.constant 0 : i32
    return %c0_i32, %c0_i32_0 : i32, i32
  }
  func.func @transform_4(%arg0: i32) -> (i32, i32) {
    %c0_i32 = arith.constant 0 : i32
    %c0_i32_0 = arith.constant 0 : i32
    return %arg0, %c0_i32 : i32, i32
  }
}

module attributes {stable_mosaic.version = 14 : i64} {
  func.func @body(%arg0: i32, %arg1: memref<2x128x128xf32, #tpu.memory_space<vmem>>, %arg2: memref<2x128x128xf32, #tpu.memory_space<vmem>>, %arg3: memref<128x128xf32, #tpu.memory_space<vmem>>, %arg4: memref<128x128xf32, #tpu.memory_space<vmem>>, %arg5: memref<1x1x128xi32, #tpu.memory_space<vmem>>, %arg6: memref<128x128xf32, #tpu.memory_space<vmem>>, %arg7: memref<1x128xf32, #tpu.memory_space<vmem>>, %arg8: memref<64x128xf32, #tpu.memory_space<vmem>>, %arg9: memref<64x128xf32, #tpu.memory_space<vmem>>, %arg10: memref<64x128xf32, #tpu.memory_space<vmem>>) attributes {dimension_semantics = [#tpu.dimension_semantics<arbitrary>], iteration_bounds = array<i64: 79>, scalar_prefetch = 0 : i64, scratch_operands = 2 : i64, tpu.core_type = #tpu.core_type<tc>, window_params = [{transform_indices = @transform_0, window_bounds = array<i64: 2, 128, 128>}, {transform_indices = @transform_1, window_bounds = array<i64: 2, 128, 128>}, {pipeline_mode = #tpu.pipeline_mode<synchronous>, transform_indices = @transform_2, window_bounds = array<i64: 128, 128>}, {pipeline_mode = #tpu.pipeline_mode<synchronous>, transform_indices = @transform_3, window_bounds = array<i64: 128, 128>}, {transform_indices = @transform_4, window_bounds = array<i64: 1, 1, 128>}, {pipeline_mode = #tpu.pipeline_mode<synchronous>, transform_indices = @transform_5, window_bounds = array<i64: 128, 128>}, {pipeline_mode = #tpu.pipeline_mode<synchronous>, transform_indices = @transform_6, window_bounds = array<i64: 1, 128>}, {pipeline_mode = #tpu.pipeline_mode<synchronous>, transform_indices = @transform_7, window_bounds = array<i64: 64, 128>}]} {
    %eq3A = arith.constant 0 : i32
    %eq3A_0 = arith.cmpi eq, %arg0, %eq3A : i32
    %convert_element_type3A = arith.extui %eq3A_0 : i1 to i32
    %cond3A = arith.constant 0 : i32
    %cond3A_1 = arith.cmpi ne, %convert_element_type3A, %cond3A : i32
    scf.if %cond3A_1 {
      %broadcast_in_dim3A_66 = arith.constant 0.000000e+00 : f32
      %broadcast_in_dim3A_67 = vector.broadcast %broadcast_in_dim3A_66 : f32 to vector<64x128xf32>
      %swap3A_68 = arith.constant 0 : index
      %swap3A_69 = arith.constant 0 : index
      %swap3A_70 = vector.load %arg9[%swap3A_68, %swap3A_69] : memref<64x128xf32, #tpu.memory_space<vmem>>, vector<64x128xf32>
      tpu.vector_store %arg9[%swap3A_68, %swap3A_69], %broadcast_in_dim3A_67 {strides = array<i32>} : memref<64x128xf32, #tpu.memory_space<vmem>>, vector<64x128xf32>,
      %broadcast_in_dim3A_71 = arith.constant 0.000000e+00 : f32
      %broadcast_in_dim3A_72 = vector.broadcast %broadcast_in_dim3A_71 : f32 to vector<64x128xf32>
      %swap3A_73 = arith.constant 0 : index
      %swap3A_74 = arith.constant 0 : index
      %swap3A_75 = vector.load %arg10[%swap3A_73, %swap3A_74] : memref<64x128xf32, #tpu.memory_space<vmem>>, vector<64x128xf32>
      tpu.vector_store %arg10[%swap3A_73, %swap3A_74], %broadcast_in_dim3A_72 {strides = array<i32>} : memref<64x128xf32, #tpu.memory_space<vmem>>, vector<64x128xf32>,
    } else {
    }
    %get3A = arith.constant 0 : index
    %get3A_2 = arith.constant 0 : index
    %get3A_3 = arith.constant 0 : index
    %get3A_4 = vector.load %arg1[%get3A, %get3A_2, %get3A_3] : memref<2x128x128xf32, #tpu.memory_space<vmem>>, vector<1x128x128xf32>
    %get3A_5 = vector.shape_cast %get3A_4 : vector<1x128x128xf32> to vector<128x128xf32>
    %get3A_6 = arith.constant 1 : index
    %get3A_7 = arith.constant 0 : index
    %get3A_8 = arith.constant 0 : index
    %get3A_9 = vector.load %arg1[%get3A_6, %get3A_7, %get3A_8] : memref<2x128x128xf32, #tpu.memory_space<vmem>>, vector<1x128x128xf32>
    %get3A_10 = vector.shape_cast %get3A_9 : vector<1x128x128xf32> to vector<128x128xf32>
    %add3A = arith.addf %get3A_5, %get3A_10 : vector<128x128xf32>
    %get3A_11 = arith.constant 0 : index
    %get3A_12 = arith.constant 0 : index
    %get3A_13 = arith.constant 0 : index
    %get3A_14 = vector.load %arg2[%get3A_11, %get3A_12, %get3A_13] : memref<2x128x128xf32, #tpu.memory_space<vmem>>, vector<1x128x128xf32>
    %get3A_15 = vector.shape_cast %get3A_14 : vector<1x128x128xf32> to vector<128x128xf32>
    %get3A_16 = arith.constant 1 : index
    %get3A_17 = arith.constant 0 : index
    %get3A_18 = arith.constant 0 : index
    %get3A_19 = vector.load %arg2[%get3A_16, %get3A_17, %get3A_18] : memref<2x128x128xf32, #tpu.memory_space<vmem>>, vector<1x128x128xf32>
    %get3A_20 = vector.shape_cast %get3A_19 : vector<1x128x128xf32> to vector<128x128xf32>
    %add3A_21 = arith.addf %get3A_15, %get3A_20 : vector<128x128xf32>
    %get3A_22 = arith.constant 0 : index
    %get3A_23 = arith.constant 0 : index
    %get3A_24 = vector.load %arg3[%get3A_22, %get3A_23] : memref<128x128xf32, #tpu.memory_space<vmem>>, vector<128x128xf32>
    %dot_general3A = arith.constant dense<0.000000e+00> : vector<128x128xf32>
    %dot_general3A_25 = tpu.matmul %add3A, %get3A_24, %dot_general3A {dimension_numbers = #tpu.dot_dimension_numbers<[1], [0], [0], [1], [0, 0, 1, 1], [], []>, transpose_lhs_hint = false} : vector<128x128xf32>, vector<128x128xf32>, vector<128x128xf32> -> vector<128x128xf32>
    %get3A_26 = arith.constant 0 : index
    %get3A_27 = arith.constant 0 : index
    %get3A_28 = vector.load %arg4[%get3A_26, %get3A_27] : memref<128x128xf32, #tpu.memory_space<vmem>>, vector<128x128xf32>
    %dot_general3A_29 = arith.constant dense<0.000000e+00> : vector<128x128xf32>
    %dot_general3A_30 = tpu.matmul %add3A_21, %get3A_28, %dot_general3A_29 {dimension_numbers = #tpu.dot_dimension_numbers<[1], [0], [0], [1], [0, 0, 1, 1], [], []>, transpose_lhs_hint = false} : vector<128x128xf32>, vector<128x128xf32>, vector<128x128xf32> -> vector<128x128xf32>
    %add3A_31 = arith.addf %dot_general3A_25, %dot_general3A_30 : vector<128x128xf32>
    %max3A = arith.constant 0.000000e+00 : f32
    %max3A_32 = vector.broadcast %max3A : f32 to vector<128x128xf32>
    %max3A_33 = arith.maximumf %add3A_31, %max3A_32 : vector<128x128xf32>
    %iota3A = tpu.iota {dimensions = array<i32: 0>} : vector<64x128xi32>
    %get3A_34 = arith.constant 0 : index
    %get3A_35 = arith.constant 0 : index
    %get3A_36 = arith.constant 0 : index
    %get3A_37 = vector.load %arg5[%get3A_34, %get3A_35, %get3A_36] : memref<1x1x128xi32, #tpu.memory_space<vmem>>, vector<1x1x128xi32>
    %get3A_38 = vector.shape_cast %get3A_37 : vector<1x1x128xi32> to vector<1x128xi32>
    %eq3A_39 = vector.broadcast %get3A_38 : vector<1x128xi32> to vector<64x128xi32>
    %eq3A_40 = arith.cmpi eq, %iota3A, %eq3A_39 : vector<64x128xi32>
    %convert_element_type3A_41 = arith.extui %eq3A_40 : vector<64x128xi1> to vector<64x128xi32>
    %convert_element_type3A_42 = arith.sitofp %convert_element_type3A_41 : vector<64x128xi32> to vector<64x128xf32>
    %get3A_43 = arith.constant 0 : index
    %get3A_44 = arith.constant 0 : index
    %get3A_45 = vector.load %arg9[%get3A_43, %get3A_44] : memref<64x128xf32, #tpu.memory_space<vmem>>, vector<64x128xf32>
    %dot_general3A_46 = arith.constant dense<0.000000e+00> : vector<64x128xf32>
    %dot_general3A_47 = tpu.matmul %convert_element_type3A_42, %max3A_33, %dot_general3A_46 {dimension_numbers = #tpu.dot_dimension_numbers<[1], [0], [0], [1], [0, 0, 1, 1], [], []>, transpose_lhs_hint = false} : vector<64x128xf32>, vector<128x128xf32>, vector<64x128xf32> -> vector<64x128xf32>
    %add3A_48 = arith.addf %get3A_45, %dot_general3A_47 : vector<64x128xf32>
    %swap3A = arith.constant 0 : index
    %swap3A_49 = arith.constant 0 : index
    %swap3A_50 = vector.load %arg9[%swap3A, %swap3A_49] : memref<64x128xf32, #tpu.memory_space<vmem>>, vector<64x128xf32>
    tpu.vector_store %arg9[%swap3A, %swap3A_49], %add3A_48 {strides = array<i32>} : memref<64x128xf32, #tpu.memory_space<vmem>>, vector<64x128xf32>,
    %get3A_51 = arith.constant 0 : index
    %get3A_52 = arith.constant 0 : index
    %get3A_53 = vector.load %arg10[%get3A_51, %get3A_52] : memref<64x128xf32, #tpu.memory_space<vmem>>, vector<64x128xf32>
    %reduce_sum3A = arith.constant dense<0.000000e+00> : vector<64xf32>
    %reduce_sum3A_54 = vector.multi_reduction <add>, %convert_element_type3A_42, %reduce_sum3A [1] : vector<64x128xf32> to vector<64xf32>
    %broadcast_in_dim3A = vector.shape_cast %reduce_sum3A_54 : vector<64xf32> to vector<64x1xf32>
    %broadcast_in_dim3A_55 = vector.shape_cast %broadcast_in_dim3A : vector<64x1xf32> to vector<64x1xf32>
    %broadcast_in_dim3A_56 = vector.broadcast %broadcast_in_dim3A_55 : vector<64x1xf32> to vector<64x128xf32>
    %add3A_57 = arith.addf %get3A_53, %broadcast_in_dim3A_56 : vector<64x128xf32>
    %swap3A_58 = arith.constant 0 : index
    %swap3A_59 = arith.constant 0 : index
    %swap3A_60 = vector.load %arg10[%swap3A_58, %swap3A_59] : memref<64x128xf32, #tpu.memory_space<vmem>>, vector<64x128xf32>
    tpu.vector_store %arg10[%swap3A_58, %swap3A_59], %add3A_57 {strides = array<i32>} : memref<64x128xf32, #tpu.memory_space<vmem>>, vector<64x128xf32>,
    %eq3A_61 = arith.constant 78 : i32
    %eq3A_62 = arith.cmpi eq, %arg0, %eq3A_61 : i32
    %convert_element_type3A_63 = arith.extui %eq3A_62 : i1 to i32
    %cond3A_64 = arith.constant 0 : i32
    %cond3A_65 = arith.cmpi ne, %convert_element_type3A_63, %cond3A_64 : i32
    scf.if %cond3A_65 {
      %get3A_66 = arith.constant 0 : index
      %get3A_67 = arith.constant 0 : index
      %get3A_68 = vector.load %arg9[%get3A_66, %get3A_67] : memref<64x128xf32, #tpu.memory_space<vmem>>, vector<64x128xf32>
      %get3A_69 = arith.constant 0 : index
      %get3A_70 = arith.constant 0 : index
      %get3A_71 = vector.load %arg10[%get3A_69, %get3A_70] : memref<64x128xf32, #tpu.memory_space<vmem>>, vector<64x128xf32>
      %max3A_72 = arith.constant 1.000000e+00 : f32
      %max3A_73 = vector.broadcast %max3A_72 : f32 to vector<64x128xf32>
      %max3A_74 = arith.maximumf %get3A_71, %max3A_73 : vector<64x128xf32>
      %div3A = arith.divf %get3A_68, %max3A_74 : vector<64x128xf32>
      %get3A_75 = arith.constant 0 : index
      %get3A_76 = arith.constant 0 : index
      %get3A_77 = vector.load %arg6[%get3A_75, %get3A_76] : memref<128x128xf32, #tpu.memory_space<vmem>>, vector<128x128xf32>
      %dot_general3A_78 = arith.constant dense<0.000000e+00> : vector<64x128xf32>
      %dot_general3A_79 = tpu.matmul %div3A, %get3A_77, %dot_general3A_78 {dimension_numbers = #tpu.dot_dimension_numbers<[1], [0], [0], [1], [0, 0, 1, 1], [], []>, transpose_lhs_hint = false} : vector<64x128xf32>, vector<128x128xf32>, vector<64x128xf32> -> vector<64x128xf32>
      %get3A_80 = arith.constant 0 : index
      %get3A_81 = arith.constant 0 : index
      %get3A_82 = vector.load %arg7[%get3A_80, %get3A_81] : memref<1x128xf32, #tpu.memory_space<vmem>>, vector<1x128xf32>
      %add3A_83 = vector.broadcast %get3A_82 : vector<1x128xf32> to vector<64x128xf32>
      %add3A_84 = arith.addf %dot_general3A_79, %add3A_83 : vector<64x128xf32>
      %swap3A_85 = arith.constant 0 : index
      %swap3A_86 = arith.constant 0 : index
      %swap3A_87 = vector.load %arg8[%swap3A_85, %swap3A_86] : memref<64x128xf32, #tpu.memory_space<vmem>>, vector<64x128xf32>
      tpu.vector_store %arg8[%swap3A_85, %swap3A_86], %add3A_84 {strides = array<i32>} : memref<64x128xf32, #tpu.memory_space<vmem>>, vector<64x128xf32>,
    } else {
    }
    return
  }
  func.func @transform_0(%arg0: i32) -> (i32, i32, i32) {
    %c0_i32 = arith.constant 0 : i32
    %c0_i32_0 = arith.constant 0 : i32
    %c0_i32_1 = arith.constant 0 : i32
    return %c0_i32, %arg0, %c0_i32_0 : i32, i32, i32
  }
  func.func @transform_1(%arg0: i32) -> (i32, i32, i32) {
    %c0_i32 = arith.constant 0 : i32
    %c0_i32_0 = arith.constant 0 : i32
    %c0_i32_1 = arith.constant 0 : i32
    return %c0_i32, %arg0, %c0_i32_0 : i32, i32, i32
  }
  func.func @transform_2(%arg0: i32) -> (i32, i32) {
    %c0_i32 = arith.constant 0 : i32
    %c0_i32_0 = arith.constant 0 : i32
    %c0_i32_1 = arith.constant 0 : i32
    return %c0_i32, %c0_i32_0 : i32, i32
  }
  func.func @transform_3(%arg0: i32) -> (i32, i32) {
    %c0_i32 = arith.constant 0 : i32
    %c0_i32_0 = arith.constant 0 : i32
    %c0_i32_1 = arith.constant 0 : i32
    return %c0_i32, %c0_i32_0 : i32, i32
  }
  func.func @transform_4(%arg0: i32) -> (i32, i32, i32) {
    %c0_i32 = arith.constant 0 : i32
    %c0_i32_0 = arith.constant 0 : i32
    %c0_i32_1 = arith.constant 0 : i32
    return %arg0, %c0_i32, %c0_i32_0 : i32, i32, i32
  }
  func.func @transform_5(%arg0: i32) -> (i32, i32) {
    %c0_i32 = arith.constant 0 : i32
    %c0_i32_0 = arith.constant 0 : i32
    %c0_i32_1 = arith.constant 0 : i32
    return %c0_i32, %c0_i32_0 : i32, i32
  }
  func.func @transform_6(%arg0: i32) -> (i32, i32) {
    %c0_i32 = arith.constant 0 : i32
    %c0_i32_0 = arith.constant 0 : i32
    %c0_i32_1 = arith.constant 0 : i32
    return %c0_i32, %c0_i32_0 : i32, i32
  }
  func.func @transform_7(%arg0: i32) -> (i32, i32) {
    %c0_i32 = arith.constant 0 : i32
    %c0_i32_0 = arith.constant 0 : i32
    %c0_i32_1 = arith.constant 0 : i32
    return %c0_i32, %c0_i32_0 : i32, i32
  }
}

</mosaic_0001>

<sc_bundles>
// kernel: kernel.10.cloned.1.call-start
scs
__scs_entry_jumppad:
0x0: {  	(pc) =	sbr.rel $0x88, $3  }
0x1: {  	(tag) =	ssettag $0x0;
	lr =	simm.s32 $0x1  }
0x2: {  	[smem:$0x3F97] =	sst lr;
	_ =	strace $0xD0000000  }
0x3: {  	_ = 	snop  }
0x4: {  	_ = 	snop  }
0x5: {  	_ = 	snop  }
0x6: {  	_ = 	snop  }
0x7: {  	_ = 	snop  }
__scs_overlays_trampoline_lowered:
0x8: {  	[smem:$0x3FA6] =	sst s0  }
0x9: {  	[smem:$0x3FA7] =	sst s1  }
0xa: {  	[smem:$0x3FA8] =	sst s2  }
0xb: {  	[smem:$0x3FA9] =	sst s3  }
0xc: {  	[smem:$0x3FAA] =	sst s4  }
0xd: {  	[smem:$0x3FAB] =	sst s5  }
0xe: {  	[smem:$0x3FAC] =	sst s6  }
0xf: {  	[smem:$0x3FAD] =	sst s7  }
0x10: {  	[smem:$0x3FAE] =	sst s8  }
0x11: {  	[smem:$0x3FAF] =	sst s9;
	s0 =	simm.s32 @!p0 $0x0  }
0x12: {  	s1 =	sld [smem:$0x3F95];
	s0 =	simm.s32 @p0 $0x1  }
0x13: {  	[smem:$0x3FB0] =	sst s0;
	s0 =	simm.s32 @!p1 $0x0  }
0x14: {  	s2 =	sld [smem:$0x3F94];
	s0 =	simm.s32 @p1 $0x1  }
0x15: {  	[smem:$0x3FB1] =	sst s0;
	s0 =	simm.s32 @!p2 $0x0  }
0x16: {  	s3 =	sld [smem:$0x3FDB];
	s0 =	simm.s32 @p2 $0x1  }
0x17: {  	s4 =	simm.s32 $0x1BF5;
	[smem:$0x3FB3] =	sst s0  }
0x18: {  	s0 =	sld [smem:$0x3F96];
	_ =	swait.ge [sflag:s4], $0x0  }
0x19: {  	s7 =	sld [smem:$0x3F97]  }
0x1a: {  	s8 =	sadd.s32 $0xFFFFE003, lr  }
0x1b: {  	s9 =	sadd.s32 $0xFFFFFEF7, lr;
	s5 =	simm.s32 $0xFFFFFFFF;
	p2 =	slt.u32 s8, $0xFFFFF086  }
0x1c: {  	p1 =	slt.u32 s9, $0xF7A;
	s5 =	simm.s32 @!p2 $0x0  }
0x1d: {  	s5 =	simm.s32 @p1 $0x1;
	p0 =	seq.s32 s7, s2  }
0x1e: {  	s7 =	smul.u32 @!p0 $0xF7A, s2;
	p2 =	seq.s32 @!p0 s5, $0x0  }
0x1f: {  	s9 =	smul.u32 $0xF7A, s1;
	s8 =	simm.s32 @!p0 $0x1BF5;
	p2 =	por !p2, p0  }
0x20: {  	[sflag:s8] =	ssyncset.s32 @!p0 $0xFFFFF086;
	s6 =	sadd.s32 @!p0 s3, s7;
	s7 =	simm.s32 @!p0 $0x108  }
0x21: {  	s3 =	sadd.s32 s3, s9;
	s6 =	sadd.s32 @!p0 $0x88, s6;
	s7 =	simm.s32 @p2 $0x1082  }
0x22: {  	[simem:s7], [sflag:s8] =	dma.local @!p0 [hbm:s6], $0xF7A  }
0x23: {  	s9 =	sor.u32 $0xD0000000, s2;
	s6 =	simm.s32 $0x108;
	_ =	swait.ge @!p0 [sflag:s8], $0x0  }
0x24: {  	s3 =	sadd.s32 $0x88, s3;
	s6 =	simm.s32 @!p1 $0x1082;
	[sflag:s4] =	ssyncset.s32 $0xFFFFF086  }
0x25: {  	[simem:s6], [sflag:s4] =	dma.local [hbm:s3], $0xF7A  }
0x26: {  	[smem:$0x3F97] =	sst s1;
	(tag) =	ssettag s2;
	_ =	strace s9  }
0x27: {  	s1 =	sld [smem:$0x3FA7]  }
0x28: {  	s2 =	sld [smem:$0x3FA8]  }
0x29: {  	s4 =	sld [smem:$0x3FAA]  }
0x2a: {  	p0 =	seq.s32 s5, $0x0;
	s5 =	sld [smem:$0x3FAB]  }
0x2b: {  	s6 =	sld [smem:$0x3FAC]  }
0x2c: {  	s7 =	sld [smem:$0x3FAD]  }
0x2d: {  	s3 =	simm.s32 $0x108;
	s8 =	sld [smem:$0x3FAE]  }
0x2e: {  	s3 =	simm.s32 @!p0 $0x1082;
	s9 =	sld [smem:$0x3FAF]  }
0x2f: {  	lr =	sadd.s32 s0, s3;
	s0 =	sld [smem:$0x3FA6]  }
0x30: {  	s3 =	sld [smem:$0x3FA9]  }
0x31: {  	[smem:$0x3FB2] =	sst s10  }
0x32: {  	s10 =	sld [smem:$0x3FB0];
	_ =	sdelay $0x3  }
0x33: {  	p0 =	seq.s32 s10, $0x1;
	s10 =	sld [smem:$0x3FB2];
	_ =	sdelay $0x3  }
0x34: {  	[smem:$0x3FB2] =	sst s10  }
0x35: {  	s10 =	sld [smem:$0x3FB1];
	_ =	sdelay $0x3  }
0x36: {  	p1 =	seq.s32 s10, $0x1;
	s10 =	sld [smem:$0x3FB2];
	_ =	sdelay $0x3  }
0x37: {  	[smem:$0x3FB2] =	sst s10  }
0x38: {  	s10 =	sld [smem:$0x3FB3]  }
0x39: {  	_ = 	snop;
	(pc) =	sbr.ind lr, $3  }
0x3a: {  	_ = 	snop  }
0x3b: {  	_ = 	snop  }
0x3c: {  	p2 =	seq.s32 s10, $0x1;
	s10 =	sld [smem:$0x3FB2]  }
0x3d: {  	_ =	shalt  }
0x3e: {  	_ =	shalt  }
0x3f: {  	_ =	shalt  }
0x40: {  	_ =	shalt  }
0x41: {  	_ =	shalt  }
0x42: {  	_ =	shalt  }
0x43: {  	_ =	shalt  }
0x44: {  	_ =	shalt  }
0x45: {  	_ =	shalt  }
0x46: {  	_ =	shalt  }
0x47: {  	_ =	shalt  }
0x48: {  	_ =	shalt  }
0x49: {  	_ =	shalt  }
0x4a: {  	_ =	shalt  }
0x4b: {  	_ =	shalt  }
0x4c: {  	_ =	shalt  }
0x4d: {  	_ =	shalt  }
0x4e: {  	_ =	shalt  }
0x4f: {  	_ =	shalt  }
0x50: {  	_ =	shalt  }
0x51: {  	_ =	shalt  }
0x52: {  	_ =	shalt  }
0x53: {  	_ =	shalt  }
0x54: {  	_ =	shalt  }
0x55: {  	_ =	shalt  }
0x56: {  	_ =	shalt  }
0x57: {  	_ =	shalt  }
0x58: {  	_ =	shalt  }
0x59: {  	_ =	shalt  }
0x5a: {  	_ =	shalt  }
0x5b: {  	_ =	shalt  }
0x5c: {  	_ =	shalt  }
0x5d: {  	_ =	shalt  }
0x5e: {  	_ =	shalt  }
0x5f: {  	_ =	shalt  }
0x60: {  	_ =	shalt  }
0x61: {  	_ =	shalt  }
0x62: {  	_ =	shalt  }
0x63: {  	_ =	shalt  }
0x64: {  	_ =	shalt  }
0x65: {  	_ =	shalt  }
0x66: {  	_ =	shalt  }
0x67: {  	_ =	shalt  }
0x68: {  	_ =	shalt  }
0x69: {  	_ =	shalt  }
0x6a: {  	_ =	shalt  }
0x6b: {  	_ =	shalt  }
0x6c: {  	_ =	shalt  }
0x6d: {  	_ =	shalt  }
0x6e: {  	_ =	shalt  }
0x6f: {  	_ =	shalt  }
0x70: {  	_ =	shalt  }
0x71: {  	_ =	shalt  }
0x72: {  	_ =	shalt  }
0x73: {  	_ =	shalt  }
0x74: {  	_ =	shalt  }
0x75: {  	_ =	shalt  }
0x76: {  	_ =	shalt  }
0x77: {  	_ =	shalt  }
0x78: {  	_ =	shalt  }
0x79: {  	_ =	shalt  }
0x7a: {  	_ =	shalt  }
0x7b: {  	_ =	shalt  }
0x7c: {  	_ =	shalt  }
0x7d: {  	_ =	shalt  }
0x7e: {  	_ =	shalt  }
0x7f: {  	_ =	shalt  }
0x80: {  	_ =	shalt  }
0x81: {  	_ =	shalt  }
0x82: {  	_ =	shalt  }
0x83: {  	_ =	shalt  }
0x84: {  	_ =	shalt  }
0x85: {  	_ =	shalt  }
0x86: {  	_ =	shalt  }
0x87: {  	_ =	shalt  }
.Lfunc_end0:
.L_simem_size_0:
called_computation.1_lowered:
.L_overlay_start_0:
0x88: {  	s2 =	sld [smem:$0x3FD9]  }
0x89: {  	s3 =	sld [smem:$0x3FFE];
	_ =	sdelay $0x1  }
0x8a: {  	s1 =	srdreg.scid  }
0x8b: {  	s0 =	sand.u32 $0x1, s1  }
0x8c: {  	s17 =	sshll.u32 s0, $0xA;
	s2 =	sadd.s32 s3, s2  }
0x8d: {  	s2 =	sadd.s32 s2, s17  }
0x8e: {  	[smem:$0x3FBE] =	sst s2  }
0x8f: {  	_ = 	snop  }
0x90: {  	(tm) =	ssettm $0x1  }
0x91: {  	s18 =	sld [smem:$0x3FFB];
	_ =	sdelay $0x3  }
0x92: {  	_ =	strace s18  }
0x93: {  	s2 =	sld [smem:$0x3FFC];
	_ =	sdelay $0x3  }
0x94: {  	_ =	strace s2  }
0x95: {  	s2 =	sld [smem:$0x3FFD];
	_ =	sdelay $0x3  }
0x96: {  	_ =	strace s2  }
0x97: {  	_ =	strace $0x8FFFFFFF  }
0x98: {  	s19 =	sld [smem:$0x3FDB];
	_ =	sdelay $0x1  }
0x99: {  	s20 =	simm.s32 $_scs_section_size  }
0x9a: {  	s4 =	simm.s32 $_size__tile_overlayer_lowered;
	s5 =	simm.s32 $_tile_overlayer_lowered  }
0x9b: {  	s6 =	simm.s32 $0x1BFF;
	s21 =	sshll.u32 s5, $0x1;
	s3 =	sadd.s32 s20, s19  }
0x9c: {  	s22 =	simm.s32 $0x0;
	s4 =	sshll.u32 s4, $0x1;
	s5 =	sadd.s32 s21, s3  }
0x9d: {  	[timem:s22], [sflag:s6] =	dma.local [hbm:s5], s4  }
0x9e: {  	_ =	swait.ge [sflag:s6], s4  }
0x9f: {  	s4 =	ssub.s32 $0x0, s4;
	[sflag:s6] =	ssyncset.done $0x0  }
0xa0: {  	[sflag:s6] =	ssyncadd.s32 s4;
	_ =	sdelay $0x1  }
0xa1: {  	s23 =	simm.s32 $0x1B8B  }
0xa2: {  	_ =	swait.ge [sflag:s23], $0x1  }
0xa3: {  	[sflag:s23] =	ssyncset.done $0x0  }
0xa4: {  	[sflag:s23] =	ssyncadd.s32 $0xFFFFFFFF  }
0xa5: {  	s4 =	sld [smem:$0x0]  }
0xa6: {  	s5 =	sand.u32 $0xFFFFFFFE, s1  }
0xa7: {  	p0 =	sne.s32 s1, s5  }
0xa8: {  	s5 =	sshll.u32 @p0 s5, $0xE  }
0xa9: {  	s5 =	sadd.s32 @p0 $0x11B8D, s5;
	s6 =	sshll.u32 @p0 s4, $0x11  }
0xaa: {  	s5 =	sor.u32 @p0 s6, s5  }
0xab: {  	[sflag:s5] =	ssyncadd.remote.s32 @p0 $0x1;
	_ =	sdelay $0x1  }
0xac: {  	s5 =	simm.s32 @p0 $0x1B8D  }
0xad: {  	_ =	swait.eq @p0 [sflag:s5], $0x1  }
0xae: {  	[sflag:s5] =	ssyncadd.s32 @p0 $0xFFFFFFFF  }
0xaf: {  	s6 =	sshll.u32 @!p0 s1, $0xE  }
0xb0: {  	s6 =	sor.u32 @!p0 $0x4000, s6;
	s5 =	simm.s32 @!p0 $0x1B8D  }
0xb1: {  	s4 =	sshll.u32 @!p0 s4, $0x11;
	s6 =	sadd.s32 @!p0 $0x11B8D, s6;
	_ =	swait.eq @!p0 [sflag:s5], $0x1  }
0xb2: {  	s4 =	sor.u32 @!p0 s4, s6;
	[sflag:s5] =	ssyncadd.s32 @!p0 $0xFFFFFFFF  }
0xb3: {  	s25 =	simm.s32 $0x1B8E;
	s24 =	sld [smem:$0x3FFE];
	[sflag:s4] =	ssyncadd.remote.s32 @!p0 $0x1  }
0xb4: {  	s26 =	simm.s32 $execute0_lowered;
	[smem:$0x3FD2] =	sst s25  }
0xb5: {  	s5 =	sshll.u32 s26, $0x1;
	_ =	strace $0x80000049;
	[dreg:$0x1] =	wrdreg $0xFFFFFFFF  }
0xb6: {  	s28 =	simm.s32 $_size_execute0_lowered;
	s3 =	sadd.s32 s3, s5;
	[dreg:$0x0] =	wrdreg $0x0  }
0xb7: {  	s5 =	sshll.u32 s28, $0x1;
	[dreg:$0x2] =	wrdreg s3  }
0xb8: {  	[dreg:$0x3] =	wrdreg s5  }
0xb9: {  	[dreg:$0x4] =	wrdreg $0xC0  }
0xba: {  	_ =	task [dreg:s22], $0x5FFFF  }
0xbb: {  	[dreg:$0x1] =	wrdreg $0xFFFFFFFF  }
0xbc: {  	[dreg:$0x0] =	wrdreg $0x60  }
0xbd: {  	[dreg:$0x2] =	wrdreg s24  }
0xbe: {  	[dreg:$0x3] =	wrdreg $0x82000  }
0xbf: {  	[dreg:$0x4] =	wrdreg $0xA  }
0xc0: {  	_ =	task.clear_ibuf [dreg:s22], $0x5FFFF;
	_ =	strace $0x90000049  }
0xc1: {  	s29 =	simm.s32 $0xA;
	_ =	strace $0x8000004B  }
0xc2: {  	_ =	swait.ge [sflag:s29], $0x1  }
0xc3: {  	[sflag:s29] =	ssyncadd.s32 $0xFFFFFFFF  }
0xc4: {  	_ =	strace $0x9000004B  }
0xc5: {  	_ =	sfence  }
0xc6: {  	s30 =	sld [smem:$0x0];
	_ =	sdelay $0x2  }
0xc7: {  	s31 =	sshll.u32 s1, $0xD;
	s1 =	sshrl.u32 s1, $0x2  }
0xc8: {  	s4 =	sand.u32 $0x4000, s31;
	s1 =	sadd.s32 s1, s30  }
0xc9: {  	s0 =	sor.u32 s4, s0;
	s1 =	sshll.u32 s1, $0x11  }
0xca: {  	s0 =	sor.u32 s1, s0  }
0xcb: {  	s0 =	sadd.s32 $0x8F2B, s0  }
0xcc: {  	[sflag:s0] =	ssyncadd.remote.s32 $0x1  }
0xcd: {  	_ =	sfence.sel $0xFFFF  }
0xce: {  	[dreg:$0x0] =	wrdreg $0xFFFFFFFF;
	(pc) =	sbr.abs _section_cstart, $3  }
0xcf: {  	[dreg:$0x1] =	wrdreg $0xFFFFFFFF  }
0xd0: {  	_ =	task.clear_ibuf [dreg:s22], $0x2FFFF;
	_ =	strace $0x9FFFFFFF  }
0xd1: {  	(tm) =	ssettm $0x7FFFFFFF  }
tec
execute0_lowered:
.L_overlay_start_1:
0x0: {  	(tag) =	ssettag $0x1  }
0x1: {  	s0 =	rddreg [dreg:$0x0];
	s1 =	srdreg.scid  }
0x2: {  	s2 =	rddreg [dreg:$0x1];
	s9 =	stileid.u32;
	s3 =	simm.s32 $0x0  }
0x3: {  	s28 =	simm.s32 $0x2200;
	s29 =	simm.s32 $0x80;
	s30 =	simm.s32 $0x5  }
0x4: {  	s31 =	simm.s32 $0x1;
	s11 =	simm.s32 $0x180;
	s5 =	smul.u32 $0x13C00, s9  }
0x5: {  	s1 =	sand.u32 $0x1, s1;
	[smem:$0x7FF] =	sst s3;
	s7 =	smul.u32 $0x4F000, s9  }
0x6: {  	s12 =	simm.s32 $0x7;
	s4 =	smul.u32 $0x13C000, s1;
	_ =	strace $0x8000004A  }
0x7: {  	s13 =	ssub.s32 $0x2, s1;
	s1 =	sshll.u32 s1, $0x4;
	s7 =	sshrl.u32 s7, $0x2  }
0x8: {  	s8 =	sshrl.u32 s13, $0x1;
	s1 =	sor.u32 s9, s1;
	s18 =	sadd.s32 s7, s2  }
0x9: {  	s9 =	simm.s32 $0x6200;
	s7 =	sadd.s32 $0x2000, s18;
	[dreg:$0x3] =	wrdreg s18  }
0xa: {  	s6 =	sadd.s32 s5, s4;
	s14 =	sadd.s32 $0x4000, s18;
	[dreg:$0x4] =	wrdreg s7  }
0xb: {  	s4 =	sadd.s32 $0x570400, s0;
	s15 =	sadd.s32 $0x6000, s18;
	[dreg:$0x5] =	wrdreg s14  }
0xc: {  	s5 =	sadd.s32 $0x7A400, s0;
	s16 =	sadd.s32 $0x8000, s18;
	[dreg:$0x6] =	wrdreg s15  }
0xd: {  	s10 =	smul.u32 $0x140000, s1;
	s17 =	sadd.s32 $0xA000, s18;
	[dreg:$0x7] =	wrdreg s16  }
0xe: {  	s6 =	sshrl.u32 s6, $0x3;
	s19 =	sadd.s32 $0xC000, s18;
	[dreg:$0x8] =	wrdreg s17  }
0xf: {  	s20 =	sadd.s32 $0xE000, s18;
	s22 =	sadd.s32 $0x10000, s18;
	[dreg:$0x9] =	wrdreg s19  }
0x10: {  	s25 =	sadd.s32 $0x12000, s18;
	s0 =	sadd.s32 s6, s0;
	[dreg:$0xa] =	wrdreg s20  }
0x11: {  	s6 =	ssub.s32 s13, s8;
	s13 =	smul.u32 $0x5000, s1;
	[dreg:$0xb] =	wrdreg s22  }
0x12: {  	s21 =	sshrl.u32 s10, $0x3;
	[dreg:$0xd] =	wrdreg s25;
	s20 =	simm.s32 $0x9  }
0x13: {  	s8 =	simm.s32 $0x2;
	s14 =	simm.s32 $0x3;
	s15 =	simm.s32 $0x8  }
0x14: {  	s16 =	simm.s32 $0x4;
	s17 =	simm.s32 $0x0;
	s23 =	sadd.s32 s4, s21  }
0x15: {  	s0 =	sadd.s32 $0x8E400, s0;
	s26 =	smax.u32 s6, $0x1;
	[dreg:$0xc] =	wrdreg s23  }
.Ltmp0:
0x16: {  	s24 =	sshrl.u32 s13, $0x3;
	[dreg:$0x11] =	wrdreg s0;
	(pc) =	sbr.rel .LBB2_1-.Ltmp0, $4  }
0x17: {  	s7 =	sadd.s32 $0x400, s23;
	[dreg:$0x12] =	wrdreg s26;
	s26 =	simm.s32 $0x200  }
0x18: {  	s0 =	simm.s32 $0x40;
	s1 =	sadd.s32 s5, s24;
	[dreg:$0xf] =	wrdreg s7  }
0x19: {  	s24 =	simm.s32 $0x4200;
	[dreg:$0xe] =	wrdreg s1;
	s1 =	sadd.s32 $0x10, s1  }
0x1a: {  	v0 =	vimm.f32 $0.0e+00;
	s7 =	simm.s32 $0x6;
	[dreg:$0x10] =	wrdreg s1;
	s1 =	simm.s32 $0x100  }
.LBB2_14:
0x1b: {  	_ =	swait.ge [sflag:s12], $0x2000  }
0x1c: {  	[sflag:s12] =	ssyncset.done $0x0  }
0x1d: {  	[sflag:s12] =	ssyncadd.s32 $0xFFFFE000  }
0x1e: {  	_ =	swait.ge [sflag:s15], $0x2000  }
0x1f: {  	[sflag:s15] =	ssyncset.done $0x0  }
0x20: {  	[sflag:s15] =	ssyncadd.s32 $0xFFFFE000  }
0x21: {  	s6 =	stileid.u32;
	[bflag:$0x0] =	sbarrier.arrive $0xFFFF  }
0x22: {  	s20 =	simm.s32 $0x9;
	s6 =	sshll.u32 s6, $0x6;
	s18 =	rddreg [dreg:$0x3]  }
0x23: {  	s6 =	sor.u32 $0x1C09, s6;
	s19 =	rddreg [dreg:$0x11];
	s17 =	sshrl.u32 s18, $0x3  }
0x24: {  	[hbm:s19], [sflag:s6] =	dma.local [spmem:s17], $0x2780  }
0x25: {  	_ =	swait.ge [sflag:s20], $0x2780  }
0x26: {  	s23 =	rddreg [dreg:$0x13]  }
0x27: {  	s25 =	rddreg [dreg:$0x12];
	s17 =	sadd.s32 $0x1, s23  }
0x28: {  	p0 =	sne.s32 s17, s25  }
.Ltmp1:
0x29: {  	_ = 	snop;
	(pc) =	sbr.rel @!p0 .LBB2_15-.Ltmp1, $3  }
0x2a: {  	_ =	sdelay $0x1  }
0x2b: {  	[sflag:s20] =	ssyncset.done $0x0  }
0x2c: {  	[sflag:s20] =	ssyncadd.s32 $0xFFFFD880  }
.LBB2_1:
0x2d: {  	[dreg:$0x13] =	wrdreg s17;
	s17 =	simm.s32 $0x40;
	s6 =	simm.s32 $0x0  }
.LBB2_2:
0x2e: {  	p0 =	sne.s32 s17, $0x7FC0;
	[tilespmem:s6+$0x4200] =	vst v0;
	s19 =	smov.u32 s17;
	s17 =	sadd.s32 $0x40, s17  }
.Ltmp2:
0x2f: {  	[tilespmem:s6+$0x6200] =	vst v0;
	(pc) =	sbr.rel @p0 .LBB2_2-.Ltmp2, $2  }
0x30: {  	_ =	sdelay $0x2  }
0x31: {  	s6 =	sshra.s32 s19, $0x2  }
0x32: {  	[tilespmem:s6+$0x4200] =	vst v0  }
0x33: {  	[tilespmem:s6+$0x6200] =	vst v0  }
0x34: {  	[spmem:s18] =	stream.linear.scatter [tilespmem:s24], [sflag:$0x9], $0x2000, $0x38;
	[tilespmem:$0x1BE00] =	vst v63  }
0x35: {  	_ =	swait.ge [sflag:s20], $0x2000  }
0x36: {  	[sflag:s20] =	ssyncset.done $0x0  }
0x37: {  	s18 =	rddreg [dreg:$0x4];
	[sflag:s20] =	ssyncadd.s32 $0xFFFFE000  }
0x38: {  	[spmem:s18] =	stream.linear.scatter [tilespmem:s24], [sflag:$0x9], $0x2000, $0x38;
	[tilespmem:$0x1BE00] =	vst v63  }
0x39: {  	_ =	swait.ge [sflag:s20], $0x2000  }
0x3a: {  	[sflag:s20] =	ssyncset.done $0x0  }
0x3b: {  	s19 =	rddreg [dreg:$0x5];
	[sflag:s20] =	ssyncadd.s32 $0xFFFFE000  }
0x3c: {  	[spmem:s19] =	stream.linear.scatter [tilespmem:s24], [sflag:$0x9], $0x2000, $0x38;
	[tilespmem:$0x1BE00] =	vst v63  }
0x3d: {  	_ =	swait.ge [sflag:s20], $0x2000  }
0x3e: {  	[sflag:s20] =	ssyncset.done $0x0  }
0x3f: {  	s21 =	rddreg [dreg:$0x6];
	[sflag:s20] =	ssyncadd.s32 $0xFFFFE000  }
0x40: {  	[spmem:s21] =	stream.linear.scatter [tilespmem:s24], [sflag:$0x9], $0x2000, $0x38;
	[tilespmem:$0x1BE00] =	vst v63  }
0x41: {  	_ =	swait.ge [sflag:s20], $0x2000  }
0x42: {  	[sflag:s20] =	ssyncset.done $0x0  }
0x43: {  	s22 =	rddreg [dreg:$0x7];
	[sflag:s20] =	ssyncadd.s32 $0xFFFFE000  }
0x44: {  	[spmem:s22] =	stream.linear.scatter [tilespmem:s24], [sflag:$0x9], $0x2000, $0x38;
	[tilespmem:$0x1BE00] =	vst v63  }
0x45: {  	_ =	swait.ge [sflag:s20], $0x2000  }
0x46: {  	[sflag:s20] =	ssyncset.done $0x0  }
0x47: {  	s23 =	rddreg [dreg:$0x8];
	[sflag:s20] =	ssyncadd.s32 $0xFFFFE000  }
0x48: {  	[spmem:s23] =	stream.linear.scatter [tilespmem:s24], [sflag:$0x9], $0x2000, $0x38;
	[tilespmem:$0x1BE00] =	vst v63  }
0x49: {  	_ =	swait.ge [sflag:s20], $0x2000  }
0x4a: {  	[sflag:s20] =	ssyncset.done $0x0  }
0x4b: {  	s25 =	rddreg [dreg:$0x9];
	[sflag:s20] =	ssyncadd.s32 $0xFFFFE000  }
0x4c: {  	[spmem:s25] =	stream.linear.scatter [tilespmem:s24], [sflag:$0x9], $0x2000, $0x38;
	[tilespmem:$0x1BE00] =	vst v63  }
0x4d: {  	_ =	swait.ge [sflag:s20], $0x2000  }
0x4e: {  	[sflag:s20] =	ssyncset.done $0x0  }
0x4f: {  	s17 =	rddreg [dreg:$0xa];
	[sflag:s20] =	ssyncadd.s32 $0xFFFFE000  }
0x50: {  	[spmem:s17] =	stream.linear.scatter [tilespmem:s24], [sflag:$0x9], $0x2000, $0x38;
	[tilespmem:$0x1BE00] =	vst v63  }
0x51: {  	_ =	swait.ge [sflag:s20], $0x2000  }
0x52: {  	[sflag:s20] =	ssyncset.done $0x0  }
0x53: {  	s18 =	rddreg [dreg:$0xb];
	[sflag:s20] =	ssyncadd.s32 $0xFFFFE000  }
0x54: {  	[spmem:s18] =	stream.linear.scatter [tilespmem:s24], [sflag:$0x9], $0x2000, $0x38;
	[tilespmem:$0x1BE00] =	vst v63  }
0x55: {  	_ =	swait.ge [sflag:s20], $0x2000  }
0x56: {  	[sflag:s20] =	ssyncset.done $0x0  }
0x57: {  	s19 =	rddreg [dreg:$0xd];
	[sflag:s20] =	ssyncadd.s32 $0xFFFFE000  }
0x58: {  	[spmem:s19] =	stream.linear.scatter [tilespmem:s24], [sflag:$0x9], $0x1C00, $0x38;
	[tilespmem:$0x1BE00] =	vst v63  }
0x59: {  	_ =	swait.ge [sflag:s20], $0x1C00  }
0x5a: {  	[sflag:s20] =	ssyncset.done $0x0  }
0x5b: {  	[sflag:s20] =	ssyncadd.s32 $0xFFFFE400  }
0x5c: {  	[bflag:$0x0] =	sbarrier.arrive $0xFFFF  }
0x5d: {  	s20 =	simm.s32 $0x0;
	s21 =	rddreg [dreg:$0xc]  }
0x5e: {  	[tilespmem:s26], [sflag:$0x5] =	stream.linear.gather [hbm4b:s21+s20], $0x2000, $0x38;
	[tilespmem:$0x1BE00] =	vst v63  }
0x5f: {  	s22 =	rddreg [dreg:$0xe]  }
0x60: {  	[tilespmem:s20], [sflag:$0x1] =	stream.linear.gather [hbm4b:s22+s20], $0x80, $0x38;
	[tilespmem:$0x1BE00] =	vst v63  }
0x61: {  	s23 =	rddreg [dreg:$0xf]  }
0x62: {  	[tilespmem:s28], [sflag:$0x6] =	stream.linear.gather [hbm4b:s23+s20], $0x2000, $0x38;
	[tilespmem:$0x1BE00] =	vst v63  }
0x63: {  	s25 =	rddreg [dreg:$0x10];
	s21 =	simm.s32 $0x0  }
0x64: {  	[tilespmem:s29], [sflag:$0x2] =	stream.linear.gather [hbm4b:s25+s20], $0x80, $0x38;
	[tilespmem:$0x1BE00] =	vst v63  }
.LBB2_4:
0x65: {  	_ =	swait.ge [sflag:s30], $0x2000  }
0x66: {  	p0 =	seq.s32 s21, $0x0;
	[sflag:s30] =	ssyncset.done $0x0  }
0x67: {  	s6 =	simm.s32 @!p0 $0x7;
	[sflag:s30] =	ssyncadd.s32 $0xFFFFE000  }
0x68: {  	_ =	swait.ge @!p0 [sflag:s6], $0x2000  }
0x69: {  	s17 =	sand.u32 $0x10, s20;
	s19 =	sand.u32 $0x1F80, s20;
	[sflag:s6] =	ssyncset.done @!p0 $0x0  }
0x6a: {  	s17 =	sor.u32 s17, s19;
	[sflag:s6] =	ssyncadd.s32 @!p0 $0xFFFFE000  }
0x6b: {  	s22 =	sshll.u32 s21, $0x2;
	s19 =	simm.s32 $0x10;
	s6 =	simm.s32 $0x0;
	v1 =	vld [tilespmem:s17+$0x200]  }
.LBB2_5:
0x6c: {  	p1 =	sne.s32 s19, $0x7F0  }
.Ltmp3:
0x6d: {  	_ = 	snop;
	(pc) =	sbr.rel @p1 .LBB2_5-.Ltmp3, $4  }
0x6e: {  	s6 =	sadd.s32 $0x40, s6  }
0x6f: {  	s23 =	sand.u32 $0x10, s19;
	s18 =	sand.u32 $0x1F80, s6  }
0x70: {  	[tilespmem:s17+$0x4200] =	vst v1;
	s17 =	sor.u32 s23, s18  }
0x71: {  	s19 =	sadd.s32 $0x10, s19;
	v1 =	vld [tilespmem:s17+$0x200]  }
0x72: {  	_ =	sdelay $0x3  }
0x73: {  	s6 =	sor.u32 $0x2, s22;
	[tilespmem:s17+$0x4200] =	vst v1  }
0x74: {  	s23 =	sshll.u32 s6, $0xD;
	_ =	swait.ge [sflag:s31], $0x80  }
0x75: {  	s17 =	sadd.s32 s10, s23;
	[sflag:s31] =	ssyncset.done $0x0  }
0x76: {  	s17 =	sshrl.u32 s17, $0x3;
	[sflag:s31] =	ssyncadd.s32 $0xFFFFFF80  }
0x77: {  	[spmem:s2] =	stream.indirect.scatter.add.f32 [tilespmem:s24], [sflag:$0x7], $0x80, s3, s0, $0xb8;
	[tilespmem:$0x1BE00] =	vst v63  }
0x78: {  	s25 =	sshll.u32 s21, $0x9;
	s17 =	sadd.s32 s4, s17  }
0x79: {  	[tilespmem:s26], [sflag:$0x5] =	stream.linear.gather [hbm4b:s17+s3], $0x2000, $0x38;
	[tilespmem:$0x1BE00] =	vst v63  }
0x7a: {  	s6 =	sshll.u32 s6, $0x7;
	s17 =	sand.u32 $0x7C00, s25  }
0x7b: {  	s6 =	sand.u32 $0x300, s6;
	s23 =	sadd.s32 s13, s17  }
0x7c: {  	s6 =	sor.u32 s23, s6  }
0x7d: {  	s6 =	sshrl.u32 s6, $0x3  }
0x7e: {  	s6 =	sadd.s32 s5, s6  }
0x7f: {  	[tilespmem:s1], [sflag:$0x3] =	stream.linear.gather [hbm4b:s6+s3], $0x80, $0x38;
	[tilespmem:$0x1BE00] =	vst v63  }
0x80: {  	_ =	swait.ge [sflag:s7], $0x2000  }
0x81: {  	[sflag:s7] =	ssyncset.done $0x0  }
0x82: {  	s6 =	simm.s32 @!p0 $0x8;
	[sflag:s7] =	ssyncadd.s32 $0xFFFFE000  }
0x83: {  	s17 =	simm.s32 $0x0;
	_ =	swait.ge @!p0 [sflag:s6], $0x2000  }
0x84: {  	s18 =	sand.u32 $0x10, s17;
	s19 =	sand.u32 $0x1F80, s17;
	[sflag:s6] =	ssyncset.done @!p0 $0x0  }
0x85: {  	s19 =	sor.u32 s18, s19;
	[sflag:s6] =	ssyncadd.s32 @!p0 $0xFFFFE000  }
0x86: {  	s6 =	simm.s32 $0x10;
	v1 =	vld [tilespmem:s19+$0x2200]  }
.LBB2_7:
0x87: {  	p0 =	sne.s32 s6, $0x7F0  }
.Ltmp4:
0x88: {  	_ = 	snop;
	(pc) =	sbr.rel @p0 .LBB2_7-.Ltmp4, $4  }
0x89: {  	s17 =	sadd.s32 $0x40, s17  }
0x8a: {  	s18 =	sand.u32 $0x10, s6;
	s25 =	sand.u32 $0x1F80, s17  }
0x8b: {  	[tilespmem:s19+$0x6200] =	vst v1;
	s19 =	sor.u32 s18, s25  }
0x8c: {  	s6 =	sadd.s32 $0x10, s6;
	v1 =	vld [tilespmem:s19+$0x2200]  }
0x8d: {  	_ =	sdelay $0x3  }
0x8e: {  	s6 =	sor.u32 $0x3, s22;
	[tilespmem:s19+$0x6200] =	vst v1  }
0x8f: {  	s17 =	sshll.u32 s6, $0xD;
	s6 =	sshll.u32 s6, $0x7;
	_ =	swait.ge [sflag:s8], $0x80  }
0x90: {  	s17 =	sadd.s32 s10, s17;
	s6 =	sand.u32 $0x380, s6;
	[sflag:s8] =	ssyncset.done $0x0  }
0x91: {  	s17 =	sshrl.u32 s17, $0x3;
	s6 =	sor.u32 s23, s6;
	[sflag:s8] =	ssyncadd.s32 $0xFFFFFF80  }
0x92: {  	[spmem:s2] =	stream.indirect.scatter.add.f32 [tilespmem:s9], [sflag:$0x8], $0x80, s29, s0, $0xb8;
	[tilespmem:$0x1BE00] =	vst v63  }
0x93: {  	s18 =	sadd.s32 s4, s17;
	s17 =	simm.s32 $0x0;
	s6 =	sshrl.u32 s6, $0x3  }
0x94: {  	[tilespmem:s28], [sflag:$0x6] =	stream.linear.gather [hbm4b:s18+s17], $0x2000, $0x38;
	[tilespmem:$0x1BE00] =	vst v63  }
0x95: {  	s6 =	sadd.s32 s5, s6  }
0x96: {  	[tilespmem:s11], [sflag:$0x4] =	stream.linear.gather [hbm4b:s6+s17], $0x80, $0x38;
	[tilespmem:$0x1BE00] =	vst v63  }
0x97: {  	_ =	swait.ge [sflag:s30], $0x2000  }
0x98: {  	[sflag:s30] =	ssyncset.done $0x0  }
0x99: {  	[sflag:s30] =	ssyncadd.s32 $0xFFFFE000  }
0x9a: {  	_ =	swait.ge [sflag:s12], $0x2000  }
0x9b: {  	s23 =	sand.u32 $0x10, s17;
	s25 =	sand.u32 $0x1F80, s17;
	[sflag:s12] =	ssyncset.done $0x0  }
0x9c: {  	s19 =	sor.u32 s23, s25;
	[sflag:s12] =	ssyncadd.s32 $0xFFFFE000  }
0x9d: {  	s6 =	simm.s32 $0x10;
	v1 =	vld [tilespmem:s19+$0x200]  }
.LBB2_9:
0x9e: {  	p0 =	sne.s32 s6, $0x7F0  }
.Ltmp5:
0x9f: {  	_ = 	snop;
	(pc) =	sbr.rel @p0 .LBB2_9-.Ltmp5, $4  }
0xa0: {  	s17 =	sadd.s32 $0x40, s17  }
0xa1: {  	s18 =	sand.u32 $0x10, s6;
	s23 =	sand.u32 $0x1F80, s17  }
0xa2: {  	[tilespmem:s19+$0x4200] =	vst v1;
	s19 =	sor.u32 s18, s23  }
0xa3: {  	s6 =	sadd.s32 $0x10, s6;
	v1 =	vld [tilespmem:s19+$0x200]  }
0xa4: {  	_ =	sdelay $0x2  }
0xa5: {  	p0 =	seq.s32 s21, $0x27  }
0xa6: {  	s6 =	sadd.s32 @!p0 $0x4, s22;
	[tilespmem:s19+$0x4200] =	vst v1  }
0xa7: {  	s17 =	sshll.u32 @!p0 s6, $0xD;
	_ =	swait.ge [sflag:s14], $0x80  }
0xa8: {  	s17 =	sadd.s32 @!p0 s10, s17;
	[sflag:s14] =	ssyncset.done $0x0  }
0xa9: {  	s18 =	simm.s32 @!p0 $0x0;
	s17 =	sshrl.u32 @!p0 s17, $0x3;
	[sflag:s14] =	ssyncadd.s32 $0xFFFFFF80  }
0xaa: {  	[spmem:s2] =	stream.indirect.scatter.add.f32 [tilespmem:s24], [sflag:$0x7], $0x80, s1, s0, $0xb8;
	[tilespmem:$0x1BE00] =	vst v63  }
0xab: {  	s6 =	sshll.u32 @!p0 s6, $0x7;
	s19 =	simm.s32 @!p0 $0x200;
	s17 =	sadd.s32 @!p0 s4, s17  }
0xac: {  	[tilespmem:s19], [sflag:$0x5] =	stream.linear.gather @!p0 [hbm4b:s17+s18], $0x2000, $0x38;
	[tilespmem:$0x1BE00] =	vst v63  }
0xad: {  	s17 =	sand.u32 @!p0 $0xFC00, s6  }
0xae: {  	s6 =	sand.u32 @!p0 $0x200, s6;
	s17 =	sadd.s32 @!p0 s13, s17  }
0xaf: {  	s6 =	sor.u32 @!p0 s6, s17  }
0xb0: {  	s6 =	sshrl.u32 @!p0 s6, $0x3  }
0xb1: {  	s6 =	sadd.s32 @!p0 s5, s6  }
0xb2: {  	[tilespmem:s18], [sflag:$0x1] =	stream.linear.gather @!p0 [hbm4b:s6+s18], $0x80, $0x38;
	[tilespmem:$0x1BE00] =	vst v63  }
0xb3: {  	_ =	swait.ge [sflag:s7], $0x2000  }
0xb4: {  	[sflag:s7] =	ssyncset.done $0x0  }
0xb5: {  	[sflag:s7] =	ssyncadd.s32 $0xFFFFE000  }
0xb6: {  	s17 =	simm.s32 $0x0;
	_ =	swait.ge [sflag:s15], $0x2000  }
0xb7: {  	s23 =	sand.u32 $0x10, s17;
	s25 =	sand.u32 $0x1F80, s17;
	[sflag:s15] =	ssyncset.done $0x0  }
0xb8: {  	s19 =	sor.u32 s23, s25;
	[sflag:s15] =	ssyncadd.s32 $0xFFFFE000  }
0xb9: {  	s6 =	simm.s32 $0x10;
	v1 =	vld [tilespmem:s19+$0x2200]  }
.LBB2_11:
0xba: {  	p1 =	sne.s32 s6, $0x7F0  }
.Ltmp6:
0xbb: {  	_ = 	snop;
	(pc) =	sbr.rel @p1 .LBB2_11-.Ltmp6, $4  }
0xbc: {  	s17 =	sadd.s32 $0x40, s17  }
0xbd: {  	s18 =	sand.u32 $0x10, s6;
	s23 =	sand.u32 $0x1F80, s17  }
0xbe: {  	[tilespmem:s19+$0x6200] =	vst v1;
	s19 =	sor.u32 s18, s23  }
0xbf: {  	s6 =	sadd.s32 $0x10, s6;
	v1 =	vld [tilespmem:s19+$0x2200]  }
0xc0: {  	_ =	sdelay $0x3  }
.Ltmp7:
0xc1: {  	[tilespmem:s19+$0x6200] =	vst v1;
	(pc) =	sbr.rel @p0 .LBB2_14-.Ltmp7, $4  }
0xc2: {  	_ =	swait.ge [sflag:s16], $0x80  }
0xc3: {  	[sflag:s16] =	ssyncset.done $0x0  }
0xc4: {  	[sflag:s16] =	ssyncadd.s32 $0xFFFFFF80  }
0xc5: {  	[spmem:s2] =	stream.indirect.scatter.add.f32 [tilespmem:s9], [sflag:$0x8], $0x80, s11, s0, $0xb8;
	[tilespmem:$0x1BE00] =	vst v63  }
0xc6: {  	s6 =	sadd.s32 $0x5, s22  }
0xc7: {  	s17 =	sshll.u32 s6, $0xD  }
0xc8: {  	s17 =	sadd.s32 s10, s17  }
0xc9: {  	s6 =	sshll.u32 s6, $0x7;
	s17 =	sshrl.u32 s17, $0x3  }
0xca: {  	s25 =	sand.u32 $0xFC00, s6;
	s17 =	sadd.s32 s4, s17  }
0xcb: {  	[tilespmem:s28], [sflag:$0x6] =	stream.linear.gather [hbm4b:s17+s3], $0x2000, $0x38;
	[tilespmem:$0x1BE00] =	vst v63  }
.Ltmp8:
0xcc: {  	s6 =	sand.u32 $0x280, s6;
	s17 =	sadd.s32 s13, s25;
	(pc) =	sbr.rel .LBB2_4-.Ltmp8, $4  }
0xcd: {  	s6 =	sor.u32 s6, s17  }
0xce: {  	s6 =	sshrl.u32 s6, $0x3  }
0xcf: {  	s21 =	sadd.s32 $0x1, s21;
	s6 =	sadd.s32 s5, s6  }
0xd0: {  	[tilespmem:s29], [sflag:$0x2] =	stream.linear.gather [hbm4b:s6+s3], $0x80, $0x38;
	[tilespmem:$0x1BE00] =	vst v63  }
.LBB2_15:
0xd1: {  	_ =	sfence.sel $0x180000  }
0xd2: {  	[bflag:$0x0] =	sbarrier.arrive $0xFFFF  }
0xd3: {  	_ =	strace $0x9000004A  }
0xd4: {  	s0 =	stileid.u32;
	[bflag:$0x2] =	sbarrier.arrive $0xFFFF  }
0xd5: {  	p0 =	sne.s32 s0, $0x0;
	s0 =	rddreg [dreg:$0x2]  }
0xd6: {  	s0 =	sadd.s32 @!p0 $0x100000, s0  }
0xd7: {  	[sflag:s0] =	ssyncadd.tile.s32 @!p0 $0x1;
	_ =	shalt  }
.Lfunc_end2:
_tile_overlayer_lowered:
.L_overlay_start_2:
0xd8: {  	(tag) =	ssettag $0x2  }
0xd9: {  	s0 =	rddreg [dreg:$0x0];
	s2 =	stileid.u32  }
0xda: {  	s1 =	rddreg [dreg:$0x1];
	p0 =	sne.s32 s2, $0x0  }
0xdb: {  	s3 =	rddreg [dreg:$0x2];
	[bflag:$0x3] =	sbarrier.arrive $0xFFFF;
	s2 =	simm.s32 @!p0 $0x1C09  }
0xdc: {  	[timem:s3], [sflag:s2] =	dma.local @!p0 [hbm:s0], s1  }
0xdd: {  	s0 =	simm.s32 @!p0 $0x9  }
0xde: {  	_ =	swait.ge @!p0 [sflag:s0], s1  }
0xdf: {  	s1 =	ssub.s32 @!p0 $0x0, s1;
	[sflag:s0] =	ssyncset.done @!p0 $0x0  }
0xe0: {  	[sflag:s0] =	ssyncadd.s32 @!p0 s1  }
0xe1: {  	[bflag:$0x3] =	sbarrier.arrive $0xFFFF  }
0xe2: {  	_ =	shalt  }

// kernel: kernel.13.cloned.1.call-start
scs
__scs_entry_jumppad:
0x0: {  	(pc) =	sbr.rel $0x88, $3  }
0x1: {  	(tag) =	ssettag $0x0;
	lr =	simm.s32 $0x1  }
0x2: {  	[smem:$0x3F97] =	sst lr;
	_ =	strace $0xD0000000  }
0x3: {  	_ = 	snop  }
0x4: {  	_ = 	snop  }
0x5: {  	_ = 	snop  }
0x6: {  	_ = 	snop  }
0x7: {  	_ = 	snop  }
__scs_overlays_trampoline_lowered:
0x8: {  	[smem:$0x3FA6] =	sst s0  }
0x9: {  	[smem:$0x3FA7] =	sst s1  }
0xa: {  	[smem:$0x3FA8] =	sst s2  }
0xb: {  	[smem:$0x3FA9] =	sst s3  }
0xc: {  	[smem:$0x3FAA] =	sst s4  }
0xd: {  	[smem:$0x3FAB] =	sst s5  }
0xe: {  	[smem:$0x3FAC] =	sst s6  }
0xf: {  	[smem:$0x3FAD] =	sst s7  }
0x10: {  	[smem:$0x3FAE] =	sst s8  }
0x11: {  	[smem:$0x3FAF] =	sst s9;
	s0 =	simm.s32 @!p0 $0x0  }
0x12: {  	s1 =	sld [smem:$0x3F95];
	s0 =	simm.s32 @p0 $0x1  }
0x13: {  	[smem:$0x3FB0] =	sst s0;
	s0 =	simm.s32 @!p1 $0x0  }
0x14: {  	s2 =	sld [smem:$0x3F94];
	s0 =	simm.s32 @p1 $0x1  }
0x15: {  	[smem:$0x3FB1] =	sst s0;
	s0 =	simm.s32 @!p2 $0x0  }
0x16: {  	s3 =	sld [smem:$0x3FDB];
	s0 =	simm.s32 @p2 $0x1  }
0x17: {  	s4 =	simm.s32 $0x1BF5;
	[smem:$0x3FB3] =	sst s0  }
0x18: {  	s0 =	sld [smem:$0x3F96];
	_ =	swait.ge [sflag:s4], $0x0  }
0x19: {  	s7 =	sld [smem:$0x3F97]  }
0x1a: {  	s8 =	sadd.s32 $0xFFFFE003, lr  }
0x1b: {  	s9 =	sadd.s32 $0xFFFFFEF7, lr;
	s5 =	simm.s32 $0xFFFFFFFF;
	p2 =	slt.u32 s8, $0xFFFFF086  }
0x1c: {  	p1 =	slt.u32 s9, $0xF7A;
	s5 =	simm.s32 @!p2 $0x0  }
0x1d: {  	s5 =	simm.s32 @p1 $0x1;
	p0 =	seq.s32 s7, s2  }
0x1e: {  	s7 =	smul.u32 @!p0 $0xF7A, s2;
	p2 =	seq.s32 @!p0 s5, $0x0  }
0x1f: {  	s9 =	smul.u32 $0xF7A, s1;
	s8 =	simm.s32 @!p0 $0x1BF5;
	p2 =	por !p2, p0  }
0x20: {  	[sflag:s8] =	ssyncset.s32 @!p0 $0xFFFFF086;
	s6 =	sadd.s32 @!p0 s3, s7;
	s7 =	simm.s32 @!p0 $0x108  }
0x21: {  	s3 =	sadd.s32 s3, s9;
	s6 =	sadd.s32 @!p0 $0x88, s6;
	s7 =	simm.s32 @p2 $0x1082  }
0x22: {  	[simem:s7], [sflag:s8] =	dma.local @!p0 [hbm:s6], $0xF7A  }
0x23: {  	s9 =	sor.u32 $0xD0000000, s2;
	s6 =	simm.s32 $0x108;
	_ =	swait.ge @!p0 [sflag:s8], $0x0  }
0x24: {  	s3 =	sadd.s32 $0x88, s3;
	s6 =	simm.s32 @!p1 $0x1082;
	[sflag:s4] =	ssyncset.s32 $0xFFFFF086  }
0x25: {  	[simem:s6], [sflag:s4] =	dma.local [hbm:s3], $0xF7A  }
0x26: {  	[smem:$0x3F97] =	sst s1;
	(tag) =	ssettag s2;
	_ =	strace s9  }
0x27: {  	s1 =	sld [smem:$0x3FA7]  }
0x28: {  	s2 =	sld [smem:$0x3FA8]  }
0x29: {  	s4 =	sld [smem:$0x3FAA]  }
0x2a: {  	p0 =	seq.s32 s5, $0x0;
	s5 =	sld [smem:$0x3FAB]  }
0x2b: {  	s6 =	sld [smem:$0x3FAC]  }
0x2c: {  	s7 =	sld [smem:$0x3FAD]  }
0x2d: {  	s3 =	simm.s32 $0x108;
	s8 =	sld [smem:$0x3FAE]  }
0x2e: {  	s3 =	simm.s32 @!p0 $0x1082;
	s9 =	sld [smem:$0x3FAF]  }
0x2f: {  	lr =	sadd.s32 s0, s3;
	s0 =	sld [smem:$0x3FA6]  }
0x30: {  	s3 =	sld [smem:$0x3FA9]  }
0x31: {  	[smem:$0x3FB2] =	sst s10  }
0x32: {  	s10 =	sld [smem:$0x3FB0];
	_ =	sdelay $0x3  }
0x33: {  	p0 =	seq.s32 s10, $0x1;
	s10 =	sld [smem:$0x3FB2];
	_ =	sdelay $0x3  }
0x34: {  	[smem:$0x3FB2] =	sst s10  }
0x35: {  	s10 =	sld [smem:$0x3FB1];
	_ =	sdelay $0x3  }
0x36: {  	p1 =	seq.s32 s10, $0x1;
	s10 =	sld [smem:$0x3FB2];
	_ =	sdelay $0x3  }
0x37: {  	[smem:$0x3FB2] =	sst s10  }
0x38: {  	s10 =	sld [smem:$0x3FB3]  }
0x39: {  	_ = 	snop;
	(pc) =	sbr.ind lr, $3  }
0x3a: {  	_ = 	snop  }
0x3b: {  	_ = 	snop  }
0x3c: {  	p2 =	seq.s32 s10, $0x1;
	s10 =	sld [smem:$0x3FB2]  }
0x3d: {  	_ =	shalt  }
0x3e: {  	_ =	shalt  }
0x3f: {  	_ =	shalt  }
0x40: {  	_ =	shalt  }
0x41: {  	_ =	shalt  }
0x42: {  	_ =	shalt  }
0x43: {  	_ =	shalt  }
0x44: {  	_ =	shalt  }
0x45: {  	_ =	shalt  }
0x46: {  	_ =	shalt  }
0x47: {  	_ =	shalt  }
0x48: {  	_ =	shalt  }
0x49: {  	_ =	shalt  }
0x4a: {  	_ =	shalt  }
0x4b: {  	_ =	shalt  }
0x4c: {  	_ =	shalt  }
0x4d: {  	_ =	shalt  }
0x4e: {  	_ =	shalt  }
0x4f: {  	_ =	shalt  }
0x50: {  	_ =	shalt  }
0x51: {  	_ =	shalt  }
0x52: {  	_ =	shalt  }
0x53: {  	_ =	shalt  }
0x54: {  	_ =	shalt  }
0x55: {  	_ =	shalt  }
0x56: {  	_ =	shalt  }
0x57: {  	_ =	shalt  }
0x58: {  	_ =	shalt  }
0x59: {  	_ =	shalt  }
0x5a: {  	_ =	shalt  }
0x5b: {  	_ =	shalt  }
0x5c: {  	_ =	shalt  }
0x5d: {  	_ =	shalt  }
0x5e: {  	_ =	shalt  }
0x5f: {  	_ =	shalt  }
0x60: {  	_ =	shalt  }
0x61: {  	_ =	shalt  }
0x62: {  	_ =	shalt  }
0x63: {  	_ =	shalt  }
0x64: {  	_ =	shalt  }
0x65: {  	_ =	shalt  }
0x66: {  	_ =	shalt  }
0x67: {  	_ =	shalt  }
0x68: {  	_ =	shalt  }
0x69: {  	_ =	shalt  }
0x6a: {  	_ =	shalt  }
0x6b: {  	_ =	shalt  }
0x6c: {  	_ =	shalt  }
0x6d: {  	_ =	shalt  }
0x6e: {  	_ =	shalt  }
0x6f: {  	_ =	shalt  }
0x70: {  	_ =	shalt  }
0x71: {  	_ =	shalt  }
0x72: {  	_ =	shalt  }
0x73: {  	_ =	shalt  }
0x74: {  	_ =	shalt  }
0x75: {  	_ =	shalt  }
0x76: {  	_ =	shalt  }
0x77: {  	_ =	shalt  }
0x78: {  	_ =	shalt  }
0x79: {  	_ =	shalt  }
0x7a: {  	_ =	shalt  }
0x7b: {  	_ =	shalt  }
0x7c: {  	_ =	shalt  }
0x7d: {  	_ =	shalt  }
0x7e: {  	_ =	shalt  }
0x7f: {  	_ =	shalt  }
0x80: {  	_ =	shalt  }
0x81: {  	_ =	shalt  }
0x82: {  	_ =	shalt  }
0x83: {  	_ =	shalt  }
0x84: {  	_ =	shalt  }
0x85: {  	_ =	shalt  }
0x86: {  	_ =	shalt  }
0x87: {  	_ =	shalt  }
.Lfunc_end0:
.L_simem_size_0:
called_computation.2_lowered:
.L_overlay_start_0:
0x88: {  	s2 =	sld [smem:$0x3FD9]  }
0x89: {  	s3 =	sld [smem:$0x3FFE];
	_ =	sdelay $0x1  }
0x8a: {  	s1 =	srdreg.scid  }
0x8b: {  	s0 =	sand.u32 $0x1, s1  }
0x8c: {  	s16 =	sshll.u32 s0, $0xA;
	s2 =	sadd.s32 s3, s2  }
0x8d: {  	s2 =	sadd.s32 s2, s16  }
0x8e: {  	[smem:$0x3FBE] =	sst s2  }
0x8f: {  	_ = 	snop  }
0x90: {  	(tm) =	ssettm $0x1  }
0x91: {  	s17 =	sld [smem:$0x3FFB];
	_ =	sdelay $0x3  }
0x92: {  	_ =	strace s17  }
0x93: {  	s2 =	sld [smem:$0x3FFC];
	_ =	sdelay $0x3  }
0x94: {  	_ =	strace s2  }
0x95: {  	s2 =	sld [smem:$0x3FFD];
	_ =	sdelay $0x3  }
0x96: {  	_ =	strace s2  }
0x97: {  	_ =	strace $0x8FFFFFFF  }
0x98: {  	s18 =	sld [smem:$0x3FDB];
	_ =	sdelay $0x1  }
0x99: {  	s19 =	simm.s32 $_scs_section_size  }
0x9a: {  	s4 =	simm.s32 $_size__tile_overlayer_lowered;
	s5 =	simm.s32 $_tile_overlayer_lowered  }
0x9b: {  	s22 =	simm.s32 $0x1BFF;
	s21 =	sshll.u32 s5, $0x1;
	s2 =	sadd.s32 s19, s18  }
0x9c: {  	s6 =	simm.s32 $0x0;
	s20 =	sshll.u32 s4, $0x1;
	s4 =	sadd.s32 s21, s2  }
0x9d: {  	[timem:s6], [sflag:s22] =	dma.local [hbm:s4], s20  }
0x9e: {  	_ =	swait.ge [sflag:s22], s20  }
0x9f: {  	s3 =	ssub.s32 $0x0, s20;
	[sflag:s22] =	ssyncset.done $0x0  }
0xa0: {  	[sflag:s22] =	ssyncadd.s32 s3;
	_ =	sdelay $0x1  }
0xa1: {  	s23 =	simm.s32 $0x1B8B  }
0xa2: {  	_ =	swait.ge [sflag:s23], $0x1  }
0xa3: {  	[sflag:s23] =	ssyncset.done $0x0  }
0xa4: {  	s25 =	simm.s32 $0x1B8E;
	s24 =	sld [smem:$0x3FFE];
	[sflag:s23] =	ssyncadd.s32 $0xFFFFFFFF  }
0xa5: {  	s26 =	simm.s32 $execute0_lowered;
	[smem:$0x3FD2] =	sst s25  }
0xa6: {  	s4 =	sshll.u32 s26, $0x1;
	_ =	strace $0x8000004C;
	[dreg:$0x1] =	wrdreg $0xFFFFFFFF  }
0xa7: {  	s28 =	simm.s32 $_size_execute0_lowered;
	s2 =	sadd.s32 s2, s4;
	[dreg:$0x0] =	wrdreg $0x0  }
0xa8: {  	s4 =	sshll.u32 s28, $0x1;
	[dreg:$0x2] =	wrdreg s2  }
0xa9: {  	[dreg:$0x3] =	wrdreg s4  }
0xaa: {  	[dreg:$0x4] =	wrdreg $0xC0  }
0xab: {  	_ =	task [dreg:s6], $0x5FFFF  }
0xac: {  	[dreg:$0x1] =	wrdreg $0xFFFFFFFF  }
0xad: {  	[dreg:$0x0] =	wrdreg $0x60  }
0xae: {  	[dreg:$0x2] =	wrdreg s24  }
0xaf: {  	[dreg:$0x3] =	wrdreg $0x82000  }
0xb0: {  	[dreg:$0x4] =	wrdreg $0x9  }
0xb1: {  	_ =	task.clear_ibuf [dreg:s6], $0x5FFFF;
	_ =	strace $0x9000004C  }
0xb2: {  	s29 =	simm.s32 $0x9;
	_ =	strace $0x8000004E  }
0xb3: {  	_ =	swait.ge [sflag:s29], $0x1  }
0xb4: {  	[sflag:s29] =	ssyncadd.s32 $0xFFFFFFFF  }
0xb5: {  	_ =	strace $0x9000004E  }
0xb6: {  	_ =	sfence  }
0xb7: {  	s30 =	sld [smem:$0x0];
	_ =	sdelay $0x2  }
0xb8: {  	s31 =	sshll.u32 s1, $0xD;
	s1 =	sshrl.u32 s1, $0x2  }
0xb9: {  	s3 =	sand.u32 $0x4000, s31;
	s1 =	sadd.s32 s1, s30  }
0xba: {  	s0 =	sor.u32 s3, s0;
	s1 =	sshll.u32 s1, $0x11  }
0xbb: {  	s0 =	sor.u32 s1, s0  }
0xbc: {  	s0 =	sadd.s32 $0x8F2B, s0  }
0xbd: {  	[sflag:s0] =	ssyncadd.remote.s32 $0x1  }
0xbe: {  	_ =	sfence.sel $0xFFFF  }
0xbf: {  	[dreg:$0x0] =	wrdreg $0xFFFFFFFF;
	(pc) =	sbr.abs _section_cstart, $3  }
0xc0: {  	[dreg:$0x1] =	wrdreg $0xFFFFFFFF  }
0xc1: {  	_ =	task.clear_ibuf [dreg:s6], $0x2FFFF;
	_ =	strace $0x9FFFFFFF  }
0xc2: {  	(tm) =	ssettm $0x7FFFFFFF  }
0xc3: {  	_ =	shalt  }
tec
execute0_lowered:
.L_overlay_start_1:
0x0: {  	(tag) =	ssettag $0x1  }
0x1: {  	s0 =	rddreg [dreg:$0x0];
	s1 =	srdreg.scid  }
0x2: {  	s12 =	stileid.u32;
	s2 =	rddreg [dreg:$0x1];
	s3 =	simm.s32 $0x0  }
0x3: {  	s28 =	simm.s32 $0x4200;
	s30 =	simm.s32 $0x100;
	s7 =	smul.u32 $0x13C00, s12  }
0x4: {  	s31 =	simm.s32 $0x140;
	s1 =	sand.u32 $0x1, s1;
	s9 =	smul.u32 $0x4F000, s12  }
0x5: {  	[smem:$0x7FF] =	sst s3;
	s4 =	sadd.s32 $0x2B400, s0;
	s5 =	smul.u32 $0x13C000, s1  }
0x6: {  	_ =	strace $0x8000004D;
	s10 =	ssub.s32 $0x2, s1;
	s1 =	sshll.u32 s1, $0x4  }
0x7: {  	s11 =	sshrl.u32 s10, $0x1;
	s9 =	sshrl.u32 s9, $0x2;
	s1 =	sor.u32 s12, s1  }
0x8: {  	s18 =	sadd.s32 s7, s2;
	s6 =	sadd.s32 s7, s5;
	s9 =	sadd.s32 s9, s2  }
0x9: {  	s5 =	sadd.s32 $0x17400, s0;
	[dreg:$0x3] =	wrdreg s18;
	s12 =	sadd.s32 $0x2000, s9  }
0xa: {  	s10 =	ssub.s32 s10, s11;
	s13 =	sadd.s32 $0x4000, s9;
	[dreg:$0x4] =	wrdreg s12  }
0xb: {  	s11 =	simm.s32 $0x3;
	s14 =	sadd.s32 $0x6000, s9;
	[dreg:$0x5] =	wrdreg s13  }
0xc: {  	s7 =	simm.s32 $0x0;
	s15 =	sadd.s32 $0x8000, s9;
	[dreg:$0x6] =	wrdreg s14  }
0xd: {  	s8 =	sshrl.u32 s6, $0x3;
	s16 =	sadd.s32 $0xA000, s9;
	[dreg:$0x7] =	wrdreg s15  }
0xe: {  	s6 =	sadd.s32 $0x21400, s0;
	s17 =	sadd.s32 $0xC000, s9;
	[dreg:$0x8] =	wrdreg s16  }
0xf: {  	s19 =	sadd.s32 $0xE000, s9;
	s20 =	sadd.s32 $0x10000, s9;
	[dreg:$0x9] =	wrdreg s17  }
0x10: {  	s21 =	sadd.s32 $0x12000, s9;
	s29 =	smax.u32 s10, $0x1;
	[dreg:$0xa] =	wrdreg s19  }
0x11: {  	s10 =	simm.s32 $0xB;
	s9 =	simm.s32 $0x2;
	[dreg:$0xb] =	wrdreg s20  }
0x12: {  	s8 =	sadd.s32 s8, s0;
	s12 =	smul.u32 $0x2800, s1;
	[dreg:$0xc] =	wrdreg s21  }
0x13: {  	s20 =	sadd.s32 $0x21408, s0;
	[dreg:$0x12] =	wrdreg s29;
	s1 =	simm.s32 $0x80  }
0x14: {  	s13 =	simm.s32 $0x40;
	s14 =	simm.s32 $0x4;
	s15 =	simm.s32 $0x6200  }
0x15: {  	s16 =	simm.s32 $0x180;
	s17 =	simm.s32 $0x1C0;
	s19 =	simm.s32 $0x9  }
0x16: {  	s21 =	simm.s32 $0x5;
	s26 =	sadd.s32 $0x3F000, s8;
	s22 =	sshrl.u32 s12, $0x3  }
.Ltmp0:
0x17: {  	[dreg:$0x11] =	wrdreg s26;
	s24 =	sadd.s32 s6, s22;
	(pc) =	sbr.rel .LBB2_1-.Ltmp0, $4  }
0x18: {  	s8 =	simm.s32 $0x7;
	s0 =	sadd.s32 s22, s20;
	[dreg:$0xe] =	wrdreg s24  }
0x19: {  	s26 =	sor.u32 $0x180, s12;
	s23 =	sadd.s32 s5, s22;
	[dreg:$0xf] =	wrdreg s0  }
0x1a: {  	s22 =	simm.s32 $0xA;
	[dreg:$0xd] =	wrdreg s23;
	s25 =	sadd.s32 $0x10, s23  }
0x1b: {  	v0 =	vimm.f32 $0.0e+00;
	s23 =	sor.u32 $0x80, s12;
	s24 =	simm.s32 $0x6;
	[dreg:$0x10] =	wrdreg s25  }
.LBB2_14:
0x1c: {  	_ =	swait.ge [sflag:s19], $0x2000  }
0x1d: {  	[sflag:s19] =	ssyncset.done $0x0  }
0x1e: {  	[sflag:s19] =	ssyncadd.s32 $0xFFFFE000  }
0x1f: {  	_ =	swait.ge [sflag:s22], $0x2000  }
0x20: {  	[sflag:s22] =	ssyncset.done $0x0  }
0x21: {  	[sflag:s22] =	ssyncadd.s32 $0xFFFFE000  }
0x22: {  	s0 =	stileid.u32;
	[bflag:$0x0] =	sbarrier.arrive $0xFFFF  }
0x23: {  	s0 =	sshll.u32 s0, $0x6;
	s18 =	rddreg [dreg:$0x3]  }
0x24: {  	s0 =	sor.u32 $0x1C0B, s0;
	s10 =	rddreg [dreg:$0x11];
	s7 =	sshrl.u32 s18, $0x3  }
0x25: {  	[hbm:s10], [sflag:s0] =	dma.local [spmem:s7], $0x2780  }
0x26: {  	s10 =	simm.s32 $0xB  }
0x27: {  	_ =	swait.ge [sflag:s10], $0x2780  }
0x28: {  	s25 =	rddreg [dreg:$0x13]  }
0x29: {  	s29 =	rddreg [dreg:$0x12];
	s7 =	sadd.s32 $0x1, s25  }
0x2a: {  	p0 =	sne.s32 s7, s29  }
.Ltmp1:
0x2b: {  	_ = 	snop;
	(pc) =	sbr.rel @!p0 .LBB2_15-.Ltmp1, $3  }
0x2c: {  	_ =	sdelay $0x1  }
0x2d: {  	[sflag:s10] =	ssyncset.done $0x0  }
0x2e: {  	[sflag:s10] =	ssyncadd.s32 $0xFFFFD880  }
.LBB2_1:
0x2f: {  	[dreg:$0x13] =	wrdreg s7;
	s0 =	simm.s32 $0x10;
	s7 =	sand.u32 $0x1FF0, s3  }
.LBB2_2:
0x30: {  	p0 =	sne.s32 s0, $0x1FF0;
	[tilespmem:s7+$0x4200] =	vst v0;
	s7 =	smov.u32 s0;
	s0 =	sadd.s32 $0x10, s0  }
.Ltmp2:
0x31: {  	(pc) =	sbr.rel @p0 .LBB2_2-.Ltmp2, $2  }
0x32: {  	_ =	sdelay $0x2  }
0x33: {  	s7 =	sand.u32 $0x1FF0, s7  }
0x34: {  	[tilespmem:s7+$0x4200] =	vst v0  }
0x35: {  	[spmem:s18] =	stream.linear.scatter [tilespmem:s28], [sflag:$0xB], $0x2000, $0x38;
	[tilespmem:$0x1BE00] =	vst v63  }
0x36: {  	_ =	swait.ge [sflag:s10], $0x2000  }
0x37: {  	[sflag:s10] =	ssyncset.done $0x0  }
0x38: {  	s0 =	rddreg [dreg:$0x4];
	[sflag:s10] =	ssyncadd.s32 $0xFFFFE000  }
0x39: {  	[spmem:s0] =	stream.linear.scatter [tilespmem:s28], [sflag:$0xB], $0x2000, $0x38;
	[tilespmem:$0x1BE00] =	vst v63  }
0x3a: {  	_ =	swait.ge [sflag:s10], $0x2000  }
0x3b: {  	[sflag:s10] =	ssyncset.done $0x0  }
0x3c: {  	s25 =	rddreg [dreg:$0x5];
	[sflag:s10] =	ssyncadd.s32 $0xFFFFE000  }
0x3d: {  	[spmem:s25] =	stream.linear.scatter [tilespmem:s28], [sflag:$0xB], $0x2000, $0x38;
	[tilespmem:$0x1BE00] =	vst v63  }
0x3e: {  	_ =	swait.ge [sflag:s10], $0x2000  }
0x3f: {  	[sflag:s10] =	ssyncset.done $0x0  }
0x40: {  	s29 =	rddreg [dreg:$0x6];
	[sflag:s10] =	ssyncadd.s32 $0xFFFFE000  }
0x41: {  	[spmem:s29] =	stream.linear.scatter [tilespmem:s28], [sflag:$0xB], $0x2000, $0x38;
	[tilespmem:$0x1BE00] =	vst v63  }
0x42: {  	_ =	swait.ge [sflag:s10], $0x2000  }
0x43: {  	[sflag:s10] =	ssyncset.done $0x0  }
0x44: {  	s7 =	rddreg [dreg:$0x7];
	[sflag:s10] =	ssyncadd.s32 $0xFFFFE000  }
0x45: {  	[spmem:s7] =	stream.linear.scatter [tilespmem:s28], [sflag:$0xB], $0x2000, $0x38;
	[tilespmem:$0x1BE00] =	vst v63  }
0x46: {  	_ =	swait.ge [sflag:s10], $0x2000  }
0x47: {  	[sflag:s10] =	ssyncset.done $0x0  }
0x48: {  	s18 =	rddreg [dreg:$0x8];
	[sflag:s10] =	ssyncadd.s32 $0xFFFFE000  }
0x49: {  	[spmem:s18] =	stream.linear.scatter [tilespmem:s28], [sflag:$0xB], $0x2000, $0x38;
	[tilespmem:$0x1BE00] =	vst v63  }
0x4a: {  	_ =	swait.ge [sflag:s10], $0x2000  }
0x4b: {  	[sflag:s10] =	ssyncset.done $0x0  }
0x4c: {  	s25 =	rddreg [dreg:$0x9];
	[sflag:s10] =	ssyncadd.s32 $0xFFFFE000  }
0x4d: {  	[spmem:s25] =	stream.linear.scatter [tilespmem:s28], [sflag:$0xB], $0x2000, $0x38;
	[tilespmem:$0x1BE00] =	vst v63  }
0x4e: {  	_ =	swait.ge [sflag:s10], $0x2000  }
0x4f: {  	[sflag:s10] =	ssyncset.done $0x0  }
0x50: {  	s29 =	rddreg [dreg:$0xa];
	[sflag:s10] =	ssyncadd.s32 $0xFFFFE000  }
0x51: {  	[spmem:s29] =	stream.linear.scatter [tilespmem:s28], [sflag:$0xB], $0x2000, $0x38;
	[tilespmem:$0x1BE00] =	vst v63  }
0x52: {  	_ =	swait.ge [sflag:s10], $0x2000  }
0x53: {  	[sflag:s10] =	ssyncset.done $0x0  }
0x54: {  	s7 =	rddreg [dreg:$0xb];
	[sflag:s10] =	ssyncadd.s32 $0xFFFFE000  }
0x55: {  	[spmem:s7] =	stream.linear.scatter [tilespmem:s28], [sflag:$0xB], $0x2000, $0x38;
	[tilespmem:$0x1BE00] =	vst v63  }
0x56: {  	_ =	swait.ge [sflag:s10], $0x2000  }
0x57: {  	[sflag:s10] =	ssyncset.done $0x0  }
0x58: {  	s18 =	rddreg [dreg:$0xc];
	[sflag:s10] =	ssyncadd.s32 $0xFFFFE000  }
0x59: {  	[spmem:s18] =	stream.linear.scatter [tilespmem:s28], [sflag:$0xB], $0x1C00, $0x38;
	[tilespmem:$0x1BE00] =	vst v63  }
0x5a: {  	_ =	swait.ge [sflag:s10], $0x1C00  }
0x5b: {  	[sflag:s10] =	ssyncset.done $0x0  }
0x5c: {  	[sflag:s10] =	ssyncadd.s32 $0xFFFFE400  }
0x5d: {  	[bflag:$0x0] =	sbarrier.arrive $0xFFFF  }
0x5e: {  	s18 =	simm.s32 $0x0;
	s25 =	rddreg [dreg:$0xd]  }
0x5f: {  	[tilespmem:s18], [sflag:$0x1] =	stream.linear.gather [hbm4b:s25+s18], $0x80, $0x38;
	[tilespmem:$0x1BE00] =	vst v63  }
0x60: {  	s29 =	rddreg [dreg:$0xe]  }
0x61: {  	[tilespmem:s30], [sflag:$0x3] =	stream.linear.gather [hbm4b:s29+s18], $0x40, $0x38;
	[tilespmem:$0x1BE00] =	vst v63  }
0x62: {  	s7 =	rddreg [dreg:$0xf]  }
0x63: {  	[tilespmem:s31], [sflag:$0x4] =	stream.linear.gather [hbm4b:s7+s18], $0x40, $0x38;
	[tilespmem:$0x1BE00] =	vst v63  }
0x64: {  	s10 =	rddreg [dreg:$0x10];
	s25 =	simm.s32 $0x1  }
0x65: {  	[tilespmem:s1], [sflag:$0x2] =	stream.linear.gather [hbm4b:s10+s18], $0x80, $0x38;
	[tilespmem:$0x1BE00] =	vst v63  }
0x66: {  	_ =	swait.ge [sflag:s25], $0x80  }
0x67: {  	[sflag:s25] =	ssyncset.done $0x0  }
0x68: {  	s29 =	simm.s32 $0x200;
	[sflag:s25] =	ssyncadd.s32 $0xFFFFFF80  }
0x69: {  	[tilespmem:s29], [sflag:$0x7] =	stream.indirect.gather [hbm4b:s4+s1], $0x40, s18, s1, $0xb8;
	[tilespmem:$0x1BE00] =	vst v63  }
.LBB2_4:
0x6a: {  	_ =	swait.ge [sflag:s8], $0x2000  }
0x6b: {  	[sflag:s8] =	ssyncset.done $0x0  }
0x6c: {  	[sflag:s8] =	ssyncadd.s32 $0xFFFFE000  }
0x6d: {  	_ =	swait.ge [sflag:s9], $0x80  }
0x6e: {  	[sflag:s9] =	ssyncset.done $0x0  }
0x6f: {  	s0 =	simm.s32 $0x2200;
	p0 =	seq.s32 s18, $0x0;
	[sflag:s9] =	ssyncadd.s32 $0xFFFFFF80  }
0x70: {  	[tilespmem:s0], [sflag:$0x8] =	stream.indirect.gather [hbm4b:s4+s1], $0x40, s1, s1, $0xb8;
	[tilespmem:$0x1BE00] =	vst v63  }
0x71: {  	s0 =	simm.s32 @!p0 $0x9  }
0x72: {  	_ =	swait.ge @!p0 [sflag:s0], $0x2000  }
0x73: {  	[sflag:s0] =	ssyncset.done @!p0 $0x0  }
0x74: {  	s7 =	simm.s32 $0x0;
	[sflag:s0] =	ssyncadd.s32 @!p0 $0xFFFFE000  }
0x75: {  	v1 =	vld [tilespmem:s7+$0x200];
	_ =	sdelay $0x4  }
0x76: {  	s0 =	simm.s32 $0x4240;
	v2 =	vshll.u32 v1, $0x10  }
0x77: {  	v1 =	vand.u32 $0xFFFF0000, v1;
	[tilespmem:s0+$0xFFFFFFC0] =	vst v2  }
0x78: {  	[tilespmem:s0+$0x0] =	vst v1  }
0x79: {  	v1 =	vld [tilespmem:s7+$0x210];
	_ =	sdelay $0x4  }
0x7a: {  	v2 =	vshll.u32 v1, $0x10  }
0x7b: {  	v1 =	vand.u32 $0xFFFF0000, v1;
	[tilespmem:s0+$0xFFFFFFD0] =	vst v2  }
0x7c: {  	[tilespmem:s0+$0x10] =	vst v1  }
0x7d: {  	v1 =	vld [tilespmem:s7+$0x220];
	_ =	sdelay $0x4  }
0x7e: {  	v2 =	vand.u32 $0xFFFF0000, v1  }
0x7f: {  	v1 =	vshll.u32 v1, $0x10;
	[tilespmem:s0+$0x20] =	vst v2  }
0x80: {  	[tilespmem:s0+$0xFFFFFFE0] =	vst v1  }
0x81: {  	v1 =	vld [tilespmem:s7+$0x230];
	_ =	sdelay $0x4  }
0x82: {  	v2 =	vshll.u32 v1, $0x10  }
0x83: {  	v1 =	vand.u32 $0xFFFF0000, v1;
	[tilespmem:s0+$0xFFFFFFF0] =	vst v2  }
0x84: {  	s25 =	simm.s32 $0x40;
	[tilespmem:s0+$0x30] =	vst v1  }
0x85: {  	v1 =	vld [tilespmem:s25+$0x200]  }
0x86: {  	s10 =	simm.s32 $0x200;
	s7 =	sshll.u32 s18, $0x1  }
.LBB2_5:
0x87: {  	p1 =	sne.s32 s10, $0x3F00;
	_ =	sdelay $0x2  }
0x88: {  	s0 =	sadd.s32 $0x80, s0;
	v2 =	vshll.u32 v1, $0x10  }
0x89: {  	v1 =	vand.u32 $0xFFFF0000, v1;
	[tilespmem:s0+$0xFFFFFFC0] =	vst v2  }
0x8a: {  	[tilespmem:s0+$0x0] =	vst v1  }
0x8b: {  	v1 =	vld [tilespmem:s25+$0x210];
	_ =	sdelay $0x4  }
0x8c: {  	v2 =	vshll.u32 v1, $0x10  }
0x8d: {  	v1 =	vand.u32 $0xFFFF0000, v1;
	[tilespmem:s0+$0xFFFFFFD0] =	vst v2  }
0x8e: {  	[tilespmem:s0+$0x10] =	vst v1  }
0x8f: {  	v1 =	vld [tilespmem:s25+$0x220];
	_ =	sdelay $0x4  }
0x90: {  	v2 =	vshll.u32 v1, $0x10;
	v1 =	vand.u32 $0xFFFF0000, v1  }
0x91: {  	[tilespmem:s0+$0x20] =	vst v1  }
0x92: {  	[tilespmem:s0+$0xFFFFFFE0] =	vst v2  }
0x93: {  	v1 =	vld [tilespmem:s25+$0x230];
	_ =	sdelay $0x4  }
.Ltmp3:
0x94: {  	v2 =	vshll.u32 v1, $0x10;
	v1 =	vand.u32 $0xFFFF0000, v1;
	(pc) =	sbr.rel @p1 .LBB2_5-.Ltmp3, $4  }
0x95: {  	[tilespmem:s0+$0xFFFFFFF0] =	vst v2  }
0x96: {  	s25 =	sshra.s32 s10, $0x2;
	[tilespmem:s0+$0x30] =	vst v1  }
0x97: {  	v1 =	vld [tilespmem:s25+$0x200]  }
0x98: {  	s10 =	sadd.s32 $0x100, s10  }
0x99: {  	_ =	sdelay $0x2  }
0x9a: {  	s0 =	sadd.s32 $0x80, s0;
	v2 =	vshll.u32 v1, $0x10  }
0x9b: {  	v1 =	vand.u32 $0xFFFF0000, v1;
	[tilespmem:s0+$0xFFFFFFC0] =	vst v2  }
0x9c: {  	[tilespmem:s0+$0x0] =	vst v1  }
0x9d: {  	v1 =	vld [tilespmem:s25+$0x210];
	_ =	sdelay $0x4  }
0x9e: {  	v2 =	vshll.u32 v1, $0x10  }
0x9f: {  	v1 =	vand.u32 $0xFFFF0000, v1;
	[tilespmem:s0+$0xFFFFFFD0] =	vst v2  }
0xa0: {  	[tilespmem:s0+$0x10] =	vst v1  }
0xa1: {  	v1 =	vld [tilespmem:s25+$0x220];
	_ =	sdelay $0x4  }
0xa2: {  	v2 =	vand.u32 $0xFFFF0000, v1  }
0xa3: {  	v1 =	vshll.u32 v1, $0x10;
	[tilespmem:s0+$0x20] =	vst v2  }
0xa4: {  	[tilespmem:s0+$0xFFFFFFE0] =	vst v1  }
0xa5: {  	v1 =	vld [tilespmem:s25+$0x230];
	_ =	sdelay $0x4  }
0xa6: {  	v2 =	vshll.u32 v1, $0x10  }
0xa7: {  	v1 =	vand.u32 $0xFFFF0000, v1;
	[tilespmem:s0+$0xFFFFFFF0] =	vst v2  }
0xa8: {  	[tilespmem:s0+$0x30] =	vst v1  }
0xa9: {  	_ =	swait.ge [sflag:s11], $0x40  }
0xaa: {  	[sflag:s11] =	ssyncset.done $0x0  }
0xab: {  	s0 =	simm.s32 @!p0 $0xA;
	[sflag:s11] =	ssyncadd.s32 $0xFFFFFFC0  }
0xac: {  	[spmem:s2] =	stream.indirect.scatter.add.f32 [tilespmem:s28], [sflag:$0x9], $0x80, s30, s13, $0xb8;
	[tilespmem:$0x1BE00] =	vst v63  }
0xad: {  	_ =	swait.ge @!p0 [sflag:s0], $0x2000  }
0xae: {  	[sflag:s0] =	ssyncset.done @!p0 $0x0  }
0xaf: {  	s10 =	simm.s32 $0x0;
	[sflag:s0] =	ssyncadd.s32 @!p0 $0xFFFFE000  }
0xb0: {  	v1 =	vld [tilespmem:s10+$0x1200];
	_ =	sdelay $0x4  }
0xb1: {  	s0 =	simm.s32 $0x6240;
	v2 =	vshll.u32 v1, $0x10  }
0xb2: {  	v1 =	vand.u32 $0xFFFF0000, v1;
	[tilespmem:s0+$0xFFFFFFC0] =	vst v2  }
0xb3: {  	[tilespmem:s0+$0x0] =	vst v1  }
0xb4: {  	v1 =	vld [tilespmem:s10+$0x1210];
	_ =	sdelay $0x4  }
0xb5: {  	v2 =	vshll.u32 v1, $0x10  }
0xb6: {  	v1 =	vand.u32 $0xFFFF0000, v1;
	[tilespmem:s0+$0xFFFFFFD0] =	vst v2  }
0xb7: {  	[tilespmem:s0+$0x10] =	vst v1  }
0xb8: {  	v1 =	vld [tilespmem:s10+$0x1220];
	_ =	sdelay $0x4  }
0xb9: {  	v2 =	vand.u32 $0xFFFF0000, v1  }
0xba: {  	v1 =	vshll.u32 v1, $0x10;
	[tilespmem:s0+$0x20] =	vst v2  }
0xbb: {  	[tilespmem:s0+$0xFFFFFFE0] =	vst v1  }
0xbc: {  	v1 =	vld [tilespmem:s10+$0x1230];
	_ =	sdelay $0x4  }
0xbd: {  	v2 =	vshll.u32 v1, $0x10  }
0xbe: {  	v1 =	vand.u32 $0xFFFF0000, v1;
	[tilespmem:s0+$0xFFFFFFF0] =	vst v2  }
0xbf: {  	s25 =	simm.s32 $0x40;
	[tilespmem:s0+$0x30] =	vst v1  }
0xc0: {  	v1 =	vld [tilespmem:s25+$0x1200]  }
0xc1: {  	s10 =	simm.s32 $0x200  }
.LBB2_7:
0xc2: {  	p0 =	sne.s32 s10, $0x3F00;
	_ =	sdelay $0x2  }
0xc3: {  	s0 =	sadd.s32 $0x80, s0;
	v2 =	vshll.u32 v1, $0x10  }
0xc4: {  	v1 =	vand.u32 $0xFFFF0000, v1;
	[tilespmem:s0+$0xFFFFFFC0] =	vst v2  }
0xc5: {  	[tilespmem:s0+$0x0] =	vst v1  }
0xc6: {  	v1 =	vld [tilespmem:s25+$0x1210];
	_ =	sdelay $0x4  }
0xc7: {  	v2 =	vshll.u32 v1, $0x10  }
0xc8: {  	v1 =	vand.u32 $0xFFFF0000, v1;
	[tilespmem:s0+$0xFFFFFFD0] =	vst v2  }
0xc9: {  	[tilespmem:s0+$0x10] =	vst v1  }
0xca: {  	v1 =	vld [tilespmem:s25+$0x1220];
	_ =	sdelay $0x4  }
0xcb: {  	v2 =	vshll.u32 v1, $0x10;
	v1 =	vand.u32 $0xFFFF0000, v1  }
0xcc: {  	[tilespmem:s0+$0x20] =	vst v1  }
0xcd: {  	[tilespmem:s0+$0xFFFFFFE0] =	vst v2  }
0xce: {  	v1 =	vld [tilespmem:s25+$0x1230];
	_ =	sdelay $0x4  }
.Ltmp4:
0xcf: {  	v2 =	vshll.u32 v1, $0x10;
	v1 =	vand.u32 $0xFFFF0000, v1;
	(pc) =	sbr.rel @p0 .LBB2_7-.Ltmp4, $4  }
0xd0: {  	[tilespmem:s0+$0xFFFFFFF0] =	vst v2  }
0xd1: {  	s25 =	sshra.s32 s10, $0x2;
	[tilespmem:s0+$0x30] =	vst v1  }
0xd2: {  	v1 =	vld [tilespmem:s25+$0x1200]  }
0xd3: {  	s10 =	sadd.s32 $0x100, s10  }
0xd4: {  	_ =	sdelay $0x2  }
0xd5: {  	s0 =	sadd.s32 $0x80, s0;
	v2 =	vshll.u32 v1, $0x10  }
0xd6: {  	v1 =	vand.u32 $0xFFFF0000, v1;
	[tilespmem:s0+$0xFFFFFFC0] =	vst v2  }
0xd7: {  	[tilespmem:s0+$0x0] =	vst v1  }
0xd8: {  	v1 =	vld [tilespmem:s25+$0x1210];
	_ =	sdelay $0x4  }
0xd9: {  	v2 =	vshll.u32 v1, $0x10  }
0xda: {  	v1 =	vand.u32 $0xFFFF0000, v1;
	[tilespmem:s0+$0xFFFFFFD0] =	vst v2  }
0xdb: {  	[tilespmem:s0+$0x10] =	vst v1  }
0xdc: {  	v1 =	vld [tilespmem:s25+$0x1220];
	_ =	sdelay $0x4  }
0xdd: {  	v2 =	vand.u32 $0xFFFF0000, v1  }
0xde: {  	v1 =	vshll.u32 v1, $0x10;
	[tilespmem:s0+$0x20] =	vst v2  }
0xdf: {  	[tilespmem:s0+$0xFFFFFFE0] =	vst v1  }
0xe0: {  	v1 =	vld [tilespmem:s25+$0x1230];
	_ =	sdelay $0x4  }
0xe1: {  	v2 =	vshll.u32 v1, $0x10  }
0xe2: {  	v1 =	vand.u32 $0xFFFF0000, v1;
	[tilespmem:s0+$0xFFFFFFF0] =	vst v2  }
0xe3: {  	[tilespmem:s0+$0x30] =	vst v1  }
0xe4: {  	s0 =	sshll.u32 s18, $0x8;
	_ =	swait.ge [sflag:s14], $0x40  }
0xe5: {  	s10 =	sadd.s32 s0, s23;
	[sflag:s14] =	ssyncset.done $0x0  }
0xe6: {  	s10 =	sshrl.u32 s10, $0x3;
	[sflag:s14] =	ssyncadd.s32 $0xFFFFFFC0  }
0xe7: {  	[spmem:s2] =	stream.indirect.scatter.add.f32 [tilespmem:s15], [sflag:$0xA], $0x80, s31, s13, $0xb8;
	[tilespmem:$0x1BE00] =	vst v63  }
0xe8: {  	s25 =	sadd.s32 s6, s10  }
0xe9: {  	[tilespmem:s16], [sflag:$0x5] =	stream.linear.gather [hbm4b:s25+s3], $0x40, $0x38;
	[tilespmem:$0x1BE00] =	vst v63  }
0xea: {  	s7 =	sadd.s32 $0x2, s7;
	p0 =	seq.s32 s18, $0x27;
	s10 =	sadd.s32 s10, s20  }
0xeb: {  	[tilespmem:s17], [sflag:$0x6] =	stream.linear.gather [hbm4b:s10+s3], $0x40, $0x38;
	[tilespmem:$0x1BE00] =	vst v63  }
0xec: {  	s25 =	sshll.u32 @!p0 s7, $0x7;
	s10 =	simm.s32 @p0 $0x8  }
0xed: {  	s25 =	sadd.s32 @!p0 s12, s25;
	_ =	swait.ge @p0 [sflag:s10], $0x2000  }
0xee: {  	s25 =	sshrl.u32 @!p0 s25, $0x3;
	[sflag:s10] =	ssyncset.done @p0 $0x0  }
0xef: {  	[sflag:s10] =	ssyncadd.s32 @p0 $0xFFFFE000;
	s10 =	sadd.s32 @!p0 s5, s25;
	s25 =	simm.s32 @!p0 $0x0  }
0xf0: {  	[tilespmem:s25], [sflag:$0x1] =	stream.linear.gather @!p0 [hbm4b:s10+s25], $0x80, $0x38;
	[tilespmem:$0x1BE00] =	vst v63  }
0xf1: {  	s10 =	simm.s32 @!p0 $0x8  }
0xf2: {  	_ =	swait.ge @!p0 [sflag:s10], $0x2000  }
0xf3: {  	[sflag:s10] =	ssyncset.done @!p0 $0x0  }
0xf4: {  	[sflag:s10] =	ssyncadd.s32 @!p0 $0xFFFFE000;
	s10 =	simm.s32 @!p0 $0x1  }
0xf5: {  	_ =	swait.ge @!p0 [sflag:s10], $0x80  }
0xf6: {  	[sflag:s10] =	ssyncset.done @!p0 $0x0  }
0xf7: {  	s29 =	simm.s32 @!p0 $0x200;
	[sflag:s10] =	ssyncadd.s32 @!p0 $0xFFFFFF80;
	s10 =	simm.s32 @!p0 $0x80  }
0xf8: {  	[tilespmem:s29], [sflag:$0x7] =	stream.indirect.gather @!p0 [hbm4b:s4+s10], $0x40, s25, s10, $0xb8;
	[tilespmem:$0x1BE00] =	vst v63  }
0xf9: {  	_ =	swait.ge [sflag:s19], $0x2000  }
0xfa: {  	[sflag:s19] =	ssyncset.done $0x0  }
0xfb: {  	s10 =	simm.s32 $0x0;
	[sflag:s19] =	ssyncadd.s32 $0xFFFFE000  }
0xfc: {  	v1 =	vld [tilespmem:s10+$0x2200];
	_ =	sdelay $0x4  }
0xfd: {  	s25 =	simm.s32 $0x4240;
	v2 =	vshll.u32 v1, $0x10  }
0xfe: {  	v1 =	vand.u32 $0xFFFF0000, v1;
	[tilespmem:s25+$0xFFFFFFC0] =	vst v2  }
0xff: {  	[tilespmem:s25+$0x0] =	vst v1  }
0x100: {  	v1 =	vld [tilespmem:s10+$0x2210];
	_ =	sdelay $0x4  }
0x101: {  	v2 =	vshll.u32 v1, $0x10  }
0x102: {  	v1 =	vand.u32 $0xFFFF0000, v1;
	[tilespmem:s25+$0xFFFFFFD0] =	vst v2  }
0x103: {  	[tilespmem:s25+$0x10] =	vst v1  }
0x104: {  	v1 =	vld [tilespmem:s10+$0x2220];
	_ =	sdelay $0x4  }
0x105: {  	v2 =	vand.u32 $0xFFFF0000, v1  }
0x106: {  	v1 =	vshll.u32 v1, $0x10;
	[tilespmem:s25+$0x20] =	vst v2  }
0x107: {  	[tilespmem:s25+$0xFFFFFFE0] =	vst v1  }
0x108: {  	v1 =	vld [tilespmem:s10+$0x2230];
	_ =	sdelay $0x4  }
0x109: {  	v2 =	vshll.u32 v1, $0x10  }
0x10a: {  	v1 =	vand.u32 $0xFFFF0000, v1;
	[tilespmem:s25+$0xFFFFFFF0] =	vst v2  }
0x10b: {  	s10 =	simm.s32 $0x40;
	[tilespmem:s25+$0x30] =	vst v1  }
0x10c: {  	v1 =	vld [tilespmem:s10+$0x2200]  }
0x10d: {  	s29 =	simm.s32 $0x200  }
.LBB2_9:
0x10e: {  	p1 =	sne.s32 s29, $0x3F00;
	_ =	sdelay $0x2  }
0x10f: {  	s25 =	sadd.s32 $0x80, s25;
	v2 =	vshll.u32 v1, $0x10  }
0x110: {  	v1 =	vand.u32 $0xFFFF0000, v1;
	[tilespmem:s25+$0xFFFFFFC0] =	vst v2  }
0x111: {  	[tilespmem:s25+$0x0] =	vst v1  }
0x112: {  	v1 =	vld [tilespmem:s10+$0x2210];
	_ =	sdelay $0x4  }
0x113: {  	v2 =	vshll.u32 v1, $0x10  }
0x114: {  	v1 =	vand.u32 $0xFFFF0000, v1;
	[tilespmem:s25+$0xFFFFFFD0] =	vst v2  }
0x115: {  	[tilespmem:s25+$0x10] =	vst v1  }
0x116: {  	v1 =	vld [tilespmem:s10+$0x2220];
	_ =	sdelay $0x4  }
0x117: {  	v2 =	vshll.u32 v1, $0x10;
	v1 =	vand.u32 $0xFFFF0000, v1  }
0x118: {  	[tilespmem:s25+$0x20] =	vst v1  }
0x119: {  	[tilespmem:s25+$0xFFFFFFE0] =	vst v2  }
0x11a: {  	v1 =	vld [tilespmem:s10+$0x2230];
	_ =	sdelay $0x4  }
.Ltmp5:
0x11b: {  	v2 =	vshll.u32 v1, $0x10;
	v1 =	vand.u32 $0xFFFF0000, v1;
	(pc) =	sbr.rel @p1 .LBB2_9-.Ltmp5, $4  }
0x11c: {  	[tilespmem:s25+$0xFFFFFFF0] =	vst v2  }
0x11d: {  	s10 =	sshra.s32 s29, $0x2;
	[tilespmem:s25+$0x30] =	vst v1  }
0x11e: {  	v1 =	vld [tilespmem:s10+$0x2200]  }
0x11f: {  	s29 =	sadd.s32 $0x100, s29  }
0x120: {  	_ =	sdelay $0x2  }
0x121: {  	s25 =	sadd.s32 $0x80, s25;
	v2 =	vshll.u32 v1, $0x10  }
0x122: {  	v1 =	vand.u32 $0xFFFF0000, v1;
	[tilespmem:s25+$0xFFFFFFC0] =	vst v2  }
0x123: {  	[tilespmem:s25+$0x0] =	vst v1  }
0x124: {  	v1 =	vld [tilespmem:s10+$0x2210];
	_ =	sdelay $0x4  }
0x125: {  	v2 =	vshll.u32 v1, $0x10  }
0x126: {  	v1 =	vand.u32 $0xFFFF0000, v1;
	[tilespmem:s25+$0xFFFFFFD0] =	vst v2  }
0x127: {  	[tilespmem:s25+$0x10] =	vst v1  }
0x128: {  	v1 =	vld [tilespmem:s10+$0x2220];
	_ =	sdelay $0x4  }
0x129: {  	v2 =	vand.u32 $0xFFFF0000, v1  }
0x12a: {  	v1 =	vshll.u32 v1, $0x10;
	[tilespmem:s25+$0x20] =	vst v2  }
0x12b: {  	[tilespmem:s25+$0xFFFFFFE0] =	vst v1  }
0x12c: {  	v1 =	vld [tilespmem:s10+$0x2230];
	_ =	sdelay $0x4  }
0x12d: {  	v2 =	vshll.u32 v1, $0x10  }
0x12e: {  	v1 =	vand.u32 $0xFFFF0000, v1;
	[tilespmem:s25+$0xFFFFFFF0] =	vst v2  }
0x12f: {  	[tilespmem:s25+$0x30] =	vst v1  }
0x130: {  	_ =	swait.ge [sflag:s21], $0x40  }
0x131: {  	[sflag:s21] =	ssyncset.done $0x0  }
0x132: {  	[sflag:s21] =	ssyncadd.s32 $0xFFFFFFC0  }
0x133: {  	[spmem:s2] =	stream.indirect.scatter.add.f32 [tilespmem:s28], [sflag:$0x9], $0x80, s16, s13, $0xb8;
	[tilespmem:$0x1BE00] =	vst v63  }
0x134: {  	_ =	swait.ge [sflag:s22], $0x2000  }
0x135: {  	[sflag:s22] =	ssyncset.done $0x0  }
0x136: {  	s10 =	simm.s32 $0x0;
	[sflag:s22] =	ssyncadd.s32 $0xFFFFE000  }
0x137: {  	v1 =	vld [tilespmem:s10+$0x3200];
	_ =	sdelay $0x4  }
0x138: {  	s25 =	simm.s32 $0x6240;
	v2 =	vshll.u32 v1, $0x10  }
0x139: {  	v1 =	vand.u32 $0xFFFF0000, v1;
	[tilespmem:s25+$0xFFFFFFC0] =	vst v2  }
0x13a: {  	[tilespmem:s25+$0x0] =	vst v1  }
0x13b: {  	v1 =	vld [tilespmem:s10+$0x3210];
	_ =	sdelay $0x4  }
0x13c: {  	v2 =	vshll.u32 v1, $0x10  }
0x13d: {  	v1 =	vand.u32 $0xFFFF0000, v1;
	[tilespmem:s25+$0xFFFFFFD0] =	vst v2  }
0x13e: {  	[tilespmem:s25+$0x10] =	vst v1  }
0x13f: {  	v1 =	vld [tilespmem:s10+$0x3220];
	_ =	sdelay $0x4  }
0x140: {  	v2 =	vand.u32 $0xFFFF0000, v1  }
0x141: {  	v1 =	vshll.u32 v1, $0x10;
	[tilespmem:s25+$0x20] =	vst v2  }
0x142: {  	[tilespmem:s25+$0xFFFFFFE0] =	vst v1  }
0x143: {  	v1 =	vld [tilespmem:s10+$0x3230];
	_ =	sdelay $0x4  }
0x144: {  	v2 =	vshll.u32 v1, $0x10  }
0x145: {  	v1 =	vand.u32 $0xFFFF0000, v1;
	[tilespmem:s25+$0xFFFFFFF0] =	vst v2  }
0x146: {  	s10 =	simm.s32 $0x40;
	[tilespmem:s25+$0x30] =	vst v1  }
0x147: {  	v1 =	vld [tilespmem:s10+$0x3200]  }
0x148: {  	s29 =	simm.s32 $0x200  }
.LBB2_11:
0x149: {  	p1 =	sne.s32 s29, $0x3F00;
	_ =	sdelay $0x2  }
0x14a: {  	s25 =	sadd.s32 $0x80, s25;
	v2 =	vshll.u32 v1, $0x10  }
0x14b: {  	v1 =	vand.u32 $0xFFFF0000, v1;
	[tilespmem:s25+$0xFFFFFFC0] =	vst v2  }
0x14c: {  	[tilespmem:s25+$0x0] =	vst v1  }
0x14d: {  	v1 =	vld [tilespmem:s10+$0x3210];
	_ =	sdelay $0x4  }
0x14e: {  	v2 =	vshll.u32 v1, $0x10  }
0x14f: {  	v1 =	vand.u32 $0xFFFF0000, v1;
	[tilespmem:s25+$0xFFFFFFD0] =	vst v2  }
0x150: {  	[tilespmem:s25+$0x10] =	vst v1  }
0x151: {  	v1 =	vld [tilespmem:s10+$0x3220];
	_ =	sdelay $0x4  }
0x152: {  	v2 =	vshll.u32 v1, $0x10;
	v1 =	vand.u32 $0xFFFF0000, v1  }
0x153: {  	[tilespmem:s25+$0x20] =	vst v1  }
0x154: {  	[tilespmem:s25+$0xFFFFFFE0] =	vst v2  }
0x155: {  	v1 =	vld [tilespmem:s10+$0x3230];
	_ =	sdelay $0x4  }
.Ltmp6:
0x156: {  	v2 =	vshll.u32 v1, $0x10;
	v1 =	vand.u32 $0xFFFF0000, v1;
	(pc) =	sbr.rel @p1 .LBB2_11-.Ltmp6, $4  }
0x157: {  	[tilespmem:s25+$0xFFFFFFF0] =	vst v2  }
0x158: {  	s10 =	sshra.s32 s29, $0x2;
	[tilespmem:s25+$0x30] =	vst v1  }
0x159: {  	v1 =	vld [tilespmem:s10+$0x3200]  }
0x15a: {  	s29 =	sadd.s32 $0x100, s29  }
0x15b: {  	_ =	sdelay $0x2  }
0x15c: {  	s25 =	sadd.s32 $0x80, s25;
	v2 =	vshll.u32 v1, $0x10  }
0x15d: {  	v1 =	vand.u32 $0xFFFF0000, v1;
	[tilespmem:s25+$0xFFFFFFC0] =	vst v2  }
0x15e: {  	[tilespmem:s25+$0x0] =	vst v1  }
0x15f: {  	v1 =	vld [tilespmem:s10+$0x3210];
	_ =	sdelay $0x4  }
0x160: {  	v2 =	vshll.u32 v1, $0x10  }
0x161: {  	v1 =	vand.u32 $0xFFFF0000, v1;
	[tilespmem:s25+$0xFFFFFFD0] =	vst v2  }
0x162: {  	[tilespmem:s25+$0x10] =	vst v1  }
0x163: {  	v1 =	vld [tilespmem:s10+$0x3220];
	_ =	sdelay $0x4  }
0x164: {  	v2 =	vand.u32 $0xFFFF0000, v1  }
0x165: {  	v1 =	vshll.u32 v1, $0x10;
	[tilespmem:s25+$0x20] =	vst v2  }
0x166: {  	[tilespmem:s25+$0xFFFFFFE0] =	vst v1  }
0x167: {  	v1 =	vld [tilespmem:s10+$0x3230];
	_ =	sdelay $0x4  }
0x168: {  	v2 =	vshll.u32 v1, $0x10  }
0x169: {  	v1 =	vand.u32 $0xFFFF0000, v1;
	[tilespmem:s25+$0xFFFFFFF0] =	vst v2  }
.Ltmp7:
0x16a: {  	[tilespmem:s25+$0x30] =	vst v1;
	(pc) =	sbr.rel @p0 .LBB2_14-.Ltmp7, $4  }
0x16b: {  	_ =	swait.ge [sflag:s24], $0x40  }
0x16c: {  	[sflag:s24] =	ssyncset.done $0x0  }
0x16d: {  	[sflag:s24] =	ssyncadd.s32 $0xFFFFFFC0  }
0x16e: {  	[spmem:s2] =	stream.indirect.scatter.add.f32 [tilespmem:s15], [sflag:$0xA], $0x80, s17, s13, $0xb8;
	[tilespmem:$0x1BE00] =	vst v63  }
0x16f: {  	s7 =	sshll.u32 s7, $0x7  }
0x170: {  	s7 =	sadd.s32 s12, s7  }
0x171: {  	s7 =	sshrl.u32 s7, $0x3  }
0x172: {  	s10 =	sadd.s32 s6, s7  }
0x173: {  	[tilespmem:s30], [sflag:$0x3] =	stream.linear.gather [hbm4b:s10+s3], $0x40, $0x38;
	[tilespmem:$0x1BE00] =	vst v63  }
.Ltmp8:
0x174: {  	s0 =	sadd.s32 s0, s26;
	(pc) =	sbr.rel .LBB2_4-.Ltmp8, $4  }
0x175: {  	s0 =	sshrl.u32 s0, $0x3;
	s7 =	sadd.s32 s7, s20  }
0x176: {  	[tilespmem:s31], [sflag:$0x4] =	stream.linear.gather [hbm4b:s7+s3], $0x40, $0x38;
	[tilespmem:$0x1BE00] =	vst v63  }
0x177: {  	s18 =	sadd.s32 $0x1, s18;
	s0 =	sadd.s32 s5, s0  }
0x178: {  	[tilespmem:s1], [sflag:$0x2] =	stream.linear.gather [hbm4b:s0+s3], $0x80, $0x38;
	[tilespmem:$0x1BE00] =	vst v63  }
.LBB2_15:
0x179: {  	_ =	sfence.sel $0x180000  }
0x17a: {  	[bflag:$0x0] =	sbarrier.arrive $0xFFFF  }
0x17b: {  	_ =	strace $0x9000004D  }
0x17c: {  	s0 =	stileid.u32;
	[bflag:$0x2] =	sbarrier.arrive $0xFFFF  }
0x17d: {  	p0 =	sne.s32 s0, $0x0;
	s0 =	rddreg [dreg:$0x2]  }
0x17e: {  	s0 =	sadd.s32 @!p0 $0x100000, s0  }
0x17f: {  	[sflag:s0] =	ssyncadd.tile.s32 @!p0 $0x1;
	_ =	shalt  }
.Lfunc_end2:
_tile_overlayer_lowered:
.L_overlay_start_2:
0x180: {  	(tag) =	ssettag $0x2  }
0x181: {  	s0 =	rddreg [dreg:$0x0];
	s2 =	stileid.u32  }
0x182: {  	s1 =	rddreg [dreg:$0x1];
	p0 =	sne.s32 s2, $0x0  }
0x183: {  	s3 =	rddreg [dreg:$0x2];
	[bflag:$0x3] =	sbarrier.arrive $0xFFFF;
	s2 =	simm.s32 @!p0 $0x1C0B  }
0x184: {  	[timem:s3], [sflag:s2] =	dma.local @!p0 [hbm:s0], s1  }
0x185: {  	s0 =	simm.s32 @!p0 $0xB  }
0x186: {  	_ =	swait.ge @!p0 [sflag:s0], s1  }
0x187: {  	s1 =	ssub.s32 @!p0 $0x0, s1;
	[sflag:s0] =	ssyncset.done @!p0 $0x0  }
0x188: {  	[sflag:s0] =	ssyncadd.s32 @!p0 s1  }
0x189: {  	[bflag:$0x3] =	sbarrier.arrive $0xFFFF  }
0x18a: {  	_ =	shalt  }

// kernel: kernel.7.cloned.1.call-start
scs
__scs_entry_jumppad:
0x0: {  	(pc) =	sbr.rel $0x88, $3  }
0x1: {  	(tag) =	ssettag $0x0;
	lr =	simm.s32 $0x1  }
0x2: {  	[smem:$0x3F97] =	sst lr;
	_ =	strace $0xD0000000  }
0x3: {  	_ = 	snop  }
0x4: {  	_ = 	snop  }
0x5: {  	_ = 	snop  }
0x6: {  	_ = 	snop  }
0x7: {  	_ = 	snop  }
__scs_overlays_trampoline_lowered:
0x8: {  	[smem:$0x3FA6] =	sst s0  }
0x9: {  	[smem:$0x3FA7] =	sst s1  }
0xa: {  	[smem:$0x3FA8] =	sst s2  }
0xb: {  	[smem:$0x3FA9] =	sst s3  }
0xc: {  	[smem:$0x3FAA] =	sst s4  }
0xd: {  	[smem:$0x3FAB] =	sst s5  }
0xe: {  	[smem:$0x3FAC] =	sst s6  }
0xf: {  	[smem:$0x3FAD] =	sst s7  }
0x10: {  	[smem:$0x3FAE] =	sst s8  }
0x11: {  	[smem:$0x3FAF] =	sst s9;
	s0 =	simm.s32 @!p0 $0x0  }
0x12: {  	s1 =	sld [smem:$0x3F95];
	s0 =	simm.s32 @p0 $0x1  }
0x13: {  	[smem:$0x3FB0] =	sst s0;
	s0 =	simm.s32 @!p1 $0x0  }
0x14: {  	s2 =	sld [smem:$0x3F94];
	s0 =	simm.s32 @p1 $0x1  }
0x15: {  	[smem:$0x3FB1] =	sst s0;
	s0 =	simm.s32 @!p2 $0x0  }
0x16: {  	s3 =	sld [smem:$0x3FDB];
	s0 =	simm.s32 @p2 $0x1  }
0x17: {  	s4 =	simm.s32 $0x1BF5;
	[smem:$0x3FB3] =	sst s0  }
0x18: {  	s0 =	sld [smem:$0x3F96];
	_ =	swait.ge [sflag:s4], $0x0  }
0x19: {  	s7 =	sld [smem:$0x3F97]  }
0x1a: {  	s8 =	sadd.s32 $0xFFFFE003, lr  }
0x1b: {  	s9 =	sadd.s32 $0xFFFFFEF7, lr;
	s5 =	simm.s32 $0xFFFFFFFF;
	p2 =	slt.u32 s8, $0xFFFFF086  }
0x1c: {  	p1 =	slt.u32 s9, $0xF7A;
	s5 =	simm.s32 @!p2 $0x0  }
0x1d: {  	s5 =	simm.s32 @p1 $0x1;
	p0 =	seq.s32 s7, s2  }
0x1e: {  	s7 =	smul.u32 @!p0 $0xF7A, s2;
	p2 =	seq.s32 @!p0 s5, $0x0  }
0x1f: {  	s9 =	smul.u32 $0xF7A, s1;
	s8 =	simm.s32 @!p0 $0x1BF5;
	p2 =	por !p2, p0  }
0x20: {  	[sflag:s8] =	ssyncset.s32 @!p0 $0xFFFFF086;
	s6 =	sadd.s32 @!p0 s3, s7;
	s7 =	simm.s32 @!p0 $0x108  }
0x21: {  	s3 =	sadd.s32 s3, s9;
	s6 =	sadd.s32 @!p0 $0x88, s6;
	s7 =	simm.s32 @p2 $0x1082  }
0x22: {  	[simem:s7], [sflag:s8] =	dma.local @!p0 [hbm:s6], $0xF7A  }
0x23: {  	s9 =	sor.u32 $0xD0000000, s2;
	s6 =	simm.s32 $0x108;
	_ =	swait.ge @!p0 [sflag:s8], $0x0  }
0x24: {  	s3 =	sadd.s32 $0x88, s3;
	s6 =	simm.s32 @!p1 $0x1082;
	[sflag:s4] =	ssyncset.s32 $0xFFFFF086  }
0x25: {  	[simem:s6], [sflag:s4] =	dma.local [hbm:s3], $0xF7A  }
0x26: {  	[smem:$0x3F97] =	sst s1;
	(tag) =	ssettag s2;
	_ =	strace s9  }
0x27: {  	s1 =	sld [smem:$0x3FA7]  }
0x28: {  	s2 =	sld [smem:$0x3FA8]  }
0x29: {  	s4 =	sld [smem:$0x3FAA]  }
0x2a: {  	p0 =	seq.s32 s5, $0x0;
	s5 =	sld [smem:$0x3FAB]  }
0x2b: {  	s6 =	sld [smem:$0x3FAC]  }
0x2c: {  	s7 =	sld [smem:$0x3FAD]  }
0x2d: {  	s3 =	simm.s32 $0x108;
	s8 =	sld [smem:$0x3FAE]  }
0x2e: {  	s3 =	simm.s32 @!p0 $0x1082;
	s9 =	sld [smem:$0x3FAF]  }
0x2f: {  	lr =	sadd.s32 s0, s3;
	s0 =	sld [smem:$0x3FA6]  }
0x30: {  	s3 =	sld [smem:$0x3FA9]  }
0x31: {  	[smem:$0x3FB2] =	sst s10  }
0x32: {  	s10 =	sld [smem:$0x3FB0];
	_ =	sdelay $0x3  }
0x33: {  	p0 =	seq.s32 s10, $0x1;
	s10 =	sld [smem:$0x3FB2];
	_ =	sdelay $0x3  }
0x34: {  	[smem:$0x3FB2] =	sst s10  }
0x35: {  	s10 =	sld [smem:$0x3FB1];
	_ =	sdelay $0x3  }
0x36: {  	p1 =	seq.s32 s10, $0x1;
	s10 =	sld [smem:$0x3FB2];
	_ =	sdelay $0x3  }
0x37: {  	[smem:$0x3FB2] =	sst s10  }
0x38: {  	s10 =	sld [smem:$0x3FB3]  }
0x39: {  	_ = 	snop;
	(pc) =	sbr.ind lr, $3  }
0x3a: {  	_ = 	snop  }
0x3b: {  	_ = 	snop  }
0x3c: {  	p2 =	seq.s32 s10, $0x1;
	s10 =	sld [smem:$0x3FB2]  }
0x3d: {  	_ =	shalt  }
0x3e: {  	_ =	shalt  }
0x3f: {  	_ =	shalt  }
0x40: {  	_ =	shalt  }
0x41: {  	_ =	shalt  }
0x42: {  	_ =	shalt  }
0x43: {  	_ =	shalt  }
0x44: {  	_ =	shalt  }
0x45: {  	_ =	shalt  }
0x46: {  	_ =	shalt  }
0x47: {  	_ =	shalt  }
0x48: {  	_ =	shalt  }
0x49: {  	_ =	shalt  }
0x4a: {  	_ =	shalt  }
0x4b: {  	_ =	shalt  }
0x4c: {  	_ =	shalt  }
0x4d: {  	_ =	shalt  }
0x4e: {  	_ =	shalt  }
0x4f: {  	_ =	shalt  }
0x50: {  	_ =	shalt  }
0x51: {  	_ =	shalt  }
0x52: {  	_ =	shalt  }
0x53: {  	_ =	shalt  }
0x54: {  	_ =	shalt  }
0x55: {  	_ =	shalt  }
0x56: {  	_ =	shalt  }
0x57: {  	_ =	shalt  }
0x58: {  	_ =	shalt  }
0x59: {  	_ =	shalt  }
0x5a: {  	_ =	shalt  }
0x5b: {  	_ =	shalt  }
0x5c: {  	_ =	shalt  }
0x5d: {  	_ =	shalt  }
0x5e: {  	_ =	shalt  }
0x5f: {  	_ =	shalt  }
0x60: {  	_ =	shalt  }
0x61: {  	_ =	shalt  }
0x62: {  	_ =	shalt  }
0x63: {  	_ =	shalt  }
0x64: {  	_ =	shalt  }
0x65: {  	_ =	shalt  }
0x66: {  	_ =	shalt  }
0x67: {  	_ =	shalt  }
0x68: {  	_ =	shalt  }
0x69: {  	_ =	shalt  }
0x6a: {  	_ =	shalt  }
0x6b: {  	_ =	shalt  }
0x6c: {  	_ =	shalt  }
0x6d: {  	_ =	shalt  }
0x6e: {  	_ =	shalt  }
0x6f: {  	_ =	shalt  }
0x70: {  	_ =	shalt  }
0x71: {  	_ =	shalt  }
0x72: {  	_ =	shalt  }
0x73: {  	_ =	shalt  }
0x74: {  	_ =	shalt  }
0x75: {  	_ =	shalt  }
0x76: {  	_ =	shalt  }
0x77: {  	_ =	shalt  }
0x78: {  	_ =	shalt  }
0x79: {  	_ =	shalt  }
0x7a: {  	_ =	shalt  }
0x7b: {  	_ =	shalt  }
0x7c: {  	_ =	shalt  }
0x7d: {  	_ =	shalt  }
0x7e: {  	_ =	shalt  }
0x7f: {  	_ =	shalt  }
0x80: {  	_ =	shalt  }
0x81: {  	_ =	shalt  }
0x82: {  	_ =	shalt  }
0x83: {  	_ =	shalt  }
0x84: {  	_ =	shalt  }
0x85: {  	_ =	shalt  }
0x86: {  	_ =	shalt  }
0x87: {  	_ =	shalt  }
.Lfunc_end0:
.L_simem_size_0:
called_computation_lowered:
.L_overlay_start_0:
0x88: {  	s2 =	sld [smem:$0x3FD9]  }
0x89: {  	s3 =	sld [smem:$0x3FFE];
	_ =	sdelay $0x1  }
0x8a: {  	s1 =	srdreg.scid  }
0x8b: {  	s0 =	sand.u32 $0x1, s1  }
0x8c: {  	s16 =	sshll.u32 s0, $0xA;
	s2 =	sadd.s32 s3, s2  }
0x8d: {  	s2 =	sadd.s32 s2, s16  }
0x8e: {  	[smem:$0x3FBE] =	sst s2  }
0x8f: {  	_ = 	snop  }
0x90: {  	(tm) =	ssettm $0x1  }
0x91: {  	s17 =	sld [smem:$0x3FFB];
	_ =	sdelay $0x3  }
0x92: {  	_ =	strace s17  }
0x93: {  	s2 =	sld [smem:$0x3FFC];
	_ =	sdelay $0x3  }
0x94: {  	_ =	strace s2  }
0x95: {  	s2 =	sld [smem:$0x3FFD];
	_ =	sdelay $0x3  }
0x96: {  	_ =	strace s2  }
0x97: {  	_ =	strace $0x8FFFFFFF  }
0x98: {  	s18 =	sld [smem:$0x3FDB];
	_ =	sdelay $0x1  }
0x99: {  	s19 =	simm.s32 $_scs_section_size  }
0x9a: {  	s4 =	simm.s32 $_size__tile_overlayer_lowered;
	s5 =	simm.s32 $_tile_overlayer_lowered  }
0x9b: {  	s22 =	simm.s32 $0x1BFF;
	s21 =	sshll.u32 s5, $0x1;
	s2 =	sadd.s32 s19, s18  }
0x9c: {  	s6 =	simm.s32 $0x0;
	s20 =	sshll.u32 s4, $0x1;
	s4 =	sadd.s32 s21, s2  }
0x9d: {  	[timem:s6], [sflag:s22] =	dma.local [hbm:s4], s20  }
0x9e: {  	_ =	swait.ge [sflag:s22], s20  }
0x9f: {  	s3 =	ssub.s32 $0x0, s20;
	[sflag:s22] =	ssyncset.done $0x0  }
0xa0: {  	[sflag:s22] =	ssyncadd.s32 s3;
	_ =	sdelay $0x1  }
0xa1: {  	s23 =	simm.s32 $0x1B8B  }
0xa2: {  	_ =	swait.ge [sflag:s23], $0x1  }
0xa3: {  	[sflag:s23] =	ssyncset.done $0x0  }
0xa4: {  	s25 =	simm.s32 $0x1B8E;
	s24 =	sld [smem:$0x3FFE];
	[sflag:s23] =	ssyncadd.s32 $0xFFFFFFFF  }
0xa5: {  	s26 =	simm.s32 $execute0_lowered;
	[smem:$0x3FD2] =	sst s25  }
0xa6: {  	s4 =	sshll.u32 s26, $0x1;
	_ =	strace $0x80000046;
	[dreg:$0x1] =	wrdreg $0xFFFFFFFF  }
0xa7: {  	s28 =	simm.s32 $_size_execute0_lowered;
	s2 =	sadd.s32 s2, s4;
	[dreg:$0x0] =	wrdreg $0x0  }
0xa8: {  	s4 =	sshll.u32 s28, $0x1;
	[dreg:$0x2] =	wrdreg s2  }
0xa9: {  	[dreg:$0x3] =	wrdreg s4  }
0xaa: {  	[dreg:$0x4] =	wrdreg $0xC0  }
0xab: {  	_ =	task [dreg:s6], $0x5FFFF  }
0xac: {  	[dreg:$0x1] =	wrdreg $0xFFFFFFFF  }
0xad: {  	[dreg:$0x0] =	wrdreg $0x60  }
0xae: {  	[dreg:$0x2] =	wrdreg s24  }
0xaf: {  	[dreg:$0x3] =	wrdreg $0x82000  }
0xb0: {  	[dreg:$0x4] =	wrdreg $0x9  }
0xb1: {  	_ =	task.clear_ibuf [dreg:s6], $0x5FFFF;
	_ =	strace $0x90000046  }
0xb2: {  	s29 =	simm.s32 $0x9;
	_ =	strace $0x80000048  }
0xb3: {  	_ =	swait.ge [sflag:s29], $0x1  }
0xb4: {  	[sflag:s29] =	ssyncadd.s32 $0xFFFFFFFF  }
0xb5: {  	_ =	strace $0x90000048  }
0xb6: {  	_ =	sfence  }
0xb7: {  	s30 =	sld [smem:$0x0];
	_ =	sdelay $0x2  }
0xb8: {  	s31 =	sshll.u32 s1, $0xD;
	s1 =	sshrl.u32 s1, $0x2  }
0xb9: {  	s3 =	sand.u32 $0x4000, s31;
	s1 =	sadd.s32 s1, s30  }
0xba: {  	s0 =	sor.u32 s3, s0;
	s1 =	sshll.u32 s1, $0x11  }
0xbb: {  	s0 =	sor.u32 s1, s0  }
0xbc: {  	s0 =	sadd.s32 $0x8F2B, s0  }
0xbd: {  	[sflag:s0] =	ssyncadd.remote.s32 $0x1  }
0xbe: {  	_ =	sfence.sel $0xFFFF  }
0xbf: {  	[dreg:$0x0] =	wrdreg $0xFFFFFFFF;
	(pc) =	sbr.abs _section_cstart, $3  }
0xc0: {  	[dreg:$0x1] =	wrdreg $0xFFFFFFFF  }
0xc1: {  	_ =	task.clear_ibuf [dreg:s6], $0x2FFFF;
	_ =	strace $0x9FFFFFFF  }
0xc2: {  	(tm) =	ssettm $0x7FFFFFFF  }
0xc3: {  	_ =	shalt  }
tec
execute0_lowered:
.L_overlay_start_1:
0x0: {  	(tag) =	ssettag $0x1  }
0x1: {  	s0 =	rddreg [dreg:$0x0];
	s1 =	srdreg.scid  }
0x2: {  	s12 =	stileid.u32;
	s2 =	rddreg [dreg:$0x1];
	s3 =	simm.s32 $0x0  }
0x3: {  	s28 =	simm.s32 $0x4200;
	s30 =	simm.s32 $0x100;
	s7 =	smul.u32 $0x13C00, s12  }
0x4: {  	s31 =	simm.s32 $0x140;
	s1 =	sand.u32 $0x1, s1;
	s9 =	smul.u32 $0x4F000, s12  }
0x5: {  	[smem:$0x7FF] =	sst s3;
	s4 =	sadd.s32 $0x3A00, s0;
	s5 =	smul.u32 $0x13C000, s1  }
0x6: {  	_ =	strace $0x80000047;
	s10 =	ssub.s32 $0x2, s1;
	s1 =	sshll.u32 s1, $0x4  }
0x7: {  	s11 =	sshrl.u32 s10, $0x1;
	s9 =	sshrl.u32 s9, $0x2;
	s1 =	sor.u32 s12, s1  }
0x8: {  	s18 =	sadd.s32 s7, s2;
	s6 =	sadd.s32 s7, s5;
	s9 =	sadd.s32 s9, s2  }
0x9: {  	s5 =	sadd.s32 $0x17400, s0;
	[dreg:$0x3] =	wrdreg s18;
	s12 =	sadd.s32 $0x2000, s9  }
0xa: {  	s10 =	ssub.s32 s10, s11;
	s13 =	sadd.s32 $0x4000, s9;
	[dreg:$0x4] =	wrdreg s12  }
0xb: {  	s11 =	simm.s32 $0x3;
	s14 =	sadd.s32 $0x6000, s9;
	[dreg:$0x5] =	wrdreg s13  }
0xc: {  	s7 =	simm.s32 $0x0;
	s15 =	sadd.s32 $0x8000, s9;
	[dreg:$0x6] =	wrdreg s14  }
0xd: {  	s8 =	sshrl.u32 s6, $0x3;
	s16 =	sadd.s32 $0xA000, s9;
	[dreg:$0x7] =	wrdreg s15  }
0xe: {  	s6 =	sadd.s32 $0x21400, s0;
	s17 =	sadd.s32 $0xC000, s9;
	[dreg:$0x8] =	wrdreg s16  }
0xf: {  	s19 =	sadd.s32 $0xE000, s9;
	s20 =	sadd.s32 $0x10000, s9;
	[dreg:$0x9] =	wrdreg s17  }
0x10: {  	s21 =	sadd.s32 $0x12000, s9;
	s29 =	smax.u32 s10, $0x1;
	[dreg:$0xa] =	wrdreg s19  }
0x11: {  	s10 =	simm.s32 $0xB;
	s9 =	simm.s32 $0x2;
	[dreg:$0xb] =	wrdreg s20  }
0x12: {  	s8 =	sadd.s32 s8, s0;
	s12 =	smul.u32 $0x2800, s1;
	[dreg:$0xc] =	wrdreg s21  }
0x13: {  	s20 =	sadd.s32 $0x21408, s0;
	[dreg:$0x12] =	wrdreg s29;
	s1 =	simm.s32 $0x80  }
0x14: {  	s13 =	simm.s32 $0x40;
	s14 =	simm.s32 $0x4;
	s15 =	simm.s32 $0x6200  }
0x15: {  	s16 =	simm.s32 $0x180;
	s17 =	simm.s32 $0x1C0;
	s19 =	simm.s32 $0x9  }
0x16: {  	s21 =	simm.s32 $0x5;
	s26 =	sadd.s32 $0x2B400, s8;
	s22 =	sshrl.u32 s12, $0x3  }
.Ltmp0:
0x17: {  	[dreg:$0x11] =	wrdreg s26;
	s24 =	sadd.s32 s6, s22;
	(pc) =	sbr.rel .LBB2_1-.Ltmp0, $4  }
0x18: {  	s8 =	simm.s32 $0x7;
	s0 =	sadd.s32 s22, s20;
	[dreg:$0xe] =	wrdreg s24  }
0x19: {  	s26 =	sor.u32 $0x180, s12;
	s23 =	sadd.s32 s5, s22;
	[dreg:$0xf] =	wrdreg s0  }
0x1a: {  	s22 =	simm.s32 $0xA;
	[dreg:$0xd] =	wrdreg s23;
	s25 =	sadd.s32 $0x10, s23  }
0x1b: {  	v0 =	vimm.f32 $0.0e+00;
	s23 =	sor.u32 $0x80, s12;
	s24 =	simm.s32 $0x6;
	[dreg:$0x10] =	wrdreg s25  }
.LBB2_14:
0x1c: {  	_ =	swait.ge [sflag:s19], $0x2000  }
0x1d: {  	[sflag:s19] =	ssyncset.done $0x0  }
0x1e: {  	[sflag:s19] =	ssyncadd.s32 $0xFFFFE000  }
0x1f: {  	_ =	swait.ge [sflag:s22], $0x2000  }
0x20: {  	[sflag:s22] =	ssyncset.done $0x0  }
0x21: {  	[sflag:s22] =	ssyncadd.s32 $0xFFFFE000  }
0x22: {  	s0 =	stileid.u32;
	[bflag:$0x0] =	sbarrier.arrive $0xFFFF  }
0x23: {  	s0 =	sshll.u32 s0, $0x6;
	s18 =	rddreg [dreg:$0x3]  }
0x24: {  	s0 =	sor.u32 $0x1C0B, s0;
	s10 =	rddreg [dreg:$0x11];
	s7 =	sshrl.u32 s18, $0x3  }
0x25: {  	[hbm:s10], [sflag:s0] =	dma.local [spmem:s7], $0x2780  }
0x26: {  	s10 =	simm.s32 $0xB  }
0x27: {  	_ =	swait.ge [sflag:s10], $0x2780  }
0x28: {  	s25 =	rddreg [dreg:$0x13]  }
0x29: {  	s29 =	rddreg [dreg:$0x12];
	s7 =	sadd.s32 $0x1, s25  }
0x2a: {  	p0 =	sne.s32 s7, s29  }
.Ltmp1:
0x2b: {  	_ = 	snop;
	(pc) =	sbr.rel @!p0 .LBB2_15-.Ltmp1, $3  }
0x2c: {  	_ =	sdelay $0x1  }
0x2d: {  	[sflag:s10] =	ssyncset.done $0x0  }
0x2e: {  	[sflag:s10] =	ssyncadd.s32 $0xFFFFD880  }
.LBB2_1:
0x2f: {  	[dreg:$0x13] =	wrdreg s7;
	s0 =	simm.s32 $0x10;
	s7 =	sand.u32 $0x1FF0, s3  }
.LBB2_2:
0x30: {  	p0 =	sne.s32 s0, $0x1FF0;
	[tilespmem:s7+$0x4200] =	vst v0;
	s7 =	smov.u32 s0;
	s0 =	sadd.s32 $0x10, s0  }
.Ltmp2:
0x31: {  	(pc) =	sbr.rel @p0 .LBB2_2-.Ltmp2, $2  }
0x32: {  	_ =	sdelay $0x2  }
0x33: {  	s7 =	sand.u32 $0x1FF0, s7  }
0x34: {  	[tilespmem:s7+$0x4200] =	vst v0  }
0x35: {  	[spmem:s18] =	stream.linear.scatter [tilespmem:s28], [sflag:$0xB], $0x2000, $0x38;
	[tilespmem:$0x1BE00] =	vst v63  }
0x36: {  	_ =	swait.ge [sflag:s10], $0x2000  }
0x37: {  	[sflag:s10] =	ssyncset.done $0x0  }
0x38: {  	s0 =	rddreg [dreg:$0x4];
	[sflag:s10] =	ssyncadd.s32 $0xFFFFE000  }
0x39: {  	[spmem:s0] =	stream.linear.scatter [tilespmem:s28], [sflag:$0xB], $0x2000, $0x38;
	[tilespmem:$0x1BE00] =	vst v63  }
0x3a: {  	_ =	swait.ge [sflag:s10], $0x2000  }
0x3b: {  	[sflag:s10] =	ssyncset.done $0x0  }
0x3c: {  	s25 =	rddreg [dreg:$0x5];
	[sflag:s10] =	ssyncadd.s32 $0xFFFFE000  }
0x3d: {  	[spmem:s25] =	stream.linear.scatter [tilespmem:s28], [sflag:$0xB], $0x2000, $0x38;
	[tilespmem:$0x1BE00] =	vst v63  }
0x3e: {  	_ =	swait.ge [sflag:s10], $0x2000  }
0x3f: {  	[sflag:s10] =	ssyncset.done $0x0  }
0x40: {  	s29 =	rddreg [dreg:$0x6];
	[sflag:s10] =	ssyncadd.s32 $0xFFFFE000  }
0x41: {  	[spmem:s29] =	stream.linear.scatter [tilespmem:s28], [sflag:$0xB], $0x2000, $0x38;
	[tilespmem:$0x1BE00] =	vst v63  }
0x42: {  	_ =	swait.ge [sflag:s10], $0x2000  }
0x43: {  	[sflag:s10] =	ssyncset.done $0x0  }
0x44: {  	s7 =	rddreg [dreg:$0x7];
	[sflag:s10] =	ssyncadd.s32 $0xFFFFE000  }
0x45: {  	[spmem:s7] =	stream.linear.scatter [tilespmem:s28], [sflag:$0xB], $0x2000, $0x38;
	[tilespmem:$0x1BE00] =	vst v63  }
0x46: {  	_ =	swait.ge [sflag:s10], $0x2000  }
0x47: {  	[sflag:s10] =	ssyncset.done $0x0  }
0x48: {  	s18 =	rddreg [dreg:$0x8];
	[sflag:s10] =	ssyncadd.s32 $0xFFFFE000  }
0x49: {  	[spmem:s18] =	stream.linear.scatter [tilespmem:s28], [sflag:$0xB], $0x2000, $0x38;
	[tilespmem:$0x1BE00] =	vst v63  }
0x4a: {  	_ =	swait.ge [sflag:s10], $0x2000  }
0x4b: {  	[sflag:s10] =	ssyncset.done $0x0  }
0x4c: {  	s25 =	rddreg [dreg:$0x9];
	[sflag:s10] =	ssyncadd.s32 $0xFFFFE000  }
0x4d: {  	[spmem:s25] =	stream.linear.scatter [tilespmem:s28], [sflag:$0xB], $0x2000, $0x38;
	[tilespmem:$0x1BE00] =	vst v63  }
0x4e: {  	_ =	swait.ge [sflag:s10], $0x2000  }
0x4f: {  	[sflag:s10] =	ssyncset.done $0x0  }
0x50: {  	s29 =	rddreg [dreg:$0xa];
	[sflag:s10] =	ssyncadd.s32 $0xFFFFE000  }
0x51: {  	[spmem:s29] =	stream.linear.scatter [tilespmem:s28], [sflag:$0xB], $0x2000, $0x38;
	[tilespmem:$0x1BE00] =	vst v63  }
0x52: {  	_ =	swait.ge [sflag:s10], $0x2000  }
0x53: {  	[sflag:s10] =	ssyncset.done $0x0  }
0x54: {  	s7 =	rddreg [dreg:$0xb];
	[sflag:s10] =	ssyncadd.s32 $0xFFFFE000  }
0x55: {  	[spmem:s7] =	stream.linear.scatter [tilespmem:s28], [sflag:$0xB], $0x2000, $0x38;
	[tilespmem:$0x1BE00] =	vst v63  }
0x56: {  	_ =	swait.ge [sflag:s10], $0x2000  }
0x57: {  	[sflag:s10] =	ssyncset.done $0x0  }
0x58: {  	s18 =	rddreg [dreg:$0xc];
	[sflag:s10] =	ssyncadd.s32 $0xFFFFE000  }
0x59: {  	[spmem:s18] =	stream.linear.scatter [tilespmem:s28], [sflag:$0xB], $0x1C00, $0x38;
	[tilespmem:$0x1BE00] =	vst v63  }
0x5a: {  	_ =	swait.ge [sflag:s10], $0x1C00  }
0x5b: {  	[sflag:s10] =	ssyncset.done $0x0  }
0x5c: {  	[sflag:s10] =	ssyncadd.s32 $0xFFFFE400  }
0x5d: {  	[bflag:$0x0] =	sbarrier.arrive $0xFFFF  }
0x5e: {  	s18 =	simm.s32 $0x0;
	s25 =	rddreg [dreg:$0xd]  }
0x5f: {  	[tilespmem:s18], [sflag:$0x1] =	stream.linear.gather [hbm4b:s25+s18], $0x80, $0x38;
	[tilespmem:$0x1BE00] =	vst v63  }
0x60: {  	s29 =	rddreg [dreg:$0xe]  }
0x61: {  	[tilespmem:s30], [sflag:$0x3] =	stream.linear.gather [hbm4b:s29+s18], $0x40, $0x38;
	[tilespmem:$0x1BE00] =	vst v63  }
0x62: {  	s7 =	rddreg [dreg:$0xf]  }
0x63: {  	[tilespmem:s31], [sflag:$0x4] =	stream.linear.gather [hbm4b:s7+s18], $0x40, $0x38;
	[tilespmem:$0x1BE00] =	vst v63  }
0x64: {  	s10 =	rddreg [dreg:$0x10];
	s25 =	simm.s32 $0x1  }
0x65: {  	[tilespmem:s1], [sflag:$0x2] =	stream.linear.gather [hbm4b:s10+s18], $0x80, $0x38;
	[tilespmem:$0x1BE00] =	vst v63  }
0x66: {  	_ =	swait.ge [sflag:s25], $0x80  }
0x67: {  	[sflag:s25] =	ssyncset.done $0x0  }
0x68: {  	s29 =	simm.s32 $0x200;
	[sflag:s25] =	ssyncadd.s32 $0xFFFFFF80  }
0x69: {  	[tilespmem:s29], [sflag:$0x7] =	stream.indirect.gather [hbm4b:s4+s1], $0x40, s18, s1, $0xb8;
	[tilespmem:$0x1BE00] =	vst v63  }
.LBB2_4:
0x6a: {  	_ =	swait.ge [sflag:s8], $0x2000  }
0x6b: {  	[sflag:s8] =	ssyncset.done $0x0  }
0x6c: {  	[sflag:s8] =	ssyncadd.s32 $0xFFFFE000  }
0x6d: {  	_ =	swait.ge [sflag:s9], $0x80  }
0x6e: {  	[sflag:s9] =	ssyncset.done $0x0  }
0x6f: {  	s0 =	simm.s32 $0x2200;
	p0 =	seq.s32 s18, $0x0;
	[sflag:s9] =	ssyncadd.s32 $0xFFFFFF80  }
0x70: {  	[tilespmem:s0], [sflag:$0x8] =	stream.indirect.gather [hbm4b:s4+s1], $0x40, s1, s1, $0xb8;
	[tilespmem:$0x1BE00] =	vst v63  }
0x71: {  	s0 =	simm.s32 @!p0 $0x9  }
0x72: {  	_ =	swait.ge @!p0 [sflag:s0], $0x2000  }
0x73: {  	[sflag:s0] =	ssyncset.done @!p0 $0x0  }
0x74: {  	s7 =	simm.s32 $0x0;
	[sflag:s0] =	ssyncadd.s32 @!p0 $0xFFFFE000  }
0x75: {  	v1 =	vld [tilespmem:s7+$0x200];
	_ =	sdelay $0x4  }
0x76: {  	s0 =	simm.s32 $0x4240;
	v2 =	vshll.u32 v1, $0x10  }
0x77: {  	v1 =	vand.u32 $0xFFFF0000, v1;
	[tilespmem:s0+$0xFFFFFFC0] =	vst v2  }
0x78: {  	[tilespmem:s0+$0x0] =	vst v1  }
0x79: {  	v1 =	vld [tilespmem:s7+$0x210];
	_ =	sdelay $0x4  }
0x7a: {  	v2 =	vshll.u32 v1, $0x10  }
0x7b: {  	v1 =	vand.u32 $0xFFFF0000, v1;
	[tilespmem:s0+$0xFFFFFFD0] =	vst v2  }
0x7c: {  	[tilespmem:s0+$0x10] =	vst v1  }
0x7d: {  	v1 =	vld [tilespmem:s7+$0x220];
	_ =	sdelay $0x4  }
0x7e: {  	v2 =	vand.u32 $0xFFFF0000, v1  }
0x7f: {  	v1 =	vshll.u32 v1, $0x10;
	[tilespmem:s0+$0x20] =	vst v2  }
0x80: {  	[tilespmem:s0+$0xFFFFFFE0] =	vst v1  }
0x81: {  	v1 =	vld [tilespmem:s7+$0x230];
	_ =	sdelay $0x4  }
0x82: {  	v2 =	vshll.u32 v1, $0x10  }
0x83: {  	v1 =	vand.u32 $0xFFFF0000, v1;
	[tilespmem:s0+$0xFFFFFFF0] =	vst v2  }
0x84: {  	s25 =	simm.s32 $0x40;
	[tilespmem:s0+$0x30] =	vst v1  }
0x85: {  	v1 =	vld [tilespmem:s25+$0x200]  }
0x86: {  	s10 =	simm.s32 $0x200;
	s7 =	sshll.u32 s18, $0x1  }
.LBB2_5:
0x87: {  	p1 =	sne.s32 s10, $0x3F00;
	_ =	sdelay $0x2  }
0x88: {  	s0 =	sadd.s32 $0x80, s0;
	v2 =	vshll.u32 v1, $0x10  }
0x89: {  	v1 =	vand.u32 $0xFFFF0000, v1;
	[tilespmem:s0+$0xFFFFFFC0] =	vst v2  }
0x8a: {  	[tilespmem:s0+$0x0] =	vst v1  }
0x8b: {  	v1 =	vld [tilespmem:s25+$0x210];
	_ =	sdelay $0x4  }
0x8c: {  	v2 =	vshll.u32 v1, $0x10  }
0x8d: {  	v1 =	vand.u32 $0xFFFF0000, v1;
	[tilespmem:s0+$0xFFFFFFD0] =	vst v2  }
0x8e: {  	[tilespmem:s0+$0x10] =	vst v1  }
0x8f: {  	v1 =	vld [tilespmem:s25+$0x220];
	_ =	sdelay $0x4  }
0x90: {  	v2 =	vshll.u32 v1, $0x10;
	v1 =	vand.u32 $0xFFFF0000, v1  }
0x91: {  	[tilespmem:s0+$0x20] =	vst v1  }
0x92: {  	[tilespmem:s0+$0xFFFFFFE0] =	vst v2  }
0x93: {  	v1 =	vld [tilespmem:s25+$0x230];
	_ =	sdelay $0x4  }
.Ltmp3:
0x94: {  	v2 =	vshll.u32 v1, $0x10;
	v1 =	vand.u32 $0xFFFF0000, v1;
	(pc) =	sbr.rel @p1 .LBB2_5-.Ltmp3, $4  }
0x95: {  	[tilespmem:s0+$0xFFFFFFF0] =	vst v2  }
0x96: {  	s25 =	sshra.s32 s10, $0x2;
	[tilespmem:s0+$0x30] =	vst v1  }
0x97: {  	v1 =	vld [tilespmem:s25+$0x200]  }
0x98: {  	s10 =	sadd.s32 $0x100, s10  }
0x99: {  	_ =	sdelay $0x2  }
0x9a: {  	s0 =	sadd.s32 $0x80, s0;
	v2 =	vshll.u32 v1, $0x10  }
0x9b: {  	v1 =	vand.u32 $0xFFFF0000, v1;
	[tilespmem:s0+$0xFFFFFFC0] =	vst v2  }
0x9c: {  	[tilespmem:s0+$0x0] =	vst v1  }
0x9d: {  	v1 =	vld [tilespmem:s25+$0x210];
	_ =	sdelay $0x4  }
0x9e: {  	v2 =	vshll.u32 v1, $0x10  }
0x9f: {  	v1 =	vand.u32 $0xFFFF0000, v1;
	[tilespmem:s0+$0xFFFFFFD0] =	vst v2  }
0xa0: {  	[tilespmem:s0+$0x10] =	vst v1  }
0xa1: {  	v1 =	vld [tilespmem:s25+$0x220];
	_ =	sdelay $0x4  }
0xa2: {  	v2 =	vand.u32 $0xFFFF0000, v1  }
0xa3: {  	v1 =	vshll.u32 v1, $0x10;
	[tilespmem:s0+$0x20] =	vst v2  }
0xa4: {  	[tilespmem:s0+$0xFFFFFFE0] =	vst v1  }
0xa5: {  	v1 =	vld [tilespmem:s25+$0x230];
	_ =	sdelay $0x4  }
0xa6: {  	v2 =	vshll.u32 v1, $0x10  }
0xa7: {  	v1 =	vand.u32 $0xFFFF0000, v1;
	[tilespmem:s0+$0xFFFFFFF0] =	vst v2  }
0xa8: {  	[tilespmem:s0+$0x30] =	vst v1  }
0xa9: {  	_ =	swait.ge [sflag:s11], $0x40  }
0xaa: {  	[sflag:s11] =	ssyncset.done $0x0  }
0xab: {  	s0 =	simm.s32 @!p0 $0xA;
	[sflag:s11] =	ssyncadd.s32 $0xFFFFFFC0  }
0xac: {  	[spmem:s2] =	stream.indirect.scatter.add.f32 [tilespmem:s28], [sflag:$0x9], $0x80, s30, s13, $0xb8;
	[tilespmem:$0x1BE00] =	vst v63  }
0xad: {  	_ =	swait.ge @!p0 [sflag:s0], $0x2000  }
0xae: {  	[sflag:s0] =	ssyncset.done @!p0 $0x0  }
0xaf: {  	s10 =	simm.s32 $0x0;
	[sflag:s0] =	ssyncadd.s32 @!p0 $0xFFFFE000  }
0xb0: {  	v1 =	vld [tilespmem:s10+$0x1200];
	_ =	sdelay $0x4  }
0xb1: {  	s0 =	simm.s32 $0x6240;
	v2 =	vshll.u32 v1, $0x10  }
0xb2: {  	v1 =	vand.u32 $0xFFFF0000, v1;
	[tilespmem:s0+$0xFFFFFFC0] =	vst v2  }
0xb3: {  	[tilespmem:s0+$0x0] =	vst v1  }
0xb4: {  	v1 =	vld [tilespmem:s10+$0x1210];
	_ =	sdelay $0x4  }
0xb5: {  	v2 =	vshll.u32 v1, $0x10  }
0xb6: {  	v1 =	vand.u32 $0xFFFF0000, v1;
	[tilespmem:s0+$0xFFFFFFD0] =	vst v2  }
0xb7: {  	[tilespmem:s0+$0x10] =	vst v1  }
0xb8: {  	v1 =	vld [tilespmem:s10+$0x1220];
	_ =	sdelay $0x4  }
0xb9: {  	v2 =	vand.u32 $0xFFFF0000, v1  }
0xba: {  	v1 =	vshll.u32 v1, $0x10;
	[tilespmem:s0+$0x20] =	vst v2  }
0xbb: {  	[tilespmem:s0+$0xFFFFFFE0] =	vst v1  }
0xbc: {  	v1 =	vld [tilespmem:s10+$0x1230];
	_ =	sdelay $0x4  }
0xbd: {  	v2 =	vshll.u32 v1, $0x10  }
0xbe: {  	v1 =	vand.u32 $0xFFFF0000, v1;
	[tilespmem:s0+$0xFFFFFFF0] =	vst v2  }
0xbf: {  	s25 =	simm.s32 $0x40;
	[tilespmem:s0+$0x30] =	vst v1  }
0xc0: {  	v1 =	vld [tilespmem:s25+$0x1200]  }
0xc1: {  	s10 =	simm.s32 $0x200  }
.LBB2_7:
0xc2: {  	p0 =	sne.s32 s10, $0x3F00;
	_ =	sdelay $0x2  }
0xc3: {  	s0 =	sadd.s32 $0x80, s0;
	v2 =	vshll.u32 v1, $0x10  }
0xc4: {  	v1 =	vand.u32 $0xFFFF0000, v1;
	[tilespmem:s0+$0xFFFFFFC0] =	vst v2  }
0xc5: {  	[tilespmem:s0+$0x0] =	vst v1  }
0xc6: {  	v1 =	vld [tilespmem:s25+$0x1210];
	_ =	sdelay $0x4  }
0xc7: {  	v2 =	vshll.u32 v1, $0x10  }
0xc8: {  	v1 =	vand.u32 $0xFFFF0000, v1;
	[tilespmem:s0+$0xFFFFFFD0] =	vst v2  }
0xc9: {  	[tilespmem:s0+$0x10] =	vst v1  }
0xca: {  	v1 =	vld [tilespmem:s25+$0x1220];
	_ =	sdelay $0x4  }
0xcb: {  	v2 =	vshll.u32 v1, $0x10;
	v1 =	vand.u32 $0xFFFF0000, v1  }
0xcc: {  	[tilespmem:s0+$0x20] =	vst v1  }
0xcd: {  	[tilespmem:s0+$0xFFFFFFE0] =	vst v2  }
0xce: {  	v1 =	vld [tilespmem:s25+$0x1230];
	_ =	sdelay $0x4  }
.Ltmp4:
0xcf: {  	v2 =	vshll.u32 v1, $0x10;
	v1 =	vand.u32 $0xFFFF0000, v1;
	(pc) =	sbr.rel @p0 .LBB2_7-.Ltmp4, $4  }
0xd0: {  	[tilespmem:s0+$0xFFFFFFF0] =	vst v2  }
0xd1: {  	s25 =	sshra.s32 s10, $0x2;
	[tilespmem:s0+$0x30] =	vst v1  }
0xd2: {  	v1 =	vld [tilespmem:s25+$0x1200]  }
0xd3: {  	s10 =	sadd.s32 $0x100, s10  }
0xd4: {  	_ =	sdelay $0x2  }
0xd5: {  	s0 =	sadd.s32 $0x80, s0;
	v2 =	vshll.u32 v1, $0x10  }
0xd6: {  	v1 =	vand.u32 $0xFFFF0000, v1;
	[tilespmem:s0+$0xFFFFFFC0] =	vst v2  }
0xd7: {  	[tilespmem:s0+$0x0] =	vst v1  }
0xd8: {  	v1 =	vld [tilespmem:s25+$0x1210];
	_ =	sdelay $0x4  }
0xd9: {  	v2 =	vshll.u32 v1, $0x10  }
0xda: {  	v1 =	vand.u32 $0xFFFF0000, v1;
	[tilespmem:s0+$0xFFFFFFD0] =	vst v2  }
0xdb: {  	[tilespmem:s0+$0x10] =	vst v1  }
0xdc: {  	v1 =	vld [tilespmem:s25+$0x1220];
	_ =	sdelay $0x4  }
0xdd: {  	v2 =	vand.u32 $0xFFFF0000, v1  }
0xde: {  	v1 =	vshll.u32 v1, $0x10;
	[tilespmem:s0+$0x20] =	vst v2  }
0xdf: {  	[tilespmem:s0+$0xFFFFFFE0] =	vst v1  }
0xe0: {  	v1 =	vld [tilespmem:s25+$0x1230];
	_ =	sdelay $0x4  }
0xe1: {  	v2 =	vshll.u32 v1, $0x10  }
0xe2: {  	v1 =	vand.u32 $0xFFFF0000, v1;
	[tilespmem:s0+$0xFFFFFFF0] =	vst v2  }
0xe3: {  	[tilespmem:s0+$0x30] =	vst v1  }
0xe4: {  	s0 =	sshll.u32 s18, $0x8;
	_ =	swait.ge [sflag:s14], $0x40  }
0xe5: {  	s10 =	sadd.s32 s0, s23;
	[sflag:s14] =	ssyncset.done $0x0  }
0xe6: {  	s10 =	sshrl.u32 s10, $0x3;
	[sflag:s14] =	ssyncadd.s32 $0xFFFFFFC0  }
0xe7: {  	[spmem:s2] =	stream.indirect.scatter.add.f32 [tilespmem:s15], [sflag:$0xA], $0x80, s31, s13, $0xb8;
	[tilespmem:$0x1BE00] =	vst v63  }
0xe8: {  	s25 =	sadd.s32 s6, s10  }
0xe9: {  	[tilespmem:s16], [sflag:$0x5] =	stream.linear.gather [hbm4b:s25+s3], $0x40, $0x38;
	[tilespmem:$0x1BE00] =	vst v63  }
0xea: {  	s7 =	sadd.s32 $0x2, s7;
	p0 =	seq.s32 s18, $0x27;
	s10 =	sadd.s32 s10, s20  }
0xeb: {  	[tilespmem:s17], [sflag:$0x6] =	stream.linear.gather [hbm4b:s10+s3], $0x40, $0x38;
	[tilespmem:$0x1BE00] =	vst v63  }
0xec: {  	s25 =	sshll.u32 @!p0 s7, $0x7;
	s10 =	simm.s32 @p0 $0x8  }
0xed: {  	s25 =	sadd.s32 @!p0 s12, s25;
	_ =	swait.ge @p0 [sflag:s10], $0x2000  }
0xee: {  	s25 =	sshrl.u32 @!p0 s25, $0x3;
	[sflag:s10] =	ssyncset.done @p0 $0x0  }
0xef: {  	[sflag:s10] =	ssyncadd.s32 @p0 $0xFFFFE000;
	s10 =	sadd.s32 @!p0 s5, s25;
	s25 =	simm.s32 @!p0 $0x0  }
0xf0: {  	[tilespmem:s25], [sflag:$0x1] =	stream.linear.gather @!p0 [hbm4b:s10+s25], $0x80, $0x38;
	[tilespmem:$0x1BE00] =	vst v63  }
0xf1: {  	s10 =	simm.s32 @!p0 $0x8  }
0xf2: {  	_ =	swait.ge @!p0 [sflag:s10], $0x2000  }
0xf3: {  	[sflag:s10] =	ssyncset.done @!p0 $0x0  }
0xf4: {  	[sflag:s10] =	ssyncadd.s32 @!p0 $0xFFFFE000;
	s10 =	simm.s32 @!p0 $0x1  }
0xf5: {  	_ =	swait.ge @!p0 [sflag:s10], $0x80  }
0xf6: {  	[sflag:s10] =	ssyncset.done @!p0 $0x0  }
0xf7: {  	s29 =	simm.s32 @!p0 $0x200;
	[sflag:s10] =	ssyncadd.s32 @!p0 $0xFFFFFF80;
	s10 =	simm.s32 @!p0 $0x80  }
0xf8: {  	[tilespmem:s29], [sflag:$0x7] =	stream.indirect.gather @!p0 [hbm4b:s4+s10], $0x40, s25, s10, $0xb8;
	[tilespmem:$0x1BE00] =	vst v63  }
0xf9: {  	_ =	swait.ge [sflag:s19], $0x2000  }
0xfa: {  	[sflag:s19] =	ssyncset.done $0x0  }
0xfb: {  	s10 =	simm.s32 $0x0;
	[sflag:s19] =	ssyncadd.s32 $0xFFFFE000  }
0xfc: {  	v1 =	vld [tilespmem:s10+$0x2200];
	_ =	sdelay $0x4  }
0xfd: {  	s25 =	simm.s32 $0x4240;
	v2 =	vshll.u32 v1, $0x10  }
0xfe: {  	v1 =	vand.u32 $0xFFFF0000, v1;
	[tilespmem:s25+$0xFFFFFFC0] =	vst v2  }
0xff: {  	[tilespmem:s25+$0x0] =	vst v1  }
0x100: {  	v1 =	vld [tilespmem:s10+$0x2210];
	_ =	sdelay $0x4  }
0x101: {  	v2 =	vshll.u32 v1, $0x10  }
0x102: {  	v1 =	vand.u32 $0xFFFF0000, v1;
	[tilespmem:s25+$0xFFFFFFD0] =	vst v2  }
0x103: {  	[tilespmem:s25+$0x10] =	vst v1  }
0x104: {  	v1 =	vld [tilespmem:s10+$0x2220];
	_ =	sdelay $0x4  }
0x105: {  	v2 =	vand.u32 $0xFFFF0000, v1  }
0x106: {  	v1 =	vshll.u32 v1, $0x10;
	[tilespmem:s25+$0x20] =	vst v2  }
0x107: {  	[tilespmem:s25+$0xFFFFFFE0] =	vst v1  }
0x108: {  	v1 =	vld [tilespmem:s10+$0x2230];
	_ =	sdelay $0x4  }
0x109: {  	v2 =	vshll.u32 v1, $0x10  }
0x10a: {  	v1 =	vand.u32 $0xFFFF0000, v1;
	[tilespmem:s25+$0xFFFFFFF0] =	vst v2  }
0x10b: {  	s10 =	simm.s32 $0x40;
	[tilespmem:s25+$0x30] =	vst v1  }
0x10c: {  	v1 =	vld [tilespmem:s10+$0x2200]  }
0x10d: {  	s29 =	simm.s32 $0x200  }
.LBB2_9:
0x10e: {  	p1 =	sne.s32 s29, $0x3F00;
	_ =	sdelay $0x2  }
0x10f: {  	s25 =	sadd.s32 $0x80, s25;
	v2 =	vshll.u32 v1, $0x10  }
0x110: {  	v1 =	vand.u32 $0xFFFF0000, v1;
	[tilespmem:s25+$0xFFFFFFC0] =	vst v2  }
0x111: {  	[tilespmem:s25+$0x0] =	vst v1  }
0x112: {  	v1 =	vld [tilespmem:s10+$0x2210];
	_ =	sdelay $0x4  }
0x113: {  	v2 =	vshll.u32 v1, $0x10  }
0x114: {  	v1 =	vand.u32 $0xFFFF0000, v1;
	[tilespmem:s25+$0xFFFFFFD0] =	vst v2  }
0x115: {  	[tilespmem:s25+$0x10] =	vst v1  }
0x116: {  	v1 =	vld [tilespmem:s10+$0x2220];
	_ =	sdelay $0x4  }
0x117: {  	v2 =	vshll.u32 v1, $0x10;
	v1 =	vand.u32 $0xFFFF0000, v1  }
0x118: {  	[tilespmem:s25+$0x20] =	vst v1  }
0x119: {  	[tilespmem:s25+$0xFFFFFFE0] =	vst v2  }
0x11a: {  	v1 =	vld [tilespmem:s10+$0x2230];
	_ =	sdelay $0x4  }
.Ltmp5:
0x11b: {  	v2 =	vshll.u32 v1, $0x10;
	v1 =	vand.u32 $0xFFFF0000, v1;
	(pc) =	sbr.rel @p1 .LBB2_9-.Ltmp5, $4  }
0x11c: {  	[tilespmem:s25+$0xFFFFFFF0] =	vst v2  }
0x11d: {  	s10 =	sshra.s32 s29, $0x2;
	[tilespmem:s25+$0x30] =	vst v1  }
0x11e: {  	v1 =	vld [tilespmem:s10+$0x2200]  }
0x11f: {  	s29 =	sadd.s32 $0x100, s29  }
0x120: {  	_ =	sdelay $0x2  }
0x121: {  	s25 =	sadd.s32 $0x80, s25;
	v2 =	vshll.u32 v1, $0x10  }
0x122: {  	v1 =	vand.u32 $0xFFFF0000, v1;
	[tilespmem:s25+$0xFFFFFFC0] =	vst v2  }
0x123: {  	[tilespmem:s25+$0x0] =	vst v1  }
0x124: {  	v1 =	vld [tilespmem:s10+$0x2210];
	_ =	sdelay $0x4  }
0x125: {  	v2 =	vshll.u32 v1, $0x10  }
0x126: {  	v1 =	vand.u32 $0xFFFF0000, v1;
	[tilespmem:s25+$0xFFFFFFD0] =	vst v2  }
0x127: {  	[tilespmem:s25+$0x10] =	vst v1  }
0x128: {  	v1 =	vld [tilespmem:s10+$0x2220];
	_ =	sdelay $0x4  }
0x129: {  	v2 =	vand.u32 $0xFFFF0000, v1  }
0x12a: {  	v1 =	vshll.u32 v1, $0x10;
	[tilespmem:s25+$0x20] =	vst v2  }
0x12b: {  	[tilespmem:s25+$0xFFFFFFE0] =	vst v1  }
0x12c: {  	v1 =	vld [tilespmem:s10+$0x2230];
	_ =	sdelay $0x4  }
0x12d: {  	v2 =	vshll.u32 v1, $0x10  }
0x12e: {  	v1 =	vand.u32 $0xFFFF0000, v1;
	[tilespmem:s25+$0xFFFFFFF0] =	vst v2  }
0x12f: {  	[tilespmem:s25+$0x30] =	vst v1  }
0x130: {  	_ =	swait.ge [sflag:s21], $0x40  }
0x131: {  	[sflag:s21] =	ssyncset.done $0x0  }
0x132: {  	[sflag:s21] =	ssyncadd.s32 $0xFFFFFFC0  }
0x133: {  	[spmem:s2] =	stream.indirect.scatter.add.f32 [tilespmem:s28], [sflag:$0x9], $0x80, s16, s13, $0xb8;
	[tilespmem:$0x1BE00] =	vst v63  }
0x134: {  	_ =	swait.ge [sflag:s22], $0x2000  }
0x135: {  	[sflag:s22] =	ssyncset.done $0x0  }
0x136: {  	s10 =	simm.s32 $0x0;
	[sflag:s22] =	ssyncadd.s32 $0xFFFFE000  }
0x137: {  	v1 =	vld [tilespmem:s10+$0x3200];
	_ =	sdelay $0x4  }
0x138: {  	s25 =	simm.s32 $0x6240;
	v2 =	vshll.u32 v1, $0x10  }
0x139: {  	v1 =	vand.u32 $0xFFFF0000, v1;
	[tilespmem:s25+$0xFFFFFFC0] =	vst v2  }
0x13a: {  	[tilespmem:s25+$0x0] =	vst v1  }
0x13b: {  	v1 =	vld [tilespmem:s10+$0x3210];
	_ =	sdelay $0x4  }
0x13c: {  	v2 =	vshll.u32 v1, $0x10  }
0x13d: {  	v1 =	vand.u32 $0xFFFF0000, v1;
	[tilespmem:s25+$0xFFFFFFD0] =	vst v2  }
0x13e: {  	[tilespmem:s25+$0x10] =	vst v1  }
0x13f: {  	v1 =	vld [tilespmem:s10+$0x3220];
	_ =	sdelay $0x4  }
0x140: {  	v2 =	vand.u32 $0xFFFF0000, v1  }
0x141: {  	v1 =	vshll.u32 v1, $0x10;
	[tilespmem:s25+$0x20] =	vst v2  }
0x142: {  	[tilespmem:s25+$0xFFFFFFE0] =	vst v1  }
0x143: {  	v1 =	vld [tilespmem:s10+$0x3230];
	_ =	sdelay $0x4  }
0x144: {  	v2 =	vshll.u32 v1, $0x10  }
0x145: {  	v1 =	vand.u32 $0xFFFF0000, v1;
	[tilespmem:s25+$0xFFFFFFF0] =	vst v2  }
0x146: {  	s10 =	simm.s32 $0x40;
	[tilespmem:s25+$0x30] =	vst v1  }
0x147: {  	v1 =	vld [tilespmem:s10+$0x3200]  }
0x148: {  	s29 =	simm.s32 $0x200  }
.LBB2_11:
0x149: {  	p1 =	sne.s32 s29, $0x3F00;
	_ =	sdelay $0x2  }
0x14a: {  	s25 =	sadd.s32 $0x80, s25;
	v2 =	vshll.u32 v1, $0x10  }
0x14b: {  	v1 =	vand.u32 $0xFFFF0000, v1;
	[tilespmem:s25+$0xFFFFFFC0] =	vst v2  }
0x14c: {  	[tilespmem:s25+$0x0] =	vst v1  }
0x14d: {  	v1 =	vld [tilespmem:s10+$0x3210];
	_ =	sdelay $0x4  }
0x14e: {  	v2 =	vshll.u32 v1, $0x10  }
0x14f: {  	v1 =	vand.u32 $0xFFFF0000, v1;
	[tilespmem:s25+$0xFFFFFFD0] =	vst v2  }
0x150: {  	[tilespmem:s25+$0x10] =	vst v1  }
0x151: {  	v1 =	vld [tilespmem:s10+$0x3220];
	_ =	sdelay $0x4  }
0x152: {  	v2 =	vshll.u32 v1, $0x10;
	v1 =	vand.u32 $0xFFFF0000, v1  }
0x153: {  	[tilespmem:s25+$0x20] =	vst v1  }
0x154: {  	[tilespmem:s25+$0xFFFFFFE0] =	vst v2  }
0x155: {  	v1 =	vld [tilespmem:s10+$0x3230];
	_ =	sdelay $0x4  }
.Ltmp6:
0x156: {  	v2 =	vshll.u32 v1, $0x10;
	v1 =	vand.u32 $0xFFFF0000, v1;
	(pc) =	sbr.rel @p1 .LBB2_11-.Ltmp6, $4  }
0x157: {  	[tilespmem:s25+$0xFFFFFFF0] =	vst v2  }
0x158: {  	s10 =	sshra.s32 s29, $0x2;
	[tilespmem:s25+$0x30] =	vst v1  }
0x159: {  	v1 =	vld [tilespmem:s10+$0x3200]  }
0x15a: {  	s29 =	sadd.s32 $0x100, s29  }
0x15b: {  	_ =	sdelay $0x2  }
0x15c: {  	s25 =	sadd.s32 $0x80, s25;
	v2 =	vshll.u32 v1, $0x10  }
0x15d: {  	v1 =	vand.u32 $0xFFFF0000, v1;
	[tilespmem:s25+$0xFFFFFFC0] =	vst v2  }
0x15e: {  	[tilespmem:s25+$0x0] =	vst v1  }
0x15f: {  	v1 =	vld [tilespmem:s10+$0x3210];
	_ =	sdelay $0x4  }
0x160: {  	v2 =	vshll.u32 v1, $0x10  }
0x161: {  	v1 =	vand.u32 $0xFFFF0000, v1;
	[tilespmem:s25+$0xFFFFFFD0] =	vst v2  }
0x162: {  	[tilespmem:s25+$0x10] =	vst v1  }
0x163: {  	v1 =	vld [tilespmem:s10+$0x3220];
	_ =	sdelay $0x4  }
0x164: {  	v2 =	vand.u32 $0xFFFF0000, v1  }
0x165: {  	v1 =	vshll.u32 v1, $0x10;
	[tilespmem:s25+$0x20] =	vst v2  }
0x166: {  	[tilespmem:s25+$0xFFFFFFE0] =	vst v1  }
0x167: {  	v1 =	vld [tilespmem:s10+$0x3230];
	_ =	sdelay $0x4  }
0x168: {  	v2 =	vshll.u32 v1, $0x10  }
0x169: {  	v1 =	vand.u32 $0xFFFF0000, v1;
	[tilespmem:s25+$0xFFFFFFF0] =	vst v2  }
.Ltmp7:
0x16a: {  	[tilespmem:s25+$0x30] =	vst v1;
	(pc) =	sbr.rel @p0 .LBB2_14-.Ltmp7, $4  }
0x16b: {  	_ =	swait.ge [sflag:s24], $0x40  }
0x16c: {  	[sflag:s24] =	ssyncset.done $0x0  }
0x16d: {  	[sflag:s24] =	ssyncadd.s32 $0xFFFFFFC0  }
0x16e: {  	[spmem:s2] =	stream.indirect.scatter.add.f32 [tilespmem:s15], [sflag:$0xA], $0x80, s17, s13, $0xb8;
	[tilespmem:$0x1BE00] =	vst v63  }
0x16f: {  	s7 =	sshll.u32 s7, $0x7  }
0x170: {  	s7 =	sadd.s32 s12, s7  }
0x171: {  	s7 =	sshrl.u32 s7, $0x3  }
0x172: {  	s10 =	sadd.s32 s6, s7  }
0x173: {  	[tilespmem:s30], [sflag:$0x3] =	stream.linear.gather [hbm4b:s10+s3], $0x40, $0x38;
	[tilespmem:$0x1BE00] =	vst v63  }
.Ltmp8:
0x174: {  	s0 =	sadd.s32 s0, s26;
	(pc) =	sbr.rel .LBB2_4-.Ltmp8, $4  }
0x175: {  	s0 =	sshrl.u32 s0, $0x3;
	s7 =	sadd.s32 s7, s20  }
0x176: {  	[tilespmem:s31], [sflag:$0x4] =	stream.linear.gather [hbm4b:s7+s3], $0x40, $0x38;
	[tilespmem:$0x1BE00] =	vst v63  }
0x177: {  	s18 =	sadd.s32 $0x1, s18;
	s0 =	sadd.s32 s5, s0  }
0x178: {  	[tilespmem:s1], [sflag:$0x2] =	stream.linear.gather [hbm4b:s0+s3], $0x80, $0x38;
	[tilespmem:$0x1BE00] =	vst v63  }
.LBB2_15:
0x179: {  	_ =	sfence.sel $0x180000  }
0x17a: {  	[bflag:$0x0] =	sbarrier.arrive $0xFFFF  }
0x17b: {  	_ =	strace $0x90000047  }
0x17c: {  	s0 =	stileid.u32;
	[bflag:$0x2] =	sbarrier.arrive $0xFFFF  }
0x17d: {  	p0 =	sne.s32 s0, $0x0;
	s0 =	rddreg [dreg:$0x2]  }
0x17e: {  	s0 =	sadd.s32 @!p0 $0x100000, s0  }
0x17f: {  	[sflag:s0] =	ssyncadd.tile.s32 @!p0 $0x1;
	_ =	shalt  }
.Lfunc_end2:
_tile_overlayer_lowered:
.L_overlay_start_2:
0x180: {  	(tag) =	ssettag $0x2  }
0x181: {  	s0 =	rddreg [dreg:$0x0];
	s2 =	stileid.u32  }
0x182: {  	s1 =	rddreg [dreg:$0x1];
	p0 =	sne.s32 s2, $0x0  }
0x183: {  	s3 =	rddreg [dreg:$0x2];
	[bflag:$0x3] =	sbarrier.arrive $0xFFFF;
	s2 =	simm.s32 @!p0 $0x1C0B  }
0x184: {  	[timem:s3], [sflag:s2] =	dma.local @!p0 [hbm:s0], s1  }
0x185: {  	s0 =	simm.s32 @!p0 $0xB  }
0x186: {  	_ =	swait.ge @!p0 [sflag:s0], s1  }
0x187: {  	s1 =	ssub.s32 @!p0 $0x0, s1;
	[sflag:s0] =	ssyncset.done @!p0 $0x0  }
0x188: {  	[sflag:s0] =	ssyncadd.s32 @!p0 s1  }
0x189: {  	[bflag:$0x3] =	sbarrier.arrive $0xFFFF  }
0x18a: {  	_ =	shalt  }

</sc_bundles>
